<compile_context>
chip_gen: v7x
topology: tpu7x:2x2x1
jax: 0.10.2.dev20260603
libtpu: 0.0.44.dev20260713+nightly
codegen_flags: <defaults>
</compile_context>

<pallas_src>
import functools

import jax
import jax.numpy as jnp
from jax import lax
from jax.experimental import pallas as pl
from jax.experimental.pallas import tpu as pltpu
from jax.experimental.pallas import tpu_sc as plsc

SEQ = 2048
IMG_LO = 64
IMG_HI = 1664
K_TOP = 1120
N_KEEP = 1568
PAD_B = 1792
NROWS = 32768
RED_BLK = 1024
RED_GRID = NROWS // RED_BLK

NC, NS = 2, 16
NW = NC * NS
ROWS_W = PAD_B // NW
CHUNK = 8
NCHUNK = ROWS_W // CHUNK



def _redsel_body(x_ref, out_ref, acc_ref, keepc_ref, posc_ref, keepr_ref):
    i = pl.program_id(0)
    acc_ref[pl.ds(i, 1), :] = jnp.sum(x_ref[...], axis=0, keepdims=True)

    @pl.when(i == RED_GRID - 1)
    def _():
        _select_tail(acc_ref, out_ref, keepc_ref, posc_ref, keepr_ref)


def _select_tail(part_ref, out_ref, keepc_ref, posc_ref, keepr_ref):
    f32 = jnp.float32
    s = part_ref[0:1, :]
    comp = jnp.zeros_like(s)
    for i in range(1, RED_GRID):
        y = part_ref[i:i + 1, :] - comp
        t = s + y
        comp = (t - s) - y
        s = t

    i32 = jnp.int32
    keepc_ref[7 * 256:8 * 256, :] = jnp.ones((256, 1), f32)
    for c in range(7):
        off = c * 256
        sub = lax.broadcasted_iota(i32, (256, SEQ), 0) + off
        lane = lax.broadcasted_iota(i32, (256, SEQ), 1)
        eye = jnp.where(sub == lane, 1.0, 0.0).astype(f32)
        s_col = jnp.sum(eye * s, axis=1, keepdims=True)
        img_i = (lane >= IMG_LO) & (lane < IMG_HI)
        better = img_i & ((s > s_col) | ((s == s_col) & (lane < sub)))
        rank = jnp.sum(jnp.where(better, 1.0, 0.0),
                       axis=1, keepdims=True)
        jcol = lax.broadcasted_iota(i32, (256, 1), 0) + off
        img_j = (jcol >= IMG_LO) & (jcol < IMG_HI)
        keepb = jnp.logical_or(jnp.logical_and(img_j, rank < float(K_TOP)),
                               jnp.logical_not(img_j))
        keep = jnp.where(keepb, 1.0, 0.0).astype(f32)
        keepc_ref[off:off + 256, :] = keep

    for c in range(8):
        off = c * 256
        sub = lax.broadcasted_iota(i32, (SEQ, 256), 0)
        lane = lax.broadcasted_iota(i32, (SEQ, 256), 1) + off
        eye = jnp.where(sub == lane, 1.0, 0.0).astype(f32)
        kr = jnp.sum(keepc_ref[...] * eye, axis=0, keepdims=True)
        keepr_ref[0:1, off:off + 256] = kr

    for c in range(8):
        off = c * 256
        sub = lax.broadcasted_iota(i32, (256, SEQ), 0) + off
        lane = lax.broadcasted_iota(i32, (256, SEQ), 1)
        tri = jnp.where(lane < sub, 1.0, 0.0).astype(f32)
        pc = jnp.sum(tri * keepr_ref[...], axis=1, keepdims=True)
        posc_ref[off:off + 256, :] = pc

    jcol = lax.broadcasted_iota(i32, (SEQ, 1), 0).astype(f32)
    for c in range(PAD_B // 256):
        off = c * 256
        plane = (lax.broadcasted_iota(i32, (SEQ, 256), 1) + off).astype(f32)
        eb = (posc_ref[...] == plane) & (keepc_ref[...] > 0.5)
        e = jnp.where(eb, 1.0, 0.0).astype(f32)
        kip = jnp.sum(jcol * e, axis=0, keepdims=True)
        out_ref[off:off + 256] = kip.astype(jnp.int32).reshape(256)


def _redsel(a2):
    return pl.pallas_call(
        _redsel_body,
        grid=(RED_GRID,),
        in_specs=[pl.BlockSpec((RED_BLK, SEQ), lambda i: (i, 0))],
        out_specs=pl.BlockSpec((PAD_B,), lambda i: (0,)),
        out_shape=jax.ShapeDtypeStruct((PAD_B,), jnp.int32),
        scratch_shapes=[
            pltpu.VMEM((RED_GRID, SEQ), jnp.float32),
            pltpu.VMEM((SEQ, 1), jnp.float32),
            pltpu.VMEM((SEQ, 1), jnp.float32),
            pltpu.VMEM((1, SEQ), jnp.float32),
        ],
    )(a2)



NW_ACT = 28


def _sc_gather_body(h_hbm, p_hbm, m_hbm, kipf_hbm,
                    out_h, out_p, out_m,
                    idx_all, kcol_v, bh0, bh1, bp0, bp1, bm0, bm1, ob0, ob1,
                    hg0, hg1, ho0, ho1, pg0, pg1, po0, po1,
                    mg0, mg1, mo0, mo1):
    wid = lax.axis_index("s") * NC + lax.axis_index("c")

    @pl.when(wid < NW_ACT)
    def _():
        base = wid * ROWS_W
        iota16 = lax.iota(jnp.int32, 16)
        pltpu.sync_copy(kipf_hbm.at[pl.ds(base, ROWS_W)], idx_all)
        kcol_cp = pltpu.async_copy(kipf_hbm.at[pl.ds(0, N_KEEP)], kcol_v,
                                   mo1)

        bh = (bh0, bh1)
        bp = (bp0, bp1)
        bm = (bm0, bm1)
        ob = (ob0, ob1)
        hgs, hos = (hg0, hg1), (ho0, ho1)
        pgs, pos_ = (pg0, pg1), (po0, po1)
        mgs, mos = (mg0, mg1), (mo0, mo1)

        def idx_c(c):
            return idx_all.at[pl.ds(CHUNK * c, CHUNK)]

        def orow(c):
            return pl.ds(base + CHUNK * c, CHUNK)

        def hg(c):
            return pltpu.async_copy(h_hbm.at[idx_c(c)], bh[c % 2], hgs[c % 2])

        def ho(c):
            return pltpu.async_copy(bh[c % 2], out_h.at[orow(c)], hos[c % 2])

        def pg(c):
            return pltpu.async_copy(p_hbm.at[idx_c(c)], bp[c % 2], pgs[c % 2])

        def po(c):
            return pltpu.async_copy(bp[c % 2], out_p.at[orow(c)], pos_[c % 2])

        def mg(c):
            return pltpu.async_copy(m_hbm.at[idx_c(c)], bm[c % 2], mgs[c % 2])

        def mo(c):
            return pltpu.async_copy(ob[c % 2], out_m.at[orow(c)], mos[c % 2])

        h_g = {0: hg(0)}
        p_g = {0: pg(0)}
        m_g = {0: mg(0)}
        h_o, p_o, m_o = {}, {}, {}
        for c in range(NCHUNK):
            b = c % 2
            if c + 1 < NCHUNK:
                if c + 1 >= 2:
                    h_o[c - 1].wait()
                    p_o[c - 1].wait()
                h_g[c + 1] = hg(c + 1)
                p_g[c + 1] = pg(c + 1)
                m_g[c + 1] = mg(c + 1)
            h_g[c].wait()
            h_o[c] = ho(c)
            p_g[c].wait()
            p_o[c] = po(c)
            m_g[c].wait()
            if c == 0:
                kcol_cp.wait()
            if c >= 2:
                m_o[c - 2].wait()

            @plsc.parallel_loop(0, N_KEEP // 16, unroll=2)
            def _compact(jc, mbuf=bm[b], obuf=ob[b]):
                lane = 16 * jc + iota16
                cidx = plsc.load_gather(kcol_v, [lane])
                for r in range(CHUNK):
                    rs = jnp.full((16,), r, jnp.int32)
                    v = plsc.load_gather(mbuf, [rs, cidx])
                    plsc.store_scatter(obuf, [rs, lane], v)
            m_o[c] = mo(c)
        h_o[NCHUNK - 1].wait()
        p_o[NCHUNK - 1].wait()
        m_o[NCHUNK - 2].wait()
        m_o[NCHUNK - 1].wait()


@functools.cache
def _sc_gather():
    return pl.kernel(
        _sc_gather_body,
        mesh=plsc.VectorSubcoreMesh(core_axis_name="c", subcore_axis_name="s"),
        out_type=(
            jax.ShapeDtypeStruct((N_KEEP, SEQ), jnp.float32),
            jax.ShapeDtypeStruct((N_KEEP, SEQ), jnp.float32),
            jax.ShapeDtypeStruct((N_KEEP, N_KEEP), jnp.float32),
        ),
        scratch_types=[
            pltpu.VMEM((ROWS_W,), jnp.int32),
            pltpu.VMEM((N_KEEP,), jnp.int32),
            pltpu.VMEM((CHUNK, SEQ), jnp.float32),
            pltpu.VMEM((CHUNK, SEQ), jnp.float32),
            pltpu.VMEM((CHUNK, SEQ), jnp.float32),
            pltpu.VMEM((CHUNK, SEQ), jnp.float32),
            pltpu.VMEM((CHUNK, SEQ), jnp.float32),
            pltpu.VMEM((CHUNK, SEQ), jnp.float32),
            pltpu.VMEM((CHUNK, N_KEEP), jnp.float32),
            pltpu.VMEM((CHUNK, N_KEEP), jnp.float32),
        ] + [pltpu.SemaphoreType.DMA] * 12,
        compiler_params=pltpu.CompilerParams(needs_layout_passes=False),
    )


def kernel(hidden_states, position_embeddings, attention_mask,
           self_attn_weights):
    h2 = hidden_states.reshape(SEQ, SEQ)
    p2 = position_embeddings.reshape(SEQ, SEQ)
    m2 = attention_mask.reshape(SEQ, SEQ)
    a2 = self_attn_weights.reshape(NROWS, SEQ)

    kipf = _redsel(a2)

    out_h, out_p, out_m = _sc_gather()(h2, p2, m2, kipf)
    return (out_h.reshape(1, N_KEEP, SEQ),
            out_p.reshape(1, N_KEEP, SEQ),
            out_m.reshape(1, 1, N_KEEP, N_KEEP))

# --- scband reference (transcript-rebuilt; emitter-appended) ---
"""Pipeline reference for scband-sim-diff-26508538151738 (READ-ONLY COPY).

The authoritative reference and input builder live on the scoring server;
editing this copy changes nothing except your own understanding.
"""

import jax, jax.numpy as jnp
import numpy as np

# SimDiff pruning branch (finish_merging=True, finish_pruning=False), as set by prepare():
#   image_token_start_index=64, image_token_length=1600, original_length=q_len=2048,
#   cost=0.3 -> pruning_ratio=0.3 (self._compute_pruning_ratio collapses to cost here).
IMG_START = 64
IMG_LEN = 1600
PRUNING_RATIO = 0.3

def setup_inputs(seed: int = 0) -> dict:
    key = jax.random.key(seed)
    k1, k2, k3, k4 = jax.random.split(key, 4)
    hidden_states = jax.random.normal(k1, (1, 2048, 2048), dtype=jnp.float32)
    position_embeddings = jax.random.normal(k2, (1, 2048, 2048), dtype=jnp.float32)
    attention_mask = jax.random.normal(k3, (1, 1, 2048, 2048), dtype=jnp.float32)
    self_attn_weights = jax.random.uniform(k4, (1, 16, 2048, 2048), dtype=jnp.float32)
    return {
        "hidden_states": hidden_states,
        "position_embeddings": position_embeddings,
        "attention_mask": attention_mask,
        "self_attn_weights": self_attn_weights,
    }

def reference(hidden_states, position_embeddings, attention_mask, self_attn_weights):
    bsz, q_len, hidden_size = hidden_states.shape
    img_start = IMG_START
    img_len = IMG_LEN  # image_token_length - (original_length - q_len) with original_length == q_len
    # last_layer_attention_avg = mean over (heads, query) dims, take batch 0
    last_layer_attention_avg = jnp.mean(self_attn_weights, axis=(1, 2))[0]  # [q_len]
    avg_image = last_layer_attention_avg[img_start:img_start + img_len]  # [img_len]
    k = int(round(img_len * (1.0 - PRUNING_RATIO)))  # round(1600 * 0.7) = 1120
    _, top_idx = jax.lax.top_k(avg_image, k)
    top_attention_rank_index = top_idx + img_start
    keep_indexs = jnp.concatenate([
        jnp.arange(img_start, dtype=top_attention_rank_index.dtype),
        top_attention_rank_index,
        jnp.arange(img_start + img_len, q_len, dtype=top_attention_rank_index.dtype),
    ])
    keep_indexs = jnp.sort(keep_indexs)
    hidden_states = hidden_states[:, keep_indexs, :]
    # position_embedding_handler_at_pruning: gather along sequence dim
    position_embeddings = position_embeddings[:, keep_indexs, :]
    attention_mask = attention_mask[:, :, keep_indexs, :][:, :, :, keep_indexs]
    return (hidden_states, position_embeddings, attention_mask)

if __name__ == "__main__":
    import jax
    _d = setup_inputs()
    print(jax.jit(kernel)(*tuple(_d.values())))

</pallas_src>

<mosaic_0001>
#map = affine_map<(d0, d1) -> (0, 0)>
#map1 = affine_map<(d0, d1) -> (0)>
module attributes {stable_mosaic.version = 14 : i64} {
  func.func @_sc_gather_body(%arg0: i32, %arg1: i32, %arg2: memref<2048x2048xf32, #tpu.memory_space<hbm>>, %arg3: memref<2048x2048xf32, #tpu.memory_space<hbm>>, %arg4: memref<2048x2048xf32, #tpu.memory_space<hbm>>, %arg5: memref<1792xi32, #tpu.memory_space<hbm>>, %arg6: memref<1568x2048xf32, #tpu.memory_space<hbm>>, %arg7: memref<1568x2048xf32, #tpu.memory_space<hbm>>, %arg8: memref<1568x1568xf32, #tpu.memory_space<hbm>>, %arg9: memref<56xi32, #tpu.memory_space<vmem>>, %arg10: memref<1568xi32, #tpu.memory_space<vmem>>, %arg11: memref<8x2048xf32, #tpu.memory_space<vmem>>, %arg12: memref<8x2048xf32, #tpu.memory_space<vmem>>, %arg13: memref<8x2048xf32, #tpu.memory_space<vmem>>, %arg14: memref<8x2048xf32, #tpu.memory_space<vmem>>, %arg15: memref<8x2048xf32, #tpu.memory_space<vmem>>, %arg16: memref<8x2048xf32, #tpu.memory_space<vmem>>, %arg17: memref<8x1568xf32, #tpu.memory_space<vmem>>, %arg18: memref<8x1568xf32, #tpu.memory_space<vmem>>, %arg19: memref<!tpu.dma_semaphore, #tpu.memory_space<semaphore_mem>>, %arg20: memref<!tpu.dma_semaphore, #tpu.memory_space<semaphore_mem>>, %arg21: memref<!tpu.dma_semaphore, #tpu.memory_space<semaphore_mem>>, %arg22: memref<!tpu.dma_semaphore, #tpu.memory_space<semaphore_mem>>, %arg23: memref<!tpu.dma_semaphore, #tpu.memory_space<semaphore_mem>>, %arg24: memref<!tpu.dma_semaphore, #tpu.memory_space<semaphore_mem>>, %arg25: memref<!tpu.dma_semaphore, #tpu.memory_space<semaphore_mem>>, %arg26: memref<!tpu.dma_semaphore, #tpu.memory_space<semaphore_mem>>, %arg27: memref<!tpu.dma_semaphore, #tpu.memory_space<semaphore_mem>>, %arg28: memref<!tpu.dma_semaphore, #tpu.memory_space<semaphore_mem>>, %arg29: memref<!tpu.dma_semaphore, #tpu.memory_space<semaphore_mem>>, %arg30: memref<!tpu.dma_semaphore, #tpu.memory_space<semaphore_mem>>) attributes {dimension_semantics = [#tpu.dimension_semantics<core_parallel>, #tpu.dimension_semantics<subcore_parallel>], iteration_bounds = array<i64: 2, 16>, scalar_prefetch = 0 : i64, scratch_operands = 22 : i64, tpu.core_type = #tpu.core_type<sc_vector_subcore>, window_params = [{transform_indices = #map}, {transform_indices = #map}, {transform_indices = #map}, {transform_indices = #map1}, {transform_indices = #map}, {transform_indices = #map}, {transform_indices = #map}]} {
    %mul3A = arith.constant 2 : i32
    %mul3A_0 = arith.muli %arg1, %mul3A : i32
    %add3A = arith.addi %mul3A_0, %arg0 : i32
    %lt3A = arith.constant 28 : i32
    %lt3A_1 = arith.cmpi slt, %add3A, %lt3A : i32
    %convert_element_type3A = arith.extui %lt3A_1 : i1 to i32
    %cond3A = arith.constant 0 : i32
    %cond3A_2 = arith.cmpi ne, %convert_element_type3A, %cond3A : i32
    scf.if %cond3A_2 {
      %mul3A_3 = arith.constant 56 : i32
      %mul3A_4 = arith.muli %add3A, %mul3A_3 : i32
      %iota3A = tpu.iota {dimensions = array<i32: 0>} : vector<16xi32>
      "tpu.region"() ({
        %run_scoped3A = tpu.sem_alloc : memref<!tpu.dma_semaphore, #tpu.memory_space<semaphore_mem>>
        %dma_start3A_443 = tpu.memref_slice %arg5[%mul3A_4] : memref<1792xi32, #tpu.memory_space<hbm>> -> memref<56xi32, #tpu.memory_space<hbm>>
        %dma_start3A_444 = tpu.memref_slice %arg5[%mul3A_4] : memref<1792xi32, #tpu.memory_space<hbm>> -> memref<56xi32, #tpu.memory_space<hbm>>
        tpu.enqueue_dma source(%dma_start3A_444 : memref<56xi32, #tpu.memory_space<hbm>>) target(%arg9 : memref<56xi32, #tpu.memory_space<vmem>>) target_semaphore(%run_scoped3A : memref<!tpu.dma_semaphore, #tpu.memory_space<semaphore_mem>>)
        %dma_wait3A_445 = tpu.memref_slice %arg5[%mul3A_4] : memref<1792xi32, #tpu.memory_space<hbm>> -> memref<56xi32, #tpu.memory_space<hbm>>
        %dma_wait3A_446 = tpu.memref_slice %arg5[%mul3A_4] : memref<1792xi32, #tpu.memory_space<hbm>> -> memref<56xi32, #tpu.memory_space<hbm>>
        tpu.wait_dma2 semaphore(%run_scoped3A : memref<!tpu.dma_semaphore, #tpu.memory_space<semaphore_mem>>) src(%dma_wait3A_446 : memref<56xi32, #tpu.memory_space<hbm>>) dst(%arg9 : memref<56xi32, #tpu.memory_space<vmem>>)
        tpu.yield
      }) : () -> ()
      %dma_start3A = arith.constant 0 : i32
      %dma_start3A_5 = tpu.memref_slice %arg5[%dma_start3A] : memref<1792xi32, #tpu.memory_space<hbm>> -> memref<1568xi32, #tpu.memory_space<hbm>>
      %dma_start3A_6 = arith.constant 0 : i32
      %dma_start3A_7 = tpu.memref_slice %arg5[%dma_start3A_6] : memref<1792xi32, #tpu.memory_space<hbm>> -> memref<1568xi32, #tpu.memory_space<hbm>>
      tpu.enqueue_dma source(%dma_start3A_7 : memref<1568xi32, #tpu.memory_space<hbm>>) target(%arg10 : memref<1568xi32, #tpu.memory_space<vmem>>) target_semaphore(%arg30 : memref<!tpu.dma_semaphore, #tpu.memory_space<semaphore_mem>>)
      %dma_start3A_8 = arith.constant 0 : i32
      %dma_start3A_9 = tpu.memref_slice %arg9[%dma_start3A_8] : memref<56xi32, #tpu.memory_space<vmem>> -> memref<8xi32, #tpu.memory_space<vmem>>
      %dma_start3A_10 = arith.constant 0 : i32
      %dma_start3A_11 = arith.constant 0 : i32
      %dma_start3A_12 = tpu.memref_slice %arg2[%dma_start3A_10, %dma_start3A_11] : memref<2048x2048xf32, #tpu.memory_space<hbm>> -> memref<2048x2048xf32, #tpu.memory_space<hbm>>
      tpu.enqueue_indirect_dma source(%dma_start3A_12 : memref<2048x2048xf32, #tpu.memory_space<hbm>>) target(%arg11 : memref<8x2048xf32, #tpu.memory_space<vmem>>) offsets(%dma_start3A_9 : memref<8xi32, #tpu.memory_space<vmem>>) semaphore(%arg19 : memref<!tpu.dma_semaphore, #tpu.memory_space<semaphore_mem>>)
      %dma_start3A_13 = arith.constant 0 : i32
      %dma_start3A_14 = tpu.memref_slice %arg9[%dma_start3A_13] : memref<56xi32, #tpu.memory_space<vmem>> -> memref<8xi32, #tpu.memory_space<vmem>>
      %dma_start3A_15 = arith.constant 0 : i32
      %dma_start3A_16 = arith.constant 0 : i32
      %dma_start3A_17 = tpu.memref_slice %arg3[%dma_start3A_15, %dma_start3A_16] : memref<2048x2048xf32, #tpu.memory_space<hbm>> -> memref<2048x2048xf32, #tpu.memory_space<hbm>>
      tpu.enqueue_indirect_dma source(%dma_start3A_17 : memref<2048x2048xf32, #tpu.memory_space<hbm>>) target(%arg13 : memref<8x2048xf32, #tpu.memory_space<vmem>>) offsets(%dma_start3A_14 : memref<8xi32, #tpu.memory_space<vmem>>) semaphore(%arg23 : memref<!tpu.dma_semaphore, #tpu.memory_space<semaphore_mem>>)
      %dma_start3A_18 = arith.constant 0 : i32
      %dma_start3A_19 = tpu.memref_slice %arg9[%dma_start3A_18] : memref<56xi32, #tpu.memory_space<vmem>> -> memref<8xi32, #tpu.memory_space<vmem>>
      %dma_start3A_20 = arith.constant 0 : i32
      %dma_start3A_21 = arith.constant 0 : i32
      %dma_start3A_22 = tpu.memref_slice %arg4[%dma_start3A_20, %dma_start3A_21] : memref<2048x2048xf32, #tpu.memory_space<hbm>> -> memref<2048x2048xf32, #tpu.memory_space<hbm>>
      tpu.enqueue_indirect_dma source(%dma_start3A_22 : memref<2048x2048xf32, #tpu.memory_space<hbm>>) target(%arg15 : memref<8x2048xf32, #tpu.memory_space<vmem>>) offsets(%dma_start3A_19 : memref<8xi32, #tpu.memory_space<vmem>>) semaphore(%arg27 : memref<!tpu.dma_semaphore, #tpu.memory_space<semaphore_mem>>)
      %dma_start3A_23 = arith.constant 8 : i32
      %dma_start3A_24 = tpu.memref_slice %arg9[%dma_start3A_23] : memref<56xi32, #tpu.memory_space<vmem>> -> memref<8xi32, #tpu.memory_space<vmem>>
      %dma_start3A_25 = arith.constant 0 : i32
      %dma_start3A_26 = arith.constant 0 : i32
      %dma_start3A_27 = tpu.memref_slice %arg2[%dma_start3A_25, %dma_start3A_26] : memref<2048x2048xf32, #tpu.memory_space<hbm>> -> memref<2048x2048xf32, #tpu.memory_space<hbm>>
      tpu.enqueue_indirect_dma source(%dma_start3A_27 : memref<2048x2048xf32, #tpu.memory_space<hbm>>) target(%arg12 : memref<8x2048xf32, #tpu.memory_space<vmem>>) offsets(%dma_start3A_24 : memref<8xi32, #tpu.memory_space<vmem>>) semaphore(%arg20 : memref<!tpu.dma_semaphore, #tpu.memory_space<semaphore_mem>>)
      %dma_start3A_28 = arith.constant 8 : i32
      %dma_start3A_29 = tpu.memref_slice %arg9[%dma_start3A_28] : memref<56xi32, #tpu.memory_space<vmem>> -> memref<8xi32, #tpu.memory_space<vmem>>
      %dma_start3A_30 = arith.constant 0 : i32
      %dma_start3A_31 = arith.constant 0 : i32
      %dma_start3A_32 = tpu.memref_slice %arg3[%dma_start3A_30, %dma_start3A_31] : memref<2048x2048xf32, #tpu.memory_space<hbm>> -> memref<2048x2048xf32, #tpu.memory_space<hbm>>
      tpu.enqueue_indirect_dma source(%dma_start3A_32 : memref<2048x2048xf32, #tpu.memory_space<hbm>>) target(%arg14 : memref<8x2048xf32, #tpu.memory_space<vmem>>) offsets(%dma_start3A_29 : memref<8xi32, #tpu.memory_space<vmem>>) semaphore(%arg24 : memref<!tpu.dma_semaphore, #tpu.memory_space<semaphore_mem>>)
      %dma_start3A_33 = arith.constant 8 : i32
      %dma_start3A_34 = tpu.memref_slice %arg9[%dma_start3A_33] : memref<56xi32, #tpu.memory_space<vmem>> -> memref<8xi32, #tpu.memory_space<vmem>>
      %dma_start3A_35 = arith.constant 0 : i32
      %dma_start3A_36 = arith.constant 0 : i32
      %dma_start3A_37 = tpu.memref_slice %arg4[%dma_start3A_35, %dma_start3A_36] : memref<2048x2048xf32, #tpu.memory_space<hbm>> -> memref<2048x2048xf32, #tpu.memory_space<hbm>>
      tpu.enqueue_indirect_dma source(%dma_start3A_37 : memref<2048x2048xf32, #tpu.memory_space<hbm>>) target(%arg16 : memref<8x2048xf32, #tpu.memory_space<vmem>>) offsets(%dma_start3A_34 : memref<8xi32, #tpu.memory_space<vmem>>) semaphore(%arg28 : memref<!tpu.dma_semaphore, #tpu.memory_space<semaphore_mem>>)
      %dma_wait3A = arith.constant 0 : i32
      %dma_wait3A_38 = tpu.memref_slice %arg9[%dma_wait3A] : memref<56xi32, #tpu.memory_space<vmem>> -> memref<8xi32, #tpu.memory_space<vmem>>
      %dma_wait3A_39 = arith.constant 0 : i32
      %dma_wait3A_40 = arith.constant 0 : i32
      %dma_wait3A_41 = tpu.memref_slice %arg2[%dma_wait3A_39, %dma_wait3A_40] : memref<2048x2048xf32, #tpu.memory_space<hbm>> -> memref<2048x2048xf32, #tpu.memory_space<hbm>>
      tpu.wait_indirect_dma semaphore(%arg19 : memref<!tpu.dma_semaphore, #tpu.memory_space<semaphore_mem>>) src(%dma_wait3A_41 : memref<2048x2048xf32, #tpu.memory_space<hbm>>) dst(%arg11 : memref<8x2048xf32, #tpu.memory_space<vmem>>)
      %add3A_42 = arith.constant 0 : i32
      %add3A_43 = arith.addi %mul3A_4, %add3A_42 : i32
      %dma_start3A_44 = arith.constant 0 : i32
      %dma_start3A_45 = tpu.memref_slice %arg6[%add3A_43, %dma_start3A_44] : memref<1568x2048xf32, #tpu.memory_space<hbm>> -> memref<8x2048xf32, #tpu.memory_space<hbm>>
      %dma_start3A_46 = arith.constant 0 : i32
      %dma_start3A_47 = tpu.memref_slice %arg6[%add3A_43, %dma_start3A_46] : memref<1568x2048xf32, #tpu.memory_space<hbm>> -> memref<8x2048xf32, #tpu.memory_space<hbm>>
      tpu.enqueue_dma source(%arg11 : memref<8x2048xf32, #tpu.memory_space<vmem>>) target(%dma_start3A_47 : memref<8x2048xf32, #tpu.memory_space<hbm>>) target_semaphore(%arg21 : memref<!tpu.dma_semaphore, #tpu.memory_space<semaphore_mem>>)
      %dma_wait3A_48 = arith.constant 0 : i32
      %dma_wait3A_49 = tpu.memref_slice %arg9[%dma_wait3A_48] : memref<56xi32, #tpu.memory_space<vmem>> -> memref<8xi32, #tpu.memory_space<vmem>>
      %dma_wait3A_50 = arith.constant 0 : i32
      %dma_wait3A_51 = arith.constant 0 : i32
      %dma_wait3A_52 = tpu.memref_slice %arg3[%dma_wait3A_50, %dma_wait3A_51] : memref<2048x2048xf32, #tpu.memory_space<hbm>> -> memref<2048x2048xf32, #tpu.memory_space<hbm>>
      tpu.wait_indirect_dma semaphore(%arg23 : memref<!tpu.dma_semaphore, #tpu.memory_space<semaphore_mem>>) src(%dma_wait3A_52 : memref<2048x2048xf32, #tpu.memory_space<hbm>>) dst(%arg13 : memref<8x2048xf32, #tpu.memory_space<vmem>>)
      %add3A_53 = arith.constant 0 : i32
      %add3A_54 = arith.addi %mul3A_4, %add3A_53 : i32
      %dma_start3A_55 = arith.constant 0 : i32
      %dma_start3A_56 = tpu.memref_slice %arg7[%add3A_54, %dma_start3A_55] : memref<1568x2048xf32, #tpu.memory_space<hbm>> -> memref<8x2048xf32, #tpu.memory_space<hbm>>
      %dma_start3A_57 = arith.constant 0 : i32
      %dma_start3A_58 = tpu.memref_slice %arg7[%add3A_54, %dma_start3A_57] : memref<1568x2048xf32, #tpu.memory_space<hbm>> -> memref<8x2048xf32, #tpu.memory_space<hbm>>
      tpu.enqueue_dma source(%arg13 : memref<8x2048xf32, #tpu.memory_space<vmem>>) target(%dma_start3A_58 : memref<8x2048xf32, #tpu.memory_space<hbm>>) target_semaphore(%arg25 : memref<!tpu.dma_semaphore, #tpu.memory_space<semaphore_mem>>)
      %dma_wait3A_59 = arith.constant 0 : i32
      %dma_wait3A_60 = tpu.memref_slice %arg9[%dma_wait3A_59] : memref<56xi32, #tpu.memory_space<vmem>> -> memref<8xi32, #tpu.memory_space<vmem>>
      %dma_wait3A_61 = arith.constant 0 : i32
      %dma_wait3A_62 = arith.constant 0 : i32
      %dma_wait3A_63 = tpu.memref_slice %arg4[%dma_wait3A_61, %dma_wait3A_62] : memref<2048x2048xf32, #tpu.memory_space<hbm>> -> memref<2048x2048xf32, #tpu.memory_space<hbm>>
      tpu.wait_indirect_dma semaphore(%arg27 : memref<!tpu.dma_semaphore, #tpu.memory_space<semaphore_mem>>) src(%dma_wait3A_63 : memref<2048x2048xf32, #tpu.memory_space<hbm>>) dst(%arg15 : memref<8x2048xf32, #tpu.memory_space<vmem>>)
      %dma_wait3A_64 = arith.constant 0 : i32
      %dma_wait3A_65 = tpu.memref_slice %arg5[%dma_wait3A_64] : memref<1792xi32, #tpu.memory_space<hbm>> -> memref<1568xi32, #tpu.memory_space<hbm>>
      %dma_wait3A_66 = arith.constant 0 : i32
      %dma_wait3A_67 = tpu.memref_slice %arg5[%dma_wait3A_66] : memref<1792xi32, #tpu.memory_space<hbm>> -> memref<1568xi32, #tpu.memory_space<hbm>>
      tpu.wait_dma2 semaphore(%arg30 : memref<!tpu.dma_semaphore, #tpu.memory_space<semaphore_mem>>) src(%dma_wait3A_67 : memref<1568xi32, #tpu.memory_space<hbm>>) dst(%arg10 : memref<1568xi32, #tpu.memory_space<vmem>>)
      %parallel_loop3A = arith.constant 0 : i32
      %parallel_loop3A_68 = arith.constant 98 : i32
      %parallel_loop3A_69 = arith.constant 1 : i32
      scf.for %parallel_loop3A_443 = %parallel_loop3A to %parallel_loop3A_68 step %parallel_loop3A_69  : i32 {
        %parallel_loop3A_444 = arith.constant 16 : i32
        %parallel_loop3A_445 = arith.muli %parallel_loop3A_444, %parallel_loop3A_443 : i32
        %parallel_loop3A_446 = vector.broadcast %parallel_loop3A_445 : i32 to vector<16xi32>
        %parallel_loop3A_447 = arith.addi %parallel_loop3A_446, %iota3A : vector<16xi32>
        %parallel_loop3A_448 = tpu.vector_load_idx %arg10[%parallel_loop3A_447] : memref<1568xi32, #tpu.memory_space<vmem>>[vector<16xi32>], vector<16xi32>,
        %parallel_loop3A_449 = arith.constant 0 : i32
        %parallel_loop3A_450 = vector.broadcast %parallel_loop3A_449 : i32 to vector<16xi32>
        %parallel_loop3A_451 = tpu.vector_load_idx %arg15[%parallel_loop3A_450, %parallel_loop3A_448] : memref<8x2048xf32, #tpu.memory_space<vmem>>[vector<16xi32>, vector<16xi32>], vector<16xf32>,
        tpu.vector_store_idx %arg17[%parallel_loop3A_450, %parallel_loop3A_447], %parallel_loop3A_451 : memref<8x1568xf32, #tpu.memory_space<vmem>>[vector<16xi32>, vector<16xi32>], vector<16xf32>,
        %parallel_loop3A_452 = arith.constant 1 : i32
        %parallel_loop3A_453 = vector.broadcast %parallel_loop3A_452 : i32 to vector<16xi32>
        %parallel_loop3A_454 = tpu.vector_load_idx %arg15[%parallel_loop3A_453, %parallel_loop3A_448] : memref<8x2048xf32, #tpu.memory_space<vmem>>[vector<16xi32>, vector<16xi32>], vector<16xf32>,
        tpu.vector_store_idx %arg17[%parallel_loop3A_453, %parallel_loop3A_447], %parallel_loop3A_454 : memref<8x1568xf32, #tpu.memory_space<vmem>>[vector<16xi32>, vector<16xi32>], vector<16xf32>,
        %parallel_loop3A_455 = arith.constant 2 : i32
        %parallel_loop3A_456 = vector.broadcast %parallel_loop3A_455 : i32 to vector<16xi32>
        %parallel_loop3A_457 = tpu.vector_load_idx %arg15[%parallel_loop3A_456, %parallel_loop3A_448] : memref<8x2048xf32, #tpu.memory_space<vmem>>[vector<16xi32>, vector<16xi32>], vector<16xf32>,
        tpu.vector_store_idx %arg17[%parallel_loop3A_456, %parallel_loop3A_447], %parallel_loop3A_457 : memref<8x1568xf32, #tpu.memory_space<vmem>>[vector<16xi32>, vector<16xi32>], vector<16xf32>,
        %parallel_loop3A_458 = arith.constant 3 : i32
        %parallel_loop3A_459 = vector.broadcast %parallel_loop3A_458 : i32 to vector<16xi32>
        %parallel_loop3A_460 = tpu.vector_load_idx %arg15[%parallel_loop3A_459, %parallel_loop3A_448] : memref<8x2048xf32, #tpu.memory_space<vmem>>[vector<16xi32>, vector<16xi32>], vector<16xf32>,
        tpu.vector_store_idx %arg17[%parallel_loop3A_459, %parallel_loop3A_447], %parallel_loop3A_460 : memref<8x1568xf32, #tpu.memory_space<vmem>>[vector<16xi32>, vector<16xi32>], vector<16xf32>,
        %parallel_loop3A_461 = arith.constant 4 : i32
        %parallel_loop3A_462 = vector.broadcast %parallel_loop3A_461 : i32 to vector<16xi32>
        %parallel_loop3A_463 = tpu.vector_load_idx %arg15[%parallel_loop3A_462, %parallel_loop3A_448] : memref<8x2048xf32, #tpu.memory_space<vmem>>[vector<16xi32>, vector<16xi32>], vector<16xf32>,
        tpu.vector_store_idx %arg17[%parallel_loop3A_462, %parallel_loop3A_447], %parallel_loop3A_463 : memref<8x1568xf32, #tpu.memory_space<vmem>>[vector<16xi32>, vector<16xi32>], vector<16xf32>,
        %parallel_loop3A_464 = arith.constant 5 : i32
        %parallel_loop3A_465 = vector.broadcast %parallel_loop3A_464 : i32 to vector<16xi32>
        %parallel_loop3A_466 = tpu.vector_load_idx %arg15[%parallel_loop3A_465, %parallel_loop3A_448] : memref<8x2048xf32, #tpu.memory_space<vmem>>[vector<16xi32>, vector<16xi32>], vector<16xf32>,
        tpu.vector_store_idx %arg17[%parallel_loop3A_465, %parallel_loop3A_447], %parallel_loop3A_466 : memref<8x1568xf32, #tpu.memory_space<vmem>>[vector<16xi32>, vector<16xi32>], vector<16xf32>,
        %parallel_loop3A_467 = arith.constant 6 : i32
        %parallel_loop3A_468 = vector.broadcast %parallel_loop3A_467 : i32 to vector<16xi32>
        %parallel_loop3A_469 = tpu.vector_load_idx %arg15[%parallel_loop3A_468, %parallel_loop3A_448] : memref<8x2048xf32, #tpu.memory_space<vmem>>[vector<16xi32>, vector<16xi32>], vector<16xf32>,
        tpu.vector_store_idx %arg17[%parallel_loop3A_468, %parallel_loop3A_447], %parallel_loop3A_469 : memref<8x1568xf32, #tpu.memory_space<vmem>>[vector<16xi32>, vector<16xi32>], vector<16xf32>,
        %parallel_loop3A_470 = arith.constant 7 : i32
        %parallel_loop3A_471 = vector.broadcast %parallel_loop3A_470 : i32 to vector<16xi32>
        %parallel_loop3A_472 = tpu.vector_load_idx %arg15[%parallel_loop3A_471, %parallel_loop3A_448] : memref<8x2048xf32, #tpu.memory_space<vmem>>[vector<16xi32>, vector<16xi32>], vector<16xf32>,
        tpu.vector_store_idx %arg17[%parallel_loop3A_471, %parallel_loop3A_447], %parallel_loop3A_472 : memref<8x1568xf32, #tpu.memory_space<vmem>>[vector<16xi32>, vector<16xi32>], vector<16xf32>,
      } {sc.loop_unroll_factor = 2 : i64, sc.parallel_access}
      %add3A_70 = arith.constant 0 : i32
      %add3A_71 = arith.addi %mul3A_4, %add3A_70 : i32
      %dma_start3A_72 = arith.constant 0 : i32
      %dma_start3A_73 = tpu.memref_slice %arg8[%add3A_71, %dma_start3A_72] : memref<1568x1568xf32, #tpu.memory_space<hbm>> -> memref<8x1568xf32, #tpu.memory_space<hbm>>
      %dma_start3A_74 = arith.constant 0 : i32
      %dma_start3A_75 = tpu.memref_slice %arg8[%add3A_71, %dma_start3A_74] : memref<1568x1568xf32, #tpu.memory_space<hbm>> -> memref<8x1568xf32, #tpu.memory_space<hbm>>
      tpu.enqueue_dma source(%arg17 : memref<8x1568xf32, #tpu.memory_space<vmem>>) target(%dma_start3A_75 : memref<8x1568xf32, #tpu.memory_space<hbm>>) target_semaphore(%arg29 : memref<!tpu.dma_semaphore, #tpu.memory_space<semaphore_mem>>)
      %dma_wait3A_76 = arith.constant 0 : i32
      %dma_wait3A_77 = tpu.memref_slice %arg6[%add3A_43, %dma_wait3A_76] : memref<1568x2048xf32, #tpu.memory_space<hbm>> -> memref<8x2048xf32, #tpu.memory_space<hbm>>
      %dma_wait3A_78 = arith.constant 0 : i32
      %dma_wait3A_79 = tpu.memref_slice %arg6[%add3A_43, %dma_wait3A_78] : memref<1568x2048xf32, #tpu.memory_space<hbm>> -> memref<8x2048xf32, #tpu.memory_space<hbm>>
      tpu.wait_dma2 semaphore(%arg21 : memref<!tpu.dma_semaphore, #tpu.memory_space<semaphore_mem>>) src(%arg11 : memref<8x2048xf32, #tpu.memory_space<vmem>>) dst(%dma_wait3A_79 : memref<8x2048xf32, #tpu.memory_space<hbm>>)
      %dma_wait3A_80 = arith.constant 0 : i32
      %dma_wait3A_81 = tpu.memref_slice %arg7[%add3A_54, %dma_wait3A_80] : memref<1568x2048xf32, #tpu.memory_space<hbm>> -> memref<8x2048xf32, #tpu.memory_space<hbm>>
      %dma_wait3A_82 = arith.constant 0 : i32
      %dma_wait3A_83 = tpu.memref_slice %arg7[%add3A_54, %dma_wait3A_82] : memref<1568x2048xf32, #tpu.memory_space<hbm>> -> memref<8x2048xf32, #tpu.memory_space<hbm>>
      tpu.wait_dma2 semaphore(%arg25 : memref<!tpu.dma_semaphore, #tpu.memory_space<semaphore_mem>>) src(%arg13 : memref<8x2048xf32, #tpu.memory_space<vmem>>) dst(%dma_wait3A_83 : memref<8x2048xf32, #tpu.memory_space<hbm>>)
      %dma_start3A_84 = arith.constant 16 : i32
      %dma_start3A_85 = tpu.memref_slice %arg9[%dma_start3A_84] : memref<56xi32, #tpu.memory_space<vmem>> -> memref<8xi32, #tpu.memory_space<vmem>>
      %dma_start3A_86 = arith.constant 0 : i32
      %dma_start3A_87 = arith.constant 0 : i32
      %dma_start3A_88 = tpu.memref_slice %arg2[%dma_start3A_86, %dma_start3A_87] : memref<2048x2048xf32, #tpu.memory_space<hbm>> -> memref<2048x2048xf32, #tpu.memory_space<hbm>>
      tpu.enqueue_indirect_dma source(%dma_start3A_88 : memref<2048x2048xf32, #tpu.memory_space<hbm>>) target(%arg11 : memref<8x2048xf32, #tpu.memory_space<vmem>>) offsets(%dma_start3A_85 : memref<8xi32, #tpu.memory_space<vmem>>) semaphore(%arg19 : memref<!tpu.dma_semaphore, #tpu.memory_space<semaphore_mem>>)
      %dma_start3A_89 = arith.constant 16 : i32
      %dma_start3A_90 = tpu.memref_slice %arg9[%dma_start3A_89] : memref<56xi32, #tpu.memory_space<vmem>> -> memref<8xi32, #tpu.memory_space<vmem>>
      %dma_start3A_91 = arith.constant 0 : i32
      %dma_start3A_92 = arith.constant 0 : i32
      %dma_start3A_93 = tpu.memref_slice %arg3[%dma_start3A_91, %dma_start3A_92] : memref<2048x2048xf32, #tpu.memory_space<hbm>> -> memref<2048x2048xf32, #tpu.memory_space<hbm>>
      tpu.enqueue_indirect_dma source(%dma_start3A_93 : memref<2048x2048xf32, #tpu.memory_space<hbm>>) target(%arg13 : memref<8x2048xf32, #tpu.memory_space<vmem>>) offsets(%dma_start3A_90 : memref<8xi32, #tpu.memory_space<vmem>>) semaphore(%arg23 : memref<!tpu.dma_semaphore, #tpu.memory_space<semaphore_mem>>)
      %dma_start3A_94 = arith.constant 16 : i32
      %dma_start3A_95 = tpu.memref_slice %arg9[%dma_start3A_94] : memref<56xi32, #tpu.memory_space<vmem>> -> memref<8xi32, #tpu.memory_space<vmem>>
      %dma_start3A_96 = arith.constant 0 : i32
      %dma_start3A_97 = arith.constant 0 : i32
      %dma_start3A_98 = tpu.memref_slice %arg4[%dma_start3A_96, %dma_start3A_97] : memref<2048x2048xf32, #tpu.memory_space<hbm>> -> memref<2048x2048xf32, #tpu.memory_space<hbm>>
      tpu.enqueue_indirect_dma source(%dma_start3A_98 : memref<2048x2048xf32, #tpu.memory_space<hbm>>) target(%arg15 : memref<8x2048xf32, #tpu.memory_space<vmem>>) offsets(%dma_start3A_95 : memref<8xi32, #tpu.memory_space<vmem>>) semaphore(%arg27 : memref<!tpu.dma_semaphore, #tpu.memory_space<semaphore_mem>>)
      %dma_wait3A_99 = arith.constant 8 : i32
      %dma_wait3A_100 = tpu.memref_slice %arg9[%dma_wait3A_99] : memref<56xi32, #tpu.memory_space<vmem>> -> memref<8xi32, #tpu.memory_space<vmem>>
      %dma_wait3A_101 = arith.constant 0 : i32
      %dma_wait3A_102 = arith.constant 0 : i32
      %dma_wait3A_103 = tpu.memref_slice %arg2[%dma_wait3A_101, %dma_wait3A_102] : memref<2048x2048xf32, #tpu.memory_space<hbm>> -> memref<2048x2048xf32, #tpu.memory_space<hbm>>
      tpu.wait_indirect_dma semaphore(%arg20 : memref<!tpu.dma_semaphore, #tpu.memory_space<semaphore_mem>>) src(%dma_wait3A_103 : memref<2048x2048xf32, #tpu.memory_space<hbm>>) dst(%arg12 : memref<8x2048xf32, #tpu.memory_space<vmem>>)
      %add3A_104 = arith.constant 8 : i32
      %add3A_105 = arith.addi %mul3A_4, %add3A_104 : i32
      %dma_start3A_106 = arith.constant 0 : i32
      %dma_start3A_107 = tpu.memref_slice %arg6[%add3A_105, %dma_start3A_106] : memref<1568x2048xf32, #tpu.memory_space<hbm>> -> memref<8x2048xf32, #tpu.memory_space<hbm>>
      %dma_start3A_108 = arith.constant 0 : i32
      %dma_start3A_109 = tpu.memref_slice %arg6[%add3A_105, %dma_start3A_108] : memref<1568x2048xf32, #tpu.memory_space<hbm>> -> memref<8x2048xf32, #tpu.memory_space<hbm>>
      tpu.enqueue_dma source(%arg12 : memref<8x2048xf32, #tpu.memory_space<vmem>>) target(%dma_start3A_109 : memref<8x2048xf32, #tpu.memory_space<hbm>>) target_semaphore(%arg22 : memref<!tpu.dma_semaphore, #tpu.memory_space<semaphore_mem>>)
      %dma_wait3A_110 = arith.constant 8 : i32
      %dma_wait3A_111 = tpu.memref_slice %arg9[%dma_wait3A_110] : memref<56xi32, #tpu.memory_space<vmem>> -> memref<8xi32, #tpu.memory_space<vmem>>
      %dma_wait3A_112 = arith.constant 0 : i32
      %dma_wait3A_113 = arith.constant 0 : i32
      %dma_wait3A_114 = tpu.memref_slice %arg3[%dma_wait3A_112, %dma_wait3A_113] : memref<2048x2048xf32, #tpu.memory_space<hbm>> -> memref<2048x2048xf32, #tpu.memory_space<hbm>>
      tpu.wait_indirect_dma semaphore(%arg24 : memref<!tpu.dma_semaphore, #tpu.memory_space<semaphore_mem>>) src(%dma_wait3A_114 : memref<2048x2048xf32, #tpu.memory_space<hbm>>) dst(%arg14 : memref<8x2048xf32, #tpu.memory_space<vmem>>)
      %add3A_115 = arith.constant 8 : i32
      %add3A_116 = arith.addi %mul3A_4, %add3A_115 : i32
      %dma_start3A_117 = arith.constant 0 : i32
      %dma_start3A_118 = tpu.memref_slice %arg7[%add3A_116, %dma_start3A_117] : memref<1568x2048xf32, #tpu.memory_space<hbm>> -> memref<8x2048xf32, #tpu.memory_space<hbm>>
      %dma_start3A_119 = arith.constant 0 : i32
      %dma_start3A_120 = tpu.memref_slice %arg7[%add3A_116, %dma_start3A_119] : memref<1568x2048xf32, #tpu.memory_space<hbm>> -> memref<8x2048xf32, #tpu.memory_space<hbm>>
      tpu.enqueue_dma source(%arg14 : memref<8x2048xf32, #tpu.memory_space<vmem>>) target(%dma_start3A_120 : memref<8x2048xf32, #tpu.memory_space<hbm>>) target_semaphore(%arg26 : memref<!tpu.dma_semaphore, #tpu.memory_space<semaphore_mem>>)
      %dma_wait3A_121 = arith.constant 8 : i32
      %dma_wait3A_122 = tpu.memref_slice %arg9[%dma_wait3A_121] : memref<56xi32, #tpu.memory_space<vmem>> -> memref<8xi32, #tpu.memory_space<vmem>>
      %dma_wait3A_123 = arith.constant 0 : i32
      %dma_wait3A_124 = arith.constant 0 : i32
      %dma_wait3A_125 = tpu.memref_slice %arg4[%dma_wait3A_123, %dma_wait3A_124] : memref<2048x2048xf32, #tpu.memory_space<hbm>> -> memref<2048x2048xf32, #tpu.memory_space<hbm>>
      tpu.wait_indirect_dma semaphore(%arg28 : memref<!tpu.dma_semaphore, #tpu.memory_space<semaphore_mem>>) src(%dma_wait3A_125 : memref<2048x2048xf32, #tpu.memory_space<hbm>>) dst(%arg16 : memref<8x2048xf32, #tpu.memory_space<vmem>>)
      %parallel_loop3A_126 = arith.constant 0 : i32
      %parallel_loop3A_127 = arith.constant 98 : i32
      %parallel_loop3A_128 = arith.constant 1 : i32
      scf.for %parallel_loop3A_443 = %parallel_loop3A_126 to %parallel_loop3A_127 step %parallel_loop3A_128  : i32 {
        %parallel_loop3A_444 = arith.constant 16 : i32
        %parallel_loop3A_445 = arith.muli %parallel_loop3A_444, %parallel_loop3A_443 : i32
        %parallel_loop3A_446 = vector.broadcast %parallel_loop3A_445 : i32 to vector<16xi32>
        %parallel_loop3A_447 = arith.addi %parallel_loop3A_446, %iota3A : vector<16xi32>
        %parallel_loop3A_448 = tpu.vector_load_idx %arg10[%parallel_loop3A_447] : memref<1568xi32, #tpu.memory_space<vmem>>[vector<16xi32>], vector<16xi32>,
        %parallel_loop3A_449 = arith.constant 0 : i32
        %parallel_loop3A_450 = vector.broadcast %parallel_loop3A_449 : i32 to vector<16xi32>
        %parallel_loop3A_451 = tpu.vector_load_idx %arg16[%parallel_loop3A_450, %parallel_loop3A_448] : memref<8x2048xf32, #tpu.memory_space<vmem>>[vector<16xi32>, vector<16xi32>], vector<16xf32>,
        tpu.vector_store_idx %arg18[%parallel_loop3A_450, %parallel_loop3A_447], %parallel_loop3A_451 : memref<8x1568xf32, #tpu.memory_space<vmem>>[vector<16xi32>, vector<16xi32>], vector<16xf32>,
        %parallel_loop3A_452 = arith.constant 1 : i32
        %parallel_loop3A_453 = vector.broadcast %parallel_loop3A_452 : i32 to vector<16xi32>
        %parallel_loop3A_454 = tpu.vector_load_idx %arg16[%parallel_loop3A_453, %parallel_loop3A_448] : memref<8x2048xf32, #tpu.memory_space<vmem>>[vector<16xi32>, vector<16xi32>], vector<16xf32>,
        tpu.vector_store_idx %arg18[%parallel_loop3A_453, %parallel_loop3A_447], %parallel_loop3A_454 : memref<8x1568xf32, #tpu.memory_space<vmem>>[vector<16xi32>, vector<16xi32>], vector<16xf32>,
        %parallel_loop3A_455 = arith.constant 2 : i32
        %parallel_loop3A_456 = vector.broadcast %parallel_loop3A_455 : i32 to vector<16xi32>
        %parallel_loop3A_457 = tpu.vector_load_idx %arg16[%parallel_loop3A_456, %parallel_loop3A_448] : memref<8x2048xf32, #tpu.memory_space<vmem>>[vector<16xi32>, vector<16xi32>], vector<16xf32>,
        tpu.vector_store_idx %arg18[%parallel_loop3A_456, %parallel_loop3A_447], %parallel_loop3A_457 : memref<8x1568xf32, #tpu.memory_space<vmem>>[vector<16xi32>, vector<16xi32>], vector<16xf32>,
        %parallel_loop3A_458 = arith.constant 3 : i32
        %parallel_loop3A_459 = vector.broadcast %parallel_loop3A_458 : i32 to vector<16xi32>
        %parallel_loop3A_460 = tpu.vector_load_idx %arg16[%parallel_loop3A_459, %parallel_loop3A_448] : memref<8x2048xf32, #tpu.memory_space<vmem>>[vector<16xi32>, vector<16xi32>], vector<16xf32>,
        tpu.vector_store_idx %arg18[%parallel_loop3A_459, %parallel_loop3A_447], %parallel_loop3A_460 : memref<8x1568xf32, #tpu.memory_space<vmem>>[vector<16xi32>, vector<16xi32>], vector<16xf32>,
        %parallel_loop3A_461 = arith.constant 4 : i32
        %parallel_loop3A_462 = vector.broadcast %parallel_loop3A_461 : i32 to vector<16xi32>
        %parallel_loop3A_463 = tpu.vector_load_idx %arg16[%parallel_loop3A_462, %parallel_loop3A_448] : memref<8x2048xf32, #tpu.memory_space<vmem>>[vector<16xi32>, vector<16xi32>], vector<16xf32>,
        tpu.vector_store_idx %arg18[%parallel_loop3A_462, %parallel_loop3A_447], %parallel_loop3A_463 : memref<8x1568xf32, #tpu.memory_space<vmem>>[vector<16xi32>, vector<16xi32>], vector<16xf32>,
        %parallel_loop3A_464 = arith.constant 5 : i32
        %parallel_loop3A_465 = vector.broadcast %parallel_loop3A_464 : i32 to vector<16xi32>
        %parallel_loop3A_466 = tpu.vector_load_idx %arg16[%parallel_loop3A_465, %parallel_loop3A_448] : memref<8x2048xf32, #tpu.memory_space<vmem>>[vector<16xi32>, vector<16xi32>], vector<16xf32>,
        tpu.vector_store_idx %arg18[%parallel_loop3A_465, %parallel_loop3A_447], %parallel_loop3A_466 : memref<8x1568xf32, #tpu.memory_space<vmem>>[vector<16xi32>, vector<16xi32>], vector<16xf32>,
        %parallel_loop3A_467 = arith.constant 6 : i32
        %parallel_loop3A_468 = vector.broadcast %parallel_loop3A_467 : i32 to vector<16xi32>
        %parallel_loop3A_469 = tpu.vector_load_idx %arg16[%parallel_loop3A_468, %parallel_loop3A_448] : memref<8x2048xf32, #tpu.memory_space<vmem>>[vector<16xi32>, vector<16xi32>], vector<16xf32>,
        tpu.vector_store_idx %arg18[%parallel_loop3A_468, %parallel_loop3A_447], %parallel_loop3A_469 : memref<8x1568xf32, #tpu.memory_space<vmem>>[vector<16xi32>, vector<16xi32>], vector<16xf32>,
        %parallel_loop3A_470 = arith.constant 7 : i32
        %parallel_loop3A_471 = vector.broadcast %parallel_loop3A_470 : i32 to vector<16xi32>
        %parallel_loop3A_472 = tpu.vector_load_idx %arg16[%parallel_loop3A_471, %parallel_loop3A_448] : memref<8x2048xf32, #tpu.memory_space<vmem>>[vector<16xi32>, vector<16xi32>], vector<16xf32>,
        tpu.vector_store_idx %arg18[%parallel_loop3A_471, %parallel_loop3A_447], %parallel_loop3A_472 : memref<8x1568xf32, #tpu.memory_space<vmem>>[vector<16xi32>, vector<16xi32>], vector<16xf32>,
      } {sc.loop_unroll_factor = 2 : i64, sc.parallel_access}
      %add3A_129 = arith.constant 8 : i32
      %add3A_130 = arith.addi %mul3A_4, %add3A_129 : i32
      %dma_start3A_131 = arith.constant 0 : i32
      %dma_start3A_132 = tpu.memref_slice %arg8[%add3A_130, %dma_start3A_131] : memref<1568x1568xf32, #tpu.memory_space<hbm>> -> memref<8x1568xf32, #tpu.memory_space<hbm>>
      %dma_start3A_133 = arith.constant 0 : i32
      %dma_start3A_134 = tpu.memref_slice %arg8[%add3A_130, %dma_start3A_133] : memref<1568x1568xf32, #tpu.memory_space<hbm>> -> memref<8x1568xf32, #tpu.memory_space<hbm>>
      tpu.enqueue_dma source(%arg18 : memref<8x1568xf32, #tpu.memory_space<vmem>>) target(%dma_start3A_134 : memref<8x1568xf32, #tpu.memory_space<hbm>>) target_semaphore(%arg30 : memref<!tpu.dma_semaphore, #tpu.memory_space<semaphore_mem>>)
      %dma_wait3A_135 = arith.constant 0 : i32
      %dma_wait3A_136 = tpu.memref_slice %arg6[%add3A_105, %dma_wait3A_135] : memref<1568x2048xf32, #tpu.memory_space<hbm>> -> memref<8x2048xf32, #tpu.memory_space<hbm>>
      %dma_wait3A_137 = arith.constant 0 : i32
      %dma_wait3A_138 = tpu.memref_slice %arg6[%add3A_105, %dma_wait3A_137] : memref<1568x2048xf32, #tpu.memory_space<hbm>> -> memref<8x2048xf32, #tpu.memory_space<hbm>>
      tpu.wait_dma2 semaphore(%arg22 : memref<!tpu.dma_semaphore, #tpu.memory_space<semaphore_mem>>) src(%arg12 : memref<8x2048xf32, #tpu.memory_space<vmem>>) dst(%dma_wait3A_138 : memref<8x2048xf32, #tpu.memory_space<hbm>>)
      %dma_wait3A_139 = arith.constant 0 : i32
      %dma_wait3A_140 = tpu.memref_slice %arg7[%add3A_116, %dma_wait3A_139] : memref<1568x2048xf32, #tpu.memory_space<hbm>> -> memref<8x2048xf32, #tpu.memory_space<hbm>>
      %dma_wait3A_141 = arith.constant 0 : i32
      %dma_wait3A_142 = tpu.memref_slice %arg7[%add3A_116, %dma_wait3A_141] : memref<1568x2048xf32, #tpu.memory_space<hbm>> -> memref<8x2048xf32, #tpu.memory_space<hbm>>
      tpu.wait_dma2 semaphore(%arg26 : memref<!tpu.dma_semaphore, #tpu.memory_space<semaphore_mem>>) src(%arg14 : memref<8x2048xf32, #tpu.memory_space<vmem>>) dst(%dma_wait3A_142 : memref<8x2048xf32, #tpu.memory_space<hbm>>)
      %dma_start3A_143 = arith.constant 24 : i32
      %dma_start3A_144 = tpu.memref_slice %arg9[%dma_start3A_143] : memref<56xi32, #tpu.memory_space<vmem>> -> memref<8xi32, #tpu.memory_space<vmem>>
      %dma_start3A_145 = arith.constant 0 : i32
      %dma_start3A_146 = arith.constant 0 : i32
      %dma_start3A_147 = tpu.memref_slice %arg2[%dma_start3A_145, %dma_start3A_146] : memref<2048x2048xf32, #tpu.memory_space<hbm>> -> memref<2048x2048xf32, #tpu.memory_space<hbm>>
      tpu.enqueue_indirect_dma source(%dma_start3A_147 : memref<2048x2048xf32, #tpu.memory_space<hbm>>) target(%arg12 : memref<8x2048xf32, #tpu.memory_space<vmem>>) offsets(%dma_start3A_144 : memref<8xi32, #tpu.memory_space<vmem>>) semaphore(%arg20 : memref<!tpu.dma_semaphore, #tpu.memory_space<semaphore_mem>>)
      %dma_start3A_148 = arith.constant 24 : i32
      %dma_start3A_149 = tpu.memref_slice %arg9[%dma_start3A_148] : memref<56xi32, #tpu.memory_space<vmem>> -> memref<8xi32, #tpu.memory_space<vmem>>
      %dma_start3A_150 = arith.constant 0 : i32
      %dma_start3A_151 = arith.constant 0 : i32
      %dma_start3A_152 = tpu.memref_slice %arg3[%dma_start3A_150, %dma_start3A_151] : memref<2048x2048xf32, #tpu.memory_space<hbm>> -> memref<2048x2048xf32, #tpu.memory_space<hbm>>
      tpu.enqueue_indirect_dma source(%dma_start3A_152 : memref<2048x2048xf32, #tpu.memory_space<hbm>>) target(%arg14 : memref<8x2048xf32, #tpu.memory_space<vmem>>) offsets(%dma_start3A_149 : memref<8xi32, #tpu.memory_space<vmem>>) semaphore(%arg24 : memref<!tpu.dma_semaphore, #tpu.memory_space<semaphore_mem>>)
      %dma_start3A_153 = arith.constant 24 : i32
      %dma_start3A_154 = tpu.memref_slice %arg9[%dma_start3A_153] : memref<56xi32, #tpu.memory_space<vmem>> -> memref<8xi32, #tpu.memory_space<vmem>>
      %dma_start3A_155 = arith.constant 0 : i32
      %dma_start3A_156 = arith.constant 0 : i32
      %dma_start3A_157 = tpu.memref_slice %arg4[%dma_start3A_155, %dma_start3A_156] : memref<2048x2048xf32, #tpu.memory_space<hbm>> -> memref<2048x2048xf32, #tpu.memory_space<hbm>>
      tpu.enqueue_indirect_dma source(%dma_start3A_157 : memref<2048x2048xf32, #tpu.memory_space<hbm>>) target(%arg16 : memref<8x2048xf32, #tpu.memory_space<vmem>>) offsets(%dma_start3A_154 : memref<8xi32, #tpu.memory_space<vmem>>) semaphore(%arg28 : memref<!tpu.dma_semaphore, #tpu.memory_space<semaphore_mem>>)
      %dma_wait3A_158 = arith.constant 16 : i32
      %dma_wait3A_159 = tpu.memref_slice %arg9[%dma_wait3A_158] : memref<56xi32, #tpu.memory_space<vmem>> -> memref<8xi32, #tpu.memory_space<vmem>>
      %dma_wait3A_160 = arith.constant 0 : i32
      %dma_wait3A_161 = arith.constant 0 : i32
      %dma_wait3A_162 = tpu.memref_slice %arg2[%dma_wait3A_160, %dma_wait3A_161] : memref<2048x2048xf32, #tpu.memory_space<hbm>> -> memref<2048x2048xf32, #tpu.memory_space<hbm>>
      tpu.wait_indirect_dma semaphore(%arg19 : memref<!tpu.dma_semaphore, #tpu.memory_space<semaphore_mem>>) src(%dma_wait3A_162 : memref<2048x2048xf32, #tpu.memory_space<hbm>>) dst(%arg11 : memref<8x2048xf32, #tpu.memory_space<vmem>>)
      %add3A_163 = arith.constant 16 : i32
      %add3A_164 = arith.addi %mul3A_4, %add3A_163 : i32
      %dma_start3A_165 = arith.constant 0 : i32
      %dma_start3A_166 = tpu.memref_slice %arg6[%add3A_164, %dma_start3A_165] : memref<1568x2048xf32, #tpu.memory_space<hbm>> -> memref<8x2048xf32, #tpu.memory_space<hbm>>
      %dma_start3A_167 = arith.constant 0 : i32
      %dma_start3A_168 = tpu.memref_slice %arg6[%add3A_164, %dma_start3A_167] : memref<1568x2048xf32, #tpu.memory_space<hbm>> -> memref<8x2048xf32, #tpu.memory_space<hbm>>
      tpu.enqueue_dma source(%arg11 : memref<8x2048xf32, #tpu.memory_space<vmem>>) target(%dma_start3A_168 : memref<8x2048xf32, #tpu.memory_space<hbm>>) target_semaphore(%arg21 : memref<!tpu.dma_semaphore, #tpu.memory_space<semaphore_mem>>)
      %dma_wait3A_169 = arith.constant 16 : i32
      %dma_wait3A_170 = tpu.memref_slice %arg9[%dma_wait3A_169] : memref<56xi32, #tpu.memory_space<vmem>> -> memref<8xi32, #tpu.memory_space<vmem>>
      %dma_wait3A_171 = arith.constant 0 : i32
      %dma_wait3A_172 = arith.constant 0 : i32
      %dma_wait3A_173 = tpu.memref_slice %arg3[%dma_wait3A_171, %dma_wait3A_172] : memref<2048x2048xf32, #tpu.memory_space<hbm>> -> memref<2048x2048xf32, #tpu.memory_space<hbm>>
      tpu.wait_indirect_dma semaphore(%arg23 : memref<!tpu.dma_semaphore, #tpu.memory_space<semaphore_mem>>) src(%dma_wait3A_173 : memref<2048x2048xf32, #tpu.memory_space<hbm>>) dst(%arg13 : memref<8x2048xf32, #tpu.memory_space<vmem>>)
      %add3A_174 = arith.constant 16 : i32
      %add3A_175 = arith.addi %mul3A_4, %add3A_174 : i32
      %dma_start3A_176 = arith.constant 0 : i32
      %dma_start3A_177 = tpu.memref_slice %arg7[%add3A_175, %dma_start3A_176] : memref<1568x2048xf32, #tpu.memory_space<hbm>> -> memref<8x2048xf32, #tpu.memory_space<hbm>>
      %dma_start3A_178 = arith.constant 0 : i32
      %dma_start3A_179 = tpu.memref_slice %arg7[%add3A_175, %dma_start3A_178] : memref<1568x2048xf32, #tpu.memory_space<hbm>> -> memref<8x2048xf32, #tpu.memory_space<hbm>>
      tpu.enqueue_dma source(%arg13 : memref<8x2048xf32, #tpu.memory_space<vmem>>) target(%dma_start3A_179 : memref<8x2048xf32, #tpu.memory_space<hbm>>) target_semaphore(%arg25 : memref<!tpu.dma_semaphore, #tpu.memory_space<semaphore_mem>>)
      %dma_wait3A_180 = arith.constant 16 : i32
      %dma_wait3A_181 = tpu.memref_slice %arg9[%dma_wait3A_180] : memref<56xi32, #tpu.memory_space<vmem>> -> memref<8xi32, #tpu.memory_space<vmem>>
      %dma_wait3A_182 = arith.constant 0 : i32
      %dma_wait3A_183 = arith.constant 0 : i32
      %dma_wait3A_184 = tpu.memref_slice %arg4[%dma_wait3A_182, %dma_wait3A_183] : memref<2048x2048xf32, #tpu.memory_space<hbm>> -> memref<2048x2048xf32, #tpu.memory_space<hbm>>
      tpu.wait_indirect_dma semaphore(%arg27 : memref<!tpu.dma_semaphore, #tpu.memory_space<semaphore_mem>>) src(%dma_wait3A_184 : memref<2048x2048xf32, #tpu.memory_space<hbm>>) dst(%arg15 : memref<8x2048xf32, #tpu.memory_space<vmem>>)
      %dma_wait3A_185 = arith.constant 0 : i32
      %dma_wait3A_186 = tpu.memref_slice %arg8[%add3A_71, %dma_wait3A_185] : memref<1568x1568xf32, #tpu.memory_space<hbm>> -> memref<8x1568xf32, #tpu.memory_space<hbm>>
      %dma_wait3A_187 = arith.constant 0 : i32
      %dma_wait3A_188 = tpu.memref_slice %arg8[%add3A_71, %dma_wait3A_187] : memref<1568x1568xf32, #tpu.memory_space<hbm>> -> memref<8x1568xf32, #tpu.memory_space<hbm>>
      tpu.wait_dma2 semaphore(%arg29 : memref<!tpu.dma_semaphore, #tpu.memory_space<semaphore_mem>>) src(%arg17 : memref<8x1568xf32, #tpu.memory_space<vmem>>) dst(%dma_wait3A_188 : memref<8x1568xf32, #tpu.memory_space<hbm>>)
      %parallel_loop3A_189 = arith.constant 0 : i32
      %parallel_loop3A_190 = arith.constant 98 : i32
      %parallel_loop3A_191 = arith.constant 1 : i32
      scf.for %parallel_loop3A_443 = %parallel_loop3A_189 to %parallel_loop3A_190 step %parallel_loop3A_191  : i32 {
        %parallel_loop3A_444 = arith.constant 16 : i32
        %parallel_loop3A_445 = arith.muli %parallel_loop3A_444, %parallel_loop3A_443 : i32
        %parallel_loop3A_446 = vector.broadcast %parallel_loop3A_445 : i32 to vector<16xi32>
        %parallel_loop3A_447 = arith.addi %parallel_loop3A_446, %iota3A : vector<16xi32>
        %parallel_loop3A_448 = tpu.vector_load_idx %arg10[%parallel_loop3A_447] : memref<1568xi32, #tpu.memory_space<vmem>>[vector<16xi32>], vector<16xi32>,
        %parallel_loop3A_449 = arith.constant 0 : i32
        %parallel_loop3A_450 = vector.broadcast %parallel_loop3A_449 : i32 to vector<16xi32>
        %parallel_loop3A_451 = tpu.vector_load_idx %arg15[%parallel_loop3A_450, %parallel_loop3A_448] : memref<8x2048xf32, #tpu.memory_space<vmem>>[vector<16xi32>, vector<16xi32>], vector<16xf32>,
        tpu.vector_store_idx %arg17[%parallel_loop3A_450, %parallel_loop3A_447], %parallel_loop3A_451 : memref<8x1568xf32, #tpu.memory_space<vmem>>[vector<16xi32>, vector<16xi32>], vector<16xf32>,
        %parallel_loop3A_452 = arith.constant 1 : i32
        %parallel_loop3A_453 = vector.broadcast %parallel_loop3A_452 : i32 to vector<16xi32>
        %parallel_loop3A_454 = tpu.vector_load_idx %arg15[%parallel_loop3A_453, %parallel_loop3A_448] : memref<8x2048xf32, #tpu.memory_space<vmem>>[vector<16xi32>, vector<16xi32>], vector<16xf32>,
        tpu.vector_store_idx %arg17[%parallel_loop3A_453, %parallel_loop3A_447], %parallel_loop3A_454 : memref<8x1568xf32, #tpu.memory_space<vmem>>[vector<16xi32>, vector<16xi32>], vector<16xf32>,
        %parallel_loop3A_455 = arith.constant 2 : i32
        %parallel_loop3A_456 = vector.broadcast %parallel_loop3A_455 : i32 to vector<16xi32>
        %parallel_loop3A_457 = tpu.vector_load_idx %arg15[%parallel_loop3A_456, %parallel_loop3A_448] : memref<8x2048xf32, #tpu.memory_space<vmem>>[vector<16xi32>, vector<16xi32>], vector<16xf32>,
        tpu.vector_store_idx %arg17[%parallel_loop3A_456, %parallel_loop3A_447], %parallel_loop3A_457 : memref<8x1568xf32, #tpu.memory_space<vmem>>[vector<16xi32>, vector<16xi32>], vector<16xf32>,
        %parallel_loop3A_458 = arith.constant 3 : i32
        %parallel_loop3A_459 = vector.broadcast %parallel_loop3A_458 : i32 to vector<16xi32>
        %parallel_loop3A_460 = tpu.vector_load_idx %arg15[%parallel_loop3A_459, %parallel_loop3A_448] : memref<8x2048xf32, #tpu.memory_space<vmem>>[vector<16xi32>, vector<16xi32>], vector<16xf32>,
        tpu.vector_store_idx %arg17[%parallel_loop3A_459, %parallel_loop3A_447], %parallel_loop3A_460 : memref<8x1568xf32, #tpu.memory_space<vmem>>[vector<16xi32>, vector<16xi32>], vector<16xf32>,
        %parallel_loop3A_461 = arith.constant 4 : i32
        %parallel_loop3A_462 = vector.broadcast %parallel_loop3A_461 : i32 to vector<16xi32>
        %parallel_loop3A_463 = tpu.vector_load_idx %arg15[%parallel_loop3A_462, %parallel_loop3A_448] : memref<8x2048xf32, #tpu.memory_space<vmem>>[vector<16xi32>, vector<16xi32>], vector<16xf32>,
        tpu.vector_store_idx %arg17[%parallel_loop3A_462, %parallel_loop3A_447], %parallel_loop3A_463 : memref<8x1568xf32, #tpu.memory_space<vmem>>[vector<16xi32>, vector<16xi32>], vector<16xf32>,
        %parallel_loop3A_464 = arith.constant 5 : i32
        %parallel_loop3A_465 = vector.broadcast %parallel_loop3A_464 : i32 to vector<16xi32>
        %parallel_loop3A_466 = tpu.vector_load_idx %arg15[%parallel_loop3A_465, %parallel_loop3A_448] : memref<8x2048xf32, #tpu.memory_space<vmem>>[vector<16xi32>, vector<16xi32>], vector<16xf32>,
        tpu.vector_store_idx %arg17[%parallel_loop3A_465, %parallel_loop3A_447], %parallel_loop3A_466 : memref<8x1568xf32, #tpu.memory_space<vmem>>[vector<16xi32>, vector<16xi32>], vector<16xf32>,
        %parallel_loop3A_467 = arith.constant 6 : i32
        %parallel_loop3A_468 = vector.broadcast %parallel_loop3A_467 : i32 to vector<16xi32>
        %parallel_loop3A_469 = tpu.vector_load_idx %arg15[%parallel_loop3A_468, %parallel_loop3A_448] : memref<8x2048xf32, #tpu.memory_space<vmem>>[vector<16xi32>, vector<16xi32>], vector<16xf32>,
        tpu.vector_store_idx %arg17[%parallel_loop3A_468, %parallel_loop3A_447], %parallel_loop3A_469 : memref<8x1568xf32, #tpu.memory_space<vmem>>[vector<16xi32>, vector<16xi32>], vector<16xf32>,
        %parallel_loop3A_470 = arith.constant 7 : i32
        %parallel_loop3A_471 = vector.broadcast %parallel_loop3A_470 : i32 to vector<16xi32>
        %parallel_loop3A_472 = tpu.vector_load_idx %arg15[%parallel_loop3A_471, %parallel_loop3A_448] : memref<8x2048xf32, #tpu.memory_space<vmem>>[vector<16xi32>, vector<16xi32>], vector<16xf32>,
        tpu.vector_store_idx %arg17[%parallel_loop3A_471, %parallel_loop3A_447], %parallel_loop3A_472 : memref<8x1568xf32, #tpu.memory_space<vmem>>[vector<16xi32>, vector<16xi32>], vector<16xf32>,
      } {sc.loop_unroll_factor = 2 : i64, sc.parallel_access}
      %add3A_192 = arith.constant 16 : i32
      %add3A_193 = arith.addi %mul3A_4, %add3A_192 : i32
      %dma_start3A_194 = arith.constant 0 : i32
      %dma_start3A_195 = tpu.memref_slice %arg8[%add3A_193, %dma_start3A_194] : memref<1568x1568xf32, #tpu.memory_space<hbm>> -> memref<8x1568xf32, #tpu.memory_space<hbm>>
      %dma_start3A_196 = arith.constant 0 : i32
      %dma_start3A_197 = tpu.memref_slice %arg8[%add3A_193, %dma_start3A_196] : memref<1568x1568xf32, #tpu.memory_space<hbm>> -> memref<8x1568xf32, #tpu.memory_space<hbm>>
      tpu.enqueue_dma source(%arg17 : memref<8x1568xf32, #tpu.memory_space<vmem>>) target(%dma_start3A_197 : memref<8x1568xf32, #tpu.memory_space<hbm>>) target_semaphore(%arg29 : memref<!tpu.dma_semaphore, #tpu.memory_space<semaphore_mem>>)
      %dma_wait3A_198 = arith.constant 0 : i32
      %dma_wait3A_199 = tpu.memref_slice %arg6[%add3A_164, %dma_wait3A_198] : memref<1568x2048xf32, #tpu.memory_space<hbm>> -> memref<8x2048xf32, #tpu.memory_space<hbm>>
      %dma_wait3A_200 = arith.constant 0 : i32
      %dma_wait3A_201 = tpu.memref_slice %arg6[%add3A_164, %dma_wait3A_200] : memref<1568x2048xf32, #tpu.memory_space<hbm>> -> memref<8x2048xf32, #tpu.memory_space<hbm>>
      tpu.wait_dma2 semaphore(%arg21 : memref<!tpu.dma_semaphore, #tpu.memory_space<semaphore_mem>>) src(%arg11 : memref<8x2048xf32, #tpu.memory_space<vmem>>) dst(%dma_wait3A_201 : memref<8x2048xf32, #tpu.memory_space<hbm>>)
      %dma_wait3A_202 = arith.constant 0 : i32
      %dma_wait3A_203 = tpu.memref_slice %arg7[%add3A_175, %dma_wait3A_202] : memref<1568x2048xf32, #tpu.memory_space<hbm>> -> memref<8x2048xf32, #tpu.memory_space<hbm>>
      %dma_wait3A_204 = arith.constant 0 : i32
      %dma_wait3A_205 = tpu.memref_slice %arg7[%add3A_175, %dma_wait3A_204] : memref<1568x2048xf32, #tpu.memory_space<hbm>> -> memref<8x2048xf32, #tpu.memory_space<hbm>>
      tpu.wait_dma2 semaphore(%arg25 : memref<!tpu.dma_semaphore, #tpu.memory_space<semaphore_mem>>) src(%arg13 : memref<8x2048xf32, #tpu.memory_space<vmem>>) dst(%dma_wait3A_205 : memref<8x2048xf32, #tpu.memory_space<hbm>>)
      %dma_start3A_206 = arith.constant 32 : i32
      %dma_start3A_207 = tpu.memref_slice %arg9[%dma_start3A_206] : memref<56xi32, #tpu.memory_space<vmem>> -> memref<8xi32, #tpu.memory_space<vmem>>
      %dma_start3A_208 = arith.constant 0 : i32
      %dma_start3A_209 = arith.constant 0 : i32
      %dma_start3A_210 = tpu.memref_slice %arg2[%dma_start3A_208, %dma_start3A_209] : memref<2048x2048xf32, #tpu.memory_space<hbm>> -> memref<2048x2048xf32, #tpu.memory_space<hbm>>
      tpu.enqueue_indirect_dma source(%dma_start3A_210 : memref<2048x2048xf32, #tpu.memory_space<hbm>>) target(%arg11 : memref<8x2048xf32, #tpu.memory_space<vmem>>) offsets(%dma_start3A_207 : memref<8xi32, #tpu.memory_space<vmem>>) semaphore(%arg19 : memref<!tpu.dma_semaphore, #tpu.memory_space<semaphore_mem>>)
      %dma_start3A_211 = arith.constant 32 : i32
      %dma_start3A_212 = tpu.memref_slice %arg9[%dma_start3A_211] : memref<56xi32, #tpu.memory_space<vmem>> -> memref<8xi32, #tpu.memory_space<vmem>>
      %dma_start3A_213 = arith.constant 0 : i32
      %dma_start3A_214 = arith.constant 0 : i32
      %dma_start3A_215 = tpu.memref_slice %arg3[%dma_start3A_213, %dma_start3A_214] : memref<2048x2048xf32, #tpu.memory_space<hbm>> -> memref<2048x2048xf32, #tpu.memory_space<hbm>>
      tpu.enqueue_indirect_dma source(%dma_start3A_215 : memref<2048x2048xf32, #tpu.memory_space<hbm>>) target(%arg13 : memref<8x2048xf32, #tpu.memory_space<vmem>>) offsets(%dma_start3A_212 : memref<8xi32, #tpu.memory_space<vmem>>) semaphore(%arg23 : memref<!tpu.dma_semaphore, #tpu.memory_space<semaphore_mem>>)
      %dma_start3A_216 = arith.constant 32 : i32
      %dma_start3A_217 = tpu.memref_slice %arg9[%dma_start3A_216] : memref<56xi32, #tpu.memory_space<vmem>> -> memref<8xi32, #tpu.memory_space<vmem>>
      %dma_start3A_218 = arith.constant 0 : i32
      %dma_start3A_219 = arith.constant 0 : i32
      %dma_start3A_220 = tpu.memref_slice %arg4[%dma_start3A_218, %dma_start3A_219] : memref<2048x2048xf32, #tpu.memory_space<hbm>> -> memref<2048x2048xf32, #tpu.memory_space<hbm>>
      tpu.enqueue_indirect_dma source(%dma_start3A_220 : memref<2048x2048xf32, #tpu.memory_space<hbm>>) target(%arg15 : memref<8x2048xf32, #tpu.memory_space<vmem>>) offsets(%dma_start3A_217 : memref<8xi32, #tpu.memory_space<vmem>>) semaphore(%arg27 : memref<!tpu.dma_semaphore, #tpu.memory_space<semaphore_mem>>)
      %dma_wait3A_221 = arith.constant 24 : i32
      %dma_wait3A_222 = tpu.memref_slice %arg9[%dma_wait3A_221] : memref<56xi32, #tpu.memory_space<vmem>> -> memref<8xi32, #tpu.memory_space<vmem>>
      %dma_wait3A_223 = arith.constant 0 : i32
      %dma_wait3A_224 = arith.constant 0 : i32
      %dma_wait3A_225 = tpu.memref_slice %arg2[%dma_wait3A_223, %dma_wait3A_224] : memref<2048x2048xf32, #tpu.memory_space<hbm>> -> memref<2048x2048xf32, #tpu.memory_space<hbm>>
      tpu.wait_indirect_dma semaphore(%arg20 : memref<!tpu.dma_semaphore, #tpu.memory_space<semaphore_mem>>) src(%dma_wait3A_225 : memref<2048x2048xf32, #tpu.memory_space<hbm>>) dst(%arg12 : memref<8x2048xf32, #tpu.memory_space<vmem>>)
      %add3A_226 = arith.constant 24 : i32
      %add3A_227 = arith.addi %mul3A_4, %add3A_226 : i32
      %dma_start3A_228 = arith.constant 0 : i32
      %dma_start3A_229 = tpu.memref_slice %arg6[%add3A_227, %dma_start3A_228] : memref<1568x2048xf32, #tpu.memory_space<hbm>> -> memref<8x2048xf32, #tpu.memory_space<hbm>>
      %dma_start3A_230 = arith.constant 0 : i32
      %dma_start3A_231 = tpu.memref_slice %arg6[%add3A_227, %dma_start3A_230] : memref<1568x2048xf32, #tpu.memory_space<hbm>> -> memref<8x2048xf32, #tpu.memory_space<hbm>>
      tpu.enqueue_dma source(%arg12 : memref<8x2048xf32, #tpu.memory_space<vmem>>) target(%dma_start3A_231 : memref<8x2048xf32, #tpu.memory_space<hbm>>) target_semaphore(%arg22 : memref<!tpu.dma_semaphore, #tpu.memory_space<semaphore_mem>>)
      %dma_wait3A_232 = arith.constant 24 : i32
      %dma_wait3A_233 = tpu.memref_slice %arg9[%dma_wait3A_232] : memref<56xi32, #tpu.memory_space<vmem>> -> memref<8xi32, #tpu.memory_space<vmem>>
      %dma_wait3A_234 = arith.constant 0 : i32
      %dma_wait3A_235 = arith.constant 0 : i32
      %dma_wait3A_236 = tpu.memref_slice %arg3[%dma_wait3A_234, %dma_wait3A_235] : memref<2048x2048xf32, #tpu.memory_space<hbm>> -> memref<2048x2048xf32, #tpu.memory_space<hbm>>
      tpu.wait_indirect_dma semaphore(%arg24 : memref<!tpu.dma_semaphore, #tpu.memory_space<semaphore_mem>>) src(%dma_wait3A_236 : memref<2048x2048xf32, #tpu.memory_space<hbm>>) dst(%arg14 : memref<8x2048xf32, #tpu.memory_space<vmem>>)
      %add3A_237 = arith.constant 24 : i32
      %add3A_238 = arith.addi %mul3A_4, %add3A_237 : i32
      %dma_start3A_239 = arith.constant 0 : i32
      %dma_start3A_240 = tpu.memref_slice %arg7[%add3A_238, %dma_start3A_239] : memref<1568x2048xf32, #tpu.memory_space<hbm>> -> memref<8x2048xf32, #tpu.memory_space<hbm>>
      %dma_start3A_241 = arith.constant 0 : i32
      %dma_start3A_242 = tpu.memref_slice %arg7[%add3A_238, %dma_start3A_241] : memref<1568x2048xf32, #tpu.memory_space<hbm>> -> memref<8x2048xf32, #tpu.memory_space<hbm>>
      tpu.enqueue_dma source(%arg14 : memref<8x2048xf32, #tpu.memory_space<vmem>>) target(%dma_start3A_242 : memref<8x2048xf32, #tpu.memory_space<hbm>>) target_semaphore(%arg26 : memref<!tpu.dma_semaphore, #tpu.memory_space<semaphore_mem>>)
      %dma_wait3A_243 = arith.constant 24 : i32
      %dma_wait3A_244 = tpu.memref_slice %arg9[%dma_wait3A_243] : memref<56xi32, #tpu.memory_space<vmem>> -> memref<8xi32, #tpu.memory_space<vmem>>
      %dma_wait3A_245 = arith.constant 0 : i32
      %dma_wait3A_246 = arith.constant 0 : i32
      %dma_wait3A_247 = tpu.memref_slice %arg4[%dma_wait3A_245, %dma_wait3A_246] : memref<2048x2048xf32, #tpu.memory_space<hbm>> -> memref<2048x2048xf32, #tpu.memory_space<hbm>>
      tpu.wait_indirect_dma semaphore(%arg28 : memref<!tpu.dma_semaphore, #tpu.memory_space<semaphore_mem>>) src(%dma_wait3A_247 : memref<2048x2048xf32, #tpu.memory_space<hbm>>) dst(%arg16 : memref<8x2048xf32, #tpu.memory_space<vmem>>)
      %dma_wait3A_248 = arith.constant 0 : i32
      %dma_wait3A_249 = tpu.memref_slice %arg8[%add3A_130, %dma_wait3A_248] : memref<1568x1568xf32, #tpu.memory_space<hbm>> -> memref<8x1568xf32, #tpu.memory_space<hbm>>
      %dma_wait3A_250 = arith.constant 0 : i32
      %dma_wait3A_251 = tpu.memref_slice %arg8[%add3A_130, %dma_wait3A_250] : memref<1568x1568xf32, #tpu.memory_space<hbm>> -> memref<8x1568xf32, #tpu.memory_space<hbm>>
      tpu.wait_dma2 semaphore(%arg30 : memref<!tpu.dma_semaphore, #tpu.memory_space<semaphore_mem>>) src(%arg18 : memref<8x1568xf32, #tpu.memory_space<vmem>>) dst(%dma_wait3A_251 : memref<8x1568xf32, #tpu.memory_space<hbm>>)
      %parallel_loop3A_252 = arith.constant 0 : i32
      %parallel_loop3A_253 = arith.constant 98 : i32
      %parallel_loop3A_254 = arith.constant 1 : i32
      scf.for %parallel_loop3A_443 = %parallel_loop3A_252 to %parallel_loop3A_253 step %parallel_loop3A_254  : i32 {
        %parallel_loop3A_444 = arith.constant 16 : i32
        %parallel_loop3A_445 = arith.muli %parallel_loop3A_444, %parallel_loop3A_443 : i32
        %parallel_loop3A_446 = vector.broadcast %parallel_loop3A_445 : i32 to vector<16xi32>
        %parallel_loop3A_447 = arith.addi %parallel_loop3A_446, %iota3A : vector<16xi32>
        %parallel_loop3A_448 = tpu.vector_load_idx %arg10[%parallel_loop3A_447] : memref<1568xi32, #tpu.memory_space<vmem>>[vector<16xi32>], vector<16xi32>,
        %parallel_loop3A_449 = arith.constant 0 : i32
        %parallel_loop3A_450 = vector.broadcast %parallel_loop3A_449 : i32 to vector<16xi32>
        %parallel_loop3A_451 = tpu.vector_load_idx %arg16[%parallel_loop3A_450, %parallel_loop3A_448] : memref<8x2048xf32, #tpu.memory_space<vmem>>[vector<16xi32>, vector<16xi32>], vector<16xf32>,
        tpu.vector_store_idx %arg18[%parallel_loop3A_450, %parallel_loop3A_447], %parallel_loop3A_451 : memref<8x1568xf32, #tpu.memory_space<vmem>>[vector<16xi32>, vector<16xi32>], vector<16xf32>,
        %parallel_loop3A_452 = arith.constant 1 : i32
        %parallel_loop3A_453 = vector.broadcast %parallel_loop3A_452 : i32 to vector<16xi32>
        %parallel_loop3A_454 = tpu.vector_load_idx %arg16[%parallel_loop3A_453, %parallel_loop3A_448] : memref<8x2048xf32, #tpu.memory_space<vmem>>[vector<16xi32>, vector<16xi32>], vector<16xf32>,
        tpu.vector_store_idx %arg18[%parallel_loop3A_453, %parallel_loop3A_447], %parallel_loop3A_454 : memref<8x1568xf32, #tpu.memory_space<vmem>>[vector<16xi32>, vector<16xi32>], vector<16xf32>,
        %parallel_loop3A_455 = arith.constant 2 : i32
        %parallel_loop3A_456 = vector.broadcast %parallel_loop3A_455 : i32 to vector<16xi32>
        %parallel_loop3A_457 = tpu.vector_load_idx %arg16[%parallel_loop3A_456, %parallel_loop3A_448] : memref<8x2048xf32, #tpu.memory_space<vmem>>[vector<16xi32>, vector<16xi32>], vector<16xf32>,
        tpu.vector_store_idx %arg18[%parallel_loop3A_456, %parallel_loop3A_447], %parallel_loop3A_457 : memref<8x1568xf32, #tpu.memory_space<vmem>>[vector<16xi32>, vector<16xi32>], vector<16xf32>,
        %parallel_loop3A_458 = arith.constant 3 : i32
        %parallel_loop3A_459 = vector.broadcast %parallel_loop3A_458 : i32 to vector<16xi32>
        %parallel_loop3A_460 = tpu.vector_load_idx %arg16[%parallel_loop3A_459, %parallel_loop3A_448] : memref<8x2048xf32, #tpu.memory_space<vmem>>[vector<16xi32>, vector<16xi32>], vector<16xf32>,
        tpu.vector_store_idx %arg18[%parallel_loop3A_459, %parallel_loop3A_447], %parallel_loop3A_460 : memref<8x1568xf32, #tpu.memory_space<vmem>>[vector<16xi32>, vector<16xi32>], vector<16xf32>,
        %parallel_loop3A_461 = arith.constant 4 : i32
        %parallel_loop3A_462 = vector.broadcast %parallel_loop3A_461 : i32 to vector<16xi32>
        %parallel_loop3A_463 = tpu.vector_load_idx %arg16[%parallel_loop3A_462, %parallel_loop3A_448] : memref<8x2048xf32, #tpu.memory_space<vmem>>[vector<16xi32>, vector<16xi32>], vector<16xf32>,
        tpu.vector_store_idx %arg18[%parallel_loop3A_462, %parallel_loop3A_447], %parallel_loop3A_463 : memref<8x1568xf32, #tpu.memory_space<vmem>>[vector<16xi32>, vector<16xi32>], vector<16xf32>,
        %parallel_loop3A_464 = arith.constant 5 : i32
        %parallel_loop3A_465 = vector.broadcast %parallel_loop3A_464 : i32 to vector<16xi32>
        %parallel_loop3A_466 = tpu.vector_load_idx %arg16[%parallel_loop3A_465, %parallel_loop3A_448] : memref<8x2048xf32, #tpu.memory_space<vmem>>[vector<16xi32>, vector<16xi32>], vector<16xf32>,
        tpu.vector_store_idx %arg18[%parallel_loop3A_465, %parallel_loop3A_447], %parallel_loop3A_466 : memref<8x1568xf32, #tpu.memory_space<vmem>>[vector<16xi32>, vector<16xi32>], vector<16xf32>,
        %parallel_loop3A_467 = arith.constant 6 : i32
        %parallel_loop3A_468 = vector.broadcast %parallel_loop3A_467 : i32 to vector<16xi32>
        %parallel_loop3A_469 = tpu.vector_load_idx %arg16[%parallel_loop3A_468, %parallel_loop3A_448] : memref<8x2048xf32, #tpu.memory_space<vmem>>[vector<16xi32>, vector<16xi32>], vector<16xf32>,
        tpu.vector_store_idx %arg18[%parallel_loop3A_468, %parallel_loop3A_447], %parallel_loop3A_469 : memref<8x1568xf32, #tpu.memory_space<vmem>>[vector<16xi32>, vector<16xi32>], vector<16xf32>,
        %parallel_loop3A_470 = arith.constant 7 : i32
        %parallel_loop3A_471 = vector.broadcast %parallel_loop3A_470 : i32 to vector<16xi32>
        %parallel_loop3A_472 = tpu.vector_load_idx %arg16[%parallel_loop3A_471, %parallel_loop3A_448] : memref<8x2048xf32, #tpu.memory_space<vmem>>[vector<16xi32>, vector<16xi32>], vector<16xf32>,
        tpu.vector_store_idx %arg18[%parallel_loop3A_471, %parallel_loop3A_447], %parallel_loop3A_472 : memref<8x1568xf32, #tpu.memory_space<vmem>>[vector<16xi32>, vector<16xi32>], vector<16xf32>,
      } {sc.loop_unroll_factor = 2 : i64, sc.parallel_access}
      %add3A_255 = arith.constant 24 : i32
      %add3A_256 = arith.addi %mul3A_4, %add3A_255 : i32
      %dma_start3A_257 = arith.constant 0 : i32
      %dma_start3A_258 = tpu.memref_slice %arg8[%add3A_256, %dma_start3A_257] : memref<1568x1568xf32, #tpu.memory_space<hbm>> -> memref<8x1568xf32, #tpu.memory_space<hbm>>
      %dma_start3A_259 = arith.constant 0 : i32
      %dma_start3A_260 = tpu.memref_slice %arg8[%add3A_256, %dma_start3A_259] : memref<1568x1568xf32, #tpu.memory_space<hbm>> -> memref<8x1568xf32, #tpu.memory_space<hbm>>
      tpu.enqueue_dma source(%arg18 : memref<8x1568xf32, #tpu.memory_space<vmem>>) target(%dma_start3A_260 : memref<8x1568xf32, #tpu.memory_space<hbm>>) target_semaphore(%arg30 : memref<!tpu.dma_semaphore, #tpu.memory_space<semaphore_mem>>)
      %dma_wait3A_261 = arith.constant 0 : i32
      %dma_wait3A_262 = tpu.memref_slice %arg6[%add3A_227, %dma_wait3A_261] : memref<1568x2048xf32, #tpu.memory_space<hbm>> -> memref<8x2048xf32, #tpu.memory_space<hbm>>
      %dma_wait3A_263 = arith.constant 0 : i32
      %dma_wait3A_264 = tpu.memref_slice %arg6[%add3A_227, %dma_wait3A_263] : memref<1568x2048xf32, #tpu.memory_space<hbm>> -> memref<8x2048xf32, #tpu.memory_space<hbm>>
      tpu.wait_dma2 semaphore(%arg22 : memref<!tpu.dma_semaphore, #tpu.memory_space<semaphore_mem>>) src(%arg12 : memref<8x2048xf32, #tpu.memory_space<vmem>>) dst(%dma_wait3A_264 : memref<8x2048xf32, #tpu.memory_space<hbm>>)
      %dma_wait3A_265 = arith.constant 0 : i32
      %dma_wait3A_266 = tpu.memref_slice %arg7[%add3A_238, %dma_wait3A_265] : memref<1568x2048xf32, #tpu.memory_space<hbm>> -> memref<8x2048xf32, #tpu.memory_space<hbm>>
      %dma_wait3A_267 = arith.constant 0 : i32
      %dma_wait3A_268 = tpu.memref_slice %arg7[%add3A_238, %dma_wait3A_267] : memref<1568x2048xf32, #tpu.memory_space<hbm>> -> memref<8x2048xf32, #tpu.memory_space<hbm>>
      tpu.wait_dma2 semaphore(%arg26 : memref<!tpu.dma_semaphore, #tpu.memory_space<semaphore_mem>>) src(%arg14 : memref<8x2048xf32, #tpu.memory_space<vmem>>) dst(%dma_wait3A_268 : memref<8x2048xf32, #tpu.memory_space<hbm>>)
      %dma_start3A_269 = arith.constant 40 : i32
      %dma_start3A_270 = tpu.memref_slice %arg9[%dma_start3A_269] : memref<56xi32, #tpu.memory_space<vmem>> -> memref<8xi32, #tpu.memory_space<vmem>>
      %dma_start3A_271 = arith.constant 0 : i32
      %dma_start3A_272 = arith.constant 0 : i32
      %dma_start3A_273 = tpu.memref_slice %arg2[%dma_start3A_271, %dma_start3A_272] : memref<2048x2048xf32, #tpu.memory_space<hbm>> -> memref<2048x2048xf32, #tpu.memory_space<hbm>>
      tpu.enqueue_indirect_dma source(%dma_start3A_273 : memref<2048x2048xf32, #tpu.memory_space<hbm>>) target(%arg12 : memref<8x2048xf32, #tpu.memory_space<vmem>>) offsets(%dma_start3A_270 : memref<8xi32, #tpu.memory_space<vmem>>) semaphore(%arg20 : memref<!tpu.dma_semaphore, #tpu.memory_space<semaphore_mem>>)
      %dma_start3A_274 = arith.constant 40 : i32
      %dma_start3A_275 = tpu.memref_slice %arg9[%dma_start3A_274] : memref<56xi32, #tpu.memory_space<vmem>> -> memref<8xi32, #tpu.memory_space<vmem>>
      %dma_start3A_276 = arith.constant 0 : i32
      %dma_start3A_277 = arith.constant 0 : i32
      %dma_start3A_278 = tpu.memref_slice %arg3[%dma_start3A_276, %dma_start3A_277] : memref<2048x2048xf32, #tpu.memory_space<hbm>> -> memref<2048x2048xf32, #tpu.memory_space<hbm>>
      tpu.enqueue_indirect_dma source(%dma_start3A_278 : memref<2048x2048xf32, #tpu.memory_space<hbm>>) target(%arg14 : memref<8x2048xf32, #tpu.memory_space<vmem>>) offsets(%dma_start3A_275 : memref<8xi32, #tpu.memory_space<vmem>>) semaphore(%arg24 : memref<!tpu.dma_semaphore, #tpu.memory_space<semaphore_mem>>)
      %dma_start3A_279 = arith.constant 40 : i32
      %dma_start3A_280 = tpu.memref_slice %arg9[%dma_start3A_279] : memref<56xi32, #tpu.memory_space<vmem>> -> memref<8xi32, #tpu.memory_space<vmem>>
      %dma_start3A_281 = arith.constant 0 : i32
      %dma_start3A_282 = arith.constant 0 : i32
      %dma_start3A_283 = tpu.memref_slice %arg4[%dma_start3A_281, %dma_start3A_282] : memref<2048x2048xf32, #tpu.memory_space<hbm>> -> memref<2048x2048xf32, #tpu.memory_space<hbm>>
      tpu.enqueue_indirect_dma source(%dma_start3A_283 : memref<2048x2048xf32, #tpu.memory_space<hbm>>) target(%arg16 : memref<8x2048xf32, #tpu.memory_space<vmem>>) offsets(%dma_start3A_280 : memref<8xi32, #tpu.memory_space<vmem>>) semaphore(%arg28 : memref<!tpu.dma_semaphore, #tpu.memory_space<semaphore_mem>>)
      %dma_wait3A_284 = arith.constant 32 : i32
      %dma_wait3A_285 = tpu.memref_slice %arg9[%dma_wait3A_284] : memref<56xi32, #tpu.memory_space<vmem>> -> memref<8xi32, #tpu.memory_space<vmem>>
      %dma_wait3A_286 = arith.constant 0 : i32
      %dma_wait3A_287 = arith.constant 0 : i32
      %dma_wait3A_288 = tpu.memref_slice %arg2[%dma_wait3A_286, %dma_wait3A_287] : memref<2048x2048xf32, #tpu.memory_space<hbm>> -> memref<2048x2048xf32, #tpu.memory_space<hbm>>
      tpu.wait_indirect_dma semaphore(%arg19 : memref<!tpu.dma_semaphore, #tpu.memory_space<semaphore_mem>>) src(%dma_wait3A_288 : memref<2048x2048xf32, #tpu.memory_space<hbm>>) dst(%arg11 : memref<8x2048xf32, #tpu.memory_space<vmem>>)
      %add3A_289 = arith.constant 32 : i32
      %add3A_290 = arith.addi %mul3A_4, %add3A_289 : i32
      %dma_start3A_291 = arith.constant 0 : i32
      %dma_start3A_292 = tpu.memref_slice %arg6[%add3A_290, %dma_start3A_291] : memref<1568x2048xf32, #tpu.memory_space<hbm>> -> memref<8x2048xf32, #tpu.memory_space<hbm>>
      %dma_start3A_293 = arith.constant 0 : i32
      %dma_start3A_294 = tpu.memref_slice %arg6[%add3A_290, %dma_start3A_293] : memref<1568x2048xf32, #tpu.memory_space<hbm>> -> memref<8x2048xf32, #tpu.memory_space<hbm>>
      tpu.enqueue_dma source(%arg11 : memref<8x2048xf32, #tpu.memory_space<vmem>>) target(%dma_start3A_294 : memref<8x2048xf32, #tpu.memory_space<hbm>>) target_semaphore(%arg21 : memref<!tpu.dma_semaphore, #tpu.memory_space<semaphore_mem>>)
      %dma_wait3A_295 = arith.constant 32 : i32
      %dma_wait3A_296 = tpu.memref_slice %arg9[%dma_wait3A_295] : memref<56xi32, #tpu.memory_space<vmem>> -> memref<8xi32, #tpu.memory_space<vmem>>
      %dma_wait3A_297 = arith.constant 0 : i32
      %dma_wait3A_298 = arith.constant 0 : i32
      %dma_wait3A_299 = tpu.memref_slice %arg3[%dma_wait3A_297, %dma_wait3A_298] : memref<2048x2048xf32, #tpu.memory_space<hbm>> -> memref<2048x2048xf32, #tpu.memory_space<hbm>>
      tpu.wait_indirect_dma semaphore(%arg23 : memref<!tpu.dma_semaphore, #tpu.memory_space<semaphore_mem>>) src(%dma_wait3A_299 : memref<2048x2048xf32, #tpu.memory_space<hbm>>) dst(%arg13 : memref<8x2048xf32, #tpu.memory_space<vmem>>)
      %add3A_300 = arith.constant 32 : i32
      %add3A_301 = arith.addi %mul3A_4, %add3A_300 : i32
      %dma_start3A_302 = arith.constant 0 : i32
      %dma_start3A_303 = tpu.memref_slice %arg7[%add3A_301, %dma_start3A_302] : memref<1568x2048xf32, #tpu.memory_space<hbm>> -> memref<8x2048xf32, #tpu.memory_space<hbm>>
      %dma_start3A_304 = arith.constant 0 : i32
      %dma_start3A_305 = tpu.memref_slice %arg7[%add3A_301, %dma_start3A_304] : memref<1568x2048xf32, #tpu.memory_space<hbm>> -> memref<8x2048xf32, #tpu.memory_space<hbm>>
      tpu.enqueue_dma source(%arg13 : memref<8x2048xf32, #tpu.memory_space<vmem>>) target(%dma_start3A_305 : memref<8x2048xf32, #tpu.memory_space<hbm>>) target_semaphore(%arg25 : memref<!tpu.dma_semaphore, #tpu.memory_space<semaphore_mem>>)
      %dma_wait3A_306 = arith.constant 32 : i32
      %dma_wait3A_307 = tpu.memref_slice %arg9[%dma_wait3A_306] : memref<56xi32, #tpu.memory_space<vmem>> -> memref<8xi32, #tpu.memory_space<vmem>>
      %dma_wait3A_308 = arith.constant 0 : i32
      %dma_wait3A_309 = arith.constant 0 : i32
      %dma_wait3A_310 = tpu.memref_slice %arg4[%dma_wait3A_308, %dma_wait3A_309] : memref<2048x2048xf32, #tpu.memory_space<hbm>> -> memref<2048x2048xf32, #tpu.memory_space<hbm>>
      tpu.wait_indirect_dma semaphore(%arg27 : memref<!tpu.dma_semaphore, #tpu.memory_space<semaphore_mem>>) src(%dma_wait3A_310 : memref<2048x2048xf32, #tpu.memory_space<hbm>>) dst(%arg15 : memref<8x2048xf32, #tpu.memory_space<vmem>>)
      %dma_wait3A_311 = arith.constant 0 : i32
      %dma_wait3A_312 = tpu.memref_slice %arg8[%add3A_193, %dma_wait3A_311] : memref<1568x1568xf32, #tpu.memory_space<hbm>> -> memref<8x1568xf32, #tpu.memory_space<hbm>>
      %dma_wait3A_313 = arith.constant 0 : i32
      %dma_wait3A_314 = tpu.memref_slice %arg8[%add3A_193, %dma_wait3A_313] : memref<1568x1568xf32, #tpu.memory_space<hbm>> -> memref<8x1568xf32, #tpu.memory_space<hbm>>
      tpu.wait_dma2 semaphore(%arg29 : memref<!tpu.dma_semaphore, #tpu.memory_space<semaphore_mem>>) src(%arg17 : memref<8x1568xf32, #tpu.memory_space<vmem>>) dst(%dma_wait3A_314 : memref<8x1568xf32, #tpu.memory_space<hbm>>)
      %parallel_loop3A_315 = arith.constant 0 : i32
      %parallel_loop3A_316 = arith.constant 98 : i32
      %parallel_loop3A_317 = arith.constant 1 : i32
      scf.for %parallel_loop3A_443 = %parallel_loop3A_315 to %parallel_loop3A_316 step %parallel_loop3A_317  : i32 {
        %parallel_loop3A_444 = arith.constant 16 : i32
        %parallel_loop3A_445 = arith.muli %parallel_loop3A_444, %parallel_loop3A_443 : i32
        %parallel_loop3A_446 = vector.broadcast %parallel_loop3A_445 : i32 to vector<16xi32>
        %parallel_loop3A_447 = arith.addi %parallel_loop3A_446, %iota3A : vector<16xi32>
        %parallel_loop3A_448 = tpu.vector_load_idx %arg10[%parallel_loop3A_447] : memref<1568xi32, #tpu.memory_space<vmem>>[vector<16xi32>], vector<16xi32>,
        %parallel_loop3A_449 = arith.constant 0 : i32
        %parallel_loop3A_450 = vector.broadcast %parallel_loop3A_449 : i32 to vector<16xi32>
        %parallel_loop3A_451 = tpu.vector_load_idx %arg15[%parallel_loop3A_450, %parallel_loop3A_448] : memref<8x2048xf32, #tpu.memory_space<vmem>>[vector<16xi32>, vector<16xi32>], vector<16xf32>,
        tpu.vector_store_idx %arg17[%parallel_loop3A_450, %parallel_loop3A_447], %parallel_loop3A_451 : memref<8x1568xf32, #tpu.memory_space<vmem>>[vector<16xi32>, vector<16xi32>], vector<16xf32>,
        %parallel_loop3A_452 = arith.constant 1 : i32
        %parallel_loop3A_453 = vector.broadcast %parallel_loop3A_452 : i32 to vector<16xi32>
        %parallel_loop3A_454 = tpu.vector_load_idx %arg15[%parallel_loop3A_453, %parallel_loop3A_448] : memref<8x2048xf32, #tpu.memory_space<vmem>>[vector<16xi32>, vector<16xi32>], vector<16xf32>,
        tpu.vector_store_idx %arg17[%parallel_loop3A_453, %parallel_loop3A_447], %parallel_loop3A_454 : memref<8x1568xf32, #tpu.memory_space<vmem>>[vector<16xi32>, vector<16xi32>], vector<16xf32>,
        %parallel_loop3A_455 = arith.constant 2 : i32
        %parallel_loop3A_456 = vector.broadcast %parallel_loop3A_455 : i32 to vector<16xi32>
        %parallel_loop3A_457 = tpu.vector_load_idx %arg15[%parallel_loop3A_456, %parallel_loop3A_448] : memref<8x2048xf32, #tpu.memory_space<vmem>>[vector<16xi32>, vector<16xi32>], vector<16xf32>,
        tpu.vector_store_idx %arg17[%parallel_loop3A_456, %parallel_loop3A_447], %parallel_loop3A_457 : memref<8x1568xf32, #tpu.memory_space<vmem>>[vector<16xi32>, vector<16xi32>], vector<16xf32>,
        %parallel_loop3A_458 = arith.constant 3 : i32
        %parallel_loop3A_459 = vector.broadcast %parallel_loop3A_458 : i32 to vector<16xi32>
        %parallel_loop3A_460 = tpu.vector_load_idx %arg15[%parallel_loop3A_459, %parallel_loop3A_448] : memref<8x2048xf32, #tpu.memory_space<vmem>>[vector<16xi32>, vector<16xi32>], vector<16xf32>,
        tpu.vector_store_idx %arg17[%parallel_loop3A_459, %parallel_loop3A_447], %parallel_loop3A_460 : memref<8x1568xf32, #tpu.memory_space<vmem>>[vector<16xi32>, vector<16xi32>], vector<16xf32>,
        %parallel_loop3A_461 = arith.constant 4 : i32
        %parallel_loop3A_462 = vector.broadcast %parallel_loop3A_461 : i32 to vector<16xi32>
        %parallel_loop3A_463 = tpu.vector_load_idx %arg15[%parallel_loop3A_462, %parallel_loop3A_448] : memref<8x2048xf32, #tpu.memory_space<vmem>>[vector<16xi32>, vector<16xi32>], vector<16xf32>,
        tpu.vector_store_idx %arg17[%parallel_loop3A_462, %parallel_loop3A_447], %parallel_loop3A_463 : memref<8x1568xf32, #tpu.memory_space<vmem>>[vector<16xi32>, vector<16xi32>], vector<16xf32>,
        %parallel_loop3A_464 = arith.constant 5 : i32
        %parallel_loop3A_465 = vector.broadcast %parallel_loop3A_464 : i32 to vector<16xi32>
        %parallel_loop3A_466 = tpu.vector_load_idx %arg15[%parallel_loop3A_465, %parallel_loop3A_448] : memref<8x2048xf32, #tpu.memory_space<vmem>>[vector<16xi32>, vector<16xi32>], vector<16xf32>,
        tpu.vector_store_idx %arg17[%parallel_loop3A_465, %parallel_loop3A_447], %parallel_loop3A_466 : memref<8x1568xf32, #tpu.memory_space<vmem>>[vector<16xi32>, vector<16xi32>], vector<16xf32>,
        %parallel_loop3A_467 = arith.constant 6 : i32
        %parallel_loop3A_468 = vector.broadcast %parallel_loop3A_467 : i32 to vector<16xi32>
        %parallel_loop3A_469 = tpu.vector_load_idx %arg15[%parallel_loop3A_468, %parallel_loop3A_448] : memref<8x2048xf32, #tpu.memory_space<vmem>>[vector<16xi32>, vector<16xi32>], vector<16xf32>,
        tpu.vector_store_idx %arg17[%parallel_loop3A_468, %parallel_loop3A_447], %parallel_loop3A_469 : memref<8x1568xf32, #tpu.memory_space<vmem>>[vector<16xi32>, vector<16xi32>], vector<16xf32>,
        %parallel_loop3A_470 = arith.constant 7 : i32
        %parallel_loop3A_471 = vector.broadcast %parallel_loop3A_470 : i32 to vector<16xi32>
        %parallel_loop3A_472 = tpu.vector_load_idx %arg15[%parallel_loop3A_471, %parallel_loop3A_448] : memref<8x2048xf32, #tpu.memory_space<vmem>>[vector<16xi32>, vector<16xi32>], vector<16xf32>,
        tpu.vector_store_idx %arg17[%parallel_loop3A_471, %parallel_loop3A_447], %parallel_loop3A_472 : memref<8x1568xf32, #tpu.memory_space<vmem>>[vector<16xi32>, vector<16xi32>], vector<16xf32>,
      } {sc.loop_unroll_factor = 2 : i64, sc.parallel_access}
      %add3A_318 = arith.constant 32 : i32
      %add3A_319 = arith.addi %mul3A_4, %add3A_318 : i32
      %dma_start3A_320 = arith.constant 0 : i32
      %dma_start3A_321 = tpu.memref_slice %arg8[%add3A_319, %dma_start3A_320] : memref<1568x1568xf32, #tpu.memory_space<hbm>> -> memref<8x1568xf32, #tpu.memory_space<hbm>>
      %dma_start3A_322 = arith.constant 0 : i32
      %dma_start3A_323 = tpu.memref_slice %arg8[%add3A_319, %dma_start3A_322] : memref<1568x1568xf32, #tpu.memory_space<hbm>> -> memref<8x1568xf32, #tpu.memory_space<hbm>>
      tpu.enqueue_dma source(%arg17 : memref<8x1568xf32, #tpu.memory_space<vmem>>) target(%dma_start3A_323 : memref<8x1568xf32, #tpu.memory_space<hbm>>) target_semaphore(%arg29 : memref<!tpu.dma_semaphore, #tpu.memory_space<semaphore_mem>>)
      %dma_wait3A_324 = arith.constant 0 : i32
      %dma_wait3A_325 = tpu.memref_slice %arg6[%add3A_290, %dma_wait3A_324] : memref<1568x2048xf32, #tpu.memory_space<hbm>> -> memref<8x2048xf32, #tpu.memory_space<hbm>>
      %dma_wait3A_326 = arith.constant 0 : i32
      %dma_wait3A_327 = tpu.memref_slice %arg6[%add3A_290, %dma_wait3A_326] : memref<1568x2048xf32, #tpu.memory_space<hbm>> -> memref<8x2048xf32, #tpu.memory_space<hbm>>
      tpu.wait_dma2 semaphore(%arg21 : memref<!tpu.dma_semaphore, #tpu.memory_space<semaphore_mem>>) src(%arg11 : memref<8x2048xf32, #tpu.memory_space<vmem>>) dst(%dma_wait3A_327 : memref<8x2048xf32, #tpu.memory_space<hbm>>)
      %dma_wait3A_328 = arith.constant 0 : i32
      %dma_wait3A_329 = tpu.memref_slice %arg7[%add3A_301, %dma_wait3A_328] : memref<1568x2048xf32, #tpu.memory_space<hbm>> -> memref<8x2048xf32, #tpu.memory_space<hbm>>
      %dma_wait3A_330 = arith.constant 0 : i32
      %dma_wait3A_331 = tpu.memref_slice %arg7[%add3A_301, %dma_wait3A_330] : memref<1568x2048xf32, #tpu.memory_space<hbm>> -> memref<8x2048xf32, #tpu.memory_space<hbm>>
      tpu.wait_dma2 semaphore(%arg25 : memref<!tpu.dma_semaphore, #tpu.memory_space<semaphore_mem>>) src(%arg13 : memref<8x2048xf32, #tpu.memory_space<vmem>>) dst(%dma_wait3A_331 : memref<8x2048xf32, #tpu.memory_space<hbm>>)
      %dma_start3A_332 = arith.constant 48 : i32
      %dma_start3A_333 = tpu.memref_slice %arg9[%dma_start3A_332] : memref<56xi32, #tpu.memory_space<vmem>> -> memref<8xi32, #tpu.memory_space<vmem>>
      %dma_start3A_334 = arith.constant 0 : i32
      %dma_start3A_335 = arith.constant 0 : i32
      %dma_start3A_336 = tpu.memref_slice %arg2[%dma_start3A_334, %dma_start3A_335] : memref<2048x2048xf32, #tpu.memory_space<hbm>> -> memref<2048x2048xf32, #tpu.memory_space<hbm>>
      tpu.enqueue_indirect_dma source(%dma_start3A_336 : memref<2048x2048xf32, #tpu.memory_space<hbm>>) target(%arg11 : memref<8x2048xf32, #tpu.memory_space<vmem>>) offsets(%dma_start3A_333 : memref<8xi32, #tpu.memory_space<vmem>>) semaphore(%arg19 : memref<!tpu.dma_semaphore, #tpu.memory_space<semaphore_mem>>)
      %dma_start3A_337 = arith.constant 48 : i32
      %dma_start3A_338 = tpu.memref_slice %arg9[%dma_start3A_337] : memref<56xi32, #tpu.memory_space<vmem>> -> memref<8xi32, #tpu.memory_space<vmem>>
      %dma_start3A_339 = arith.constant 0 : i32
      %dma_start3A_340 = arith.constant 0 : i32
      %dma_start3A_341 = tpu.memref_slice %arg3[%dma_start3A_339, %dma_start3A_340] : memref<2048x2048xf32, #tpu.memory_space<hbm>> -> memref<2048x2048xf32, #tpu.memory_space<hbm>>
      tpu.enqueue_indirect_dma source(%dma_start3A_341 : memref<2048x2048xf32, #tpu.memory_space<hbm>>) target(%arg13 : memref<8x2048xf32, #tpu.memory_space<vmem>>) offsets(%dma_start3A_338 : memref<8xi32, #tpu.memory_space<vmem>>) semaphore(%arg23 : memref<!tpu.dma_semaphore, #tpu.memory_space<semaphore_mem>>)
      %dma_start3A_342 = arith.constant 48 : i32
      %dma_start3A_343 = tpu.memref_slice %arg9[%dma_start3A_342] : memref<56xi32, #tpu.memory_space<vmem>> -> memref<8xi32, #tpu.memory_space<vmem>>
      %dma_start3A_344 = arith.constant 0 : i32
      %dma_start3A_345 = arith.constant 0 : i32
      %dma_start3A_346 = tpu.memref_slice %arg4[%dma_start3A_344, %dma_start3A_345] : memref<2048x2048xf32, #tpu.memory_space<hbm>> -> memref<2048x2048xf32, #tpu.memory_space<hbm>>
      tpu.enqueue_indirect_dma source(%dma_start3A_346 : memref<2048x2048xf32, #tpu.memory_space<hbm>>) target(%arg15 : memref<8x2048xf32, #tpu.memory_space<vmem>>) offsets(%dma_start3A_343 : memref<8xi32, #tpu.memory_space<vmem>>) semaphore(%arg27 : memref<!tpu.dma_semaphore, #tpu.memory_space<semaphore_mem>>)
      %dma_wait3A_347 = arith.constant 40 : i32
      %dma_wait3A_348 = tpu.memref_slice %arg9[%dma_wait3A_347] : memref<56xi32, #tpu.memory_space<vmem>> -> memref<8xi32, #tpu.memory_space<vmem>>
      %dma_wait3A_349 = arith.constant 0 : i32
      %dma_wait3A_350 = arith.constant 0 : i32
      %dma_wait3A_351 = tpu.memref_slice %arg2[%dma_wait3A_349, %dma_wait3A_350] : memref<2048x2048xf32, #tpu.memory_space<hbm>> -> memref<2048x2048xf32, #tpu.memory_space<hbm>>
      tpu.wait_indirect_dma semaphore(%arg20 : memref<!tpu.dma_semaphore, #tpu.memory_space<semaphore_mem>>) src(%dma_wait3A_351 : memref<2048x2048xf32, #tpu.memory_space<hbm>>) dst(%arg12 : memref<8x2048xf32, #tpu.memory_space<vmem>>)
      %add3A_352 = arith.constant 40 : i32
      %add3A_353 = arith.addi %mul3A_4, %add3A_352 : i32
      %dma_start3A_354 = arith.constant 0 : i32
      %dma_start3A_355 = tpu.memref_slice %arg6[%add3A_353, %dma_start3A_354] : memref<1568x2048xf32, #tpu.memory_space<hbm>> -> memref<8x2048xf32, #tpu.memory_space<hbm>>
      %dma_start3A_356 = arith.constant 0 : i32
      %dma_start3A_357 = tpu.memref_slice %arg6[%add3A_353, %dma_start3A_356] : memref<1568x2048xf32, #tpu.memory_space<hbm>> -> memref<8x2048xf32, #tpu.memory_space<hbm>>
      tpu.enqueue_dma source(%arg12 : memref<8x2048xf32, #tpu.memory_space<vmem>>) target(%dma_start3A_357 : memref<8x2048xf32, #tpu.memory_space<hbm>>) target_semaphore(%arg22 : memref<!tpu.dma_semaphore, #tpu.memory_space<semaphore_mem>>)
      %dma_wait3A_358 = arith.constant 40 : i32
      %dma_wait3A_359 = tpu.memref_slice %arg9[%dma_wait3A_358] : memref<56xi32, #tpu.memory_space<vmem>> -> memref<8xi32, #tpu.memory_space<vmem>>
      %dma_wait3A_360 = arith.constant 0 : i32
      %dma_wait3A_361 = arith.constant 0 : i32
      %dma_wait3A_362 = tpu.memref_slice %arg3[%dma_wait3A_360, %dma_wait3A_361] : memref<2048x2048xf32, #tpu.memory_space<hbm>> -> memref<2048x2048xf32, #tpu.memory_space<hbm>>
      tpu.wait_indirect_dma semaphore(%arg24 : memref<!tpu.dma_semaphore, #tpu.memory_space<semaphore_mem>>) src(%dma_wait3A_362 : memref<2048x2048xf32, #tpu.memory_space<hbm>>) dst(%arg14 : memref<8x2048xf32, #tpu.memory_space<vmem>>)
      %add3A_363 = arith.constant 40 : i32
      %add3A_364 = arith.addi %mul3A_4, %add3A_363 : i32
      %dma_start3A_365 = arith.constant 0 : i32
      %dma_start3A_366 = tpu.memref_slice %arg7[%add3A_364, %dma_start3A_365] : memref<1568x2048xf32, #tpu.memory_space<hbm>> -> memref<8x2048xf32, #tpu.memory_space<hbm>>
      %dma_start3A_367 = arith.constant 0 : i32
      %dma_start3A_368 = tpu.memref_slice %arg7[%add3A_364, %dma_start3A_367] : memref<1568x2048xf32, #tpu.memory_space<hbm>> -> memref<8x2048xf32, #tpu.memory_space<hbm>>
      tpu.enqueue_dma source(%arg14 : memref<8x2048xf32, #tpu.memory_space<vmem>>) target(%dma_start3A_368 : memref<8x2048xf32, #tpu.memory_space<hbm>>) target_semaphore(%arg26 : memref<!tpu.dma_semaphore, #tpu.memory_space<semaphore_mem>>)
      %dma_wait3A_369 = arith.constant 40 : i32
      %dma_wait3A_370 = tpu.memref_slice %arg9[%dma_wait3A_369] : memref<56xi32, #tpu.memory_space<vmem>> -> memref<8xi32, #tpu.memory_space<vmem>>
      %dma_wait3A_371 = arith.constant 0 : i32
      %dma_wait3A_372 = arith.constant 0 : i32
      %dma_wait3A_373 = tpu.memref_slice %arg4[%dma_wait3A_371, %dma_wait3A_372] : memref<2048x2048xf32, #tpu.memory_space<hbm>> -> memref<2048x2048xf32, #tpu.memory_space<hbm>>
      tpu.wait_indirect_dma semaphore(%arg28 : memref<!tpu.dma_semaphore, #tpu.memory_space<semaphore_mem>>) src(%dma_wait3A_373 : memref<2048x2048xf32, #tpu.memory_space<hbm>>) dst(%arg16 : memref<8x2048xf32, #tpu.memory_space<vmem>>)
      %dma_wait3A_374 = arith.constant 0 : i32
      %dma_wait3A_375 = tpu.memref_slice %arg8[%add3A_256, %dma_wait3A_374] : memref<1568x1568xf32, #tpu.memory_space<hbm>> -> memref<8x1568xf32, #tpu.memory_space<hbm>>
      %dma_wait3A_376 = arith.constant 0 : i32
      %dma_wait3A_377 = tpu.memref_slice %arg8[%add3A_256, %dma_wait3A_376] : memref<1568x1568xf32, #tpu.memory_space<hbm>> -> memref<8x1568xf32, #tpu.memory_space<hbm>>
      tpu.wait_dma2 semaphore(%arg30 : memref<!tpu.dma_semaphore, #tpu.memory_space<semaphore_mem>>) src(%arg18 : memref<8x1568xf32, #tpu.memory_space<vmem>>) dst(%dma_wait3A_377 : memref<8x1568xf32, #tpu.memory_space<hbm>>)
      %parallel_loop3A_378 = arith.constant 0 : i32
      %parallel_loop3A_379 = arith.constant 98 : i32
      %parallel_loop3A_380 = arith.constant 1 : i32
      scf.for %parallel_loop3A_443 = %parallel_loop3A_378 to %parallel_loop3A_379 step %parallel_loop3A_380  : i32 {
        %parallel_loop3A_444 = arith.constant 16 : i32
        %parallel_loop3A_445 = arith.muli %parallel_loop3A_444, %parallel_loop3A_443 : i32
        %parallel_loop3A_446 = vector.broadcast %parallel_loop3A_445 : i32 to vector<16xi32>
        %parallel_loop3A_447 = arith.addi %parallel_loop3A_446, %iota3A : vector<16xi32>
        %parallel_loop3A_448 = tpu.vector_load_idx %arg10[%parallel_loop3A_447] : memref<1568xi32, #tpu.memory_space<vmem>>[vector<16xi32>], vector<16xi32>,
        %parallel_loop3A_449 = arith.constant 0 : i32
        %parallel_loop3A_450 = vector.broadcast %parallel_loop3A_449 : i32 to vector<16xi32>
        %parallel_loop3A_451 = tpu.vector_load_idx %arg16[%parallel_loop3A_450, %parallel_loop3A_448] : memref<8x2048xf32, #tpu.memory_space<vmem>>[vector<16xi32>, vector<16xi32>], vector<16xf32>,
        tpu.vector_store_idx %arg18[%parallel_loop3A_450, %parallel_loop3A_447], %parallel_loop3A_451 : memref<8x1568xf32, #tpu.memory_space<vmem>>[vector<16xi32>, vector<16xi32>], vector<16xf32>,
        %parallel_loop3A_452 = arith.constant 1 : i32
        %parallel_loop3A_453 = vector.broadcast %parallel_loop3A_452 : i32 to vector<16xi32>
        %parallel_loop3A_454 = tpu.vector_load_idx %arg16[%parallel_loop3A_453, %parallel_loop3A_448] : memref<8x2048xf32, #tpu.memory_space<vmem>>[vector<16xi32>, vector<16xi32>], vector<16xf32>,
        tpu.vector_store_idx %arg18[%parallel_loop3A_453, %parallel_loop3A_447], %parallel_loop3A_454 : memref<8x1568xf32, #tpu.memory_space<vmem>>[vector<16xi32>, vector<16xi32>], vector<16xf32>,
        %parallel_loop3A_455 = arith.constant 2 : i32
        %parallel_loop3A_456 = vector.broadcast %parallel_loop3A_455 : i32 to vector<16xi32>
        %parallel_loop3A_457 = tpu.vector_load_idx %arg16[%parallel_loop3A_456, %parallel_loop3A_448] : memref<8x2048xf32, #tpu.memory_space<vmem>>[vector<16xi32>, vector<16xi32>], vector<16xf32>,
        tpu.vector_store_idx %arg18[%parallel_loop3A_456, %parallel_loop3A_447], %parallel_loop3A_457 : memref<8x1568xf32, #tpu.memory_space<vmem>>[vector<16xi32>, vector<16xi32>], vector<16xf32>,
        %parallel_loop3A_458 = arith.constant 3 : i32
        %parallel_loop3A_459 = vector.broadcast %parallel_loop3A_458 : i32 to vector<16xi32>
        %parallel_loop3A_460 = tpu.vector_load_idx %arg16[%parallel_loop3A_459, %parallel_loop3A_448] : memref<8x2048xf32, #tpu.memory_space<vmem>>[vector<16xi32>, vector<16xi32>], vector<16xf32>,
        tpu.vector_store_idx %arg18[%parallel_loop3A_459, %parallel_loop3A_447], %parallel_loop3A_460 : memref<8x1568xf32, #tpu.memory_space<vmem>>[vector<16xi32>, vector<16xi32>], vector<16xf32>,
        %parallel_loop3A_461 = arith.constant 4 : i32
        %parallel_loop3A_462 = vector.broadcast %parallel_loop3A_461 : i32 to vector<16xi32>
        %parallel_loop3A_463 = tpu.vector_load_idx %arg16[%parallel_loop3A_462, %parallel_loop3A_448] : memref<8x2048xf32, #tpu.memory_space<vmem>>[vector<16xi32>, vector<16xi32>], vector<16xf32>,
        tpu.vector_store_idx %arg18[%parallel_loop3A_462, %parallel_loop3A_447], %parallel_loop3A_463 : memref<8x1568xf32, #tpu.memory_space<vmem>>[vector<16xi32>, vector<16xi32>], vector<16xf32>,
        %parallel_loop3A_464 = arith.constant 5 : i32
        %parallel_loop3A_465 = vector.broadcast %parallel_loop3A_464 : i32 to vector<16xi32>
        %parallel_loop3A_466 = tpu.vector_load_idx %arg16[%parallel_loop3A_465, %parallel_loop3A_448] : memref<8x2048xf32, #tpu.memory_space<vmem>>[vector<16xi32>, vector<16xi32>], vector<16xf32>,
        tpu.vector_store_idx %arg18[%parallel_loop3A_465, %parallel_loop3A_447], %parallel_loop3A_466 : memref<8x1568xf32, #tpu.memory_space<vmem>>[vector<16xi32>, vector<16xi32>], vector<16xf32>,
        %parallel_loop3A_467 = arith.constant 6 : i32
        %parallel_loop3A_468 = vector.broadcast %parallel_loop3A_467 : i32 to vector<16xi32>
        %parallel_loop3A_469 = tpu.vector_load_idx %arg16[%parallel_loop3A_468, %parallel_loop3A_448] : memref<8x2048xf32, #tpu.memory_space<vmem>>[vector<16xi32>, vector<16xi32>], vector<16xf32>,
        tpu.vector_store_idx %arg18[%parallel_loop3A_468, %parallel_loop3A_447], %parallel_loop3A_469 : memref<8x1568xf32, #tpu.memory_space<vmem>>[vector<16xi32>, vector<16xi32>], vector<16xf32>,
        %parallel_loop3A_470 = arith.constant 7 : i32
        %parallel_loop3A_471 = vector.broadcast %parallel_loop3A_470 : i32 to vector<16xi32>
        %parallel_loop3A_472 = tpu.vector_load_idx %arg16[%parallel_loop3A_471, %parallel_loop3A_448] : memref<8x2048xf32, #tpu.memory_space<vmem>>[vector<16xi32>, vector<16xi32>], vector<16xf32>,
        tpu.vector_store_idx %arg18[%parallel_loop3A_471, %parallel_loop3A_447], %parallel_loop3A_472 : memref<8x1568xf32, #tpu.memory_space<vmem>>[vector<16xi32>, vector<16xi32>], vector<16xf32>,
      } {sc.loop_unroll_factor = 2 : i64, sc.parallel_access}
      %add3A_381 = arith.constant 40 : i32
      %add3A_382 = arith.addi %mul3A_4, %add3A_381 : i32
      %dma_start3A_383 = arith.constant 0 : i32
      %dma_start3A_384 = tpu.memref_slice %arg8[%add3A_382, %dma_start3A_383] : memref<1568x1568xf32, #tpu.memory_space<hbm>> -> memref<8x1568xf32, #tpu.memory_space<hbm>>
      %dma_start3A_385 = arith.constant 0 : i32
      %dma_start3A_386 = tpu.memref_slice %arg8[%add3A_382, %dma_start3A_385] : memref<1568x1568xf32, #tpu.memory_space<hbm>> -> memref<8x1568xf32, #tpu.memory_space<hbm>>
      tpu.enqueue_dma source(%arg18 : memref<8x1568xf32, #tpu.memory_space<vmem>>) target(%dma_start3A_386 : memref<8x1568xf32, #tpu.memory_space<hbm>>) target_semaphore(%arg30 : memref<!tpu.dma_semaphore, #tpu.memory_space<semaphore_mem>>)
      %dma_wait3A_387 = arith.constant 48 : i32
      %dma_wait3A_388 = tpu.memref_slice %arg9[%dma_wait3A_387] : memref<56xi32, #tpu.memory_space<vmem>> -> memref<8xi32, #tpu.memory_space<vmem>>
      %dma_wait3A_389 = arith.constant 0 : i32
      %dma_wait3A_390 = arith.constant 0 : i32
      %dma_wait3A_391 = tpu.memref_slice %arg2[%dma_wait3A_389, %dma_wait3A_390] : memref<2048x2048xf32, #tpu.memory_space<hbm>> -> memref<2048x2048xf32, #tpu.memory_space<hbm>>
      tpu.wait_indirect_dma semaphore(%arg19 : memref<!tpu.dma_semaphore, #tpu.memory_space<semaphore_mem>>) src(%dma_wait3A_391 : memref<2048x2048xf32, #tpu.memory_space<hbm>>) dst(%arg11 : memref<8x2048xf32, #tpu.memory_space<vmem>>)
      %add3A_392 = arith.constant 48 : i32
      %add3A_393 = arith.addi %mul3A_4, %add3A_392 : i32
      %dma_start3A_394 = arith.constant 0 : i32
      %dma_start3A_395 = tpu.memref_slice %arg6[%add3A_393, %dma_start3A_394] : memref<1568x2048xf32, #tpu.memory_space<hbm>> -> memref<8x2048xf32, #tpu.memory_space<hbm>>
      %dma_start3A_396 = arith.constant 0 : i32
      %dma_start3A_397 = tpu.memref_slice %arg6[%add3A_393, %dma_start3A_396] : memref<1568x2048xf32, #tpu.memory_space<hbm>> -> memref<8x2048xf32, #tpu.memory_space<hbm>>
      tpu.enqueue_dma source(%arg11 : memref<8x2048xf32, #tpu.memory_space<vmem>>) target(%dma_start3A_397 : memref<8x2048xf32, #tpu.memory_space<hbm>>) target_semaphore(%arg21 : memref<!tpu.dma_semaphore, #tpu.memory_space<semaphore_mem>>)
      %dma_wait3A_398 = arith.constant 48 : i32
      %dma_wait3A_399 = tpu.memref_slice %arg9[%dma_wait3A_398] : memref<56xi32, #tpu.memory_space<vmem>> -> memref<8xi32, #tpu.memory_space<vmem>>
      %dma_wait3A_400 = arith.constant 0 : i32
      %dma_wait3A_401 = arith.constant 0 : i32
      %dma_wait3A_402 = tpu.memref_slice %arg3[%dma_wait3A_400, %dma_wait3A_401] : memref<2048x2048xf32, #tpu.memory_space<hbm>> -> memref<2048x2048xf32, #tpu.memory_space<hbm>>
      tpu.wait_indirect_dma semaphore(%arg23 : memref<!tpu.dma_semaphore, #tpu.memory_space<semaphore_mem>>) src(%dma_wait3A_402 : memref<2048x2048xf32, #tpu.memory_space<hbm>>) dst(%arg13 : memref<8x2048xf32, #tpu.memory_space<vmem>>)
      %add3A_403 = arith.constant 48 : i32
      %add3A_404 = arith.addi %mul3A_4, %add3A_403 : i32
      %dma_start3A_405 = arith.constant 0 : i32
      %dma_start3A_406 = tpu.memref_slice %arg7[%add3A_404, %dma_start3A_405] : memref<1568x2048xf32, #tpu.memory_space<hbm>> -> memref<8x2048xf32, #tpu.memory_space<hbm>>
      %dma_start3A_407 = arith.constant 0 : i32
      %dma_start3A_408 = tpu.memref_slice %arg7[%add3A_404, %dma_start3A_407] : memref<1568x2048xf32, #tpu.memory_space<hbm>> -> memref<8x2048xf32, #tpu.memory_space<hbm>>
      tpu.enqueue_dma source(%arg13 : memref<8x2048xf32, #tpu.memory_space<vmem>>) target(%dma_start3A_408 : memref<8x2048xf32, #tpu.memory_space<hbm>>) target_semaphore(%arg25 : memref<!tpu.dma_semaphore, #tpu.memory_space<semaphore_mem>>)
      %dma_wait3A_409 = arith.constant 48 : i32
      %dma_wait3A_410 = tpu.memref_slice %arg9[%dma_wait3A_409] : memref<56xi32, #tpu.memory_space<vmem>> -> memref<8xi32, #tpu.memory_space<vmem>>
      %dma_wait3A_411 = arith.constant 0 : i32
      %dma_wait3A_412 = arith.constant 0 : i32
      %dma_wait3A_413 = tpu.memref_slice %arg4[%dma_wait3A_411, %dma_wait3A_412] : memref<2048x2048xf32, #tpu.memory_space<hbm>> -> memref<2048x2048xf32, #tpu.memory_space<hbm>>
      tpu.wait_indirect_dma semaphore(%arg27 : memref<!tpu.dma_semaphore, #tpu.memory_space<semaphore_mem>>) src(%dma_wait3A_413 : memref<2048x2048xf32, #tpu.memory_space<hbm>>) dst(%arg15 : memref<8x2048xf32, #tpu.memory_space<vmem>>)
      %dma_wait3A_414 = arith.constant 0 : i32
      %dma_wait3A_415 = tpu.memref_slice %arg8[%add3A_319, %dma_wait3A_414] : memref<1568x1568xf32, #tpu.memory_space<hbm>> -> memref<8x1568xf32, #tpu.memory_space<hbm>>
      %dma_wait3A_416 = arith.constant 0 : i32
      %dma_wait3A_417 = tpu.memref_slice %arg8[%add3A_319, %dma_wait3A_416] : memref<1568x1568xf32, #tpu.memory_space<hbm>> -> memref<8x1568xf32, #tpu.memory_space<hbm>>
      tpu.wait_dma2 semaphore(%arg29 : memref<!tpu.dma_semaphore, #tpu.memory_space<semaphore_mem>>) src(%arg17 : memref<8x1568xf32, #tpu.memory_space<vmem>>) dst(%dma_wait3A_417 : memref<8x1568xf32, #tpu.memory_space<hbm>>)
      %parallel_loop3A_418 = arith.constant 0 : i32
      %parallel_loop3A_419 = arith.constant 98 : i32
      %parallel_loop3A_420 = arith.constant 1 : i32
      scf.for %parallel_loop3A_443 = %parallel_loop3A_418 to %parallel_loop3A_419 step %parallel_loop3A_420  : i32 {
        %parallel_loop3A_444 = arith.constant 16 : i32
        %parallel_loop3A_445 = arith.muli %parallel_loop3A_444, %parallel_loop3A_443 : i32
        %parallel_loop3A_446 = vector.broadcast %parallel_loop3A_445 : i32 to vector<16xi32>
        %parallel_loop3A_447 = arith.addi %parallel_loop3A_446, %iota3A : vector<16xi32>
        %parallel_loop3A_448 = tpu.vector_load_idx %arg10[%parallel_loop3A_447] : memref<1568xi32, #tpu.memory_space<vmem>>[vector<16xi32>], vector<16xi32>,
        %parallel_loop3A_449 = arith.constant 0 : i32
        %parallel_loop3A_450 = vector.broadcast %parallel_loop3A_449 : i32 to vector<16xi32>
        %parallel_loop3A_451 = tpu.vector_load_idx %arg15[%parallel_loop3A_450, %parallel_loop3A_448] : memref<8x2048xf32, #tpu.memory_space<vmem>>[vector<16xi32>, vector<16xi32>], vector<16xf32>,
        tpu.vector_store_idx %arg17[%parallel_loop3A_450, %parallel_loop3A_447], %parallel_loop3A_451 : memref<8x1568xf32, #tpu.memory_space<vmem>>[vector<16xi32>, vector<16xi32>], vector<16xf32>,
        %parallel_loop3A_452 = arith.constant 1 : i32
        %parallel_loop3A_453 = vector.broadcast %parallel_loop3A_452 : i32 to vector<16xi32>
        %parallel_loop3A_454 = tpu.vector_load_idx %arg15[%parallel_loop3A_453, %parallel_loop3A_448] : memref<8x2048xf32, #tpu.memory_space<vmem>>[vector<16xi32>, vector<16xi32>], vector<16xf32>,
        tpu.vector_store_idx %arg17[%parallel_loop3A_453, %parallel_loop3A_447], %parallel_loop3A_454 : memref<8x1568xf32, #tpu.memory_space<vmem>>[vector<16xi32>, vector<16xi32>], vector<16xf32>,
        %parallel_loop3A_455 = arith.constant 2 : i32
        %parallel_loop3A_456 = vector.broadcast %parallel_loop3A_455 : i32 to vector<16xi32>
        %parallel_loop3A_457 = tpu.vector_load_idx %arg15[%parallel_loop3A_456, %parallel_loop3A_448] : memref<8x2048xf32, #tpu.memory_space<vmem>>[vector<16xi32>, vector<16xi32>], vector<16xf32>,
        tpu.vector_store_idx %arg17[%parallel_loop3A_456, %parallel_loop3A_447], %parallel_loop3A_457 : memref<8x1568xf32, #tpu.memory_space<vmem>>[vector<16xi32>, vector<16xi32>], vector<16xf32>,
        %parallel_loop3A_458 = arith.constant 3 : i32
        %parallel_loop3A_459 = vector.broadcast %parallel_loop3A_458 : i32 to vector<16xi32>
        %parallel_loop3A_460 = tpu.vector_load_idx %arg15[%parallel_loop3A_459, %parallel_loop3A_448] : memref<8x2048xf32, #tpu.memory_space<vmem>>[vector<16xi32>, vector<16xi32>], vector<16xf32>,
        tpu.vector_store_idx %arg17[%parallel_loop3A_459, %parallel_loop3A_447], %parallel_loop3A_460 : memref<8x1568xf32, #tpu.memory_space<vmem>>[vector<16xi32>, vector<16xi32>], vector<16xf32>,
        %parallel_loop3A_461 = arith.constant 4 : i32
        %parallel_loop3A_462 = vector.broadcast %parallel_loop3A_461 : i32 to vector<16xi32>
        %parallel_loop3A_463 = tpu.vector_load_idx %arg15[%parallel_loop3A_462, %parallel_loop3A_448] : memref<8x2048xf32, #tpu.memory_space<vmem>>[vector<16xi32>, vector<16xi32>], vector<16xf32>,
        tpu.vector_store_idx %arg17[%parallel_loop3A_462, %parallel_loop3A_447], %parallel_loop3A_463 : memref<8x1568xf32, #tpu.memory_space<vmem>>[vector<16xi32>, vector<16xi32>], vector<16xf32>,
        %parallel_loop3A_464 = arith.constant 5 : i32
        %parallel_loop3A_465 = vector.broadcast %parallel_loop3A_464 : i32 to vector<16xi32>
        %parallel_loop3A_466 = tpu.vector_load_idx %arg15[%parallel_loop3A_465, %parallel_loop3A_448] : memref<8x2048xf32, #tpu.memory_space<vmem>>[vector<16xi32>, vector<16xi32>], vector<16xf32>,
        tpu.vector_store_idx %arg17[%parallel_loop3A_465, %parallel_loop3A_447], %parallel_loop3A_466 : memref<8x1568xf32, #tpu.memory_space<vmem>>[vector<16xi32>, vector<16xi32>], vector<16xf32>,
        %parallel_loop3A_467 = arith.constant 6 : i32
        %parallel_loop3A_468 = vector.broadcast %parallel_loop3A_467 : i32 to vector<16xi32>
        %parallel_loop3A_469 = tpu.vector_load_idx %arg15[%parallel_loop3A_468, %parallel_loop3A_448] : memref<8x2048xf32, #tpu.memory_space<vmem>>[vector<16xi32>, vector<16xi32>], vector<16xf32>,
        tpu.vector_store_idx %arg17[%parallel_loop3A_468, %parallel_loop3A_447], %parallel_loop3A_469 : memref<8x1568xf32, #tpu.memory_space<vmem>>[vector<16xi32>, vector<16xi32>], vector<16xf32>,
        %parallel_loop3A_470 = arith.constant 7 : i32
        %parallel_loop3A_471 = vector.broadcast %parallel_loop3A_470 : i32 to vector<16xi32>
        %parallel_loop3A_472 = tpu.vector_load_idx %arg15[%parallel_loop3A_471, %parallel_loop3A_448] : memref<8x2048xf32, #tpu.memory_space<vmem>>[vector<16xi32>, vector<16xi32>], vector<16xf32>,
        tpu.vector_store_idx %arg17[%parallel_loop3A_471, %parallel_loop3A_447], %parallel_loop3A_472 : memref<8x1568xf32, #tpu.memory_space<vmem>>[vector<16xi32>, vector<16xi32>], vector<16xf32>,
      } {sc.loop_unroll_factor = 2 : i64, sc.parallel_access}
      %add3A_421 = arith.constant 48 : i32
      %add3A_422 = arith.addi %mul3A_4, %add3A_421 : i32
      %dma_start3A_423 = arith.constant 0 : i32
      %dma_start3A_424 = tpu.memref_slice %arg8[%add3A_422, %dma_start3A_423] : memref<1568x1568xf32, #tpu.memory_space<hbm>> -> memref<8x1568xf32, #tpu.memory_space<hbm>>
      %dma_start3A_425 = arith.constant 0 : i32
      %dma_start3A_426 = tpu.memref_slice %arg8[%add3A_422, %dma_start3A_425] : memref<1568x1568xf32, #tpu.memory_space<hbm>> -> memref<8x1568xf32, #tpu.memory_space<hbm>>
      tpu.enqueue_dma source(%arg17 : memref<8x1568xf32, #tpu.memory_space<vmem>>) target(%dma_start3A_426 : memref<8x1568xf32, #tpu.memory_space<hbm>>) target_semaphore(%arg29 : memref<!tpu.dma_semaphore, #tpu.memory_space<semaphore_mem>>)
      %dma_wait3A_427 = arith.constant 0 : i32
      %dma_wait3A_428 = tpu.memref_slice %arg6[%add3A_393, %dma_wait3A_427] : memref<1568x2048xf32, #tpu.memory_space<hbm>> -> memref<8x2048xf32, #tpu.memory_space<hbm>>
      %dma_wait3A_429 = arith.constant 0 : i32
      %dma_wait3A_430 = tpu.memref_slice %arg6[%add3A_393, %dma_wait3A_429] : memref<1568x2048xf32, #tpu.memory_space<hbm>> -> memref<8x2048xf32, #tpu.memory_space<hbm>>
      tpu.wait_dma2 semaphore(%arg21 : memref<!tpu.dma_semaphore, #tpu.memory_space<semaphore_mem>>) src(%arg11 : memref<8x2048xf32, #tpu.memory_space<vmem>>) dst(%dma_wait3A_430 : memref<8x2048xf32, #tpu.memory_space<hbm>>)
      %dma_wait3A_431 = arith.constant 0 : i32
      %dma_wait3A_432 = tpu.memref_slice %arg7[%add3A_404, %dma_wait3A_431] : memref<1568x2048xf32, #tpu.memory_space<hbm>> -> memref<8x2048xf32, #tpu.memory_space<hbm>>
      %dma_wait3A_433 = arith.constant 0 : i32
      %dma_wait3A_434 = tpu.memref_slice %arg7[%add3A_404, %dma_wait3A_433] : memref<1568x2048xf32, #tpu.memory_space<hbm>> -> memref<8x2048xf32, #tpu.memory_space<hbm>>
      tpu.wait_dma2 semaphore(%arg25 : memref<!tpu.dma_semaphore, #tpu.memory_space<semaphore_mem>>) src(%arg13 : memref<8x2048xf32, #tpu.memory_space<vmem>>) dst(%dma_wait3A_434 : memref<8x2048xf32, #tpu.memory_space<hbm>>)
      %dma_wait3A_435 = arith.constant 0 : i32
      %dma_wait3A_436 = tpu.memref_slice %arg8[%add3A_382, %dma_wait3A_435] : memref<1568x1568xf32, #tpu.memory_space<hbm>> -> memref<8x1568xf32, #tpu.memory_space<hbm>>
      %dma_wait3A_437 = arith.constant 0 : i32
      %dma_wait3A_438 = tpu.memref_slice %arg8[%add3A_382, %dma_wait3A_437] : memref<1568x1568xf32, #tpu.memory_space<hbm>> -> memref<8x1568xf32, #tpu.memory_space<hbm>>
      tpu.wait_dma2 semaphore(%arg30 : memref<!tpu.dma_semaphore, #tpu.memory_space<semaphore_mem>>) src(%arg18 : memref<8x1568xf32, #tpu.memory_space<vmem>>) dst(%dma_wait3A_438 : memref<8x1568xf32, #tpu.memory_space<hbm>>)
      %dma_wait3A_439 = arith.constant 0 : i32
      %dma_wait3A_440 = tpu.memref_slice %arg8[%add3A_422, %dma_wait3A_439] : memref<1568x1568xf32, #tpu.memory_space<hbm>> -> memref<8x1568xf32, #tpu.memory_space<hbm>>
      %dma_wait3A_441 = arith.constant 0 : i32
      %dma_wait3A_442 = tpu.memref_slice %arg8[%add3A_422, %dma_wait3A_441] : memref<1568x1568xf32, #tpu.memory_space<hbm>> -> memref<8x1568xf32, #tpu.memory_space<hbm>>
      tpu.wait_dma2 semaphore(%arg29 : memref<!tpu.dma_semaphore, #tpu.memory_space<semaphore_mem>>) src(%arg17 : memref<8x1568xf32, #tpu.memory_space<vmem>>) dst(%dma_wait3A_442 : memref<8x1568xf32, #tpu.memory_space<hbm>>)
    } else {
    }
    return
  }
}

module attributes {stable_mosaic.version = 14 : i64} {
  func.func @_redsel_body(%arg0: i32, %arg1: memref<1024x2048xf32, #tpu.memory_space<vmem>>, %arg2: memref<1792xi32, #tpu.memory_space<vmem>>, %arg3: memref<32x2048xf32, #tpu.memory_space<vmem>>, %arg4: memref<2048x1xf32, #tpu.memory_space<vmem>>, %arg5: memref<2048x1xf32, #tpu.memory_space<vmem>>, %arg6: memref<1x2048xf32, #tpu.memory_space<vmem>>) attributes {dimension_semantics = [#tpu.dimension_semantics<arbitrary>], iteration_bounds = array<i64: 32>, scalar_prefetch = 0 : i64, scratch_operands = 4 : i64, tpu.core_type = #tpu.core_type<tc>, window_params = [{transform_indices = @transform_0, window_bounds = array<i64: 1024, 2048>}, {pipeline_mode = #tpu.pipeline_mode<synchronous>, transform_indices = @transform_1, window_bounds = array<i64: 1792>}]} {
    %get3A = arith.constant 0 : index
    %get3A_0 = arith.constant 0 : index
    %get3A_1 = vector.load %arg1[%get3A, %get3A_0] : memref<1024x2048xf32, #tpu.memory_space<vmem>>, vector<1024x2048xf32>
    %reduce_sum3A = arith.constant dense<0.000000e+00> : vector<2048xf32>
    %reduce_sum3A_2 = vector.multi_reduction <add>, %get3A_1, %reduce_sum3A [0] : vector<1024x2048xf32> to vector<2048xf32>
    %broadcast_in_dim3A = vector.shape_cast %reduce_sum3A_2 : vector<2048xf32> to vector<1x2048xf32>
    %swap3A = arith.index_cast %arg0 : i32 to index
    %swap3A_3 = arith.constant 0 : index
    %swap3A_4 = vector.load %arg3[%swap3A, %swap3A_3] : memref<32x2048xf32, #tpu.memory_space<vmem>>, vector<1x2048xf32>
    tpu.vector_store %arg3[%swap3A, %swap3A_3], %broadcast_in_dim3A {strides = array<i32>} : memref<32x2048xf32, #tpu.memory_space<vmem>>, vector<1x2048xf32>,
    %eq3A = arith.constant 31 : i32
    %eq3A_5 = arith.cmpi eq, %arg0, %eq3A : i32
    %convert_element_type3A = arith.extui %eq3A_5 : i1 to i32
    %cond3A = arith.constant 0 : i32
    %cond3A_6 = arith.cmpi ne, %convert_element_type3A, %cond3A : i32
    scf.if %cond3A_6 {
      %get3A_7 = arith.constant 0 : index
      %get3A_8 = arith.constant 0 : index
      %get3A_9 = vector.load %arg3[%get3A_7, %get3A_8] : memref<32x2048xf32, #tpu.memory_space<vmem>>, vector<1x2048xf32>
      %broadcast_in_dim3A_10 = arith.constant 0.000000e+00 : f32
      %broadcast_in_dim3A_11 = vector.broadcast %broadcast_in_dim3A_10 : f32 to vector<1x2048xf32>
      %get3A_12 = arith.constant 1 : index
      %get3A_13 = arith.constant 0 : index
      %get3A_14 = vector.load %arg3[%get3A_12, %get3A_13] : memref<32x2048xf32, #tpu.memory_space<vmem>>, vector<1x2048xf32>
      %sub3A = arith.subf %get3A_14, %broadcast_in_dim3A_11 : vector<1x2048xf32>
      %add3A = arith.addf %get3A_9, %sub3A : vector<1x2048xf32>
      %sub3A_15 = arith.subf %add3A, %get3A_9 : vector<1x2048xf32>
      %sub3A_16 = arith.subf %sub3A_15, %sub3A : vector<1x2048xf32>
      %get3A_17 = arith.constant 2 : index
      %get3A_18 = arith.constant 0 : index
      %get3A_19 = vector.load %arg3[%get3A_17, %get3A_18] : memref<32x2048xf32, #tpu.memory_space<vmem>>, vector<1x2048xf32>
      %sub3A_20 = arith.subf %get3A_19, %sub3A_16 : vector<1x2048xf32>
      %add3A_21 = arith.addf %add3A, %sub3A_20 : vector<1x2048xf32>
      %sub3A_22 = arith.subf %add3A_21, %add3A : vector<1x2048xf32>
      %sub3A_23 = arith.subf %sub3A_22, %sub3A_20 : vector<1x2048xf32>
      %get3A_24 = arith.constant 3 : index
      %get3A_25 = arith.constant 0 : index
      %get3A_26 = vector.load %arg3[%get3A_24, %get3A_25] : memref<32x2048xf32, #tpu.memory_space<vmem>>, vector<1x2048xf32>
      %sub3A_27 = arith.subf %get3A_26, %sub3A_23 : vector<1x2048xf32>
      %add3A_28 = arith.addf %add3A_21, %sub3A_27 : vector<1x2048xf32>
      %sub3A_29 = arith.subf %add3A_28, %add3A_21 : vector<1x2048xf32>
      %sub3A_30 = arith.subf %sub3A_29, %sub3A_27 : vector<1x2048xf32>
      %get3A_31 = arith.constant 4 : index
      %get3A_32 = arith.constant 0 : index
      %get3A_33 = vector.load %arg3[%get3A_31, %get3A_32] : memref<32x2048xf32, #tpu.memory_space<vmem>>, vector<1x2048xf32>
      %sub3A_34 = arith.subf %get3A_33, %sub3A_30 : vector<1x2048xf32>
      %add3A_35 = arith.addf %add3A_28, %sub3A_34 : vector<1x2048xf32>
      %sub3A_36 = arith.subf %add3A_35, %add3A_28 : vector<1x2048xf32>
      %sub3A_37 = arith.subf %sub3A_36, %sub3A_34 : vector<1x2048xf32>
      %get3A_38 = arith.constant 5 : index
      %get3A_39 = arith.constant 0 : index
      %get3A_40 = vector.load %arg3[%get3A_38, %get3A_39] : memref<32x2048xf32, #tpu.memory_space<vmem>>, vector<1x2048xf32>
      %sub3A_41 = arith.subf %get3A_40, %sub3A_37 : vector<1x2048xf32>
      %add3A_42 = arith.addf %add3A_35, %sub3A_41 : vector<1x2048xf32>
      %sub3A_43 = arith.subf %add3A_42, %add3A_35 : vector<1x2048xf32>
      %sub3A_44 = arith.subf %sub3A_43, %sub3A_41 : vector<1x2048xf32>
      %get3A_45 = arith.constant 6 : index
      %get3A_46 = arith.constant 0 : index
      %get3A_47 = vector.load %arg3[%get3A_45, %get3A_46] : memref<32x2048xf32, #tpu.memory_space<vmem>>, vector<1x2048xf32>
      %sub3A_48 = arith.subf %get3A_47, %sub3A_44 : vector<1x2048xf32>
      %add3A_49 = arith.addf %add3A_42, %sub3A_48 : vector<1x2048xf32>
      %sub3A_50 = arith.subf %add3A_49, %add3A_42 : vector<1x2048xf32>
      %sub3A_51 = arith.subf %sub3A_50, %sub3A_48 : vector<1x2048xf32>
      %get3A_52 = arith.constant 7 : index
      %get3A_53 = arith.constant 0 : index
      %get3A_54 = vector.load %arg3[%get3A_52, %get3A_53] : memref<32x2048xf32, #tpu.memory_space<vmem>>, vector<1x2048xf32>
      %sub3A_55 = arith.subf %get3A_54, %sub3A_51 : vector<1x2048xf32>
      %add3A_56 = arith.addf %add3A_49, %sub3A_55 : vector<1x2048xf32>
      %sub3A_57 = arith.subf %add3A_56, %add3A_49 : vector<1x2048xf32>
      %sub3A_58 = arith.subf %sub3A_57, %sub3A_55 : vector<1x2048xf32>
      %get3A_59 = arith.constant 8 : index
      %get3A_60 = arith.constant 0 : index
      %get3A_61 = vector.load %arg3[%get3A_59, %get3A_60] : memref<32x2048xf32, #tpu.memory_space<vmem>>, vector<1x2048xf32>
      %sub3A_62 = arith.subf %get3A_61, %sub3A_58 : vector<1x2048xf32>
      %add3A_63 = arith.addf %add3A_56, %sub3A_62 : vector<1x2048xf32>
      %sub3A_64 = arith.subf %add3A_63, %add3A_56 : vector<1x2048xf32>
      %sub3A_65 = arith.subf %sub3A_64, %sub3A_62 : vector<1x2048xf32>
      %get3A_66 = arith.constant 9 : index
      %get3A_67 = arith.constant 0 : index
      %get3A_68 = vector.load %arg3[%get3A_66, %get3A_67] : memref<32x2048xf32, #tpu.memory_space<vmem>>, vector<1x2048xf32>
      %sub3A_69 = arith.subf %get3A_68, %sub3A_65 : vector<1x2048xf32>
      %add3A_70 = arith.addf %add3A_63, %sub3A_69 : vector<1x2048xf32>
      %sub3A_71 = arith.subf %add3A_70, %add3A_63 : vector<1x2048xf32>
      %sub3A_72 = arith.subf %sub3A_71, %sub3A_69 : vector<1x2048xf32>
      %get3A_73 = arith.constant 10 : index
      %get3A_74 = arith.constant 0 : index
      %get3A_75 = vector.load %arg3[%get3A_73, %get3A_74] : memref<32x2048xf32, #tpu.memory_space<vmem>>, vector<1x2048xf32>
      %sub3A_76 = arith.subf %get3A_75, %sub3A_72 : vector<1x2048xf32>
      %add3A_77 = arith.addf %add3A_70, %sub3A_76 : vector<1x2048xf32>
      %sub3A_78 = arith.subf %add3A_77, %add3A_70 : vector<1x2048xf32>
      %sub3A_79 = arith.subf %sub3A_78, %sub3A_76 : vector<1x2048xf32>
      %get3A_80 = arith.constant 11 : index
      %get3A_81 = arith.constant 0 : index
      %get3A_82 = vector.load %arg3[%get3A_80, %get3A_81] : memref<32x2048xf32, #tpu.memory_space<vmem>>, vector<1x2048xf32>
      %sub3A_83 = arith.subf %get3A_82, %sub3A_79 : vector<1x2048xf32>
      %add3A_84 = arith.addf %add3A_77, %sub3A_83 : vector<1x2048xf32>
      %sub3A_85 = arith.subf %add3A_84, %add3A_77 : vector<1x2048xf32>
      %sub3A_86 = arith.subf %sub3A_85, %sub3A_83 : vector<1x2048xf32>
      %get3A_87 = arith.constant 12 : index
      %get3A_88 = arith.constant 0 : index
      %get3A_89 = vector.load %arg3[%get3A_87, %get3A_88] : memref<32x2048xf32, #tpu.memory_space<vmem>>, vector<1x2048xf32>
      %sub3A_90 = arith.subf %get3A_89, %sub3A_86 : vector<1x2048xf32>
      %add3A_91 = arith.addf %add3A_84, %sub3A_90 : vector<1x2048xf32>
      %sub3A_92 = arith.subf %add3A_91, %add3A_84 : vector<1x2048xf32>
      %sub3A_93 = arith.subf %sub3A_92, %sub3A_90 : vector<1x2048xf32>
      %get3A_94 = arith.constant 13 : index
      %get3A_95 = arith.constant 0 : index
      %get3A_96 = vector.load %arg3[%get3A_94, %get3A_95] : memref<32x2048xf32, #tpu.memory_space<vmem>>, vector<1x2048xf32>
      %sub3A_97 = arith.subf %get3A_96, %sub3A_93 : vector<1x2048xf32>
      %add3A_98 = arith.addf %add3A_91, %sub3A_97 : vector<1x2048xf32>
      %sub3A_99 = arith.subf %add3A_98, %add3A_91 : vector<1x2048xf32>
      %sub3A_100 = arith.subf %sub3A_99, %sub3A_97 : vector<1x2048xf32>
      %get3A_101 = arith.constant 14 : index
      %get3A_102 = arith.constant 0 : index
      %get3A_103 = vector.load %arg3[%get3A_101, %get3A_102] : memref<32x2048xf32, #tpu.memory_space<vmem>>, vector<1x2048xf32>
      %sub3A_104 = arith.subf %get3A_103, %sub3A_100 : vector<1x2048xf32>
      %add3A_105 = arith.addf %add3A_98, %sub3A_104 : vector<1x2048xf32>
      %sub3A_106 = arith.subf %add3A_105, %add3A_98 : vector<1x2048xf32>
      %sub3A_107 = arith.subf %sub3A_106, %sub3A_104 : vector<1x2048xf32>
      %get3A_108 = arith.constant 15 : index
      %get3A_109 = arith.constant 0 : index
      %get3A_110 = vector.load %arg3[%get3A_108, %get3A_109] : memref<32x2048xf32, #tpu.memory_space<vmem>>, vector<1x2048xf32>
      %sub3A_111 = arith.subf %get3A_110, %sub3A_107 : vector<1x2048xf32>
      %add3A_112 = arith.addf %add3A_105, %sub3A_111 : vector<1x2048xf32>
      %sub3A_113 = arith.subf %add3A_112, %add3A_105 : vector<1x2048xf32>
      %sub3A_114 = arith.subf %sub3A_113, %sub3A_111 : vector<1x2048xf32>
      %get3A_115 = arith.constant 16 : index
      %get3A_116 = arith.constant 0 : index
      %get3A_117 = vector.load %arg3[%get3A_115, %get3A_116] : memref<32x2048xf32, #tpu.memory_space<vmem>>, vector<1x2048xf32>
      %sub3A_118 = arith.subf %get3A_117, %sub3A_114 : vector<1x2048xf32>
      %add3A_119 = arith.addf %add3A_112, %sub3A_118 : vector<1x2048xf32>
      %sub3A_120 = arith.subf %add3A_119, %add3A_112 : vector<1x2048xf32>
      %sub3A_121 = arith.subf %sub3A_120, %sub3A_118 : vector<1x2048xf32>
      %get3A_122 = arith.constant 17 : index
      %get3A_123 = arith.constant 0 : index
      %get3A_124 = vector.load %arg3[%get3A_122, %get3A_123] : memref<32x2048xf32, #tpu.memory_space<vmem>>, vector<1x2048xf32>
      %sub3A_125 = arith.subf %get3A_124, %sub3A_121 : vector<1x2048xf32>
      %add3A_126 = arith.addf %add3A_119, %sub3A_125 : vector<1x2048xf32>
      %sub3A_127 = arith.subf %add3A_126, %add3A_119 : vector<1x2048xf32>
      %sub3A_128 = arith.subf %sub3A_127, %sub3A_125 : vector<1x2048xf32>
      %get3A_129 = arith.constant 18 : index
      %get3A_130 = arith.constant 0 : index
      %get3A_131 = vector.load %arg3[%get3A_129, %get3A_130] : memref<32x2048xf32, #tpu.memory_space<vmem>>, vector<1x2048xf32>
      %sub3A_132 = arith.subf %get3A_131, %sub3A_128 : vector<1x2048xf32>
      %add3A_133 = arith.addf %add3A_126, %sub3A_132 : vector<1x2048xf32>
      %sub3A_134 = arith.subf %add3A_133, %add3A_126 : vector<1x2048xf32>
      %sub3A_135 = arith.subf %sub3A_134, %sub3A_132 : vector<1x2048xf32>
      %get3A_136 = arith.constant 19 : index
      %get3A_137 = arith.constant 0 : index
      %get3A_138 = vector.load %arg3[%get3A_136, %get3A_137] : memref<32x2048xf32, #tpu.memory_space<vmem>>, vector<1x2048xf32>
      %sub3A_139 = arith.subf %get3A_138, %sub3A_135 : vector<1x2048xf32>
      %add3A_140 = arith.addf %add3A_133, %sub3A_139 : vector<1x2048xf32>
      %sub3A_141 = arith.subf %add3A_140, %add3A_133 : vector<1x2048xf32>
      %sub3A_142 = arith.subf %sub3A_141, %sub3A_139 : vector<1x2048xf32>
      %get3A_143 = arith.constant 20 : index
      %get3A_144 = arith.constant 0 : index
      %get3A_145 = vector.load %arg3[%get3A_143, %get3A_144] : memref<32x2048xf32, #tpu.memory_space<vmem>>, vector<1x2048xf32>
      %sub3A_146 = arith.subf %get3A_145, %sub3A_142 : vector<1x2048xf32>
      %add3A_147 = arith.addf %add3A_140, %sub3A_146 : vector<1x2048xf32>
      %sub3A_148 = arith.subf %add3A_147, %add3A_140 : vector<1x2048xf32>
      %sub3A_149 = arith.subf %sub3A_148, %sub3A_146 : vector<1x2048xf32>
      %get3A_150 = arith.constant 21 : index
      %get3A_151 = arith.constant 0 : index
      %get3A_152 = vector.load %arg3[%get3A_150, %get3A_151] : memref<32x2048xf32, #tpu.memory_space<vmem>>, vector<1x2048xf32>
      %sub3A_153 = arith.subf %get3A_152, %sub3A_149 : vector<1x2048xf32>
      %add3A_154 = arith.addf %add3A_147, %sub3A_153 : vector<1x2048xf32>
      %sub3A_155 = arith.subf %add3A_154, %add3A_147 : vector<1x2048xf32>
      %sub3A_156 = arith.subf %sub3A_155, %sub3A_153 : vector<1x2048xf32>
      %get3A_157 = arith.constant 22 : index
      %get3A_158 = arith.constant 0 : index
      %get3A_159 = vector.load %arg3[%get3A_157, %get3A_158] : memref<32x2048xf32, #tpu.memory_space<vmem>>, vector<1x2048xf32>
      %sub3A_160 = arith.subf %get3A_159, %sub3A_156 : vector<1x2048xf32>
      %add3A_161 = arith.addf %add3A_154, %sub3A_160 : vector<1x2048xf32>
      %sub3A_162 = arith.subf %add3A_161, %add3A_154 : vector<1x2048xf32>
      %sub3A_163 = arith.subf %sub3A_162, %sub3A_160 : vector<1x2048xf32>
      %get3A_164 = arith.constant 23 : index
      %get3A_165 = arith.constant 0 : index
      %get3A_166 = vector.load %arg3[%get3A_164, %get3A_165] : memref<32x2048xf32, #tpu.memory_space<vmem>>, vector<1x2048xf32>
      %sub3A_167 = arith.subf %get3A_166, %sub3A_163 : vector<1x2048xf32>
      %add3A_168 = arith.addf %add3A_161, %sub3A_167 : vector<1x2048xf32>
      %sub3A_169 = arith.subf %add3A_168, %add3A_161 : vector<1x2048xf32>
      %sub3A_170 = arith.subf %sub3A_169, %sub3A_167 : vector<1x2048xf32>
      %get3A_171 = arith.constant 24 : index
      %get3A_172 = arith.constant 0 : index
      %get3A_173 = vector.load %arg3[%get3A_171, %get3A_172] : memref<32x2048xf32, #tpu.memory_space<vmem>>, vector<1x2048xf32>
      %sub3A_174 = arith.subf %get3A_173, %sub3A_170 : vector<1x2048xf32>
      %add3A_175 = arith.addf %add3A_168, %sub3A_174 : vector<1x2048xf32>
      %sub3A_176 = arith.subf %add3A_175, %add3A_168 : vector<1x2048xf32>
      %sub3A_177 = arith.subf %sub3A_176, %sub3A_174 : vector<1x2048xf32>
      %get3A_178 = arith.constant 25 : index
      %get3A_179 = arith.constant 0 : index
      %get3A_180 = vector.load %arg3[%get3A_178, %get3A_179] : memref<32x2048xf32, #tpu.memory_space<vmem>>, vector<1x2048xf32>
      %sub3A_181 = arith.subf %get3A_180, %sub3A_177 : vector<1x2048xf32>
      %add3A_182 = arith.addf %add3A_175, %sub3A_181 : vector<1x2048xf32>
      %sub3A_183 = arith.subf %add3A_182, %add3A_175 : vector<1x2048xf32>
      %sub3A_184 = arith.subf %sub3A_183, %sub3A_181 : vector<1x2048xf32>
      %get3A_185 = arith.constant 26 : index
      %get3A_186 = arith.constant 0 : index
      %get3A_187 = vector.load %arg3[%get3A_185, %get3A_186] : memref<32x2048xf32, #tpu.memory_space<vmem>>, vector<1x2048xf32>
      %sub3A_188 = arith.subf %get3A_187, %sub3A_184 : vector<1x2048xf32>
      %add3A_189 = arith.addf %add3A_182, %sub3A_188 : vector<1x2048xf32>
      %sub3A_190 = arith.subf %add3A_189, %add3A_182 : vector<1x2048xf32>
      %sub3A_191 = arith.subf %sub3A_190, %sub3A_188 : vector<1x2048xf32>
      %get3A_192 = arith.constant 27 : index
      %get3A_193 = arith.constant 0 : index
      %get3A_194 = vector.load %arg3[%get3A_192, %get3A_193] : memref<32x2048xf32, #tpu.memory_space<vmem>>, vector<1x2048xf32>
      %sub3A_195 = arith.subf %get3A_194, %sub3A_191 : vector<1x2048xf32>
      %add3A_196 = arith.addf %add3A_189, %sub3A_195 : vector<1x2048xf32>
      %sub3A_197 = arith.subf %add3A_196, %add3A_189 : vector<1x2048xf32>
      %sub3A_198 = arith.subf %sub3A_197, %sub3A_195 : vector<1x2048xf32>
      %get3A_199 = arith.constant 28 : index
      %get3A_200 = arith.constant 0 : index
      %get3A_201 = vector.load %arg3[%get3A_199, %get3A_200] : memref<32x2048xf32, #tpu.memory_space<vmem>>, vector<1x2048xf32>
      %sub3A_202 = arith.subf %get3A_201, %sub3A_198 : vector<1x2048xf32>
      %add3A_203 = arith.addf %add3A_196, %sub3A_202 : vector<1x2048xf32>
      %sub3A_204 = arith.subf %add3A_203, %add3A_196 : vector<1x2048xf32>
      %sub3A_205 = arith.subf %sub3A_204, %sub3A_202 : vector<1x2048xf32>
      %get3A_206 = arith.constant 29 : index
      %get3A_207 = arith.constant 0 : index
      %get3A_208 = vector.load %arg3[%get3A_206, %get3A_207] : memref<32x2048xf32, #tpu.memory_space<vmem>>, vector<1x2048xf32>
      %sub3A_209 = arith.subf %get3A_208, %sub3A_205 : vector<1x2048xf32>
      %add3A_210 = arith.addf %add3A_203, %sub3A_209 : vector<1x2048xf32>
      %sub3A_211 = arith.subf %add3A_210, %add3A_203 : vector<1x2048xf32>
      %sub3A_212 = arith.subf %sub3A_211, %sub3A_209 : vector<1x2048xf32>
      %get3A_213 = arith.constant 30 : index
      %get3A_214 = arith.constant 0 : index
      %get3A_215 = vector.load %arg3[%get3A_213, %get3A_214] : memref<32x2048xf32, #tpu.memory_space<vmem>>, vector<1x2048xf32>
      %sub3A_216 = arith.subf %get3A_215, %sub3A_212 : vector<1x2048xf32>
      %add3A_217 = arith.addf %add3A_210, %sub3A_216 : vector<1x2048xf32>
      %sub3A_218 = arith.subf %add3A_217, %add3A_210 : vector<1x2048xf32>
      %sub3A_219 = arith.subf %sub3A_218, %sub3A_216 : vector<1x2048xf32>
      %get3A_220 = arith.constant 31 : index
      %get3A_221 = arith.constant 0 : index
      %get3A_222 = vector.load %arg3[%get3A_220, %get3A_221] : memref<32x2048xf32, #tpu.memory_space<vmem>>, vector<1x2048xf32>
      %sub3A_223 = arith.subf %get3A_222, %sub3A_219 : vector<1x2048xf32>
      %add3A_224 = arith.addf %add3A_217, %sub3A_223 : vector<1x2048xf32>
      %broadcast_in_dim3A_225 = arith.constant 1.000000e+00 : f32
      %broadcast_in_dim3A_226 = vector.broadcast %broadcast_in_dim3A_225 : f32 to vector<256x1xf32>
      %swap3A_227 = arith.constant 1792 : index
      %swap3A_228 = arith.constant 0 : index
      %swap3A_229 = vector.load %arg4[%swap3A_227, %swap3A_228] : memref<2048x1xf32, #tpu.memory_space<vmem>>, vector<256x1xf32>
      tpu.vector_store %arg4[%swap3A_227, %swap3A_228], %broadcast_in_dim3A_226 {strides = array<i32>} : memref<2048x1xf32, #tpu.memory_space<vmem>>, vector<256x1xf32>,
      %iota3A = tpu.iota {dimensions = array<i32: 0>} : vector<256x2048xi32>
      %add3A_230 = arith.constant 0 : i32
      %add3A_231 = vector.broadcast %add3A_230 : i32 to vector<256x2048xi32>
      %add3A_232 = arith.addi %iota3A, %add3A_231 : vector<256x2048xi32>
      %iota3A_233 = tpu.iota {dimensions = array<i32: 1>} : vector<256x2048xi32>
      %eq3A_234 = arith.cmpi eq, %add3A_232, %iota3A_233 : vector<256x2048xi32>
      %jit3A = arith.constant 1.000000e+00 : f32
      %jit3A_235 = arith.constant 0.000000e+00 : f32
      %broadcast_in_dim3A_236 = vector.broadcast %jit3A : f32 to vector<256x2048xf32>
      %broadcast_in_dim3A_237 = vector.broadcast %jit3A_235 : f32 to vector<256x2048xf32>
      %select_n3A = arith.select %eq3A_234, %broadcast_in_dim3A_236, %broadcast_in_dim3A_237 : vector<256x2048xi1>, vector<256x2048xf32>
      %mul3A = vector.broadcast %add3A_224 : vector<1x2048xf32> to vector<256x2048xf32>
      %mul3A_238 = arith.mulf %select_n3A, %mul3A : vector<256x2048xf32>
      %reduce_sum3A_239 = arith.constant dense<0.000000e+00> : vector<256xf32>
      %reduce_sum3A_240 = vector.multi_reduction <add>, %mul3A_238, %reduce_sum3A_239 [1] : vector<256x2048xf32> to vector<256xf32>
      %broadcast_in_dim3A_241 = vector.shape_cast %reduce_sum3A_240 : vector<256xf32> to vector<256x1xf32>
      %ge3A = arith.constant 64 : i32
      %ge3A_242 = vector.broadcast %ge3A : i32 to vector<256x2048xi32>
      %ge3A_243 = arith.cmpi sge, %iota3A_233, %ge3A_242 : vector<256x2048xi32>
      %lt3A = arith.constant 1664 : i32
      %lt3A_244 = vector.broadcast %lt3A : i32 to vector<256x2048xi32>
      %lt3A_245 = arith.cmpi slt, %iota3A_233, %lt3A_244 : vector<256x2048xi32>
      %and3A = arith.andi %ge3A_243, %lt3A_245 : vector<256x2048xi1>
      %gt3A = vector.broadcast %add3A_224 : vector<1x2048xf32> to vector<256x2048xf32>
      %gt3A_246 = vector.broadcast %broadcast_in_dim3A_241 : vector<256x1xf32> to vector<256x2048xf32>
      %gt3A_247 = arith.cmpf ogt, %gt3A, %gt3A_246 : vector<256x2048xf32>
      %eq3A_248 = vector.broadcast %add3A_224 : vector<1x2048xf32> to vector<256x2048xf32>
      %eq3A_249 = vector.broadcast %broadcast_in_dim3A_241 : vector<256x1xf32> to vector<256x2048xf32>
      %eq3A_250 = arith.cmpf oeq, %eq3A_248, %eq3A_249 : vector<256x2048xf32>
      %lt3A_251 = arith.cmpi slt, %iota3A_233, %add3A_232 : vector<256x2048xi32>
      %and3A_252 = arith.andi %eq3A_250, %lt3A_251 : vector<256x2048xi1>
      %or3A = arith.ori %gt3A_247, %and3A_252 : vector<256x2048xi1>
      %and3A_253 = arith.andi %and3A, %or3A : vector<256x2048xi1>
      %jit3A_254 = arith.constant 1.000000e+00 : f32
      %jit3A_255 = arith.constant 0.000000e+00 : f32
      %broadcast_in_dim3A_256 = vector.broadcast %jit3A_254 : f32 to vector<256x2048xf32>
      %broadcast_in_dim3A_257 = vector.broadcast %jit3A_255 : f32 to vector<256x2048xf32>
      %select_n3A_258 = arith.select %and3A_253, %broadcast_in_dim3A_256, %broadcast_in_dim3A_257 : vector<256x2048xi1>, vector<256x2048xf32>
      %reduce_sum3A_259 = arith.constant dense<0.000000e+00> : vector<256xf32>
      %reduce_sum3A_260 = vector.multi_reduction <add>, %select_n3A_258, %reduce_sum3A_259 [1] : vector<256x2048xf32> to vector<256xf32>
      %broadcast_in_dim3A_261 = vector.shape_cast %reduce_sum3A_260 : vector<256xf32> to vector<256x1xf32>
      %iota3A_262 = tpu.iota {dimensions = array<i32: 0>} : vector<256x1xi32>
      %add3A_263 = arith.constant 0 : i32
      %add3A_264 = vector.broadcast %add3A_263 : i32 to vector<256x1xi32>
      %add3A_265 = arith.addi %iota3A_262, %add3A_264 : vector<256x1xi32>
      %ge3A_266 = arith.constant 64 : i32
      %ge3A_267 = vector.broadcast %ge3A_266 : i32 to vector<256x1xi32>
      %ge3A_268 = arith.cmpi sge, %add3A_265, %ge3A_267 : vector<256x1xi32>
      %lt3A_269 = arith.constant 1664 : i32
      %lt3A_270 = vector.broadcast %lt3A_269 : i32 to vector<256x1xi32>
      %lt3A_271 = arith.cmpi slt, %add3A_265, %lt3A_270 : vector<256x1xi32>
      %and3A_272 = arith.andi %ge3A_268, %lt3A_271 : vector<256x1xi1>
      %lt3A_273 = arith.constant 1.120000e+03 : f32
      %lt3A_274 = vector.broadcast %lt3A_273 : f32 to vector<256x1xf32>
      %lt3A_275 = arith.cmpf olt, %broadcast_in_dim3A_261, %lt3A_274 : vector<256x1xf32>
      %and3A_276 = arith.andi %and3A_272, %lt3A_275 : vector<256x1xi1>
      %not3A = arith.constant dense<true> : vector<256x1xi1>
      %not3A_277 = arith.xori %and3A_272, %not3A : vector<256x1xi1>
      %or3A_278 = arith.ori %and3A_276, %not3A_277 : vector<256x1xi1>
      %jit3A_279 = arith.constant 1.000000e+00 : f32
      %jit3A_280 = arith.constant 0.000000e+00 : f32
      %broadcast_in_dim3A_281 = vector.broadcast %jit3A_279 : f32 to vector<256x1xf32>
      %broadcast_in_dim3A_282 = vector.broadcast %jit3A_280 : f32 to vector<256x1xf32>
      %select_n3A_283 = arith.select %or3A_278, %broadcast_in_dim3A_281, %broadcast_in_dim3A_282 : vector<256x1xi1>, vector<256x1xf32>
      %swap3A_284 = arith.constant 0 : index
      %swap3A_285 = arith.constant 0 : index
      %swap3A_286 = vector.load %arg4[%swap3A_284, %swap3A_285] : memref<2048x1xf32, #tpu.memory_space<vmem>>, vector<256x1xf32>
      tpu.vector_store %arg4[%swap3A_284, %swap3A_285], %select_n3A_283 {strides = array<i32>} : memref<2048x1xf32, #tpu.memory_space<vmem>>, vector<256x1xf32>,
      %iota3A_287 = tpu.iota {dimensions = array<i32: 0>} : vector<256x2048xi32>
      %add3A_288 = arith.constant 256 : i32
      %add3A_289 = vector.broadcast %add3A_288 : i32 to vector<256x2048xi32>
      %add3A_290 = arith.addi %iota3A_287, %add3A_289 : vector<256x2048xi32>
      %iota3A_291 = tpu.iota {dimensions = array<i32: 1>} : vector<256x2048xi32>
      %eq3A_292 = arith.cmpi eq, %add3A_290, %iota3A_291 : vector<256x2048xi32>
      %jit3A_293 = arith.constant 1.000000e+00 : f32
      %jit3A_294 = arith.constant 0.000000e+00 : f32
      %broadcast_in_dim3A_295 = vector.broadcast %jit3A_293 : f32 to vector<256x2048xf32>
      %broadcast_in_dim3A_296 = vector.broadcast %jit3A_294 : f32 to vector<256x2048xf32>
      %select_n3A_297 = arith.select %eq3A_292, %broadcast_in_dim3A_295, %broadcast_in_dim3A_296 : vector<256x2048xi1>, vector<256x2048xf32>
      %mul3A_298 = vector.broadcast %add3A_224 : vector<1x2048xf32> to vector<256x2048xf32>
      %mul3A_299 = arith.mulf %select_n3A_297, %mul3A_298 : vector<256x2048xf32>
      %reduce_sum3A_300 = arith.constant dense<0.000000e+00> : vector<256xf32>
      %reduce_sum3A_301 = vector.multi_reduction <add>, %mul3A_299, %reduce_sum3A_300 [1] : vector<256x2048xf32> to vector<256xf32>
      %broadcast_in_dim3A_302 = vector.shape_cast %reduce_sum3A_301 : vector<256xf32> to vector<256x1xf32>
      %ge3A_303 = arith.constant 64 : i32
      %ge3A_304 = vector.broadcast %ge3A_303 : i32 to vector<256x2048xi32>
      %ge3A_305 = arith.cmpi sge, %iota3A_291, %ge3A_304 : vector<256x2048xi32>
      %lt3A_306 = arith.constant 1664 : i32
      %lt3A_307 = vector.broadcast %lt3A_306 : i32 to vector<256x2048xi32>
      %lt3A_308 = arith.cmpi slt, %iota3A_291, %lt3A_307 : vector<256x2048xi32>
      %and3A_309 = arith.andi %ge3A_305, %lt3A_308 : vector<256x2048xi1>
      %gt3A_310 = vector.broadcast %add3A_224 : vector<1x2048xf32> to vector<256x2048xf32>
      %gt3A_311 = vector.broadcast %broadcast_in_dim3A_302 : vector<256x1xf32> to vector<256x2048xf32>
      %gt3A_312 = arith.cmpf ogt, %gt3A_310, %gt3A_311 : vector<256x2048xf32>
      %eq3A_313 = vector.broadcast %add3A_224 : vector<1x2048xf32> to vector<256x2048xf32>
      %eq3A_314 = vector.broadcast %broadcast_in_dim3A_302 : vector<256x1xf32> to vector<256x2048xf32>
      %eq3A_315 = arith.cmpf oeq, %eq3A_313, %eq3A_314 : vector<256x2048xf32>
      %lt3A_316 = arith.cmpi slt, %iota3A_291, %add3A_290 : vector<256x2048xi32>
      %and3A_317 = arith.andi %eq3A_315, %lt3A_316 : vector<256x2048xi1>
      %or3A_318 = arith.ori %gt3A_312, %and3A_317 : vector<256x2048xi1>
      %and3A_319 = arith.andi %and3A_309, %or3A_318 : vector<256x2048xi1>
      %jit3A_320 = arith.constant 1.000000e+00 : f32
      %jit3A_321 = arith.constant 0.000000e+00 : f32
      %broadcast_in_dim3A_322 = vector.broadcast %jit3A_320 : f32 to vector<256x2048xf32>
      %broadcast_in_dim3A_323 = vector.broadcast %jit3A_321 : f32 to vector<256x2048xf32>
      %select_n3A_324 = arith.select %and3A_319, %broadcast_in_dim3A_322, %broadcast_in_dim3A_323 : vector<256x2048xi1>, vector<256x2048xf32>
      %reduce_sum3A_325 = arith.constant dense<0.000000e+00> : vector<256xf32>
      %reduce_sum3A_326 = vector.multi_reduction <add>, %select_n3A_324, %reduce_sum3A_325 [1] : vector<256x2048xf32> to vector<256xf32>
      %broadcast_in_dim3A_327 = vector.shape_cast %reduce_sum3A_326 : vector<256xf32> to vector<256x1xf32>
      %iota3A_328 = tpu.iota {dimensions = array<i32: 0>} : vector<256x1xi32>
      %add3A_329 = arith.constant 256 : i32
      %add3A_330 = vector.broadcast %add3A_329 : i32 to vector<256x1xi32>
      %add3A_331 = arith.addi %iota3A_328, %add3A_330 : vector<256x1xi32>
      %ge3A_332 = arith.constant 64 : i32
      %ge3A_333 = vector.broadcast %ge3A_332 : i32 to vector<256x1xi32>
      %ge3A_334 = arith.cmpi sge, %add3A_331, %ge3A_333 : vector<256x1xi32>
      %lt3A_335 = arith.constant 1664 : i32
      %lt3A_336 = vector.broadcast %lt3A_335 : i32 to vector<256x1xi32>
      %lt3A_337 = arith.cmpi slt, %add3A_331, %lt3A_336 : vector<256x1xi32>
      %and3A_338 = arith.andi %ge3A_334, %lt3A_337 : vector<256x1xi1>
      %lt3A_339 = arith.constant 1.120000e+03 : f32
      %lt3A_340 = vector.broadcast %lt3A_339 : f32 to vector<256x1xf32>
      %lt3A_341 = arith.cmpf olt, %broadcast_in_dim3A_327, %lt3A_340 : vector<256x1xf32>
      %and3A_342 = arith.andi %and3A_338, %lt3A_341 : vector<256x1xi1>
      %not3A_343 = arith.constant dense<true> : vector<256x1xi1>
      %not3A_344 = arith.xori %and3A_338, %not3A_343 : vector<256x1xi1>
      %or3A_345 = arith.ori %and3A_342, %not3A_344 : vector<256x1xi1>
      %jit3A_346 = arith.constant 1.000000e+00 : f32
      %jit3A_347 = arith.constant 0.000000e+00 : f32
      %broadcast_in_dim3A_348 = vector.broadcast %jit3A_346 : f32 to vector<256x1xf32>
      %broadcast_in_dim3A_349 = vector.broadcast %jit3A_347 : f32 to vector<256x1xf32>
      %select_n3A_350 = arith.select %or3A_345, %broadcast_in_dim3A_348, %broadcast_in_dim3A_349 : vector<256x1xi1>, vector<256x1xf32>
      %swap3A_351 = arith.constant 256 : index
      %swap3A_352 = arith.constant 0 : index
      %swap3A_353 = vector.load %arg4[%swap3A_351, %swap3A_352] : memref<2048x1xf32, #tpu.memory_space<vmem>>, vector<256x1xf32>
      tpu.vector_store %arg4[%swap3A_351, %swap3A_352], %select_n3A_350 {strides = array<i32>} : memref<2048x1xf32, #tpu.memory_space<vmem>>, vector<256x1xf32>,
      %iota3A_354 = tpu.iota {dimensions = array<i32: 0>} : vector<256x2048xi32>
      %add3A_355 = arith.constant 512 : i32
      %add3A_356 = vector.broadcast %add3A_355 : i32 to vector<256x2048xi32>
      %add3A_357 = arith.addi %iota3A_354, %add3A_356 : vector<256x2048xi32>
      %iota3A_358 = tpu.iota {dimensions = array<i32: 1>} : vector<256x2048xi32>
      %eq3A_359 = arith.cmpi eq, %add3A_357, %iota3A_358 : vector<256x2048xi32>
      %jit3A_360 = arith.constant 1.000000e+00 : f32
      %jit3A_361 = arith.constant 0.000000e+00 : f32
      %broadcast_in_dim3A_362 = vector.broadcast %jit3A_360 : f32 to vector<256x2048xf32>
      %broadcast_in_dim3A_363 = vector.broadcast %jit3A_361 : f32 to vector<256x2048xf32>
      %select_n3A_364 = arith.select %eq3A_359, %broadcast_in_dim3A_362, %broadcast_in_dim3A_363 : vector<256x2048xi1>, vector<256x2048xf32>
      %mul3A_365 = vector.broadcast %add3A_224 : vector<1x2048xf32> to vector<256x2048xf32>
      %mul3A_366 = arith.mulf %select_n3A_364, %mul3A_365 : vector<256x2048xf32>
      %reduce_sum3A_367 = arith.constant dense<0.000000e+00> : vector<256xf32>
      %reduce_sum3A_368 = vector.multi_reduction <add>, %mul3A_366, %reduce_sum3A_367 [1] : vector<256x2048xf32> to vector<256xf32>
      %broadcast_in_dim3A_369 = vector.shape_cast %reduce_sum3A_368 : vector<256xf32> to vector<256x1xf32>
      %ge3A_370 = arith.constant 64 : i32
      %ge3A_371 = vector.broadcast %ge3A_370 : i32 to vector<256x2048xi32>
      %ge3A_372 = arith.cmpi sge, %iota3A_358, %ge3A_371 : vector<256x2048xi32>
      %lt3A_373 = arith.constant 1664 : i32
      %lt3A_374 = vector.broadcast %lt3A_373 : i32 to vector<256x2048xi32>
      %lt3A_375 = arith.cmpi slt, %iota3A_358, %lt3A_374 : vector<256x2048xi32>
      %and3A_376 = arith.andi %ge3A_372, %lt3A_375 : vector<256x2048xi1>
      %gt3A_377 = vector.broadcast %add3A_224 : vector<1x2048xf32> to vector<256x2048xf32>
      %gt3A_378 = vector.broadcast %broadcast_in_dim3A_369 : vector<256x1xf32> to vector<256x2048xf32>
      %gt3A_379 = arith.cmpf ogt, %gt3A_377, %gt3A_378 : vector<256x2048xf32>
      %eq3A_380 = vector.broadcast %add3A_224 : vector<1x2048xf32> to vector<256x2048xf32>
      %eq3A_381 = vector.broadcast %broadcast_in_dim3A_369 : vector<256x1xf32> to vector<256x2048xf32>
      %eq3A_382 = arith.cmpf oeq, %eq3A_380, %eq3A_381 : vector<256x2048xf32>
      %lt3A_383 = arith.cmpi slt, %iota3A_358, %add3A_357 : vector<256x2048xi32>
      %and3A_384 = arith.andi %eq3A_382, %lt3A_383 : vector<256x2048xi1>
      %or3A_385 = arith.ori %gt3A_379, %and3A_384 : vector<256x2048xi1>
      %and3A_386 = arith.andi %and3A_376, %or3A_385 : vector<256x2048xi1>
      %jit3A_387 = arith.constant 1.000000e+00 : f32
      %jit3A_388 = arith.constant 0.000000e+00 : f32
      %broadcast_in_dim3A_389 = vector.broadcast %jit3A_387 : f32 to vector<256x2048xf32>
      %broadcast_in_dim3A_390 = vector.broadcast %jit3A_388 : f32 to vector<256x2048xf32>
      %select_n3A_391 = arith.select %and3A_386, %broadcast_in_dim3A_389, %broadcast_in_dim3A_390 : vector<256x2048xi1>, vector<256x2048xf32>
      %reduce_sum3A_392 = arith.constant dense<0.000000e+00> : vector<256xf32>
      %reduce_sum3A_393 = vector.multi_reduction <add>, %select_n3A_391, %reduce_sum3A_392 [1] : vector<256x2048xf32> to vector<256xf32>
      %broadcast_in_dim3A_394 = vector.shape_cast %reduce_sum3A_393 : vector<256xf32> to vector<256x1xf32>
      %iota3A_395 = tpu.iota {dimensions = array<i32: 0>} : vector<256x1xi32>
      %add3A_396 = arith.constant 512 : i32
      %add3A_397 = vector.broadcast %add3A_396 : i32 to vector<256x1xi32>
      %add3A_398 = arith.addi %iota3A_395, %add3A_397 : vector<256x1xi32>
      %ge3A_399 = arith.constant 64 : i32
      %ge3A_400 = vector.broadcast %ge3A_399 : i32 to vector<256x1xi32>
      %ge3A_401 = arith.cmpi sge, %add3A_398, %ge3A_400 : vector<256x1xi32>
      %lt3A_402 = arith.constant 1664 : i32
      %lt3A_403 = vector.broadcast %lt3A_402 : i32 to vector<256x1xi32>
      %lt3A_404 = arith.cmpi slt, %add3A_398, %lt3A_403 : vector<256x1xi32>
      %and3A_405 = arith.andi %ge3A_401, %lt3A_404 : vector<256x1xi1>
      %lt3A_406 = arith.constant 1.120000e+03 : f32
      %lt3A_407 = vector.broadcast %lt3A_406 : f32 to vector<256x1xf32>
      %lt3A_408 = arith.cmpf olt, %broadcast_in_dim3A_394, %lt3A_407 : vector<256x1xf32>
      %and3A_409 = arith.andi %and3A_405, %lt3A_408 : vector<256x1xi1>
      %not3A_410 = arith.constant dense<true> : vector<256x1xi1>
      %not3A_411 = arith.xori %and3A_405, %not3A_410 : vector<256x1xi1>
      %or3A_412 = arith.ori %and3A_409, %not3A_411 : vector<256x1xi1>
      %jit3A_413 = arith.constant 1.000000e+00 : f32
      %jit3A_414 = arith.constant 0.000000e+00 : f32
      %broadcast_in_dim3A_415 = vector.broadcast %jit3A_413 : f32 to vector<256x1xf32>
      %broadcast_in_dim3A_416 = vector.broadcast %jit3A_414 : f32 to vector<256x1xf32>
      %select_n3A_417 = arith.select %or3A_412, %broadcast_in_dim3A_415, %broadcast_in_dim3A_416 : vector<256x1xi1>, vector<256x1xf32>
      %swap3A_418 = arith.constant 512 : index
      %swap3A_419 = arith.constant 0 : index
      %swap3A_420 = vector.load %arg4[%swap3A_418, %swap3A_419] : memref<2048x1xf32, #tpu.memory_space<vmem>>, vector<256x1xf32>
      tpu.vector_store %arg4[%swap3A_418, %swap3A_419], %select_n3A_417 {strides = array<i32>} : memref<2048x1xf32, #tpu.memory_space<vmem>>, vector<256x1xf32>,
      %iota3A_421 = tpu.iota {dimensions = array<i32: 0>} : vector<256x2048xi32>
      %add3A_422 = arith.constant 768 : i32
      %add3A_423 = vector.broadcast %add3A_422 : i32 to vector<256x2048xi32>
      %add3A_424 = arith.addi %iota3A_421, %add3A_423 : vector<256x2048xi32>
      %iota3A_425 = tpu.iota {dimensions = array<i32: 1>} : vector<256x2048xi32>
      %eq3A_426 = arith.cmpi eq, %add3A_424, %iota3A_425 : vector<256x2048xi32>
      %jit3A_427 = arith.constant 1.000000e+00 : f32
      %jit3A_428 = arith.constant 0.000000e+00 : f32
      %broadcast_in_dim3A_429 = vector.broadcast %jit3A_427 : f32 to vector<256x2048xf32>
      %broadcast_in_dim3A_430 = vector.broadcast %jit3A_428 : f32 to vector<256x2048xf32>
      %select_n3A_431 = arith.select %eq3A_426, %broadcast_in_dim3A_429, %broadcast_in_dim3A_430 : vector<256x2048xi1>, vector<256x2048xf32>
      %mul3A_432 = vector.broadcast %add3A_224 : vector<1x2048xf32> to vector<256x2048xf32>
      %mul3A_433 = arith.mulf %select_n3A_431, %mul3A_432 : vector<256x2048xf32>
      %reduce_sum3A_434 = arith.constant dense<0.000000e+00> : vector<256xf32>
      %reduce_sum3A_435 = vector.multi_reduction <add>, %mul3A_433, %reduce_sum3A_434 [1] : vector<256x2048xf32> to vector<256xf32>
      %broadcast_in_dim3A_436 = vector.shape_cast %reduce_sum3A_435 : vector<256xf32> to vector<256x1xf32>
      %ge3A_437 = arith.constant 64 : i32
      %ge3A_438 = vector.broadcast %ge3A_437 : i32 to vector<256x2048xi32>
      %ge3A_439 = arith.cmpi sge, %iota3A_425, %ge3A_438 : vector<256x2048xi32>
      %lt3A_440 = arith.constant 1664 : i32
      %lt3A_441 = vector.broadcast %lt3A_440 : i32 to vector<256x2048xi32>
      %lt3A_442 = arith.cmpi slt, %iota3A_425, %lt3A_441 : vector<256x2048xi32>
      %and3A_443 = arith.andi %ge3A_439, %lt3A_442 : vector<256x2048xi1>
      %gt3A_444 = vector.broadcast %add3A_224 : vector<1x2048xf32> to vector<256x2048xf32>
      %gt3A_445 = vector.broadcast %broadcast_in_dim3A_436 : vector<256x1xf32> to vector<256x2048xf32>
      %gt3A_446 = arith.cmpf ogt, %gt3A_444, %gt3A_445 : vector<256x2048xf32>
      %eq3A_447 = vector.broadcast %add3A_224 : vector<1x2048xf32> to vector<256x2048xf32>
      %eq3A_448 = vector.broadcast %broadcast_in_dim3A_436 : vector<256x1xf32> to vector<256x2048xf32>
      %eq3A_449 = arith.cmpf oeq, %eq3A_447, %eq3A_448 : vector<256x2048xf32>
      %lt3A_450 = arith.cmpi slt, %iota3A_425, %add3A_424 : vector<256x2048xi32>
      %and3A_451 = arith.andi %eq3A_449, %lt3A_450 : vector<256x2048xi1>
      %or3A_452 = arith.ori %gt3A_446, %and3A_451 : vector<256x2048xi1>
      %and3A_453 = arith.andi %and3A_443, %or3A_452 : vector<256x2048xi1>
      %jit3A_454 = arith.constant 1.000000e+00 : f32
      %jit3A_455 = arith.constant 0.000000e+00 : f32
      %broadcast_in_dim3A_456 = vector.broadcast %jit3A_454 : f32 to vector<256x2048xf32>
      %broadcast_in_dim3A_457 = vector.broadcast %jit3A_455 : f32 to vector<256x2048xf32>
      %select_n3A_458 = arith.select %and3A_453, %broadcast_in_dim3A_456, %broadcast_in_dim3A_457 : vector<256x2048xi1>, vector<256x2048xf32>
      %reduce_sum3A_459 = arith.constant dense<0.000000e+00> : vector<256xf32>
      %reduce_sum3A_460 = vector.multi_reduction <add>, %select_n3A_458, %reduce_sum3A_459 [1] : vector<256x2048xf32> to vector<256xf32>
      %broadcast_in_dim3A_461 = vector.shape_cast %reduce_sum3A_460 : vector<256xf32> to vector<256x1xf32>
      %iota3A_462 = tpu.iota {dimensions = array<i32: 0>} : vector<256x1xi32>
      %add3A_463 = arith.constant 768 : i32
      %add3A_464 = vector.broadcast %add3A_463 : i32 to vector<256x1xi32>
      %add3A_465 = arith.addi %iota3A_462, %add3A_464 : vector<256x1xi32>
      %ge3A_466 = arith.constant 64 : i32
      %ge3A_467 = vector.broadcast %ge3A_466 : i32 to vector<256x1xi32>
      %ge3A_468 = arith.cmpi sge, %add3A_465, %ge3A_467 : vector<256x1xi32>
      %lt3A_469 = arith.constant 1664 : i32
      %lt3A_470 = vector.broadcast %lt3A_469 : i32 to vector<256x1xi32>
      %lt3A_471 = arith.cmpi slt, %add3A_465, %lt3A_470 : vector<256x1xi32>
      %and3A_472 = arith.andi %ge3A_468, %lt3A_471 : vector<256x1xi1>
      %lt3A_473 = arith.constant 1.120000e+03 : f32
      %lt3A_474 = vector.broadcast %lt3A_473 : f32 to vector<256x1xf32>
      %lt3A_475 = arith.cmpf olt, %broadcast_in_dim3A_461, %lt3A_474 : vector<256x1xf32>
      %and3A_476 = arith.andi %and3A_472, %lt3A_475 : vector<256x1xi1>
      %not3A_477 = arith.constant dense<true> : vector<256x1xi1>
      %not3A_478 = arith.xori %and3A_472, %not3A_477 : vector<256x1xi1>
      %or3A_479 = arith.ori %and3A_476, %not3A_478 : vector<256x1xi1>
      %jit3A_480 = arith.constant 1.000000e+00 : f32
      %jit3A_481 = arith.constant 0.000000e+00 : f32
      %broadcast_in_dim3A_482 = vector.broadcast %jit3A_480 : f32 to vector<256x1xf32>
      %broadcast_in_dim3A_483 = vector.broadcast %jit3A_481 : f32 to vector<256x1xf32>
      %select_n3A_484 = arith.select %or3A_479, %broadcast_in_dim3A_482, %broadcast_in_dim3A_483 : vector<256x1xi1>, vector<256x1xf32>
      %swap3A_485 = arith.constant 768 : index
      %swap3A_486 = arith.constant 0 : index
      %swap3A_487 = vector.load %arg4[%swap3A_485, %swap3A_486] : memref<2048x1xf32, #tpu.memory_space<vmem>>, vector<256x1xf32>
      tpu.vector_store %arg4[%swap3A_485, %swap3A_486], %select_n3A_484 {strides = array<i32>} : memref<2048x1xf32, #tpu.memory_space<vmem>>, vector<256x1xf32>,
      %iota3A_488 = tpu.iota {dimensions = array<i32: 0>} : vector<256x2048xi32>
      %add3A_489 = arith.constant 1024 : i32
      %add3A_490 = vector.broadcast %add3A_489 : i32 to vector<256x2048xi32>
      %add3A_491 = arith.addi %iota3A_488, %add3A_490 : vector<256x2048xi32>
      %iota3A_492 = tpu.iota {dimensions = array<i32: 1>} : vector<256x2048xi32>
      %eq3A_493 = arith.cmpi eq, %add3A_491, %iota3A_492 : vector<256x2048xi32>
      %jit3A_494 = arith.constant 1.000000e+00 : f32
      %jit3A_495 = arith.constant 0.000000e+00 : f32
      %broadcast_in_dim3A_496 = vector.broadcast %jit3A_494 : f32 to vector<256x2048xf32>
      %broadcast_in_dim3A_497 = vector.broadcast %jit3A_495 : f32 to vector<256x2048xf32>
      %select_n3A_498 = arith.select %eq3A_493, %broadcast_in_dim3A_496, %broadcast_in_dim3A_497 : vector<256x2048xi1>, vector<256x2048xf32>
      %mul3A_499 = vector.broadcast %add3A_224 : vector<1x2048xf32> to vector<256x2048xf32>
      %mul3A_500 = arith.mulf %select_n3A_498, %mul3A_499 : vector<256x2048xf32>
      %reduce_sum3A_501 = arith.constant dense<0.000000e+00> : vector<256xf32>
      %reduce_sum3A_502 = vector.multi_reduction <add>, %mul3A_500, %reduce_sum3A_501 [1] : vector<256x2048xf32> to vector<256xf32>
      %broadcast_in_dim3A_503 = vector.shape_cast %reduce_sum3A_502 : vector<256xf32> to vector<256x1xf32>
      %ge3A_504 = arith.constant 64 : i32
      %ge3A_505 = vector.broadcast %ge3A_504 : i32 to vector<256x2048xi32>
      %ge3A_506 = arith.cmpi sge, %iota3A_492, %ge3A_505 : vector<256x2048xi32>
      %lt3A_507 = arith.constant 1664 : i32
      %lt3A_508 = vector.broadcast %lt3A_507 : i32 to vector<256x2048xi32>
      %lt3A_509 = arith.cmpi slt, %iota3A_492, %lt3A_508 : vector<256x2048xi32>
      %and3A_510 = arith.andi %ge3A_506, %lt3A_509 : vector<256x2048xi1>
      %gt3A_511 = vector.broadcast %add3A_224 : vector<1x2048xf32> to vector<256x2048xf32>
      %gt3A_512 = vector.broadcast %broadcast_in_dim3A_503 : vector<256x1xf32> to vector<256x2048xf32>
      %gt3A_513 = arith.cmpf ogt, %gt3A_511, %gt3A_512 : vector<256x2048xf32>
      %eq3A_514 = vector.broadcast %add3A_224 : vector<1x2048xf32> to vector<256x2048xf32>
      %eq3A_515 = vector.broadcast %broadcast_in_dim3A_503 : vector<256x1xf32> to vector<256x2048xf32>
      %eq3A_516 = arith.cmpf oeq, %eq3A_514, %eq3A_515 : vector<256x2048xf32>
      %lt3A_517 = arith.cmpi slt, %iota3A_492, %add3A_491 : vector<256x2048xi32>
      %and3A_518 = arith.andi %eq3A_516, %lt3A_517 : vector<256x2048xi1>
      %or3A_519 = arith.ori %gt3A_513, %and3A_518 : vector<256x2048xi1>
      %and3A_520 = arith.andi %and3A_510, %or3A_519 : vector<256x2048xi1>
      %jit3A_521 = arith.constant 1.000000e+00 : f32
      %jit3A_522 = arith.constant 0.000000e+00 : f32
      %broadcast_in_dim3A_523 = vector.broadcast %jit3A_521 : f32 to vector<256x2048xf32>
      %broadcast_in_dim3A_524 = vector.broadcast %jit3A_522 : f32 to vector<256x2048xf32>
      %select_n3A_525 = arith.select %and3A_520, %broadcast_in_dim3A_523, %broadcast_in_dim3A_524 : vector<256x2048xi1>, vector<256x2048xf32>
      %reduce_sum3A_526 = arith.constant dense<0.000000e+00> : vector<256xf32>
      %reduce_sum3A_527 = vector.multi_reduction <add>, %select_n3A_525, %reduce_sum3A_526 [1] : vector<256x2048xf32> to vector<256xf32>
      %broadcast_in_dim3A_528 = vector.shape_cast %reduce_sum3A_527 : vector<256xf32> to vector<256x1xf32>
      %iota3A_529 = tpu.iota {dimensions = array<i32: 0>} : vector<256x1xi32>
      %add3A_530 = arith.constant 1024 : i32
      %add3A_531 = vector.broadcast %add3A_530 : i32 to vector<256x1xi32>
      %add3A_532 = arith.addi %iota3A_529, %add3A_531 : vector<256x1xi32>
      %ge3A_533 = arith.constant 64 : i32
      %ge3A_534 = vector.broadcast %ge3A_533 : i32 to vector<256x1xi32>
      %ge3A_535 = arith.cmpi sge, %add3A_532, %ge3A_534 : vector<256x1xi32>
      %lt3A_536 = arith.constant 1664 : i32
      %lt3A_537 = vector.broadcast %lt3A_536 : i32 to vector<256x1xi32>
      %lt3A_538 = arith.cmpi slt, %add3A_532, %lt3A_537 : vector<256x1xi32>
      %and3A_539 = arith.andi %ge3A_535, %lt3A_538 : vector<256x1xi1>
      %lt3A_540 = arith.constant 1.120000e+03 : f32
      %lt3A_541 = vector.broadcast %lt3A_540 : f32 to vector<256x1xf32>
      %lt3A_542 = arith.cmpf olt, %broadcast_in_dim3A_528, %lt3A_541 : vector<256x1xf32>
      %and3A_543 = arith.andi %and3A_539, %lt3A_542 : vector<256x1xi1>
      %not3A_544 = arith.constant dense<true> : vector<256x1xi1>
      %not3A_545 = arith.xori %and3A_539, %not3A_544 : vector<256x1xi1>
      %or3A_546 = arith.ori %and3A_543, %not3A_545 : vector<256x1xi1>
      %jit3A_547 = arith.constant 1.000000e+00 : f32
      %jit3A_548 = arith.constant 0.000000e+00 : f32
      %broadcast_in_dim3A_549 = vector.broadcast %jit3A_547 : f32 to vector<256x1xf32>
      %broadcast_in_dim3A_550 = vector.broadcast %jit3A_548 : f32 to vector<256x1xf32>
      %select_n3A_551 = arith.select %or3A_546, %broadcast_in_dim3A_549, %broadcast_in_dim3A_550 : vector<256x1xi1>, vector<256x1xf32>
      %swap3A_552 = arith.constant 1024 : index
      %swap3A_553 = arith.constant 0 : index
      %swap3A_554 = vector.load %arg4[%swap3A_552, %swap3A_553] : memref<2048x1xf32, #tpu.memory_space<vmem>>, vector<256x1xf32>
      tpu.vector_store %arg4[%swap3A_552, %swap3A_553], %select_n3A_551 {strides = array<i32>} : memref<2048x1xf32, #tpu.memory_space<vmem>>, vector<256x1xf32>,
      %iota3A_555 = tpu.iota {dimensions = array<i32: 0>} : vector<256x2048xi32>
      %add3A_556 = arith.constant 1280 : i32
      %add3A_557 = vector.broadcast %add3A_556 : i32 to vector<256x2048xi32>
      %add3A_558 = arith.addi %iota3A_555, %add3A_557 : vector<256x2048xi32>
      %iota3A_559 = tpu.iota {dimensions = array<i32: 1>} : vector<256x2048xi32>
      %eq3A_560 = arith.cmpi eq, %add3A_558, %iota3A_559 : vector<256x2048xi32>
      %jit3A_561 = arith.constant 1.000000e+00 : f32
      %jit3A_562 = arith.constant 0.000000e+00 : f32
      %broadcast_in_dim3A_563 = vector.broadcast %jit3A_561 : f32 to vector<256x2048xf32>
      %broadcast_in_dim3A_564 = vector.broadcast %jit3A_562 : f32 to vector<256x2048xf32>
      %select_n3A_565 = arith.select %eq3A_560, %broadcast_in_dim3A_563, %broadcast_in_dim3A_564 : vector<256x2048xi1>, vector<256x2048xf32>
      %mul3A_566 = vector.broadcast %add3A_224 : vector<1x2048xf32> to vector<256x2048xf32>
      %mul3A_567 = arith.mulf %select_n3A_565, %mul3A_566 : vector<256x2048xf32>
      %reduce_sum3A_568 = arith.constant dense<0.000000e+00> : vector<256xf32>
      %reduce_sum3A_569 = vector.multi_reduction <add>, %mul3A_567, %reduce_sum3A_568 [1] : vector<256x2048xf32> to vector<256xf32>
      %broadcast_in_dim3A_570 = vector.shape_cast %reduce_sum3A_569 : vector<256xf32> to vector<256x1xf32>
      %ge3A_571 = arith.constant 64 : i32
      %ge3A_572 = vector.broadcast %ge3A_571 : i32 to vector<256x2048xi32>
      %ge3A_573 = arith.cmpi sge, %iota3A_559, %ge3A_572 : vector<256x2048xi32>
      %lt3A_574 = arith.constant 1664 : i32
      %lt3A_575 = vector.broadcast %lt3A_574 : i32 to vector<256x2048xi32>
      %lt3A_576 = arith.cmpi slt, %iota3A_559, %lt3A_575 : vector<256x2048xi32>
      %and3A_577 = arith.andi %ge3A_573, %lt3A_576 : vector<256x2048xi1>
      %gt3A_578 = vector.broadcast %add3A_224 : vector<1x2048xf32> to vector<256x2048xf32>
      %gt3A_579 = vector.broadcast %broadcast_in_dim3A_570 : vector<256x1xf32> to vector<256x2048xf32>
      %gt3A_580 = arith.cmpf ogt, %gt3A_578, %gt3A_579 : vector<256x2048xf32>
      %eq3A_581 = vector.broadcast %add3A_224 : vector<1x2048xf32> to vector<256x2048xf32>
      %eq3A_582 = vector.broadcast %broadcast_in_dim3A_570 : vector<256x1xf32> to vector<256x2048xf32>
      %eq3A_583 = arith.cmpf oeq, %eq3A_581, %eq3A_582 : vector<256x2048xf32>
      %lt3A_584 = arith.cmpi slt, %iota3A_559, %add3A_558 : vector<256x2048xi32>
      %and3A_585 = arith.andi %eq3A_583, %lt3A_584 : vector<256x2048xi1>
      %or3A_586 = arith.ori %gt3A_580, %and3A_585 : vector<256x2048xi1>
      %and3A_587 = arith.andi %and3A_577, %or3A_586 : vector<256x2048xi1>
      %jit3A_588 = arith.constant 1.000000e+00 : f32
      %jit3A_589 = arith.constant 0.000000e+00 : f32
      %broadcast_in_dim3A_590 = vector.broadcast %jit3A_588 : f32 to vector<256x2048xf32>
      %broadcast_in_dim3A_591 = vector.broadcast %jit3A_589 : f32 to vector<256x2048xf32>
      %select_n3A_592 = arith.select %and3A_587, %broadcast_in_dim3A_590, %broadcast_in_dim3A_591 : vector<256x2048xi1>, vector<256x2048xf32>
      %reduce_sum3A_593 = arith.constant dense<0.000000e+00> : vector<256xf32>
      %reduce_sum3A_594 = vector.multi_reduction <add>, %select_n3A_592, %reduce_sum3A_593 [1] : vector<256x2048xf32> to vector<256xf32>
      %broadcast_in_dim3A_595 = vector.shape_cast %reduce_sum3A_594 : vector<256xf32> to vector<256x1xf32>
      %iota3A_596 = tpu.iota {dimensions = array<i32: 0>} : vector<256x1xi32>
      %add3A_597 = arith.constant 1280 : i32
      %add3A_598 = vector.broadcast %add3A_597 : i32 to vector<256x1xi32>
      %add3A_599 = arith.addi %iota3A_596, %add3A_598 : vector<256x1xi32>
      %ge3A_600 = arith.constant 64 : i32
      %ge3A_601 = vector.broadcast %ge3A_600 : i32 to vector<256x1xi32>
      %ge3A_602 = arith.cmpi sge, %add3A_599, %ge3A_601 : vector<256x1xi32>
      %lt3A_603 = arith.constant 1664 : i32
      %lt3A_604 = vector.broadcast %lt3A_603 : i32 to vector<256x1xi32>
      %lt3A_605 = arith.cmpi slt, %add3A_599, %lt3A_604 : vector<256x1xi32>
      %and3A_606 = arith.andi %ge3A_602, %lt3A_605 : vector<256x1xi1>
      %lt3A_607 = arith.constant 1.120000e+03 : f32
      %lt3A_608 = vector.broadcast %lt3A_607 : f32 to vector<256x1xf32>
      %lt3A_609 = arith.cmpf olt, %broadcast_in_dim3A_595, %lt3A_608 : vector<256x1xf32>
      %and3A_610 = arith.andi %and3A_606, %lt3A_609 : vector<256x1xi1>
      %not3A_611 = arith.constant dense<true> : vector<256x1xi1>
      %not3A_612 = arith.xori %and3A_606, %not3A_611 : vector<256x1xi1>
      %or3A_613 = arith.ori %and3A_610, %not3A_612 : vector<256x1xi1>
      %jit3A_614 = arith.constant 1.000000e+00 : f32
      %jit3A_615 = arith.constant 0.000000e+00 : f32
      %broadcast_in_dim3A_616 = vector.broadcast %jit3A_614 : f32 to vector<256x1xf32>
      %broadcast_in_dim3A_617 = vector.broadcast %jit3A_615 : f32 to vector<256x1xf32>
      %select_n3A_618 = arith.select %or3A_613, %broadcast_in_dim3A_616, %broadcast_in_dim3A_617 : vector<256x1xi1>, vector<256x1xf32>
      %swap3A_619 = arith.constant 1280 : index
      %swap3A_620 = arith.constant 0 : index
      %swap3A_621 = vector.load %arg4[%swap3A_619, %swap3A_620] : memref<2048x1xf32, #tpu.memory_space<vmem>>, vector<256x1xf32>
      tpu.vector_store %arg4[%swap3A_619, %swap3A_620], %select_n3A_618 {strides = array<i32>} : memref<2048x1xf32, #tpu.memory_space<vmem>>, vector<256x1xf32>,
      %iota3A_622 = tpu.iota {dimensions = array<i32: 0>} : vector<256x2048xi32>
      %add3A_623 = arith.constant 1536 : i32
      %add3A_624 = vector.broadcast %add3A_623 : i32 to vector<256x2048xi32>
      %add3A_625 = arith.addi %iota3A_622, %add3A_624 : vector<256x2048xi32>
      %iota3A_626 = tpu.iota {dimensions = array<i32: 1>} : vector<256x2048xi32>
      %eq3A_627 = arith.cmpi eq, %add3A_625, %iota3A_626 : vector<256x2048xi32>
      %jit3A_628 = arith.constant 1.000000e+00 : f32
      %jit3A_629 = arith.constant 0.000000e+00 : f32
      %broadcast_in_dim3A_630 = vector.broadcast %jit3A_628 : f32 to vector<256x2048xf32>
      %broadcast_in_dim3A_631 = vector.broadcast %jit3A_629 : f32 to vector<256x2048xf32>
      %select_n3A_632 = arith.select %eq3A_627, %broadcast_in_dim3A_630, %broadcast_in_dim3A_631 : vector<256x2048xi1>, vector<256x2048xf32>
      %mul3A_633 = vector.broadcast %add3A_224 : vector<1x2048xf32> to vector<256x2048xf32>
      %mul3A_634 = arith.mulf %select_n3A_632, %mul3A_633 : vector<256x2048xf32>
      %reduce_sum3A_635 = arith.constant dense<0.000000e+00> : vector<256xf32>
      %reduce_sum3A_636 = vector.multi_reduction <add>, %mul3A_634, %reduce_sum3A_635 [1] : vector<256x2048xf32> to vector<256xf32>
      %broadcast_in_dim3A_637 = vector.shape_cast %reduce_sum3A_636 : vector<256xf32> to vector<256x1xf32>
      %ge3A_638 = arith.constant 64 : i32
      %ge3A_639 = vector.broadcast %ge3A_638 : i32 to vector<256x2048xi32>
      %ge3A_640 = arith.cmpi sge, %iota3A_626, %ge3A_639 : vector<256x2048xi32>
      %lt3A_641 = arith.constant 1664 : i32
      %lt3A_642 = vector.broadcast %lt3A_641 : i32 to vector<256x2048xi32>
      %lt3A_643 = arith.cmpi slt, %iota3A_626, %lt3A_642 : vector<256x2048xi32>
      %and3A_644 = arith.andi %ge3A_640, %lt3A_643 : vector<256x2048xi1>
      %gt3A_645 = vector.broadcast %add3A_224 : vector<1x2048xf32> to vector<256x2048xf32>
      %gt3A_646 = vector.broadcast %broadcast_in_dim3A_637 : vector<256x1xf32> to vector<256x2048xf32>
      %gt3A_647 = arith.cmpf ogt, %gt3A_645, %gt3A_646 : vector<256x2048xf32>
      %eq3A_648 = vector.broadcast %add3A_224 : vector<1x2048xf32> to vector<256x2048xf32>
      %eq3A_649 = vector.broadcast %broadcast_in_dim3A_637 : vector<256x1xf32> to vector<256x2048xf32>
      %eq3A_650 = arith.cmpf oeq, %eq3A_648, %eq3A_649 : vector<256x2048xf32>
      %lt3A_651 = arith.cmpi slt, %iota3A_626, %add3A_625 : vector<256x2048xi32>
      %and3A_652 = arith.andi %eq3A_650, %lt3A_651 : vector<256x2048xi1>
      %or3A_653 = arith.ori %gt3A_647, %and3A_652 : vector<256x2048xi1>
      %and3A_654 = arith.andi %and3A_644, %or3A_653 : vector<256x2048xi1>
      %jit3A_655 = arith.constant 1.000000e+00 : f32
      %jit3A_656 = arith.constant 0.000000e+00 : f32
      %broadcast_in_dim3A_657 = vector.broadcast %jit3A_655 : f32 to vector<256x2048xf32>
      %broadcast_in_dim3A_658 = vector.broadcast %jit3A_656 : f32 to vector<256x2048xf32>
      %select_n3A_659 = arith.select %and3A_654, %broadcast_in_dim3A_657, %broadcast_in_dim3A_658 : vector<256x2048xi1>, vector<256x2048xf32>
      %reduce_sum3A_660 = arith.constant dense<0.000000e+00> : vector<256xf32>
      %reduce_sum3A_661 = vector.multi_reduction <add>, %select_n3A_659, %reduce_sum3A_660 [1] : vector<256x2048xf32> to vector<256xf32>
      %broadcast_in_dim3A_662 = vector.shape_cast %reduce_sum3A_661 : vector<256xf32> to vector<256x1xf32>
      %iota3A_663 = tpu.iota {dimensions = array<i32: 0>} : vector<256x1xi32>
      %add3A_664 = arith.constant 1536 : i32
      %add3A_665 = vector.broadcast %add3A_664 : i32 to vector<256x1xi32>
      %add3A_666 = arith.addi %iota3A_663, %add3A_665 : vector<256x1xi32>
      %ge3A_667 = arith.constant 64 : i32
      %ge3A_668 = vector.broadcast %ge3A_667 : i32 to vector<256x1xi32>
      %ge3A_669 = arith.cmpi sge, %add3A_666, %ge3A_668 : vector<256x1xi32>
      %lt3A_670 = arith.constant 1664 : i32
      %lt3A_671 = vector.broadcast %lt3A_670 : i32 to vector<256x1xi32>
      %lt3A_672 = arith.cmpi slt, %add3A_666, %lt3A_671 : vector<256x1xi32>
      %and3A_673 = arith.andi %ge3A_669, %lt3A_672 : vector<256x1xi1>
      %lt3A_674 = arith.constant 1.120000e+03 : f32
      %lt3A_675 = vector.broadcast %lt3A_674 : f32 to vector<256x1xf32>
      %lt3A_676 = arith.cmpf olt, %broadcast_in_dim3A_662, %lt3A_675 : vector<256x1xf32>
      %and3A_677 = arith.andi %and3A_673, %lt3A_676 : vector<256x1xi1>
      %not3A_678 = arith.constant dense<true> : vector<256x1xi1>
      %not3A_679 = arith.xori %and3A_673, %not3A_678 : vector<256x1xi1>
      %or3A_680 = arith.ori %and3A_677, %not3A_679 : vector<256x1xi1>
      %jit3A_681 = arith.constant 1.000000e+00 : f32
      %jit3A_682 = arith.constant 0.000000e+00 : f32
      %broadcast_in_dim3A_683 = vector.broadcast %jit3A_681 : f32 to vector<256x1xf32>
      %broadcast_in_dim3A_684 = vector.broadcast %jit3A_682 : f32 to vector<256x1xf32>
      %select_n3A_685 = arith.select %or3A_680, %broadcast_in_dim3A_683, %broadcast_in_dim3A_684 : vector<256x1xi1>, vector<256x1xf32>
      %swap3A_686 = arith.constant 1536 : index
      %swap3A_687 = arith.constant 0 : index
      %swap3A_688 = vector.load %arg4[%swap3A_686, %swap3A_687] : memref<2048x1xf32, #tpu.memory_space<vmem>>, vector<256x1xf32>
      tpu.vector_store %arg4[%swap3A_686, %swap3A_687], %select_n3A_685 {strides = array<i32>} : memref<2048x1xf32, #tpu.memory_space<vmem>>, vector<256x1xf32>,
      %iota3A_689 = tpu.iota {dimensions = array<i32: 0>} : vector<2048x256xi32>
      %iota3A_690 = tpu.iota {dimensions = array<i32: 1>} : vector<2048x256xi32>
      %add3A_691 = arith.constant 0 : i32
      %add3A_692 = vector.broadcast %add3A_691 : i32 to vector<2048x256xi32>
      %add3A_693 = arith.addi %iota3A_690, %add3A_692 : vector<2048x256xi32>
      %eq3A_694 = arith.cmpi eq, %iota3A_689, %add3A_693 : vector<2048x256xi32>
      %jit3A_695 = arith.constant 1.000000e+00 : f32
      %jit3A_696 = arith.constant 0.000000e+00 : f32
      %broadcast_in_dim3A_697 = vector.broadcast %jit3A_695 : f32 to vector<2048x256xf32>
      %broadcast_in_dim3A_698 = vector.broadcast %jit3A_696 : f32 to vector<2048x256xf32>
      %select_n3A_699 = arith.select %eq3A_694, %broadcast_in_dim3A_697, %broadcast_in_dim3A_698 : vector<2048x256xi1>, vector<2048x256xf32>
      %get3A_700 = arith.constant 0 : index
      %get3A_701 = arith.constant 0 : index
      %get3A_702 = vector.load %arg4[%get3A_700, %get3A_701] : memref<2048x1xf32, #tpu.memory_space<vmem>>, vector<2048x1xf32>
      %mul3A_703 = vector.broadcast %get3A_702 : vector<2048x1xf32> to vector<2048x256xf32>
      %mul3A_704 = arith.mulf %mul3A_703, %select_n3A_699 : vector<2048x256xf32>
      %reduce_sum3A_705 = arith.constant dense<0.000000e+00> : vector<256xf32>
      %reduce_sum3A_706 = vector.multi_reduction <add>, %mul3A_704, %reduce_sum3A_705 [0] : vector<2048x256xf32> to vector<256xf32>
      %broadcast_in_dim3A_707 = vector.shape_cast %reduce_sum3A_706 : vector<256xf32> to vector<1x256xf32>
      %swap3A_708 = arith.constant 0 : index
      %swap3A_709 = arith.constant 0 : index
      %swap3A_710 = vector.load %arg6[%swap3A_708, %swap3A_709] : memref<1x2048xf32, #tpu.memory_space<vmem>>, vector<1x256xf32>
      tpu.vector_store %arg6[%swap3A_708, %swap3A_709], %broadcast_in_dim3A_707 {strides = array<i32>} : memref<1x2048xf32, #tpu.memory_space<vmem>>, vector<1x256xf32>,
      %iota3A_711 = tpu.iota {dimensions = array<i32: 0>} : vector<2048x256xi32>
      %iota3A_712 = tpu.iota {dimensions = array<i32: 1>} : vector<2048x256xi32>
      %add3A_713 = arith.constant 256 : i32
      %add3A_714 = vector.broadcast %add3A_713 : i32 to vector<2048x256xi32>
      %add3A_715 = arith.addi %iota3A_712, %add3A_714 : vector<2048x256xi32>
      %eq3A_716 = arith.cmpi eq, %iota3A_711, %add3A_715 : vector<2048x256xi32>
      %jit3A_717 = arith.constant 1.000000e+00 : f32
      %jit3A_718 = arith.constant 0.000000e+00 : f32
      %broadcast_in_dim3A_719 = vector.broadcast %jit3A_717 : f32 to vector<2048x256xf32>
      %broadcast_in_dim3A_720 = vector.broadcast %jit3A_718 : f32 to vector<2048x256xf32>
      %select_n3A_721 = arith.select %eq3A_716, %broadcast_in_dim3A_719, %broadcast_in_dim3A_720 : vector<2048x256xi1>, vector<2048x256xf32>
      %get3A_722 = arith.constant 0 : index
      %get3A_723 = arith.constant 0 : index
      %get3A_724 = vector.load %arg4[%get3A_722, %get3A_723] : memref<2048x1xf32, #tpu.memory_space<vmem>>, vector<2048x1xf32>
      %mul3A_725 = vector.broadcast %get3A_724 : vector<2048x1xf32> to vector<2048x256xf32>
      %mul3A_726 = arith.mulf %mul3A_725, %select_n3A_721 : vector<2048x256xf32>
      %reduce_sum3A_727 = arith.constant dense<0.000000e+00> : vector<256xf32>
      %reduce_sum3A_728 = vector.multi_reduction <add>, %mul3A_726, %reduce_sum3A_727 [0] : vector<2048x256xf32> to vector<256xf32>
      %broadcast_in_dim3A_729 = vector.shape_cast %reduce_sum3A_728 : vector<256xf32> to vector<1x256xf32>
      %swap3A_730 = arith.constant 0 : index
      %swap3A_731 = arith.constant 256 : index
      %swap3A_732 = vector.load %arg6[%swap3A_730, %swap3A_731] : memref<1x2048xf32, #tpu.memory_space<vmem>>, vector<1x256xf32>
      tpu.vector_store %arg6[%swap3A_730, %swap3A_731], %broadcast_in_dim3A_729 {strides = array<i32>} : memref<1x2048xf32, #tpu.memory_space<vmem>>, vector<1x256xf32>,
      %iota3A_733 = tpu.iota {dimensions = array<i32: 0>} : vector<2048x256xi32>
      %iota3A_734 = tpu.iota {dimensions = array<i32: 1>} : vector<2048x256xi32>
      %add3A_735 = arith.constant 512 : i32
      %add3A_736 = vector.broadcast %add3A_735 : i32 to vector<2048x256xi32>
      %add3A_737 = arith.addi %iota3A_734, %add3A_736 : vector<2048x256xi32>
      %eq3A_738 = arith.cmpi eq, %iota3A_733, %add3A_737 : vector<2048x256xi32>
      %jit3A_739 = arith.constant 1.000000e+00 : f32
      %jit3A_740 = arith.constant 0.000000e+00 : f32
      %broadcast_in_dim3A_741 = vector.broadcast %jit3A_739 : f32 to vector<2048x256xf32>
      %broadcast_in_dim3A_742 = vector.broadcast %jit3A_740 : f32 to vector<2048x256xf32>
      %select_n3A_743 = arith.select %eq3A_738, %broadcast_in_dim3A_741, %broadcast_in_dim3A_742 : vector<2048x256xi1>, vector<2048x256xf32>
      %get3A_744 = arith.constant 0 : index
      %get3A_745 = arith.constant 0 : index
      %get3A_746 = vector.load %arg4[%get3A_744, %get3A_745] : memref<2048x1xf32, #tpu.memory_space<vmem>>, vector<2048x1xf32>
      %mul3A_747 = vector.broadcast %get3A_746 : vector<2048x1xf32> to vector<2048x256xf32>
      %mul3A_748 = arith.mulf %mul3A_747, %select_n3A_743 : vector<2048x256xf32>
      %reduce_sum3A_749 = arith.constant dense<0.000000e+00> : vector<256xf32>
      %reduce_sum3A_750 = vector.multi_reduction <add>, %mul3A_748, %reduce_sum3A_749 [0] : vector<2048x256xf32> to vector<256xf32>
      %broadcast_in_dim3A_751 = vector.shape_cast %reduce_sum3A_750 : vector<256xf32> to vector<1x256xf32>
      %swap3A_752 = arith.constant 0 : index
      %swap3A_753 = arith.constant 512 : index
      %swap3A_754 = vector.load %arg6[%swap3A_752, %swap3A_753] : memref<1x2048xf32, #tpu.memory_space<vmem>>, vector<1x256xf32>
      tpu.vector_store %arg6[%swap3A_752, %swap3A_753], %broadcast_in_dim3A_751 {strides = array<i32>} : memref<1x2048xf32, #tpu.memory_space<vmem>>, vector<1x256xf32>,
      %iota3A_755 = tpu.iota {dimensions = array<i32: 0>} : vector<2048x256xi32>
      %iota3A_756 = tpu.iota {dimensions = array<i32: 1>} : vector<2048x256xi32>
      %add3A_757 = arith.constant 768 : i32
      %add3A_758 = vector.broadcast %add3A_757 : i32 to vector<2048x256xi32>
      %add3A_759 = arith.addi %iota3A_756, %add3A_758 : vector<2048x256xi32>
      %eq3A_760 = arith.cmpi eq, %iota3A_755, %add3A_759 : vector<2048x256xi32>
      %jit3A_761 = arith.constant 1.000000e+00 : f32
      %jit3A_762 = arith.constant 0.000000e+00 : f32
      %broadcast_in_dim3A_763 = vector.broadcast %jit3A_761 : f32 to vector<2048x256xf32>
      %broadcast_in_dim3A_764 = vector.broadcast %jit3A_762 : f32 to vector<2048x256xf32>
      %select_n3A_765 = arith.select %eq3A_760, %broadcast_in_dim3A_763, %broadcast_in_dim3A_764 : vector<2048x256xi1>, vector<2048x256xf32>
      %get3A_766 = arith.constant 0 : index
      %get3A_767 = arith.constant 0 : index
      %get3A_768 = vector.load %arg4[%get3A_766, %get3A_767] : memref<2048x1xf32, #tpu.memory_space<vmem>>, vector<2048x1xf32>
      %mul3A_769 = vector.broadcast %get3A_768 : vector<2048x1xf32> to vector<2048x256xf32>
      %mul3A_770 = arith.mulf %mul3A_769, %select_n3A_765 : vector<2048x256xf32>
      %reduce_sum3A_771 = arith.constant dense<0.000000e+00> : vector<256xf32>
      %reduce_sum3A_772 = vector.multi_reduction <add>, %mul3A_770, %reduce_sum3A_771 [0] : vector<2048x256xf32> to vector<256xf32>
      %broadcast_in_dim3A_773 = vector.shape_cast %reduce_sum3A_772 : vector<256xf32> to vector<1x256xf32>
      %swap3A_774 = arith.constant 0 : index
      %swap3A_775 = arith.constant 768 : index
      %swap3A_776 = vector.load %arg6[%swap3A_774, %swap3A_775] : memref<1x2048xf32, #tpu.memory_space<vmem>>, vector<1x256xf32>
      tpu.vector_store %arg6[%swap3A_774, %swap3A_775], %broadcast_in_dim3A_773 {strides = array<i32>} : memref<1x2048xf32, #tpu.memory_space<vmem>>, vector<1x256xf32>,
      %iota3A_777 = tpu.iota {dimensions = array<i32: 0>} : vector<2048x256xi32>
      %iota3A_778 = tpu.iota {dimensions = array<i32: 1>} : vector<2048x256xi32>
      %add3A_779 = arith.constant 1024 : i32
      %add3A_780 = vector.broadcast %add3A_779 : i32 to vector<2048x256xi32>
      %add3A_781 = arith.addi %iota3A_778, %add3A_780 : vector<2048x256xi32>
      %eq3A_782 = arith.cmpi eq, %iota3A_777, %add3A_781 : vector<2048x256xi32>
      %jit3A_783 = arith.constant 1.000000e+00 : f32
      %jit3A_784 = arith.constant 0.000000e+00 : f32
      %broadcast_in_dim3A_785 = vector.broadcast %jit3A_783 : f32 to vector<2048x256xf32>
      %broadcast_in_dim3A_786 = vector.broadcast %jit3A_784 : f32 to vector<2048x256xf32>
      %select_n3A_787 = arith.select %eq3A_782, %broadcast_in_dim3A_785, %broadcast_in_dim3A_786 : vector<2048x256xi1>, vector<2048x256xf32>
      %get3A_788 = arith.constant 0 : index
      %get3A_789 = arith.constant 0 : index
      %get3A_790 = vector.load %arg4[%get3A_788, %get3A_789] : memref<2048x1xf32, #tpu.memory_space<vmem>>, vector<2048x1xf32>
      %mul3A_791 = vector.broadcast %get3A_790 : vector<2048x1xf32> to vector<2048x256xf32>
      %mul3A_792 = arith.mulf %mul3A_791, %select_n3A_787 : vector<2048x256xf32>
      %reduce_sum3A_793 = arith.constant dense<0.000000e+00> : vector<256xf32>
      %reduce_sum3A_794 = vector.multi_reduction <add>, %mul3A_792, %reduce_sum3A_793 [0] : vector<2048x256xf32> to vector<256xf32>
      %broadcast_in_dim3A_795 = vector.shape_cast %reduce_sum3A_794 : vector<256xf32> to vector<1x256xf32>
      %swap3A_796 = arith.constant 0 : index
      %swap3A_797 = arith.constant 1024 : index
      %swap3A_798 = vector.load %arg6[%swap3A_796, %swap3A_797] : memref<1x2048xf32, #tpu.memory_space<vmem>>, vector<1x256xf32>
      tpu.vector_store %arg6[%swap3A_796, %swap3A_797], %broadcast_in_dim3A_795 {strides = array<i32>} : memref<1x2048xf32, #tpu.memory_space<vmem>>, vector<1x256xf32>,
      %iota3A_799 = tpu.iota {dimensions = array<i32: 0>} : vector<2048x256xi32>
      %iota3A_800 = tpu.iota {dimensions = array<i32: 1>} : vector<2048x256xi32>
      %add3A_801 = arith.constant 1280 : i32
      %add3A_802 = vector.broadcast %add3A_801 : i32 to vector<2048x256xi32>
      %add3A_803 = arith.addi %iota3A_800, %add3A_802 : vector<2048x256xi32>
      %eq3A_804 = arith.cmpi eq, %iota3A_799, %add3A_803 : vector<2048x256xi32>
      %jit3A_805 = arith.constant 1.000000e+00 : f32
      %jit3A_806 = arith.constant 0.000000e+00 : f32
      %broadcast_in_dim3A_807 = vector.broadcast %jit3A_805 : f32 to vector<2048x256xf32>
      %broadcast_in_dim3A_808 = vector.broadcast %jit3A_806 : f32 to vector<2048x256xf32>
      %select_n3A_809 = arith.select %eq3A_804, %broadcast_in_dim3A_807, %broadcast_in_dim3A_808 : vector<2048x256xi1>, vector<2048x256xf32>
      %get3A_810 = arith.constant 0 : index
      %get3A_811 = arith.constant 0 : index
      %get3A_812 = vector.load %arg4[%get3A_810, %get3A_811] : memref<2048x1xf32, #tpu.memory_space<vmem>>, vector<2048x1xf32>
      %mul3A_813 = vector.broadcast %get3A_812 : vector<2048x1xf32> to vector<2048x256xf32>
      %mul3A_814 = arith.mulf %mul3A_813, %select_n3A_809 : vector<2048x256xf32>
      %reduce_sum3A_815 = arith.constant dense<0.000000e+00> : vector<256xf32>
      %reduce_sum3A_816 = vector.multi_reduction <add>, %mul3A_814, %reduce_sum3A_815 [0] : vector<2048x256xf32> to vector<256xf32>
      %broadcast_in_dim3A_817 = vector.shape_cast %reduce_sum3A_816 : vector<256xf32> to vector<1x256xf32>
      %swap3A_818 = arith.constant 0 : index
      %swap3A_819 = arith.constant 1280 : index
      %swap3A_820 = vector.load %arg6[%swap3A_818, %swap3A_819] : memref<1x2048xf32, #tpu.memory_space<vmem>>, vector<1x256xf32>
      tpu.vector_store %arg6[%swap3A_818, %swap3A_819], %broadcast_in_dim3A_817 {strides = array<i32>} : memref<1x2048xf32, #tpu.memory_space<vmem>>, vector<1x256xf32>,
      %iota3A_821 = tpu.iota {dimensions = array<i32: 0>} : vector<2048x256xi32>
      %iota3A_822 = tpu.iota {dimensions = array<i32: 1>} : vector<2048x256xi32>
      %add3A_823 = arith.constant 1536 : i32
      %add3A_824 = vector.broadcast %add3A_823 : i32 to vector<2048x256xi32>
      %add3A_825 = arith.addi %iota3A_822, %add3A_824 : vector<2048x256xi32>
      %eq3A_826 = arith.cmpi eq, %iota3A_821, %add3A_825 : vector<2048x256xi32>
      %jit3A_827 = arith.constant 1.000000e+00 : f32
      %jit3A_828 = arith.constant 0.000000e+00 : f32
      %broadcast_in_dim3A_829 = vector.broadcast %jit3A_827 : f32 to vector<2048x256xf32>
      %broadcast_in_dim3A_830 = vector.broadcast %jit3A_828 : f32 to vector<2048x256xf32>
      %select_n3A_831 = arith.select %eq3A_826, %broadcast_in_dim3A_829, %broadcast_in_dim3A_830 : vector<2048x256xi1>, vector<2048x256xf32>
      %get3A_832 = arith.constant 0 : index
      %get3A_833 = arith.constant 0 : index
      %get3A_834 = vector.load %arg4[%get3A_832, %get3A_833] : memref<2048x1xf32, #tpu.memory_space<vmem>>, vector<2048x1xf32>
      %mul3A_835 = vector.broadcast %get3A_834 : vector<2048x1xf32> to vector<2048x256xf32>
      %mul3A_836 = arith.mulf %mul3A_835, %select_n3A_831 : vector<2048x256xf32>
      %reduce_sum3A_837 = arith.constant dense<0.000000e+00> : vector<256xf32>
      %reduce_sum3A_838 = vector.multi_reduction <add>, %mul3A_836, %reduce_sum3A_837 [0] : vector<2048x256xf32> to vector<256xf32>
      %broadcast_in_dim3A_839 = vector.shape_cast %reduce_sum3A_838 : vector<256xf32> to vector<1x256xf32>
      %swap3A_840 = arith.constant 0 : index
      %swap3A_841 = arith.constant 1536 : index
      %swap3A_842 = vector.load %arg6[%swap3A_840, %swap3A_841] : memref<1x2048xf32, #tpu.memory_space<vmem>>, vector<1x256xf32>
      tpu.vector_store %arg6[%swap3A_840, %swap3A_841], %broadcast_in_dim3A_839 {strides = array<i32>} : memref<1x2048xf32, #tpu.memory_space<vmem>>, vector<1x256xf32>,
      %iota3A_843 = tpu.iota {dimensions = array<i32: 0>} : vector<2048x256xi32>
      %iota3A_844 = tpu.iota {dimensions = array<i32: 1>} : vector<2048x256xi32>
      %add3A_845 = arith.constant 1792 : i32
      %add3A_846 = vector.broadcast %add3A_845 : i32 to vector<2048x256xi32>
      %add3A_847 = arith.addi %iota3A_844, %add3A_846 : vector<2048x256xi32>
      %eq3A_848 = arith.cmpi eq, %iota3A_843, %add3A_847 : vector<2048x256xi32>
      %jit3A_849 = arith.constant 1.000000e+00 : f32
      %jit3A_850 = arith.constant 0.000000e+00 : f32
      %broadcast_in_dim3A_851 = vector.broadcast %jit3A_849 : f32 to vector<2048x256xf32>
      %broadcast_in_dim3A_852 = vector.broadcast %jit3A_850 : f32 to vector<2048x256xf32>
      %select_n3A_853 = arith.select %eq3A_848, %broadcast_in_dim3A_851, %broadcast_in_dim3A_852 : vector<2048x256xi1>, vector<2048x256xf32>
      %get3A_854 = arith.constant 0 : index
      %get3A_855 = arith.constant 0 : index
      %get3A_856 = vector.load %arg4[%get3A_854, %get3A_855] : memref<2048x1xf32, #tpu.memory_space<vmem>>, vector<2048x1xf32>
      %mul3A_857 = vector.broadcast %get3A_856 : vector<2048x1xf32> to vector<2048x256xf32>
      %mul3A_858 = arith.mulf %mul3A_857, %select_n3A_853 : vector<2048x256xf32>
      %reduce_sum3A_859 = arith.constant dense<0.000000e+00> : vector<256xf32>
      %reduce_sum3A_860 = vector.multi_reduction <add>, %mul3A_858, %reduce_sum3A_859 [0] : vector<2048x256xf32> to vector<256xf32>
      %broadcast_in_dim3A_861 = vector.shape_cast %reduce_sum3A_860 : vector<256xf32> to vector<1x256xf32>
      %swap3A_862 = arith.constant 0 : index
      %swap3A_863 = arith.constant 1792 : index
      %swap3A_864 = vector.load %arg6[%swap3A_862, %swap3A_863] : memref<1x2048xf32, #tpu.memory_space<vmem>>, vector<1x256xf32>
      tpu.vector_store %arg6[%swap3A_862, %swap3A_863], %broadcast_in_dim3A_861 {strides = array<i32>} : memref<1x2048xf32, #tpu.memory_space<vmem>>, vector<1x256xf32>,
      %iota3A_865 = tpu.iota {dimensions = array<i32: 0>} : vector<256x2048xi32>
      %add3A_866 = arith.constant 0 : i32
      %add3A_867 = vector.broadcast %add3A_866 : i32 to vector<256x2048xi32>
      %add3A_868 = arith.addi %iota3A_865, %add3A_867 : vector<256x2048xi32>
      %iota3A_869 = tpu.iota {dimensions = array<i32: 1>} : vector<256x2048xi32>
      %lt3A_870 = arith.cmpi slt, %iota3A_869, %add3A_868 : vector<256x2048xi32>
      %jit3A_871 = arith.constant 1.000000e+00 : f32
      %jit3A_872 = arith.constant 0.000000e+00 : f32
      %broadcast_in_dim3A_873 = vector.broadcast %jit3A_871 : f32 to vector<256x2048xf32>
      %broadcast_in_dim3A_874 = vector.broadcast %jit3A_872 : f32 to vector<256x2048xf32>
      %select_n3A_875 = arith.select %lt3A_870, %broadcast_in_dim3A_873, %broadcast_in_dim3A_874 : vector<256x2048xi1>, vector<256x2048xf32>
      %get3A_876 = arith.constant 0 : index
      %get3A_877 = arith.constant 0 : index
      %get3A_878 = vector.load %arg6[%get3A_876, %get3A_877] : memref<1x2048xf32, #tpu.memory_space<vmem>>, vector<1x2048xf32>
      %mul3A_879 = vector.broadcast %get3A_878 : vector<1x2048xf32> to vector<256x2048xf32>
      %mul3A_880 = arith.mulf %select_n3A_875, %mul3A_879 : vector<256x2048xf32>
      %reduce_sum3A_881 = arith.constant dense<0.000000e+00> : vector<256xf32>
      %reduce_sum3A_882 = vector.multi_reduction <add>, %mul3A_880, %reduce_sum3A_881 [1] : vector<256x2048xf32> to vector<256xf32>
      %broadcast_in_dim3A_883 = vector.shape_cast %reduce_sum3A_882 : vector<256xf32> to vector<256x1xf32>
      %swap3A_884 = arith.constant 0 : index
      %swap3A_885 = arith.constant 0 : index
      %swap3A_886 = vector.load %arg5[%swap3A_884, %swap3A_885] : memref<2048x1xf32, #tpu.memory_space<vmem>>, vector<256x1xf32>
      tpu.vector_store %arg5[%swap3A_884, %swap3A_885], %broadcast_in_dim3A_883 {strides = array<i32>} : memref<2048x1xf32, #tpu.memory_space<vmem>>, vector<256x1xf32>,
      %iota3A_887 = tpu.iota {dimensions = array<i32: 0>} : vector<256x2048xi32>
      %add3A_888 = arith.constant 256 : i32
      %add3A_889 = vector.broadcast %add3A_888 : i32 to vector<256x2048xi32>
      %add3A_890 = arith.addi %iota3A_887, %add3A_889 : vector<256x2048xi32>
      %iota3A_891 = tpu.iota {dimensions = array<i32: 1>} : vector<256x2048xi32>
      %lt3A_892 = arith.cmpi slt, %iota3A_891, %add3A_890 : vector<256x2048xi32>
      %jit3A_893 = arith.constant 1.000000e+00 : f32
      %jit3A_894 = arith.constant 0.000000e+00 : f32
      %broadcast_in_dim3A_895 = vector.broadcast %jit3A_893 : f32 to vector<256x2048xf32>
      %broadcast_in_dim3A_896 = vector.broadcast %jit3A_894 : f32 to vector<256x2048xf32>
      %select_n3A_897 = arith.select %lt3A_892, %broadcast_in_dim3A_895, %broadcast_in_dim3A_896 : vector<256x2048xi1>, vector<256x2048xf32>
      %get3A_898 = arith.constant 0 : index
      %get3A_899 = arith.constant 0 : index
      %get3A_900 = vector.load %arg6[%get3A_898, %get3A_899] : memref<1x2048xf32, #tpu.memory_space<vmem>>, vector<1x2048xf32>
      %mul3A_901 = vector.broadcast %get3A_900 : vector<1x2048xf32> to vector<256x2048xf32>
      %mul3A_902 = arith.mulf %select_n3A_897, %mul3A_901 : vector<256x2048xf32>
      %reduce_sum3A_903 = arith.constant dense<0.000000e+00> : vector<256xf32>
      %reduce_sum3A_904 = vector.multi_reduction <add>, %mul3A_902, %reduce_sum3A_903 [1] : vector<256x2048xf32> to vector<256xf32>
      %broadcast_in_dim3A_905 = vector.shape_cast %reduce_sum3A_904 : vector<256xf32> to vector<256x1xf32>
      %swap3A_906 = arith.constant 256 : index
      %swap3A_907 = arith.constant 0 : index
      %swap3A_908 = vector.load %arg5[%swap3A_906, %swap3A_907] : memref<2048x1xf32, #tpu.memory_space<vmem>>, vector<256x1xf32>
      tpu.vector_store %arg5[%swap3A_906, %swap3A_907], %broadcast_in_dim3A_905 {strides = array<i32>} : memref<2048x1xf32, #tpu.memory_space<vmem>>, vector<256x1xf32>,
      %iota3A_909 = tpu.iota {dimensions = array<i32: 0>} : vector<256x2048xi32>
      %add3A_910 = arith.constant 512 : i32
      %add3A_911 = vector.broadcast %add3A_910 : i32 to vector<256x2048xi32>
      %add3A_912 = arith.addi %iota3A_909, %add3A_911 : vector<256x2048xi32>
      %iota3A_913 = tpu.iota {dimensions = array<i32: 1>} : vector<256x2048xi32>
      %lt3A_914 = arith.cmpi slt, %iota3A_913, %add3A_912 : vector<256x2048xi32>
      %jit3A_915 = arith.constant 1.000000e+00 : f32
      %jit3A_916 = arith.constant 0.000000e+00 : f32
      %broadcast_in_dim3A_917 = vector.broadcast %jit3A_915 : f32 to vector<256x2048xf32>
      %broadcast_in_dim3A_918 = vector.broadcast %jit3A_916 : f32 to vector<256x2048xf32>
      %select_n3A_919 = arith.select %lt3A_914, %broadcast_in_dim3A_917, %broadcast_in_dim3A_918 : vector<256x2048xi1>, vector<256x2048xf32>
      %get3A_920 = arith.constant 0 : index
      %get3A_921 = arith.constant 0 : index
      %get3A_922 = vector.load %arg6[%get3A_920, %get3A_921] : memref<1x2048xf32, #tpu.memory_space<vmem>>, vector<1x2048xf32>
      %mul3A_923 = vector.broadcast %get3A_922 : vector<1x2048xf32> to vector<256x2048xf32>
      %mul3A_924 = arith.mulf %select_n3A_919, %mul3A_923 : vector<256x2048xf32>
      %reduce_sum3A_925 = arith.constant dense<0.000000e+00> : vector<256xf32>
      %reduce_sum3A_926 = vector.multi_reduction <add>, %mul3A_924, %reduce_sum3A_925 [1] : vector<256x2048xf32> to vector<256xf32>
      %broadcast_in_dim3A_927 = vector.shape_cast %reduce_sum3A_926 : vector<256xf32> to vector<256x1xf32>
      %swap3A_928 = arith.constant 512 : index
      %swap3A_929 = arith.constant 0 : index
      %swap3A_930 = vector.load %arg5[%swap3A_928, %swap3A_929] : memref<2048x1xf32, #tpu.memory_space<vmem>>, vector<256x1xf32>
      tpu.vector_store %arg5[%swap3A_928, %swap3A_929], %broadcast_in_dim3A_927 {strides = array<i32>} : memref<2048x1xf32, #tpu.memory_space<vmem>>, vector<256x1xf32>,
      %iota3A_931 = tpu.iota {dimensions = array<i32: 0>} : vector<256x2048xi32>
      %add3A_932 = arith.constant 768 : i32
      %add3A_933 = vector.broadcast %add3A_932 : i32 to vector<256x2048xi32>
      %add3A_934 = arith.addi %iota3A_931, %add3A_933 : vector<256x2048xi32>
      %iota3A_935 = tpu.iota {dimensions = array<i32: 1>} : vector<256x2048xi32>
      %lt3A_936 = arith.cmpi slt, %iota3A_935, %add3A_934 : vector<256x2048xi32>
      %jit3A_937 = arith.constant 1.000000e+00 : f32
      %jit3A_938 = arith.constant 0.000000e+00 : f32
      %broadcast_in_dim3A_939 = vector.broadcast %jit3A_937 : f32 to vector<256x2048xf32>
      %broadcast_in_dim3A_940 = vector.broadcast %jit3A_938 : f32 to vector<256x2048xf32>
      %select_n3A_941 = arith.select %lt3A_936, %broadcast_in_dim3A_939, %broadcast_in_dim3A_940 : vector<256x2048xi1>, vector<256x2048xf32>
      %get3A_942 = arith.constant 0 : index
      %get3A_943 = arith.constant 0 : index
      %get3A_944 = vector.load %arg6[%get3A_942, %get3A_943] : memref<1x2048xf32, #tpu.memory_space<vmem>>, vector<1x2048xf32>
      %mul3A_945 = vector.broadcast %get3A_944 : vector<1x2048xf32> to vector<256x2048xf32>
      %mul3A_946 = arith.mulf %select_n3A_941, %mul3A_945 : vector<256x2048xf32>
      %reduce_sum3A_947 = arith.constant dense<0.000000e+00> : vector<256xf32>
      %reduce_sum3A_948 = vector.multi_reduction <add>, %mul3A_946, %reduce_sum3A_947 [1] : vector<256x2048xf32> to vector<256xf32>
      %broadcast_in_dim3A_949 = vector.shape_cast %reduce_sum3A_948 : vector<256xf32> to vector<256x1xf32>
      %swap3A_950 = arith.constant 768 : index
      %swap3A_951 = arith.constant 0 : index
      %swap3A_952 = vector.load %arg5[%swap3A_950, %swap3A_951] : memref<2048x1xf32, #tpu.memory_space<vmem>>, vector<256x1xf32>
      tpu.vector_store %arg5[%swap3A_950, %swap3A_951], %broadcast_in_dim3A_949 {strides = array<i32>} : memref<2048x1xf32, #tpu.memory_space<vmem>>, vector<256x1xf32>,
      %iota3A_953 = tpu.iota {dimensions = array<i32: 0>} : vector<256x2048xi32>
      %add3A_954 = arith.constant 1024 : i32
      %add3A_955 = vector.broadcast %add3A_954 : i32 to vector<256x2048xi32>
      %add3A_956 = arith.addi %iota3A_953, %add3A_955 : vector<256x2048xi32>
      %iota3A_957 = tpu.iota {dimensions = array<i32: 1>} : vector<256x2048xi32>
      %lt3A_958 = arith.cmpi slt, %iota3A_957, %add3A_956 : vector<256x2048xi32>
      %jit3A_959 = arith.constant 1.000000e+00 : f32
      %jit3A_960 = arith.constant 0.000000e+00 : f32
      %broadcast_in_dim3A_961 = vector.broadcast %jit3A_959 : f32 to vector<256x2048xf32>
      %broadcast_in_dim3A_962 = vector.broadcast %jit3A_960 : f32 to vector<256x2048xf32>
      %select_n3A_963 = arith.select %lt3A_958, %broadcast_in_dim3A_961, %broadcast_in_dim3A_962 : vector<256x2048xi1>, vector<256x2048xf32>
      %get3A_964 = arith.constant 0 : index
      %get3A_965 = arith.constant 0 : index
      %get3A_966 = vector.load %arg6[%get3A_964, %get3A_965] : memref<1x2048xf32, #tpu.memory_space<vmem>>, vector<1x2048xf32>
      %mul3A_967 = vector.broadcast %get3A_966 : vector<1x2048xf32> to vector<256x2048xf32>
      %mul3A_968 = arith.mulf %select_n3A_963, %mul3A_967 : vector<256x2048xf32>
      %reduce_sum3A_969 = arith.constant dense<0.000000e+00> : vector<256xf32>
      %reduce_sum3A_970 = vector.multi_reduction <add>, %mul3A_968, %reduce_sum3A_969 [1] : vector<256x2048xf32> to vector<256xf32>
      %broadcast_in_dim3A_971 = vector.shape_cast %reduce_sum3A_970 : vector<256xf32> to vector<256x1xf32>
      %swap3A_972 = arith.constant 1024 : index
      %swap3A_973 = arith.constant 0 : index
      %swap3A_974 = vector.load %arg5[%swap3A_972, %swap3A_973] : memref<2048x1xf32, #tpu.memory_space<vmem>>, vector<256x1xf32>
      tpu.vector_store %arg5[%swap3A_972, %swap3A_973], %broadcast_in_dim3A_971 {strides = array<i32>} : memref<2048x1xf32, #tpu.memory_space<vmem>>, vector<256x1xf32>,
      %iota3A_975 = tpu.iota {dimensions = array<i32: 0>} : vector<256x2048xi32>
      %add3A_976 = arith.constant 1280 : i32
      %add3A_977 = vector.broadcast %add3A_976 : i32 to vector<256x2048xi32>
      %add3A_978 = arith.addi %iota3A_975, %add3A_977 : vector<256x2048xi32>
      %iota3A_979 = tpu.iota {dimensions = array<i32: 1>} : vector<256x2048xi32>
      %lt3A_980 = arith.cmpi slt, %iota3A_979, %add3A_978 : vector<256x2048xi32>
      %jit3A_981 = arith.constant 1.000000e+00 : f32
      %jit3A_982 = arith.constant 0.000000e+00 : f32
      %broadcast_in_dim3A_983 = vector.broadcast %jit3A_981 : f32 to vector<256x2048xf32>
      %broadcast_in_dim3A_984 = vector.broadcast %jit3A_982 : f32 to vector<256x2048xf32>
      %select_n3A_985 = arith.select %lt3A_980, %broadcast_in_dim3A_983, %broadcast_in_dim3A_984 : vector<256x2048xi1>, vector<256x2048xf32>
      %get3A_986 = arith.constant 0 : index
      %get3A_987 = arith.constant 0 : index
      %get3A_988 = vector.load %arg6[%get3A_986, %get3A_987] : memref<1x2048xf32, #tpu.memory_space<vmem>>, vector<1x2048xf32>
      %mul3A_989 = vector.broadcast %get3A_988 : vector<1x2048xf32> to vector<256x2048xf32>
      %mul3A_990 = arith.mulf %select_n3A_985, %mul3A_989 : vector<256x2048xf32>
      %reduce_sum3A_991 = arith.constant dense<0.000000e+00> : vector<256xf32>
      %reduce_sum3A_992 = vector.multi_reduction <add>, %mul3A_990, %reduce_sum3A_991 [1] : vector<256x2048xf32> to vector<256xf32>
      %broadcast_in_dim3A_993 = vector.shape_cast %reduce_sum3A_992 : vector<256xf32> to vector<256x1xf32>
      %swap3A_994 = arith.constant 1280 : index
      %swap3A_995 = arith.constant 0 : index
      %swap3A_996 = vector.load %arg5[%swap3A_994, %swap3A_995] : memref<2048x1xf32, #tpu.memory_space<vmem>>, vector<256x1xf32>
      tpu.vector_store %arg5[%swap3A_994, %swap3A_995], %broadcast_in_dim3A_993 {strides = array<i32>} : memref<2048x1xf32, #tpu.memory_space<vmem>>, vector<256x1xf32>,
      %iota3A_997 = tpu.iota {dimensions = array<i32: 0>} : vector<256x2048xi32>
      %add3A_998 = arith.constant 1536 : i32
      %add3A_999 = vector.broadcast %add3A_998 : i32 to vector<256x2048xi32>
      %add3A_1000 = arith.addi %iota3A_997, %add3A_999 : vector<256x2048xi32>
      %iota3A_1001 = tpu.iota {dimensions = array<i32: 1>} : vector<256x2048xi32>
      %lt3A_1002 = arith.cmpi slt, %iota3A_1001, %add3A_1000 : vector<256x2048xi32>
      %jit3A_1003 = arith.constant 1.000000e+00 : f32
      %jit3A_1004 = arith.constant 0.000000e+00 : f32
      %broadcast_in_dim3A_1005 = vector.broadcast %jit3A_1003 : f32 to vector<256x2048xf32>
      %broadcast_in_dim3A_1006 = vector.broadcast %jit3A_1004 : f32 to vector<256x2048xf32>
      %select_n3A_1007 = arith.select %lt3A_1002, %broadcast_in_dim3A_1005, %broadcast_in_dim3A_1006 : vector<256x2048xi1>, vector<256x2048xf32>
      %get3A_1008 = arith.constant 0 : index
      %get3A_1009 = arith.constant 0 : index
      %get3A_1010 = vector.load %arg6[%get3A_1008, %get3A_1009] : memref<1x2048xf32, #tpu.memory_space<vmem>>, vector<1x2048xf32>
      %mul3A_1011 = vector.broadcast %get3A_1010 : vector<1x2048xf32> to vector<256x2048xf32>
      %mul3A_1012 = arith.mulf %select_n3A_1007, %mul3A_1011 : vector<256x2048xf32>
      %reduce_sum3A_1013 = arith.constant dense<0.000000e+00> : vector<256xf32>
      %reduce_sum3A_1014 = vector.multi_reduction <add>, %mul3A_1012, %reduce_sum3A_1013 [1] : vector<256x2048xf32> to vector<256xf32>
      %broadcast_in_dim3A_1015 = vector.shape_cast %reduce_sum3A_1014 : vector<256xf32> to vector<256x1xf32>
      %swap3A_1016 = arith.constant 1536 : index
      %swap3A_1017 = arith.constant 0 : index
      %swap3A_1018 = vector.load %arg5[%swap3A_1016, %swap3A_1017] : memref<2048x1xf32, #tpu.memory_space<vmem>>, vector<256x1xf32>
      tpu.vector_store %arg5[%swap3A_1016, %swap3A_1017], %broadcast_in_dim3A_1015 {strides = array<i32>} : memref<2048x1xf32, #tpu.memory_space<vmem>>, vector<256x1xf32>,
      %iota3A_1019 = tpu.iota {dimensions = array<i32: 0>} : vector<256x2048xi32>
      %add3A_1020 = arith.constant 1792 : i32
      %add3A_1021 = vector.broadcast %add3A_1020 : i32 to vector<256x2048xi32>
      %add3A_1022 = arith.addi %iota3A_1019, %add3A_1021 : vector<256x2048xi32>
      %iota3A_1023 = tpu.iota {dimensions = array<i32: 1>} : vector<256x2048xi32>
      %lt3A_1024 = arith.cmpi slt, %iota3A_1023, %add3A_1022 : vector<256x2048xi32>
      %jit3A_1025 = arith.constant 1.000000e+00 : f32
      %jit3A_1026 = arith.constant 0.000000e+00 : f32
      %broadcast_in_dim3A_1027 = vector.broadcast %jit3A_1025 : f32 to vector<256x2048xf32>
      %broadcast_in_dim3A_1028 = vector.broadcast %jit3A_1026 : f32 to vector<256x2048xf32>
      %select_n3A_1029 = arith.select %lt3A_1024, %broadcast_in_dim3A_1027, %broadcast_in_dim3A_1028 : vector<256x2048xi1>, vector<256x2048xf32>
      %get3A_1030 = arith.constant 0 : index
      %get3A_1031 = arith.constant 0 : index
      %get3A_1032 = vector.load %arg6[%get3A_1030, %get3A_1031] : memref<1x2048xf32, #tpu.memory_space<vmem>>, vector<1x2048xf32>
      %mul3A_1033 = vector.broadcast %get3A_1032 : vector<1x2048xf32> to vector<256x2048xf32>
      %mul3A_1034 = arith.mulf %select_n3A_1029, %mul3A_1033 : vector<256x2048xf32>
      %reduce_sum3A_1035 = arith.constant dense<0.000000e+00> : vector<256xf32>
      %reduce_sum3A_1036 = vector.multi_reduction <add>, %mul3A_1034, %reduce_sum3A_1035 [1] : vector<256x2048xf32> to vector<256xf32>
      %broadcast_in_dim3A_1037 = vector.shape_cast %reduce_sum3A_1036 : vector<256xf32> to vector<256x1xf32>
      %swap3A_1038 = arith.constant 1792 : index
      %swap3A_1039 = arith.constant 0 : index
      %swap3A_1040 = vector.load %arg5[%swap3A_1038, %swap3A_1039] : memref<2048x1xf32, #tpu.memory_space<vmem>>, vector<256x1xf32>
      tpu.vector_store %arg5[%swap3A_1038, %swap3A_1039], %broadcast_in_dim3A_1037 {strides = array<i32>} : memref<2048x1xf32, #tpu.memory_space<vmem>>, vector<256x1xf32>,
      %iota3A_1041 = tpu.iota {dimensions = array<i32: 0>} : vector<2048x1xi32>
      %convert_element_type3A_1042 = arith.sitofp %iota3A_1041 : vector<2048x1xi32> to vector<2048x1xf32>
      %iota3A_1043 = tpu.iota {dimensions = array<i32: 1>} : vector<2048x256xi32>
      %add3A_1044 = arith.constant 0 : i32
      %add3A_1045 = vector.broadcast %add3A_1044 : i32 to vector<2048x256xi32>
      %add3A_1046 = arith.addi %iota3A_1043, %add3A_1045 : vector<2048x256xi32>
      %convert_element_type3A_1047 = arith.sitofp %add3A_1046 : vector<2048x256xi32> to vector<2048x256xf32>
      %get3A_1048 = arith.constant 0 : index
      %get3A_1049 = arith.constant 0 : index
      %get3A_1050 = vector.load %arg5[%get3A_1048, %get3A_1049] : memref<2048x1xf32, #tpu.memory_space<vmem>>, vector<2048x1xf32>
      %eq3A_1051 = vector.broadcast %get3A_1050 : vector<2048x1xf32> to vector<2048x256xf32>
      %eq3A_1052 = arith.cmpf oeq, %eq3A_1051, %convert_element_type3A_1047 : vector<2048x256xf32>
      %get3A_1053 = arith.constant 0 : index
      %get3A_1054 = arith.constant 0 : index
      %get3A_1055 = vector.load %arg4[%get3A_1053, %get3A_1054] : memref<2048x1xf32, #tpu.memory_space<vmem>>, vector<2048x1xf32>
      %gt3A_1056 = arith.constant 5.000000e-01 : f32
      %gt3A_1057 = vector.broadcast %gt3A_1056 : f32 to vector<2048x1xf32>
      %gt3A_1058 = arith.cmpf ogt, %get3A_1055, %gt3A_1057 : vector<2048x1xf32>
      %and3A_1059 = vector.broadcast %gt3A_1058 : vector<2048x1xi1> to vector<2048x256xi1>
      %and3A_1060 = arith.andi %eq3A_1052, %and3A_1059 : vector<2048x256xi1>
      %jit3A_1061 = arith.constant 1.000000e+00 : f32
      %jit3A_1062 = arith.constant 0.000000e+00 : f32
      %broadcast_in_dim3A_1063 = vector.broadcast %jit3A_1061 : f32 to vector<2048x256xf32>
      %broadcast_in_dim3A_1064 = vector.broadcast %jit3A_1062 : f32 to vector<2048x256xf32>
      %select_n3A_1065 = arith.select %and3A_1060, %broadcast_in_dim3A_1063, %broadcast_in_dim3A_1064 : vector<2048x256xi1>, vector<2048x256xf32>
      %mul3A_1066 = vector.broadcast %convert_element_type3A_1042 : vector<2048x1xf32> to vector<2048x256xf32>
      %mul3A_1067 = arith.mulf %mul3A_1066, %select_n3A_1065 : vector<2048x256xf32>
      %reduce_sum3A_1068 = arith.constant dense<0.000000e+00> : vector<256xf32>
      %reduce_sum3A_1069 = vector.multi_reduction <add>, %mul3A_1067, %reduce_sum3A_1068 [0] : vector<2048x256xf32> to vector<256xf32>
      %broadcast_in_dim3A_1070 = vector.shape_cast %reduce_sum3A_1069 : vector<256xf32> to vector<1x256xf32>
      %convert_element_type3A_1071 = arith.fptosi %broadcast_in_dim3A_1070 : vector<1x256xf32> to vector<1x256xi32>
      %reshape3A = vector.shape_cast %convert_element_type3A_1071 : vector<1x256xi32> to vector<256xi32>
      %swap3A_1072 = arith.constant 0 : index
      %swap3A_1073 = vector.load %arg2[%swap3A_1072] : memref<1792xi32, #tpu.memory_space<vmem>>, vector<256xi32>
      tpu.vector_store %arg2[%swap3A_1072], %reshape3A {strides = array<i32>} : memref<1792xi32, #tpu.memory_space<vmem>>, vector<256xi32>,
      %iota3A_1074 = tpu.iota {dimensions = array<i32: 1>} : vector<2048x256xi32>
      %add3A_1075 = arith.constant 256 : i32
      %add3A_1076 = vector.broadcast %add3A_1075 : i32 to vector<2048x256xi32>
      %add3A_1077 = arith.addi %iota3A_1074, %add3A_1076 : vector<2048x256xi32>
      %convert_element_type3A_1078 = arith.sitofp %add3A_1077 : vector<2048x256xi32> to vector<2048x256xf32>
      %get3A_1079 = arith.constant 0 : index
      %get3A_1080 = arith.constant 0 : index
      %get3A_1081 = vector.load %arg5[%get3A_1079, %get3A_1080] : memref<2048x1xf32, #tpu.memory_space<vmem>>, vector<2048x1xf32>
      %eq3A_1082 = vector.broadcast %get3A_1081 : vector<2048x1xf32> to vector<2048x256xf32>
      %eq3A_1083 = arith.cmpf oeq, %eq3A_1082, %convert_element_type3A_1078 : vector<2048x256xf32>
      %get3A_1084 = arith.constant 0 : index
      %get3A_1085 = arith.constant 0 : index
      %get3A_1086 = vector.load %arg4[%get3A_1084, %get3A_1085] : memref<2048x1xf32, #tpu.memory_space<vmem>>, vector<2048x1xf32>
      %gt3A_1087 = arith.constant 5.000000e-01 : f32
      %gt3A_1088 = vector.broadcast %gt3A_1087 : f32 to vector<2048x1xf32>
      %gt3A_1089 = arith.cmpf ogt, %get3A_1086, %gt3A_1088 : vector<2048x1xf32>
      %and3A_1090 = vector.broadcast %gt3A_1089 : vector<2048x1xi1> to vector<2048x256xi1>
      %and3A_1091 = arith.andi %eq3A_1083, %and3A_1090 : vector<2048x256xi1>
      %jit3A_1092 = arith.constant 1.000000e+00 : f32
      %jit3A_1093 = arith.constant 0.000000e+00 : f32
      %broadcast_in_dim3A_1094 = vector.broadcast %jit3A_1092 : f32 to vector<2048x256xf32>
      %broadcast_in_dim3A_1095 = vector.broadcast %jit3A_1093 : f32 to vector<2048x256xf32>
      %select_n3A_1096 = arith.select %and3A_1091, %broadcast_in_dim3A_1094, %broadcast_in_dim3A_1095 : vector<2048x256xi1>, vector<2048x256xf32>
      %mul3A_1097 = vector.broadcast %convert_element_type3A_1042 : vector<2048x1xf32> to vector<2048x256xf32>
      %mul3A_1098 = arith.mulf %mul3A_1097, %select_n3A_1096 : vector<2048x256xf32>
      %reduce_sum3A_1099 = arith.constant dense<0.000000e+00> : vector<256xf32>
      %reduce_sum3A_1100 = vector.multi_reduction <add>, %mul3A_1098, %reduce_sum3A_1099 [0] : vector<2048x256xf32> to vector<256xf32>
      %broadcast_in_dim3A_1101 = vector.shape_cast %reduce_sum3A_1100 : vector<256xf32> to vector<1x256xf32>
      %convert_element_type3A_1102 = arith.fptosi %broadcast_in_dim3A_1101 : vector<1x256xf32> to vector<1x256xi32>
      %reshape3A_1103 = vector.shape_cast %convert_element_type3A_1102 : vector<1x256xi32> to vector<256xi32>
      %swap3A_1104 = arith.constant 256 : index
      %swap3A_1105 = vector.load %arg2[%swap3A_1104] : memref<1792xi32, #tpu.memory_space<vmem>>, vector<256xi32>
      tpu.vector_store %arg2[%swap3A_1104], %reshape3A_1103 {strides = array<i32>} : memref<1792xi32, #tpu.memory_space<vmem>>, vector<256xi32>,
      %iota3A_1106 = tpu.iota {dimensions = array<i32: 1>} : vector<2048x256xi32>
      %add3A_1107 = arith.constant 512 : i32
      %add3A_1108 = vector.broadcast %add3A_1107 : i32 to vector<2048x256xi32>
      %add3A_1109 = arith.addi %iota3A_1106, %add3A_1108 : vector<2048x256xi32>
      %convert_element_type3A_1110 = arith.sitofp %add3A_1109 : vector<2048x256xi32> to vector<2048x256xf32>
      %get3A_1111 = arith.constant 0 : index
      %get3A_1112 = arith.constant 0 : index
      %get3A_1113 = vector.load %arg5[%get3A_1111, %get3A_1112] : memref<2048x1xf32, #tpu.memory_space<vmem>>, vector<2048x1xf32>
      %eq3A_1114 = vector.broadcast %get3A_1113 : vector<2048x1xf32> to vector<2048x256xf32>
      %eq3A_1115 = arith.cmpf oeq, %eq3A_1114, %convert_element_type3A_1110 : vector<2048x256xf32>
      %get3A_1116 = arith.constant 0 : index
      %get3A_1117 = arith.constant 0 : index
      %get3A_1118 = vector.load %arg4[%get3A_1116, %get3A_1117] : memref<2048x1xf32, #tpu.memory_space<vmem>>, vector<2048x1xf32>
      %gt3A_1119 = arith.constant 5.000000e-01 : f32
      %gt3A_1120 = vector.broadcast %gt3A_1119 : f32 to vector<2048x1xf32>
      %gt3A_1121 = arith.cmpf ogt, %get3A_1118, %gt3A_1120 : vector<2048x1xf32>
      %and3A_1122 = vector.broadcast %gt3A_1121 : vector<2048x1xi1> to vector<2048x256xi1>
      %and3A_1123 = arith.andi %eq3A_1115, %and3A_1122 : vector<2048x256xi1>
      %jit3A_1124 = arith.constant 1.000000e+00 : f32
      %jit3A_1125 = arith.constant 0.000000e+00 : f32
      %broadcast_in_dim3A_1126 = vector.broadcast %jit3A_1124 : f32 to vector<2048x256xf32>
      %broadcast_in_dim3A_1127 = vector.broadcast %jit3A_1125 : f32 to vector<2048x256xf32>
      %select_n3A_1128 = arith.select %and3A_1123, %broadcast_in_dim3A_1126, %broadcast_in_dim3A_1127 : vector<2048x256xi1>, vector<2048x256xf32>
      %mul3A_1129 = vector.broadcast %convert_element_type3A_1042 : vector<2048x1xf32> to vector<2048x256xf32>
      %mul3A_1130 = arith.mulf %mul3A_1129, %select_n3A_1128 : vector<2048x256xf32>
      %reduce_sum3A_1131 = arith.constant dense<0.000000e+00> : vector<256xf32>
      %reduce_sum3A_1132 = vector.multi_reduction <add>, %mul3A_1130, %reduce_sum3A_1131 [0] : vector<2048x256xf32> to vector<256xf32>
      %broadcast_in_dim3A_1133 = vector.shape_cast %reduce_sum3A_1132 : vector<256xf32> to vector<1x256xf32>
      %convert_element_type3A_1134 = arith.fptosi %broadcast_in_dim3A_1133 : vector<1x256xf32> to vector<1x256xi32>
      %reshape3A_1135 = vector.shape_cast %convert_element_type3A_1134 : vector<1x256xi32> to vector<256xi32>
      %swap3A_1136 = arith.constant 512 : index
      %swap3A_1137 = vector.load %arg2[%swap3A_1136] : memref<1792xi32, #tpu.memory_space<vmem>>, vector<256xi32>
      tpu.vector_store %arg2[%swap3A_1136], %reshape3A_1135 {strides = array<i32>} : memref<1792xi32, #tpu.memory_space<vmem>>, vector<256xi32>,
      %iota3A_1138 = tpu.iota {dimensions = array<i32: 1>} : vector<2048x256xi32>
      %add3A_1139 = arith.constant 768 : i32
      %add3A_1140 = vector.broadcast %add3A_1139 : i32 to vector<2048x256xi32>
      %add3A_1141 = arith.addi %iota3A_1138, %add3A_1140 : vector<2048x256xi32>
      %convert_element_type3A_1142 = arith.sitofp %add3A_1141 : vector<2048x256xi32> to vector<2048x256xf32>
      %get3A_1143 = arith.constant 0 : index
      %get3A_1144 = arith.constant 0 : index
      %get3A_1145 = vector.load %arg5[%get3A_1143, %get3A_1144] : memref<2048x1xf32, #tpu.memory_space<vmem>>, vector<2048x1xf32>
      %eq3A_1146 = vector.broadcast %get3A_1145 : vector<2048x1xf32> to vector<2048x256xf32>
      %eq3A_1147 = arith.cmpf oeq, %eq3A_1146, %convert_element_type3A_1142 : vector<2048x256xf32>
      %get3A_1148 = arith.constant 0 : index
      %get3A_1149 = arith.constant 0 : index
      %get3A_1150 = vector.load %arg4[%get3A_1148, %get3A_1149] : memref<2048x1xf32, #tpu.memory_space<vmem>>, vector<2048x1xf32>
      %gt3A_1151 = arith.constant 5.000000e-01 : f32
      %gt3A_1152 = vector.broadcast %gt3A_1151 : f32 to vector<2048x1xf32>
      %gt3A_1153 = arith.cmpf ogt, %get3A_1150, %gt3A_1152 : vector<2048x1xf32>
      %and3A_1154 = vector.broadcast %gt3A_1153 : vector<2048x1xi1> to vector<2048x256xi1>
      %and3A_1155 = arith.andi %eq3A_1147, %and3A_1154 : vector<2048x256xi1>
      %jit3A_1156 = arith.constant 1.000000e+00 : f32
      %jit3A_1157 = arith.constant 0.000000e+00 : f32
      %broadcast_in_dim3A_1158 = vector.broadcast %jit3A_1156 : f32 to vector<2048x256xf32>
      %broadcast_in_dim3A_1159 = vector.broadcast %jit3A_1157 : f32 to vector<2048x256xf32>
      %select_n3A_1160 = arith.select %and3A_1155, %broadcast_in_dim3A_1158, %broadcast_in_dim3A_1159 : vector<2048x256xi1>, vector<2048x256xf32>
      %mul3A_1161 = vector.broadcast %convert_element_type3A_1042 : vector<2048x1xf32> to vector<2048x256xf32>
      %mul3A_1162 = arith.mulf %mul3A_1161, %select_n3A_1160 : vector<2048x256xf32>
      %reduce_sum3A_1163 = arith.constant dense<0.000000e+00> : vector<256xf32>
      %reduce_sum3A_1164 = vector.multi_reduction <add>, %mul3A_1162, %reduce_sum3A_1163 [0] : vector<2048x256xf32> to vector<256xf32>
      %broadcast_in_dim3A_1165 = vector.shape_cast %reduce_sum3A_1164 : vector<256xf32> to vector<1x256xf32>
      %convert_element_type3A_1166 = arith.fptosi %broadcast_in_dim3A_1165 : vector<1x256xf32> to vector<1x256xi32>
      %reshape3A_1167 = vector.shape_cast %convert_element_type3A_1166 : vector<1x256xi32> to vector<256xi32>
      %swap3A_1168 = arith.constant 768 : index
      %swap3A_1169 = vector.load %arg2[%swap3A_1168] : memref<1792xi32, #tpu.memory_space<vmem>>, vector<256xi32>
      tpu.vector_store %arg2[%swap3A_1168], %reshape3A_1167 {strides = array<i32>} : memref<1792xi32, #tpu.memory_space<vmem>>, vector<256xi32>,
      %iota3A_1170 = tpu.iota {dimensions = array<i32: 1>} : vector<2048x256xi32>
      %add3A_1171 = arith.constant 1024 : i32
      %add3A_1172 = vector.broadcast %add3A_1171 : i32 to vector<2048x256xi32>
      %add3A_1173 = arith.addi %iota3A_1170, %add3A_1172 : vector<2048x256xi32>
      %convert_element_type3A_1174 = arith.sitofp %add3A_1173 : vector<2048x256xi32> to vector<2048x256xf32>
      %get3A_1175 = arith.constant 0 : index
      %get3A_1176 = arith.constant 0 : index
      %get3A_1177 = vector.load %arg5[%get3A_1175, %get3A_1176] : memref<2048x1xf32, #tpu.memory_space<vmem>>, vector<2048x1xf32>
      %eq3A_1178 = vector.broadcast %get3A_1177 : vector<2048x1xf32> to vector<2048x256xf32>
      %eq3A_1179 = arith.cmpf oeq, %eq3A_1178, %convert_element_type3A_1174 : vector<2048x256xf32>
      %get3A_1180 = arith.constant 0 : index
      %get3A_1181 = arith.constant 0 : index
      %get3A_1182 = vector.load %arg4[%get3A_1180, %get3A_1181] : memref<2048x1xf32, #tpu.memory_space<vmem>>, vector<2048x1xf32>
      %gt3A_1183 = arith.constant 5.000000e-01 : f32
      %gt3A_1184 = vector.broadcast %gt3A_1183 : f32 to vector<2048x1xf32>
      %gt3A_1185 = arith.cmpf ogt, %get3A_1182, %gt3A_1184 : vector<2048x1xf32>
      %and3A_1186 = vector.broadcast %gt3A_1185 : vector<2048x1xi1> to vector<2048x256xi1>
      %and3A_1187 = arith.andi %eq3A_1179, %and3A_1186 : vector<2048x256xi1>
      %jit3A_1188 = arith.constant 1.000000e+00 : f32
      %jit3A_1189 = arith.constant 0.000000e+00 : f32
      %broadcast_in_dim3A_1190 = vector.broadcast %jit3A_1188 : f32 to vector<2048x256xf32>
      %broadcast_in_dim3A_1191 = vector.broadcast %jit3A_1189 : f32 to vector<2048x256xf32>
      %select_n3A_1192 = arith.select %and3A_1187, %broadcast_in_dim3A_1190, %broadcast_in_dim3A_1191 : vector<2048x256xi1>, vector<2048x256xf32>
      %mul3A_1193 = vector.broadcast %convert_element_type3A_1042 : vector<2048x1xf32> to vector<2048x256xf32>
      %mul3A_1194 = arith.mulf %mul3A_1193, %select_n3A_1192 : vector<2048x256xf32>
      %reduce_sum3A_1195 = arith.constant dense<0.000000e+00> : vector<256xf32>
      %reduce_sum3A_1196 = vector.multi_reduction <add>, %mul3A_1194, %reduce_sum3A_1195 [0] : vector<2048x256xf32> to vector<256xf32>
      %broadcast_in_dim3A_1197 = vector.shape_cast %reduce_sum3A_1196 : vector<256xf32> to vector<1x256xf32>
      %convert_element_type3A_1198 = arith.fptosi %broadcast_in_dim3A_1197 : vector<1x256xf32> to vector<1x256xi32>
      %reshape3A_1199 = vector.shape_cast %convert_element_type3A_1198 : vector<1x256xi32> to vector<256xi32>
      %swap3A_1200 = arith.constant 1024 : index
      %swap3A_1201 = vector.load %arg2[%swap3A_1200] : memref<1792xi32, #tpu.memory_space<vmem>>, vector<256xi32>
      tpu.vector_store %arg2[%swap3A_1200], %reshape3A_1199 {strides = array<i32>} : memref<1792xi32, #tpu.memory_space<vmem>>, vector<256xi32>,
      %iota3A_1202 = tpu.iota {dimensions = array<i32: 1>} : vector<2048x256xi32>
      %add3A_1203 = arith.constant 1280 : i32
      %add3A_1204 = vector.broadcast %add3A_1203 : i32 to vector<2048x256xi32>
      %add3A_1205 = arith.addi %iota3A_1202, %add3A_1204 : vector<2048x256xi32>
      %convert_element_type3A_1206 = arith.sitofp %add3A_1205 : vector<2048x256xi32> to vector<2048x256xf32>
      %get3A_1207 = arith.constant 0 : index
      %get3A_1208 = arith.constant 0 : index
      %get3A_1209 = vector.load %arg5[%get3A_1207, %get3A_1208] : memref<2048x1xf32, #tpu.memory_space<vmem>>, vector<2048x1xf32>
      %eq3A_1210 = vector.broadcast %get3A_1209 : vector<2048x1xf32> to vector<2048x256xf32>
      %eq3A_1211 = arith.cmpf oeq, %eq3A_1210, %convert_element_type3A_1206 : vector<2048x256xf32>
      %get3A_1212 = arith.constant 0 : index
      %get3A_1213 = arith.constant 0 : index
      %get3A_1214 = vector.load %arg4[%get3A_1212, %get3A_1213] : memref<2048x1xf32, #tpu.memory_space<vmem>>, vector<2048x1xf32>
      %gt3A_1215 = arith.constant 5.000000e-01 : f32
      %gt3A_1216 = vector.broadcast %gt3A_1215 : f32 to vector<2048x1xf32>
      %gt3A_1217 = arith.cmpf ogt, %get3A_1214, %gt3A_1216 : vector<2048x1xf32>
      %and3A_1218 = vector.broadcast %gt3A_1217 : vector<2048x1xi1> to vector<2048x256xi1>
      %and3A_1219 = arith.andi %eq3A_1211, %and3A_1218 : vector<2048x256xi1>
      %jit3A_1220 = arith.constant 1.000000e+00 : f32
      %jit3A_1221 = arith.constant 0.000000e+00 : f32
      %broadcast_in_dim3A_1222 = vector.broadcast %jit3A_1220 : f32 to vector<2048x256xf32>
      %broadcast_in_dim3A_1223 = vector.broadcast %jit3A_1221 : f32 to vector<2048x256xf32>
      %select_n3A_1224 = arith.select %and3A_1219, %broadcast_in_dim3A_1222, %broadcast_in_dim3A_1223 : vector<2048x256xi1>, vector<2048x256xf32>
      %mul3A_1225 = vector.broadcast %convert_element_type3A_1042 : vector<2048x1xf32> to vector<2048x256xf32>
      %mul3A_1226 = arith.mulf %mul3A_1225, %select_n3A_1224 : vector<2048x256xf32>
      %reduce_sum3A_1227 = arith.constant dense<0.000000e+00> : vector<256xf32>
      %reduce_sum3A_1228 = vector.multi_reduction <add>, %mul3A_1226, %reduce_sum3A_1227 [0] : vector<2048x256xf32> to vector<256xf32>
      %broadcast_in_dim3A_1229 = vector.shape_cast %reduce_sum3A_1228 : vector<256xf32> to vector<1x256xf32>
      %convert_element_type3A_1230 = arith.fptosi %broadcast_in_dim3A_1229 : vector<1x256xf32> to vector<1x256xi32>
      %reshape3A_1231 = vector.shape_cast %convert_element_type3A_1230 : vector<1x256xi32> to vector<256xi32>
      %swap3A_1232 = arith.constant 1280 : index
      %swap3A_1233 = vector.load %arg2[%swap3A_1232] : memref<1792xi32, #tpu.memory_space<vmem>>, vector<256xi32>
      tpu.vector_store %arg2[%swap3A_1232], %reshape3A_1231 {strides = array<i32>} : memref<1792xi32, #tpu.memory_space<vmem>>, vector<256xi32>,
      %iota3A_1234 = tpu.iota {dimensions = array<i32: 1>} : vector<2048x256xi32>
      %add3A_1235 = arith.constant 1536 : i32
      %add3A_1236 = vector.broadcast %add3A_1235 : i32 to vector<2048x256xi32>
      %add3A_1237 = arith.addi %iota3A_1234, %add3A_1236 : vector<2048x256xi32>
      %convert_element_type3A_1238 = arith.sitofp %add3A_1237 : vector<2048x256xi32> to vector<2048x256xf32>
      %get3A_1239 = arith.constant 0 : index
      %get3A_1240 = arith.constant 0 : index
      %get3A_1241 = vector.load %arg5[%get3A_1239, %get3A_1240] : memref<2048x1xf32, #tpu.memory_space<vmem>>, vector<2048x1xf32>
      %eq3A_1242 = vector.broadcast %get3A_1241 : vector<2048x1xf32> to vector<2048x256xf32>
      %eq3A_1243 = arith.cmpf oeq, %eq3A_1242, %convert_element_type3A_1238 : vector<2048x256xf32>
      %get3A_1244 = arith.constant 0 : index
      %get3A_1245 = arith.constant 0 : index
      %get3A_1246 = vector.load %arg4[%get3A_1244, %get3A_1245] : memref<2048x1xf32, #tpu.memory_space<vmem>>, vector<2048x1xf32>
      %gt3A_1247 = arith.constant 5.000000e-01 : f32
      %gt3A_1248 = vector.broadcast %gt3A_1247 : f32 to vector<2048x1xf32>
      %gt3A_1249 = arith.cmpf ogt, %get3A_1246, %gt3A_1248 : vector<2048x1xf32>
      %and3A_1250 = vector.broadcast %gt3A_1249 : vector<2048x1xi1> to vector<2048x256xi1>
      %and3A_1251 = arith.andi %eq3A_1243, %and3A_1250 : vector<2048x256xi1>
      %jit3A_1252 = arith.constant 1.000000e+00 : f32
      %jit3A_1253 = arith.constant 0.000000e+00 : f32
      %broadcast_in_dim3A_1254 = vector.broadcast %jit3A_1252 : f32 to vector<2048x256xf32>
      %broadcast_in_dim3A_1255 = vector.broadcast %jit3A_1253 : f32 to vector<2048x256xf32>
      %select_n3A_1256 = arith.select %and3A_1251, %broadcast_in_dim3A_1254, %broadcast_in_dim3A_1255 : vector<2048x256xi1>, vector<2048x256xf32>
      %mul3A_1257 = vector.broadcast %convert_element_type3A_1042 : vector<2048x1xf32> to vector<2048x256xf32>
      %mul3A_1258 = arith.mulf %mul3A_1257, %select_n3A_1256 : vector<2048x256xf32>
      %reduce_sum3A_1259 = arith.constant dense<0.000000e+00> : vector<256xf32>
      %reduce_sum3A_1260 = vector.multi_reduction <add>, %mul3A_1258, %reduce_sum3A_1259 [0] : vector<2048x256xf32> to vector<256xf32>
      %broadcast_in_dim3A_1261 = vector.shape_cast %reduce_sum3A_1260 : vector<256xf32> to vector<1x256xf32>
      %convert_element_type3A_1262 = arith.fptosi %broadcast_in_dim3A_1261 : vector<1x256xf32> to vector<1x256xi32>
      %reshape3A_1263 = vector.shape_cast %convert_element_type3A_1262 : vector<1x256xi32> to vector<256xi32>
      %swap3A_1264 = arith.constant 1536 : index
      %swap3A_1265 = vector.load %arg2[%swap3A_1264] : memref<1792xi32, #tpu.memory_space<vmem>>, vector<256xi32>
      tpu.vector_store %arg2[%swap3A_1264], %reshape3A_1263 {strides = array<i32>} : memref<1792xi32, #tpu.memory_space<vmem>>, vector<256xi32>,
    } else {
    }
    return
  }
  func.func @transform_0(%arg0: i32) -> (i32, i32) {
    %c0_i32 = arith.constant 0 : i32
    %c0_i32_0 = arith.constant 0 : i32
    return %arg0, %c0_i32 : i32, i32
  }
  func.func @transform_1(%arg0: i32) -> i32 {
    %c0_i32 = arith.constant 0 : i32
    %c0_i32_0 = arith.constant 0 : i32
    return %c0_i32 : i32
  }
}

</mosaic_0001>

<sc_bundles>
// kernel: kernel.4.cloned.1.call-start
scs
__scs_entry_jumppad:
0x0: {  	(pc) =	sbr.rel $0x88, $3  }
0x1: {  	(tag) =	ssettag $0x0;
	lr =	simm.s32 $0x1  }
0x2: {  	[smem:$0x3F9D] =	sst lr;
	_ =	strace $0xD0000000  }
0x3: {  	_ = 	snop  }
0x4: {  	_ = 	snop  }
0x5: {  	_ = 	snop  }
0x6: {  	_ = 	snop  }
0x7: {  	_ = 	snop  }
__scs_overlays_trampoline_lowered:
0x8: {  	[smem:$0x3FAC] =	sst s0  }
0x9: {  	[smem:$0x3FAD] =	sst s1  }
0xa: {  	[smem:$0x3FAE] =	sst s2  }
0xb: {  	[smem:$0x3FAF] =	sst s3  }
0xc: {  	[smem:$0x3FB0] =	sst s4  }
0xd: {  	[smem:$0x3FB1] =	sst s5  }
0xe: {  	[smem:$0x3FB2] =	sst s6  }
0xf: {  	[smem:$0x3FB3] =	sst s7  }
0x10: {  	[smem:$0x3FB4] =	sst s8  }
0x11: {  	[smem:$0x3FB5] =	sst s9;
	s0 =	simm.s32 @!p0 $0x0  }
0x12: {  	s1 =	sld [smem:$0x3F9B];
	s0 =	simm.s32 @p0 $0x1  }
0x13: {  	[smem:$0x3FB6] =	sst s0;
	s0 =	simm.s32 @!p1 $0x0  }
0x14: {  	s2 =	sld [smem:$0x3F9A];
	s0 =	simm.s32 @p1 $0x1  }
0x15: {  	[smem:$0x3FB7] =	sst s0;
	s0 =	simm.s32 @!p2 $0x0  }
0x16: {  	s3 =	sld [smem:$0x3FDB];
	s0 =	simm.s32 @p2 $0x1  }
0x17: {  	s4 =	simm.s32 $0x1BF5;
	[smem:$0x3FB9] =	sst s0  }
0x18: {  	s0 =	sld [smem:$0x3F9C];
	_ =	swait.ge [sflag:s4], $0x0  }
0x19: {  	s7 =	sld [smem:$0x3F9D]  }
0x1a: {  	s8 =	sadd.s32 $0xFFFFE003, lr  }
0x1b: {  	s9 =	sadd.s32 $0xFFFFFEF7, lr;
	s5 =	simm.s32 $0xFFFFFFFF;
	p2 =	slt.u32 s8, $0xFFFFF086  }
0x1c: {  	p1 =	slt.u32 s9, $0xF7A;
	s5 =	simm.s32 @!p2 $0x0  }
0x1d: {  	s5 =	simm.s32 @p1 $0x1;
	p0 =	seq.s32 s7, s2  }
0x1e: {  	s7 =	smul.u32 @!p0 $0xF7A, s2;
	p2 =	seq.s32 @!p0 s5, $0x0  }
0x1f: {  	s9 =	smul.u32 $0xF7A, s1;
	s8 =	simm.s32 @!p0 $0x1BF5;
	p2 =	por !p2, p0  }
0x20: {  	[sflag:s8] =	ssyncset.s32 @!p0 $0xFFFFF086;
	s6 =	sadd.s32 @!p0 s3, s7;
	s7 =	simm.s32 @!p0 $0x108  }
0x21: {  	s3 =	sadd.s32 s3, s9;
	s6 =	sadd.s32 @!p0 $0x88, s6;
	s7 =	simm.s32 @p2 $0x1082  }
0x22: {  	[simem:s7], [sflag:s8] =	dma.local @!p0 [hbm:s6], $0xF7A  }
0x23: {  	s9 =	sor.u32 $0xD0000000, s2;
	s6 =	simm.s32 $0x108;
	_ =	swait.ge @!p0 [sflag:s8], $0x0  }
0x24: {  	s3 =	sadd.s32 $0x88, s3;
	s6 =	simm.s32 @!p1 $0x1082;
	[sflag:s4] =	ssyncset.s32 $0xFFFFF086  }
0x25: {  	[simem:s6], [sflag:s4] =	dma.local [hbm:s3], $0xF7A  }
0x26: {  	[smem:$0x3F9D] =	sst s1;
	(tag) =	ssettag s2;
	_ =	strace s9  }
0x27: {  	s1 =	sld [smem:$0x3FAD]  }
0x28: {  	s2 =	sld [smem:$0x3FAE]  }
0x29: {  	s4 =	sld [smem:$0x3FB0]  }
0x2a: {  	p0 =	seq.s32 s5, $0x0;
	s5 =	sld [smem:$0x3FB1]  }
0x2b: {  	s6 =	sld [smem:$0x3FB2]  }
0x2c: {  	s7 =	sld [smem:$0x3FB3]  }
0x2d: {  	s3 =	simm.s32 $0x108;
	s8 =	sld [smem:$0x3FB4]  }
0x2e: {  	s3 =	simm.s32 @!p0 $0x1082;
	s9 =	sld [smem:$0x3FB5]  }
0x2f: {  	lr =	sadd.s32 s0, s3;
	s0 =	sld [smem:$0x3FAC]  }
0x30: {  	s3 =	sld [smem:$0x3FAF]  }
0x31: {  	[smem:$0x3FB8] =	sst s10  }
0x32: {  	s10 =	sld [smem:$0x3FB6];
	_ =	sdelay $0x3  }
0x33: {  	p0 =	seq.s32 s10, $0x1;
	s10 =	sld [smem:$0x3FB8];
	_ =	sdelay $0x3  }
0x34: {  	[smem:$0x3FB8] =	sst s10  }
0x35: {  	s10 =	sld [smem:$0x3FB7];
	_ =	sdelay $0x3  }
0x36: {  	p1 =	seq.s32 s10, $0x1;
	s10 =	sld [smem:$0x3FB8];
	_ =	sdelay $0x3  }
0x37: {  	[smem:$0x3FB8] =	sst s10  }
0x38: {  	s10 =	sld [smem:$0x3FB9]  }
0x39: {  	_ = 	snop;
	(pc) =	sbr.ind lr, $3  }
0x3a: {  	_ = 	snop  }
0x3b: {  	_ = 	snop  }
0x3c: {  	p2 =	seq.s32 s10, $0x1;
	s10 =	sld [smem:$0x3FB8]  }
0x3d: {  	_ =	shalt  }
0x3e: {  	_ =	shalt  }
0x3f: {  	_ =	shalt  }
0x40: {  	_ =	shalt  }
0x41: {  	_ =	shalt  }
0x42: {  	_ =	shalt  }
0x43: {  	_ =	shalt  }
0x44: {  	_ =	shalt  }
0x45: {  	_ =	shalt  }
0x46: {  	_ =	shalt  }
0x47: {  	_ =	shalt  }
0x48: {  	_ =	shalt  }
0x49: {  	_ =	shalt  }
0x4a: {  	_ =	shalt  }
0x4b: {  	_ =	shalt  }
0x4c: {  	_ =	shalt  }
0x4d: {  	_ =	shalt  }
0x4e: {  	_ =	shalt  }
0x4f: {  	_ =	shalt  }
0x50: {  	_ =	shalt  }
0x51: {  	_ =	shalt  }
0x52: {  	_ =	shalt  }
0x53: {  	_ =	shalt  }
0x54: {  	_ =	shalt  }
0x55: {  	_ =	shalt  }
0x56: {  	_ =	shalt  }
0x57: {  	_ =	shalt  }
0x58: {  	_ =	shalt  }
0x59: {  	_ =	shalt  }
0x5a: {  	_ =	shalt  }
0x5b: {  	_ =	shalt  }
0x5c: {  	_ =	shalt  }
0x5d: {  	_ =	shalt  }
0x5e: {  	_ =	shalt  }
0x5f: {  	_ =	shalt  }
0x60: {  	_ =	shalt  }
0x61: {  	_ =	shalt  }
0x62: {  	_ =	shalt  }
0x63: {  	_ =	shalt  }
0x64: {  	_ =	shalt  }
0x65: {  	_ =	shalt  }
0x66: {  	_ =	shalt  }
0x67: {  	_ =	shalt  }
0x68: {  	_ =	shalt  }
0x69: {  	_ =	shalt  }
0x6a: {  	_ =	shalt  }
0x6b: {  	_ =	shalt  }
0x6c: {  	_ =	shalt  }
0x6d: {  	_ =	shalt  }
0x6e: {  	_ =	shalt  }
0x6f: {  	_ =	shalt  }
0x70: {  	_ =	shalt  }
0x71: {  	_ =	shalt  }
0x72: {  	_ =	shalt  }
0x73: {  	_ =	shalt  }
0x74: {  	_ =	shalt  }
0x75: {  	_ =	shalt  }
0x76: {  	_ =	shalt  }
0x77: {  	_ =	shalt  }
0x78: {  	_ =	shalt  }
0x79: {  	_ =	shalt  }
0x7a: {  	_ =	shalt  }
0x7b: {  	_ =	shalt  }
0x7c: {  	_ =	shalt  }
0x7d: {  	_ =	shalt  }
0x7e: {  	_ =	shalt  }
0x7f: {  	_ =	shalt  }
0x80: {  	_ =	shalt  }
0x81: {  	_ =	shalt  }
0x82: {  	_ =	shalt  }
0x83: {  	_ =	shalt  }
0x84: {  	_ =	shalt  }
0x85: {  	_ =	shalt  }
0x86: {  	_ =	shalt  }
0x87: {  	_ =	shalt  }
.Lfunc_end0:
.L_simem_size_0:
called_computation_lowered:
.L_overlay_start_0:
0x88: {  	s2 =	sld [smem:$0x3FD9]  }
0x89: {  	s3 =	sld [smem:$0x3FFE];
	_ =	sdelay $0x1  }
0x8a: {  	s1 =	srdreg.scid  }
0x8b: {  	s0 =	sand.u32 $0x1, s1  }
0x8c: {  	s14 =	sshll.u32 s0, $0xA;
	s2 =	sadd.s32 s3, s2  }
0x8d: {  	s2 =	sadd.s32 s2, s14  }
0x8e: {  	[smem:$0x3FC4] =	sst s2  }
0x8f: {  	_ = 	snop  }
0x90: {  	s2 =	sld [smem:$0x3FD0]  }
0x91: {  	s15 =	sld [smem:$0x3FC9]  }
0x92: {  	s4 =	sld [smem:$0x3FC8]  }
0x93: {  	s6 =	simm.s32 $0xA;
	s7 =	simm.s32 $0x10;
	s5 =	sld [smem:$0x3FC7]  }
0x94: {  	[smem:s7], [sflag:s6] =	dma.local [hbm:s2], $0x1  }
0x95: {  	_ =	swait.eq [sflag:s6], $0x1  }
0x96: {  	s16 =	sld [smem:$0x10];
	[sflag:s6] =	ssyncset.done $0x0  }
0x97: {  	s17 =	sld [smem:$0x11];
	[sflag:s6] =	ssyncadd.s32 $0xFFFFFFFF  }
0x98: {  	s18 =	sld [smem:$0x12];
	(tm) =	ssettm $0x1  }
0x99: {  	s8 =	sld [smem:$0x3FFB];
	_ =	sdelay $0x3  }
0x9a: {  	_ =	strace s8  }
0x9b: {  	s8 =	sld [smem:$0x3FFC];
	_ =	sdelay $0x3  }
0x9c: {  	_ =	strace s8  }
0x9d: {  	s8 =	sld [smem:$0x3FFD];
	_ =	sdelay $0x3  }
0x9e: {  	_ =	strace s8  }
0x9f: {  	_ =	strace $0x8FFFFFFF  }
0xa0: {  	s19 =	sld [smem:$0x3FDB];
	_ =	sdelay $0x1  }
0xa1: {  	s9 =	simm.s32 $_scs_section_size  }
0xa2: {  	s10 =	simm.s32 $_size__tile_overlayer_lowered;
	s11 =	simm.s32 $_tile_overlayer_lowered  }
0xa3: {  	s22 =	simm.s32 $0x1BFF;
	s21 =	sshll.u32 s11, $0x1;
	s8 =	sadd.s32 s9, s19  }
0xa4: {  	s12 =	simm.s32 $0x0;
	s20 =	sshll.u32 s10, $0x1;
	s10 =	sadd.s32 s21, s8  }
0xa5: {  	[timem:s12], [sflag:s22] =	dma.local [hbm:s10], s20  }
0xa6: {  	_ =	swait.ge [sflag:s22], s20  }
0xa7: {  	s9 =	ssub.s32 $0x0, s20;
	[sflag:s22] =	ssyncset.done $0x0  }
0xa8: {  	[sflag:s22] =	ssyncadd.s32 s9;
	_ =	sdelay $0x1  }
0xa9: {  	s23 =	simm.s32 $0x1B8B  }
0xaa: {  	_ =	swait.ge [sflag:s23], $0x1  }
0xab: {  	[sflag:s23] =	ssyncset.done $0x0  }
0xac: {  	s25 =	simm.s32 $0x1B8E;
	s24 =	sld [smem:$0x3FFE];
	[sflag:s23] =	ssyncadd.s32 $0xFFFFFFFF  }
0xad: {  	s26 =	simm.s32 $execute0_lowered;
	[smem:$0x3FD2] =	sst s25  }
0xae: {  	s10 =	sshll.u32 s26, $0x1;
	_ =	strace $0x80000046;
	[dreg:$0x1] =	wrdreg $0xFFFFFFFF  }
0xaf: {  	s28 =	simm.s32 $_size_execute0_lowered;
	s8 =	sadd.s32 s8, s10;
	[dreg:$0x0] =	wrdreg $0x0  }
0xb0: {  	s10 =	sshll.u32 s28, $0x1;
	[dreg:$0x2] =	wrdreg s8  }
0xb1: {  	[dreg:$0x3] =	wrdreg s10  }
0xb2: {  	[dreg:$0x4] =	wrdreg $0xC0  }
0xb3: {  	_ =	task [dreg:s12], $0x5FFFF  }
0xb4: {  	[dreg:$0x1] =	wrdreg $0xFFFFFFFF  }
0xb5: {  	[dreg:$0x0] =	wrdreg $0x60  }
0xb6: {  	[dreg:$0x2] =	wrdreg s15  }
0xb7: {  	[dreg:$0x3] =	wrdreg s4  }
0xb8: {  	[dreg:$0x4] =	wrdreg s5  }
0xb9: {  	[dreg:$0x5] =	wrdreg s24  }
0xba: {  	[dreg:$0x6] =	wrdreg s16  }
0xbb: {  	[dreg:$0x7] =	wrdreg s17  }
0xbc: {  	[dreg:$0x8] =	wrdreg s18  }
0xbd: {  	[dreg:$0x9] =	wrdreg $0x9  }
0xbe: {  	_ =	task.clear_ibuf [dreg:s12], $0xAFFFF;
	_ =	strace $0x90000046  }
0xbf: {  	s29 =	simm.s32 $0x9;
	_ =	strace $0x80000048  }
0xc0: {  	_ =	swait.ge [sflag:s29], $0x1  }
0xc1: {  	[sflag:s29] =	ssyncadd.s32 $0xFFFFFFFF  }
0xc2: {  	_ =	strace $0x90000048  }
0xc3: {  	_ =	sfence  }
0xc4: {  	s30 =	sld [smem:$0x0];
	_ =	sdelay $0x2  }
0xc5: {  	s31 =	sshll.u32 s1, $0xD;
	s1 =	sshrl.u32 s1, $0x2  }
0xc6: {  	s3 =	sand.u32 $0x4000, s31;
	s1 =	sadd.s32 s1, s30  }
0xc7: {  	s0 =	sor.u32 s3, s0;
	s1 =	sshll.u32 s1, $0x11  }
0xc8: {  	s0 =	sor.u32 s1, s0  }
0xc9: {  	s0 =	sadd.s32 $0x8F2B, s0  }
0xca: {  	[sflag:s0] =	ssyncadd.remote.s32 $0x1  }
0xcb: {  	_ =	sfence.sel $0xFFFF  }
0xcc: {  	[dreg:$0x0] =	wrdreg $0xFFFFFFFF;
	(pc) =	sbr.abs _section_cstart, $3  }
0xcd: {  	[dreg:$0x1] =	wrdreg $0xFFFFFFFF  }
0xce: {  	_ =	task.clear_ibuf [dreg:s12], $0x2FFFF;
	_ =	strace $0x9FFFFFFF  }
0xcf: {  	(tm) =	ssettm $0x7FFFFFFF  }
tec
execute0_lowered:
.L_overlay_start_1:
0x0: {  	(tag) =	ssettag $0x1  }
0x1: {  	s4 =	stileid.u32  }
0x2: {  	p0 =	sgt.u32 s4, $0xD  }
.Ltmp0:
0x3: {  	s3 =	rddreg [dreg:$0x3];
	(pc) =	sbr.rel @p0 .LBB2_17-.Ltmp0, $4  }
0x4: {  	s1 =	rddreg [dreg:$0x4]  }
0x5: {  	s2 =	rddreg [dreg:$0x5];
	s13 =	simm.s32 $0x0  }
0x6: {  	[smem:$0x7FF] =	sst s13  }
0x7: {  	s0 =	rddreg [dreg:$0x6];
	_ =	strace $0x80000047  }
0x8: {  	s4 =	srdreg.scid;
	s6 =	stileid.u32  }
0x9: {  	s4 =	sand.u32 $0x1, s4;
	s6 =	sshll.u32 s6, $0x1  }
0xa: {  	s6 =	sor.u32 s4, s6  }
0xb: {  	s7 =	smul.u32 $0x38, s6  }
0xc: {  	s11 =	sadd.s32 $0xA00, s3;
	s6 =	smul.u32 $0x3800, s6  }
0xd: {  	[dreg:$0x8] =	wrdreg s11;
	s8 =	sshrl.u32 s7, $0x3;
	s9 =	sadd.s32 $0x8, s7  }
0xe: {  	s10 =	sadd.s32 s1, s6;
	s6 =	sadd.s32 s2, s6;
	s16 =	sadd.s32 $0x18, s7  }
0xf: {  	s24 =	sadd.s32 $0x28, s7;
	s5 =	smul.u32 $0x680, s8;
	[dreg:$0x9] =	wrdreg s10  }
0x10: {  	[dreg:$0xa] =	wrdreg s6;
	s10 =	sshrl.u32 s9, $0x3;
	s12 =	sshll.u32 s9, $0x8  }
0x11: {  	s17 =	sshrl.u32 s16, $0x3;
	s26 =	sshrl.u32 s24, $0x3;
	s29 =	sshll.u32 s24, $0x8  }
0x12: {  	s9 =	sadd.s32 s1, s12;
	s30 =	smul.u32 $0x680, s26;
	s26 =	rddreg [dreg:$0x1]  }
0x13: {  	s6 =	smul.u32 $0x680, s10;
	s3 =	sadd.s32 s0, s5;
	[dreg:$0xc] =	wrdreg s9  }
0x14: {  	s10 =	smul.u32 $0x680, s17;
	s5 =	sadd.s32 s1, s29;
	[dreg:$0xb] =	wrdreg s3  }
0x15: {  	s31 =	simm.s32 $0x14700;
	s3 =	sadd.s32 s2, s12;
	[dreg:$0x18] =	wrdreg s5  }
0x16: {  	s21 =	sadd.s32 s0, s10;
	s10 =	sadd.s32 s0, s30;
	s30 =	rddreg [dreg:$0x2]  }
0x17: {  	s9 =	sshll.u32 s16, $0x8;
	s6 =	sadd.s32 s0, s6;
	[dreg:$0xd] =	wrdreg s3  }
0x18: {  	s28 =	simm.s32 $0x18700;
	s19 =	sadd.s32 s1, s9;
	[dreg:$0xe] =	wrdreg s6  }
0x19: {  	s4 =	ssub.s32 $0x2, s4;
	s20 =	sadd.s32 s2, s9;
	[dreg:$0x12] =	wrdreg s19  }
0x1a: {  	s14 =	sadd.s32 $0x10, s7;
	s22 =	sadd.s32 $0x20, s7;
	[dreg:$0x13] =	wrdreg s20  }
0x1b: {  	s7 =	sadd.s32 $0x30, s7;
	s15 =	sshrl.u32 s14, $0x3;
	[dreg:$0x14] =	wrdreg s21  }
0x1c: {  	s3 =	sshll.u32 s14, $0x8;
	[dreg:$0x1a] =	wrdreg s10;
	s21 =	sadd.s32 s11, s8  }
0x1d: {  	s23 =	sshrl.u32 s22, $0x3;
	s12 =	sadd.s32 s1, s3;
	[dreg:$0x1f] =	wrdreg s21  }
0x1e: {  	s6 =	smul.u32 $0x680, s15;
	s3 =	sadd.s32 s2, s3;
	[dreg:$0xf] =	wrdreg s12  }
0x1f: {  	s16 =	sshrl.u32 s4, $0x1;
	s21 =	sadd.s32 $0x400, s30;
	[dreg:$0x10] =	wrdreg s3  }
0x20: {  	s20 =	ssub.s32 s4, s16;
	s18 =	sadd.s32 s0, s6;
	[smem:$0x7FD] =	sst s21  }
0x21: {  	s11 =	sadd.s32 $0x100, s26;
	s3 =	sshll.u32 s22, $0x8;
	[dreg:$0x11] =	wrdreg s18  }
0x22: {  	s6 =	smul.u32 $0x680, s23;
	s25 =	sadd.s32 s1, s3;
	s18 =	rddreg [dreg:$0x0]  }
0x23: {  	s5 =	sadd.s32 $0x200, s30;
	s3 =	sadd.s32 s2, s3;
	[dreg:$0x15] =	wrdreg s25  }
0x24: {  	s10 =	sadd.s32 $0x500, s30;
	[dreg:$0x16] =	wrdreg s3;
	s6 =	sadd.s32 s0, s6  }
0x25: {  	s4 =	simm.s32 $0x0;
	s3 =	sadd.s32 s2, s29;
	[dreg:$0x17] =	wrdreg s6  }
0x26: {  	s12 =	sshrl.u32 s7, $0x3;
	s19 =	sadd.s32 $0x100, s18;
	[dreg:$0x19] =	wrdreg s3  }
0x27: {  	s22 =	sadd.s32 $0x300, s18;
	s23 =	sadd.s32 $0x400, s18;
	[dreg:$0x1e] =	wrdreg s19  }
0x28: {  	s8 =	sadd.s32 $0x500, s18;
	s24 =	sadd.s32 $0x600, s18;
	[smem:$0x7F7] =	sst s22  }
0x29: {  	s25 =	sadd.s32 $0x700, s18;
	s29 =	sadd.s32 $0x300, s26;
	[smem:$0x7F8] =	sst s23  }
0x2a: {  	s6 =	sshll.u32 s7, $0x8;
	s3 =	smul.u32 $0x680, s12;
	[smem:$0x7F9] =	sst s24  }
0x2b: {  	s7 =	sadd.s32 $0x200, s18;
	[smem:$0x7FA] =	sst s25;
	s12 =	sadd.s32 $0x200, s26  }
0x2c: {  	[smem:$0x7FB] =	sst s29;
	s19 =	sadd.s32 $0x600, s26;
	s14 =	sadd.s32 s1, s6  }
0x2d: {  	s18 =	sadd.s32 $0x100, s30;
	s15 =	sadd.s32 s2, s6;
	[dreg:$0x1b] =	wrdreg s14  }
0x2e: {  	s23 =	sadd.s32 $0x600, s30;
	s1 =	simm.s32 $0x10700;
	[dreg:$0x1c] =	wrdreg s15  }
0x2f: {  	s17 =	sadd.s32 s0, s3;
	s0 =	smax.u32 s20, $0x1;
	s14 =	sadd.s32 $0x400, s26  }
0x30: {  	v0 =	vlaneseq.u32;
	s15 =	sadd.s32 $0x500, s26;
	s20 =	sadd.s32 $0x300, s30;
	[dreg:$0x1d] =	wrdreg s17  }
0x31: {  	v2 =	vshrl.u32 v0, $0x3;
	[smem:$0x7F6] =	sst s0;
	s17 =	sadd.s32 $0x700, s26;
	s0 =	sadd.s32 $0x700, s30  }
0x32: {  	vm0 =	vmmov $0xffff;
	v1 =	vand.u32 $0x7, v0;
	v2 =	vmul.u32 $0x8, v2;
	s26 =	simm.s32 $0x80;
	[smem:$0x7FC] =	sst s0;
	s0 =	simm.s32 $0x1BB00  }
.LBB2_2:
0x33: {  	[smem:$0x7F5] =	sst s4  }
0x34: {  	s2 =	rddreg [dreg:$0x1f];
	s3 =	simm.s32 $0xD  }
0x35: {  	[tilespmem:s13], [sflag:$0xD] =	stream.linear.gather [hbm4b:s2+s13], $0x38, $0x38;
	[tilespmem:$0x1EF00] =	vst v63  }
0x36: {  	_ =	swait.ge [sflag:s3], $0x38  }
0x37: {  	[sflag:s3] =	ssyncset.done $0x0  }
0x38: {  	s4 =	rddreg [dreg:$0x8];
	[sflag:s3] =	ssyncadd.s32 $0xFFFFFFC8  }
0x39: {  	[tilespmem:s26], [sflag:$0xC] =	stream.linear.gather [hbm4b:s4+s13], $0x620, $0x38;
	[tilespmem:$0x1EF00] =	vst v63  }
0x3a: {  	v3 =	vld.msk [tilespmem:$0x0], $0xff;
	_ =	sdelay $0x4  }
0x3b: {  	v4 =	vshll.u32 v3, $0x4  }
0x3c: {  	v3 =	vand.u32 $0x7, v3;
	v4 =	vand.u32 $0xFFFFFF80, v4  }
0x3d: {  	v3 =	vor.u32 v3, v4  }
0x3e: {  	v3 =	vperm.xlane v3, v1;
	_ =	sdelay $0x1  }
0x3f: {  	v3 =	vadd.s32 v2, v3;
	_ =	sdelay $0x2  }
0x40: {  	s24 =	smov.u32 s23;
	s21 =	smov.u32 s20  }
0x41: {  	s23 =	smov.u32 s18;
	s6 =	simm.s32 $0x700;
	s3 =	rddreg [dreg:$0x0]  }
0x42: {  	[tilespmem:s6], [sflag:$0x1] =	stream.indirect_vreg.gather [hbm4b:s3+s13], $0x80, v3, vm0, $0xb8;
	[tilespmem:$0x1EF00] =	vst v63  }
0x43: {  	s18 =	smov.u32 s17;
	s29 =	rddreg [dreg:$0x1e];
	s6 =	simm.s32 $0xF00  }
0x44: {  	[tilespmem:s6], [sflag:$0x1] =	stream.indirect_vreg.gather [hbm4b:s29+s13], $0x80, v3, vm0, $0xb8;
	[tilespmem:$0x1EF00] =	vst v63  }
0x45: {  	s9 =	smov.u32 s8;
	s16 =	simm.s32 $0x1700;
	s8 =	sld [smem:$0x7F7]  }
0x46: {  	[tilespmem:s16], [sflag:$0x1] =	stream.indirect_vreg.gather [hbm4b:s7+s13], $0x80, v3, vm0, $0xb8;
	[tilespmem:$0x1EF00] =	vst v63  }
0x47: {  	s22 =	smov.u32 s15;
	s20 =	simm.s32 $0x1F00;
	s3 =	sld [smem:$0x7F8]  }
0x48: {  	[tilespmem:s20], [sflag:$0x1] =	stream.indirect_vreg.gather [hbm4b:s8+s13], $0x80, v3, vm0, $0xb8;
	[tilespmem:$0x1EF00] =	vst v63  }
0x49: {  	s15 =	smov.u32 s14;
	s14 =	smov.u32 s12;
	s25 =	simm.s32 $0x2700  }
0x4a: {  	[tilespmem:s25], [sflag:$0x1] =	stream.indirect_vreg.gather [hbm4b:s3+s13], $0x80, v3, vm0, $0xb8;
	[tilespmem:$0x1EF00] =	vst v63  }
0x4b: {  	s12 =	smov.u32 s11;
	s2 =	simm.s32 $0x2F00;
	s11 =	sld [smem:$0x7F9]  }
0x4c: {  	[tilespmem:s2], [sflag:$0x1] =	stream.indirect_vreg.gather [hbm4b:s9+s13], $0x80, v3, vm0, $0xb8;
	[tilespmem:$0x1EF00] =	vst v63  }
0x4d: {  	s4 =	simm.s32 $0x3700;
	s16 =	smov.u32 s10;
	s10 =	sld [smem:$0x7FA]  }
0x4e: {  	[tilespmem:s4], [sflag:$0x1] =	stream.indirect_vreg.gather [hbm4b:s11+s13], $0x80, v3, vm0, $0xb8;
	[tilespmem:$0x1EF00] =	vst v63  }
0x4f: {  	s17 =	smov.u32 s5;
	s5 =	smov.u32 s7;
	s7 =	simm.s32 $0x3F00  }
0x50: {  	[tilespmem:s7], [sflag:$0x1] =	stream.indirect_vreg.gather [hbm4b:s10+s13], $0x80, v3, vm0, $0xb8;
	[tilespmem:$0x1EF00] =	vst v63  }
0x51: {  	v3 =	vld.msk [tilespmem:$0x0], $0xff;
	_ =	sdelay $0x4  }
0x52: {  	v4 =	vshll.u32 v3, $0x4  }
0x53: {  	v3 =	vand.u32 $0x7, v3;
	v4 =	vand.u32 $0xFFFFFF80, v4  }
0x54: {  	v3 =	vor.u32 v3, v4  }
0x55: {  	v3 =	vperm.xlane v3, v1;
	_ =	sdelay $0x1  }
0x56: {  	v3 =	vadd.s32 v2, v3;
	_ =	sdelay $0x3  }
0x57: {  	s20 =	rddreg [dreg:$0x1];
	s25 =	simm.s32 $0x8700  }
0x58: {  	[tilespmem:s25], [sflag:$0x5] =	stream.indirect_vreg.gather [hbm4b:s20+s13], $0x80, v3, vm0, $0xb8;
	[tilespmem:$0x1EF00] =	vst v63  }
0x59: {  	s25 =	simm.s32 $0x8F00  }
0x5a: {  	[tilespmem:s25], [sflag:$0x5] =	stream.indirect_vreg.gather [hbm4b:s12+s13], $0x80, v3, vm0, $0xb8;
	[tilespmem:$0x1EF00] =	vst v63  }
0x5b: {  	s30 =	sld [smem:$0x7FB];
	s2 =	simm.s32 $0x9700  }
0x5c: {  	[tilespmem:s2], [sflag:$0x5] =	stream.indirect_vreg.gather [hbm4b:s14+s13], $0x80, v3, vm0, $0xb8;
	[tilespmem:$0x1EF00] =	vst v63  }
0x5d: {  	s4 =	simm.s32 $0x9F00  }
0x5e: {  	[tilespmem:s4], [sflag:$0x5] =	stream.indirect_vreg.gather [hbm4b:s30+s13], $0x80, v3, vm0, $0xb8;
	[tilespmem:$0x1EF00] =	vst v63  }
0x5f: {  	s6 =	simm.s32 $0xA700  }
0x60: {  	[tilespmem:s6], [sflag:$0x5] =	stream.indirect_vreg.gather [hbm4b:s15+s13], $0x80, v3, vm0, $0xb8;
	[tilespmem:$0x1EF00] =	vst v63  }
0x61: {  	s7 =	simm.s32 $0xAF00  }
0x62: {  	[tilespmem:s7], [sflag:$0x5] =	stream.indirect_vreg.gather [hbm4b:s22+s13], $0x80, v3, vm0, $0xb8;
	[tilespmem:$0x1EF00] =	vst v63  }
0x63: {  	s20 =	simm.s32 $0xB700  }
0x64: {  	[tilespmem:s20], [sflag:$0x5] =	stream.indirect_vreg.gather [hbm4b:s19+s13], $0x80, v3, vm0, $0xb8;
	[tilespmem:$0x1EF00] =	vst v63  }
0x65: {  	s2 =	simm.s32 $0xBF00  }
0x66: {  	[tilespmem:s2], [sflag:$0x5] =	stream.indirect_vreg.gather [hbm4b:s18+s13], $0x80, v3, vm0, $0xb8;
	[tilespmem:$0x1EF00] =	vst v63  }
0x67: {  	v3 =	vld.msk [tilespmem:$0x0], $0xff;
	_ =	sdelay $0x4  }
0x68: {  	v4 =	vshll.u32 v3, $0x4  }
0x69: {  	v3 =	vand.u32 $0x7, v3;
	v4 =	vand.u32 $0xFFFFFF80, v4  }
0x6a: {  	v3 =	vor.u32 v3, v4  }
0x6b: {  	v3 =	vperm.xlane v3, v1;
	_ =	sdelay $0x1  }
0x6c: {  	v3 =	vadd.s32 v2, v3;
	_ =	sdelay $0x3  }
0x6d: {  	s4 =	rddreg [dreg:$0x2]  }
0x6e: {  	[tilespmem:s1], [sflag:$0x9] =	stream.indirect_vreg.gather [hbm4b:s4+s13], $0x80, v3, vm0, $0xb8;
	[tilespmem:$0x1EF00] =	vst v63  }
0x6f: {  	s6 =	simm.s32 $0x10F00;
	s4 =	simm.s32 $0x0  }
0x70: {  	[tilespmem:s6], [sflag:$0x9] =	stream.indirect_vreg.gather [hbm4b:s23+s4], $0x80, v3, vm0, $0xb8;
	[tilespmem:$0x1EF00] =	vst v63  }
0x71: {  	s2 =	simm.s32 $0x11700  }
0x72: {  	[tilespmem:s2], [sflag:$0x9] =	stream.indirect_vreg.gather [hbm4b:s17+s4], $0x80, v3, vm0, $0xb8;
	[tilespmem:$0x1EF00] =	vst v63  }
0x73: {  	s13 =	simm.s32 $0x11F00;
	s6 =	smov.u32 s17;
	s17 =	sld [smem:$0x7FD]  }
0x74: {  	[tilespmem:s13], [sflag:$0x9] =	stream.indirect_vreg.gather [hbm4b:s21+s4], $0x80, v3, vm0, $0xb8;
	[tilespmem:$0x1EF00] =	vst v63  }
0x75: {  	s20 =	simm.s32 $0x12700  }
0x76: {  	[tilespmem:s20], [sflag:$0x9] =	stream.indirect_vreg.gather [hbm4b:s17+s4], $0x80, v3, vm0, $0xb8;
	[tilespmem:$0x1EF00] =	vst v63  }
0x77: {  	s25 =	simm.s32 $0x12F00  }
0x78: {  	[tilespmem:s25], [sflag:$0x9] =	stream.indirect_vreg.gather [hbm4b:s16+s4], $0x80, v3, vm0, $0xb8;
	[tilespmem:$0x1EF00] =	vst v63  }
0x79: {  	s13 =	sld [smem:$0x7FC];
	s20 =	simm.s32 $0x13700  }
0x7a: {  	[tilespmem:s20], [sflag:$0x9] =	stream.indirect_vreg.gather [hbm4b:s24+s4], $0x80, v3, vm0, $0xb8;
	[tilespmem:$0x1EF00] =	vst v63  }
0x7b: {  	s25 =	simm.s32 $0x13F00  }
0x7c: {  	[tilespmem:s25], [sflag:$0x9] =	stream.indirect_vreg.gather [hbm4b:s13+s4], $0x80, v3, vm0, $0xb8;
	[tilespmem:$0x1EF00] =	vst v63  }
0x7d: {  	v3 =	vld.msk [tilespmem:$0x8], $0xff;
	_ =	sdelay $0x4  }
0x7e: {  	v4 =	vshll.u32 v3, $0x4  }
0x7f: {  	v3 =	vand.u32 $0x7, v3;
	v4 =	vand.u32 $0xFFFFFF80, v4  }
0x80: {  	v3 =	vor.u32 v3, v4  }
0x81: {  	v3 =	vperm.xlane v3, v1;
	_ =	sdelay $0x1  }
0x82: {  	v3 =	vadd.s32 v2, v3;
	_ =	sdelay $0x3  }
0x83: {  	s7 =	rddreg [dreg:$0x0];
	s17 =	simm.s32 $0x4700  }
0x84: {  	[tilespmem:s17], [sflag:$0x2] =	stream.indirect_vreg.gather [hbm4b:s7+s4], $0x80, v3, vm0, $0xb8;
	[tilespmem:$0x1EF00] =	vst v63  }
0x85: {  	s20 =	simm.s32 $0x4F00  }
0x86: {  	[tilespmem:s20], [sflag:$0x2] =	stream.indirect_vreg.gather [hbm4b:s29+s4], $0x80, v3, vm0, $0xb8;
	[tilespmem:$0x1EF00] =	vst v63  }
0x87: {  	s29 =	simm.s32 $0x5700  }
0x88: {  	[tilespmem:s29], [sflag:$0x2] =	stream.indirect_vreg.gather [hbm4b:s5+s4], $0x80, v3, vm0, $0xb8;
	[tilespmem:$0x1EF00] =	vst v63  }
0x89: {  	s17 =	simm.s32 $0x5F00  }
0x8a: {  	[tilespmem:s17], [sflag:$0x2] =	stream.indirect_vreg.gather [hbm4b:s8+s4], $0x80, v3, vm0, $0xb8;
	[tilespmem:$0x1EF00] =	vst v63  }
0x8b: {  	s25 =	smov.u32 s3;
	s20 =	simm.s32 $0x6700  }
0x8c: {  	[tilespmem:s20], [sflag:$0x2] =	stream.indirect_vreg.gather [hbm4b:s25+s4], $0x80, v3, vm0, $0xb8;
	[tilespmem:$0x1EF00] =	vst v63  }
0x8d: {  	s29 =	simm.s32 $0x6F00  }
0x8e: {  	[tilespmem:s29], [sflag:$0x2] =	stream.indirect_vreg.gather [hbm4b:s9+s4], $0x80, v3, vm0, $0xb8;
	[tilespmem:$0x1EF00] =	vst v63  }
0x8f: {  	s7 =	smov.u32 s5;
	s5 =	simm.s32 $0x7700;
	s8 =	smov.u32 s25  }
0x90: {  	[tilespmem:s5], [sflag:$0x2] =	stream.indirect_vreg.gather [hbm4b:s11+s4], $0x80, v3, vm0, $0xb8;
	[tilespmem:$0x1EF00] =	vst v63  }
0x91: {  	s25 =	smov.u32 s10;
	s10 =	smov.u32 s9;
	s9 =	simm.s32 $0x7F00  }
0x92: {  	[tilespmem:s9], [sflag:$0x2] =	stream.indirect_vreg.gather [hbm4b:s25+s4], $0x80, v3, vm0, $0xb8;
	[tilespmem:$0x1EF00] =	vst v63  }
0x93: {  	v3 =	vld.msk [tilespmem:$0x8], $0xff;
	_ =	sdelay $0x4  }
0x94: {  	v4 =	vshll.u32 v3, $0x4  }
0x95: {  	v3 =	vand.u32 $0x7, v3;
	v4 =	vand.u32 $0xFFFFFF80, v4  }
0x96: {  	v3 =	vor.u32 v3, v4  }
0x97: {  	v3 =	vperm.xlane v3, v1;
	_ =	sdelay $0x1  }
0x98: {  	v3 =	vadd.s32 v2, v3;
	_ =	sdelay $0x3  }
0x99: {  	s17 =	simm.s32 $0xC700;
	s20 =	rddreg [dreg:$0x1]  }
0x9a: {  	[tilespmem:s17], [sflag:$0x6] =	stream.indirect_vreg.gather [hbm4b:s20+s4], $0x80, v3, vm0, $0xb8;
	[tilespmem:$0x1EF00] =	vst v63  }
0x9b: {  	s11 =	smov.u32 s25;
	s25 =	simm.s32 $0xCF00  }
0x9c: {  	[tilespmem:s25], [sflag:$0x6] =	stream.indirect_vreg.gather [hbm4b:s12+s4], $0x80, v3, vm0, $0xb8;
	[tilespmem:$0x1EF00] =	vst v63  }
0x9d: {  	s29 =	simm.s32 $0xD700  }
0x9e: {  	[tilespmem:s29], [sflag:$0x6] =	stream.indirect_vreg.gather [hbm4b:s14+s4], $0x80, v3, vm0, $0xb8;
	[tilespmem:$0x1EF00] =	vst v63  }
0x9f: {  	s2 =	simm.s32 $0xDF00  }
0xa0: {  	[tilespmem:s2], [sflag:$0x6] =	stream.indirect_vreg.gather [hbm4b:s30+s4], $0x80, v3, vm0, $0xb8;
	[tilespmem:$0x1EF00] =	vst v63  }
0xa1: {  	s20 =	simm.s32 $0xE700  }
0xa2: {  	[tilespmem:s20], [sflag:$0x6] =	stream.indirect_vreg.gather [hbm4b:s15+s4], $0x80, v3, vm0, $0xb8;
	[tilespmem:$0x1EF00] =	vst v63  }
0xa3: {  	s25 =	simm.s32 $0xEF00  }
0xa4: {  	[tilespmem:s25], [sflag:$0x6] =	stream.indirect_vreg.gather [hbm4b:s22+s4], $0x80, v3, vm0, $0xb8;
	[tilespmem:$0x1EF00] =	vst v63  }
0xa5: {  	s9 =	smov.u32 s19;
	s29 =	simm.s32 $0xF700  }
0xa6: {  	[tilespmem:s29], [sflag:$0x6] =	stream.indirect_vreg.gather [hbm4b:s9+s4], $0x80, v3, vm0, $0xb8;
	[tilespmem:$0x1EF00] =	vst v63  }
0xa7: {  	s2 =	simm.s32 $0xFF00  }
0xa8: {  	[tilespmem:s2], [sflag:$0x6] =	stream.indirect_vreg.gather [hbm4b:s18+s4], $0x80, v3, vm0, $0xb8;
	[tilespmem:$0x1EF00] =	vst v63  }
0xa9: {  	v3 =	vld.msk [tilespmem:$0x8], $0xff;
	_ =	sdelay $0x4  }
0xaa: {  	v4 =	vshll.u32 v3, $0x4  }
0xab: {  	v3 =	vand.u32 $0x7, v3;
	v4 =	vand.u32 $0xFFFFFF80, v4  }
0xac: {  	v3 =	vor.u32 v3, v4  }
0xad: {  	v3 =	vperm.xlane v3, v1;
	_ =	sdelay $0x1  }
0xae: {  	v3 =	vadd.s32 v2, v3;
	_ =	sdelay $0x3  }
0xaf: {  	s5 =	smov.u32 s12;
	s17 =	smov.u32 s9;
	s9 =	rddreg [dreg:$0x2]  }
0xb0: {  	[tilespmem:s31], [sflag:$0xA] =	stream.indirect_vreg.gather [hbm4b:s9+s4], $0x80, v3, vm0, $0xb8;
	[tilespmem:$0x1EF00] =	vst v63  }
0xb1: {  	s19 =	smov.u32 s15;
	s12 =	smov.u32 s14;
	s20 =	simm.s32 $0x14F00  }
0xb2: {  	[tilespmem:s20], [sflag:$0xA] =	stream.indirect_vreg.gather [hbm4b:s23+s4], $0x80, v3, vm0, $0xb8;
	[tilespmem:$0x1EF00] =	vst v63  }
0xb3: {  	s14 =	smov.u32 s30;
	s15 =	smov.u32 s22;
	s22 =	simm.s32 $0x15700  }
0xb4: {  	[tilespmem:s22], [sflag:$0xA] =	stream.indirect_vreg.gather [hbm4b:s6+s4], $0x80, v3, vm0, $0xb8;
	[tilespmem:$0x1EF00] =	vst v63  }
0xb5: {  	s30 =	smov.u32 s18;
	s18 =	smov.u32 s23;
	s23 =	simm.s32 $0x15F00  }
0xb6: {  	[tilespmem:s23], [sflag:$0xA] =	stream.indirect_vreg.gather [hbm4b:s21+s4], $0x80, v3, vm0, $0xb8;
	[tilespmem:$0x1EF00] =	vst v63  }
0xb7: {  	s22 =	smov.u32 s21;
	s21 =	sld [smem:$0x7FD];
	_ =	sdelay $0x1  }
0xb8: {  	s25 =	simm.s32 $0x16700  }
0xb9: {  	[tilespmem:s25], [sflag:$0xA] =	stream.indirect_vreg.gather [hbm4b:s21+s4], $0x80, v3, vm0, $0xb8;
	[tilespmem:$0x1EF00] =	vst v63  }
0xba: {  	s29 =	simm.s32 $0x16F00  }
0xbb: {  	[tilespmem:s29], [sflag:$0xA] =	stream.indirect_vreg.gather [hbm4b:s16+s4], $0x80, v3, vm0, $0xb8;
	[tilespmem:$0x1EF00] =	vst v63  }
0xbc: {  	s2 =	simm.s32 $0x17700  }
0xbd: {  	[tilespmem:s2], [sflag:$0xA] =	stream.indirect_vreg.gather [hbm4b:s24+s4], $0x80, v3, vm0, $0xb8;
	[tilespmem:$0x1EF00] =	vst v63  }
0xbe: {  	s20 =	smov.u32 s6;
	s6 =	simm.s32 $0x17F00  }
0xbf: {  	[tilespmem:s6], [sflag:$0xA] =	stream.indirect_vreg.gather [hbm4b:s13+s4], $0x80, v3, vm0, $0xb8;
	[tilespmem:$0x1EF00] =	vst v63  }
0xc0: {  	s9 =	smov.u32 s24;
	s24 =	smov.u32 s13;
	s13 =	simm.s32 $0x1  }
0xc1: {  	_ =	swait.ge [sflag:s13], $0x4000  }
0xc2: {  	s23 =	smov.u32 s16;
	s25 =	simm.s32 $0x700;
	[sflag:s13] =	ssyncset.done $0x0  }
0xc3: {  	s29 =	simm.s32 $0x5;
	s16 =	rddreg [dreg:$0x9];
	[sflag:s13] =	ssyncadd.s32 $0xFFFFC000  }
0xc4: {  	[hbm4b:s16+s4] =	stream.linear.scatter [tilespmem:s25], [sflag:$0x3], $0x4000, $0x38;
	[tilespmem:$0x1EF00] =	vst v63  }
0xc5: {  	_ =	swait.ge [sflag:s29], $0x4000  }
0xc6: {  	s6 =	simm.s32 $0x8700;
	[sflag:s29] =	ssyncset.done $0x0  }
0xc7: {  	s13 =	simm.s32 $0x9;
	s3 =	rddreg [dreg:$0xa];
	[sflag:s29] =	ssyncadd.s32 $0xFFFFC000  }
0xc8: {  	[hbm4b:s3+s4] =	stream.linear.scatter [tilespmem:s6], [sflag:$0x7], $0x4000, $0x38;
	[tilespmem:$0x1EF00] =	vst v63  }
0xc9: {  	s16 =	simm.s32 $0x0;
	_ =	swait.ge [sflag:s13], $0x4000  }
0xca: {  	s25 =	simm.s32 $0x10;
	v3 =	vor.u32 s16, v0;
	[sflag:s13] =	ssyncset.done $0x0  }
0xcb: {  	v4 =	vor.u32 s25, v0;
	s29 =	simm.s32 $0xC;
	[sflag:s13] =	ssyncadd.s32 $0xFFFFC000  }
0xcc: {  	_ =	swait.ge [sflag:s29], $0x620  }
0xcd: {  	[sflag:s29] =	ssyncset.done $0x0  }
0xce: {  	[sflag:s29] =	ssyncadd.s32 $0xFFFFF9E0  }
0xcf: {  	v5 =	vld.idx.msk [tilespmem:v3+s26+$0x0], $0xffff  }
0xd0: {  	v6 =	vld.idx.msk [tilespmem:v4+s26+$0x0], $0xffff;
	_ =	sdelay $0x3  }
0xd1: {  	v7 =	vshll.u32 v5, $0x3  }
0xd2: {  	v8 =	vshll.u32 v6, $0x3;
	v5 =	vand.u32 $0x7F, v5;
	v7 =	vand.u32 $0xFFFFFC00, v7  }
0xd3: {  	v8 =	vand.u32 $0xFFFFFC00, v8;
	v17 =	vor.u32 v5, v7;
	v5 =	vand.u32 $0x7F, v6  }
0xd4: {  	v18 =	vor.u32 v5, v8  }
0xd5: {  	v10 =	vand.u32 $0x6F, v3;
	v6 =	vmov s16  }
0xd6: {  	v11 =	vand.u32 $0x7F, v4;
	s4 =	simm.s32 $0x20;
	v6 =	vshll.u32 v6, $0x3;
	v8 =	vmov s25  }
0xd7: {  	s3 =	simm.s32 $0x30;
	v9 =	vor.u32 s4, v0;
	v5 =	vand.u32 $0x3C00, v6;
	v8 =	vshll.u32 v8, $0x3  }
0xd8: {  	v7 =	vor.u32 s3, v0;
	v12 =	vor.u32 v10, v5;
	v4 =	vand.u32 $0x3C00, v8;
	v3 =	vld.idx.msk [tilespmem:v17+s1+$0x0], $0xffff  }
0xd9: {  	v13 =	vor.u32 $0x80, v17;
	v15 =	vor.u32 v11, v4;
	v5 =	vld.idx.msk [tilespmem:v18+s1+$0x0], $0xffff  }
0xda: {  	v4 =	vor.u32 $0x80, v18;
	_ =	sdelay $0x1  }
0xdb: {  	v14 =	vld.idx.msk [tilespmem:v9+s26+$0x0], $0xffff  }
0xdc: {  	v16 =	vld.idx.msk [tilespmem:v7+s26+$0x0], $0xffff;
	[tilespmem:v12+s28+$0x0] =	vst.idx.msk $0xffff, v3  }
0xdd: {  	v3 =	vld.idx.msk [tilespmem:v13+s1+$0x0], $0xffff;
	[tilespmem:v15+s28+$0x0] =	vst.idx.msk $0xffff, v5;
	v5 =	vor.u32 $0x80, v12  }
0xde: {  	v19 =	vor.u32 $0x80, v15;
	v13 =	vor.u32 $0x100, v17;
	v4 =	vld.idx.msk [tilespmem:v4+s1+$0x0], $0xffff  }
0xdf: {  	v20 =	vor.u32 $0x100, v18  }
0xe0: {  	v24 =	vmov s3;
	v21 =	vshll.u32 v14, $0x3  }
0xe1: {  	v14 =	vand.u32 $0x7F, v14;
	v21 =	vand.u32 $0xFFFFFC00, v21;
	v22 =	vshll.u32 v16, $0x3  }
0xe2: {  	v22 =	vand.u32 $0xFFFFFC00, v22;
	[tilespmem:v5+s28+$0x0] =	vst.idx.msk $0xffff, v3;
	v3 =	vor.u32 v14, v21;
	v5 =	vand.u32 $0x7F, v16  }
0xe3: {  	v26 =	vand.u32 $0x6F, v9;
	v13 =	vld.idx.msk [tilespmem:v13+s1+$0x0], $0xffff;
	[tilespmem:v19+s28+$0x0] =	vst.idx.msk $0xffff, v4;
	v4 =	vor.u32 v5, v22;
	v5 =	vor.u32 $0x100, v12  }
0xe4: {  	v14 =	vmov s4;
	v19 =	vor.u32 $0x180, v17;
	v16 =	vld.idx.msk [tilespmem:v20+s1+$0x0], $0xffff;
	v20 =	vor.u32 $0x100, v15  }
0xe5: {  	v24 =	vshll.u32 v24, $0x3;
	s13 =	simm.s32 $0x50;
	s16 =	simm.s32 $0x40;
	v21 =	vor.u32 $0x180, v18;
	v14 =	vshll.u32 v14, $0x3  }
0xe6: {  	v23 =	vor.u32 s13, v0;
	v25 =	vor.u32 s16, v0;
	v22 =	vand.u32 $0x3C00, v14  }
0xe7: {  	v27 =	vand.u32 $0x7F, v7;
	v28 =	vor.u32 v26, v22;
	v22 =	vand.u32 $0x3C00, v24;
	v9 =	vld.idx.msk [tilespmem:v3+s1+$0x0], $0xffff  }
0xe8: {  	v7 =	vld.idx.msk [tilespmem:v4+s1+$0x0], $0xffff;
	[tilespmem:v5+s28+$0x0] =	vst.idx.msk $0xffff, v13;
	v13 =	vor.u32 $0x80, v3;
	v5 =	vor.u32 v27, v22  }
0xe9: {  	v19 =	vld.idx.msk [tilespmem:v19+s1+$0x0], $0xffff;
	[tilespmem:v20+s28+$0x0] =	vst.idx.msk $0xffff, v16;
	v16 =	vor.u32 $0x80, v4;
	v20 =	vor.u32 $0x180, v12  }
0xea: {  	v29 =	vor.u32 $0x200, v17;
	v30 =	vor.u32 $0x180, v15;
	v21 =	vld.idx.msk [tilespmem:v21+s1+$0x0], $0xffff  }
0xeb: {  	v32 =	vor.u32 $0x200, v18;
	v31 =	vld.idx.msk [tilespmem:v25+s26+$0x0], $0xffff  }
0xec: {  	v34 =	vor.u32 v6, v10;
	v6 =	vmov s16;
	v36 =	vor.u32 $0x280, v18;
	v22 =	vld.idx.msk [tilespmem:v23+s26+$0x0], $0xffff;
	[tilespmem:v28+s28+$0x0] =	vst.idx.msk $0xffff, v9  }
0xed: {  	v35 =	vor.u32 v11, v8;
	v33 =	vor.u32 $0x280, v12;
	v8 =	vld.idx.msk [tilespmem:v13+s1+$0x0], $0xffff;
	[tilespmem:v5+s28+$0x0] =	vst.idx.msk $0xffff, v7;
	v7 =	vor.u32 $0x80, v28  }
0xee: {  	v10 =	vor.u32 $0x80, v5;
	v9 =	vor.u32 $0x100, v3;
	v13 =	vshll.u32 v6, $0x3;
	v6 =	vld.idx.msk [tilespmem:v16+s1+$0x0], $0xffff;
	[tilespmem:v20+s28+$0x0] =	vst.idx.msk $0xffff, v19  }
0xef: {  	v58 =	vor.u32 $0x300, v15;
	v12 =	vor.u32 $0x200, v12;
	v20 =	vor.u32 $0x100, v4;
	v16 =	vld.idx.msk [tilespmem:v29+s1+$0x0], $0xffff;
	[tilespmem:v30+s28+$0x0] =	vst.idx.msk $0xffff, v21  }
0xf0: {  	v54 =	vshll.u32 v31, $0x3;
	v29 =	vor.u32 $0x280, v17;
	v30 =	vor.u32 $0x200, v15;
	v21 =	vld.idx.msk [tilespmem:v32+s1+$0x0], $0xffff  }
0xf1: {  	v31 =	vand.u32 $0x7F, v31;
	v19 =	vshll.u32 v22, $0x3;
	v32 =	vand.u32 $0xFFFFFC00, v54  }
0xf2: {  	v19 =	vand.u32 $0xFFFFFC00, v19;
	[tilespmem:v7+s28+$0x0] =	vst.idx.msk $0xffff, v8;
	v7 =	vor.u32 v31, v32;
	v8 =	vand.u32 $0x7F, v22  }
0xf3: {  	s25 =	simm.s32 $0x70;
	v25 =	vand.u32 $0x6F, v25;
	v11 =	vor.u32 $0x180, v4;
	v31 =	vld.idx.msk [tilespmem:v9+s1+$0x0], $0xffff;
	[tilespmem:v10+s28+$0x0] =	vst.idx.msk $0xffff, v6;
	v9 =	vor.u32 v8, v19  }
0xf4: {  	v10 =	vor.u32 $0x100, v28;
	v8 =	vor.u32 v14, v26;
	v19 =	vor.u32 s25, v0;
	v26 =	vld.idx.msk [tilespmem:v20+s1+$0x0], $0xffff;
	[tilespmem:v12+s28+$0x0] =	vst.idx.msk $0xffff, v16  }
0xf5: {  	v55 =	vor.u32 $0x100, v5;
	v6 =	vor.u32 v27, v24;
	v12 =	vor.u32 $0x180, v3;
	v27 =	vld.idx.msk [tilespmem:v29+s1+$0x0], $0xffff;
	[tilespmem:v30+s28+$0x0] =	vst.idx.msk $0xffff, v21  }
0xf6: {  	s29 =	simm.s32 $0x60;
	v23 =	vand.u32 $0x7F, v23;
	v22 =	vand.u32 $0x3C00, v13;
	v16 =	vmov s13;
	v29 =	vld.idx.msk [tilespmem:v36+s1+$0x0], $0xffff  }
0xf7: {  	v20 =	vor.u32 s29, v0;
	v30 =	vor.u32 $0x280, v15;
	v37 =	vshll.u32 v16, $0x3;
	v56 =	vld.idx.msk [tilespmem:v7+s1+$0x0], $0xffff  }
0xf8: {  	v24 =	vor.u32 $0x300, v18;
	v16 =	vor.u32 v25, v22;
	v22 =	vand.u32 $0x3C00, v37;
	v38 =	vld.idx.msk [tilespmem:v9+s1+$0x0], $0xffff  }
0xf9: {  	v43 =	vor.u32 $0x200, v3;
	[tilespmem:v10+s28+$0x0] =	vst.idx.msk $0xffff, v31;
	v31 =	vor.u32 $0x80, v7;
	v10 =	vor.u32 v23, v22;
	v42 =	vld.idx.msk [tilespmem:v19+s26+$0x0], $0xffff  }
0xfa: {  	v46 =	vor.u32 $0x280, v3;
	v40 =	vor.u32 $0x180, v28;
	v57 =	vor.u32 $0x80, v9;
	v39 =	vld.idx.msk [tilespmem:v12+s1+$0x0], $0xffff;
	[tilespmem:v55+s28+$0x0] =	vst.idx.msk $0xffff, v26  }
0xfb: {  	v63 =	vor.u32 $0x200, v28;
	v44 =	vor.u32 $0x180, v5;
	v47 =	vor.u32 $0x200, v5;
	v41 =	vld.idx.msk [tilespmem:v11+s1+$0x0], $0xffff  }
0xfc: {  	v13 =	vor.u32 v13, v25;
	v14 =	vor.u32 $0x280, v28;
	[tilespmem:v30+s28+$0x0] =	vst.idx.msk $0xffff, v29;
	v29 =	vld.idx.msk [tilespmem:v20+s26+$0x0], $0xffff;
	v30 =	vor.u32 $0x200, v4  }
0xfd: {  	v18 =	vor.u32 $0x380, v18;
	v60 =	vor.u32 $0x100, v7;
	v25 =	vor.u32 $0x300, v17;
	[tilespmem:v16+s28+$0x0] =	vst.idx.msk $0xffff, v56;
	v24 =	vld.idx.msk [tilespmem:v24+s1+$0x0], $0xffff  }
0xfe: {  	v28 =	vor.u32 $0x280, v4;
	v62 =	vor.u32 $0x100, v9;
	v59 =	vor.u32 $0x80, v16;
	v31 =	vld.idx.msk [tilespmem:v31+s1+$0x0], $0xffff;
	[tilespmem:v10+s28+$0x0] =	vst.idx.msk $0xffff, v38  }
0xff: {  	v21 =	vor.u32 $0x180, v9;
	v15 =	vor.u32 v23, v37;
	v61 =	vor.u32 $0x80, v10;
	v38 =	vld.idx.msk [tilespmem:v57+s1+$0x0], $0xffff;
	[tilespmem:v40+s28+$0x0] =	vst.idx.msk $0xffff, v39  }
0x100: {  	v36 =	vor.u32 $0x180, v7;
	v23 =	vor.u32 $0x380, v17;
	v12 =	vmov s29;
	v43 =	vld.idx.msk [tilespmem:v43+s1+$0x0], $0xffff;
	[tilespmem:v44+s28+$0x0] =	vst.idx.msk $0xffff, v41  }
0x101: {  	v26 =	vor.u32 $0x300, v34;
	v37 =	vor.u32 $0x100, v10;
	[tilespmem:v33+s28+$0x0] =	vst.idx.msk $0xffff, v27;
	v17 =	vshll.u32 v42, $0x3;
	v45 =	vld.idx.msk [tilespmem:v30+s1+$0x0], $0xffff  }
0x102: {  	v11 =	vshll.u32 v12, $0x3;
	v32 =	vld.idx.msk [tilespmem:v25+s1+$0x0], $0xffff;
	v30 =	vand.u32 $0xFFFFFC00, v17;
	v17 =	vshll.u32 v29, $0x3;
	[tilespmem:v58+s28+$0x0] =	vst.idx.msk $0xffff, v24  }
0x103: {  	v12 =	vor.u32 $0x280, v16;
	v24 =	vand.u32 $0x7F, v29;
	v17 =	vand.u32 $0xFFFFFC00, v17;
	[tilespmem:v59+s28+$0x0] =	vst.idx.msk $0xffff, v31;
	v27 =	vld.idx.msk [tilespmem:v18+s1+$0x0], $0xffff  }
0x104: {  	v29 =	vor.u32 $0x380, v35;
	v17 =	vor.u32 v24, v17;
	v18 =	vand.u32 $0x7F, v42;
	v33 =	vld.idx.msk [tilespmem:v60+s1+$0x0], $0xffff;
	[tilespmem:v61+s28+$0x0] =	vst.idx.msk $0xffff, v38  }
0x105: {  	v35 =	vor.u32 $0x100, v16;
	v24 =	vor.u32 $0x380, v34;
	v18 =	vor.u32 v18, v30;
	v34 =	vld.idx.msk [tilespmem:v62+s1+$0x0], $0xffff;
	[tilespmem:v63+s28+$0x0] =	vst.idx.msk $0xffff, v43  }
0x106: {  	s2 =	simm.s32 $0x90;
	s6 =	simm.s32 $0x6;
	v22 =	vand.u32 $0x3C00, v11;
	v25 =	vor.u32 $0x300, v4;
	v30 =	vor.u32 $0x180, v18;
	v31 =	vld.idx.msk [tilespmem:v46+s1+$0x0], $0xffff;
	[tilespmem:v47+s28+$0x0] =	vst.idx.msk $0xffff, v45  }
.LBB2_3:
0x107: {  	s29 =	sadd.s32 $0xFFFFFFF0, s2;
	s6 =	sadd.s32 $0x2, s6;
	v38 =	vand.u32 $0x7F, v19;
	v19 =	vor.u32 s2, v0;
	v28 =	vld.idx.msk [tilespmem:v28+s1+$0x0], $0xffff;
	v39 =	vor.u32 $0x280, v5;
	[tilespmem:v26+s28+$0x0] =	vst.idx.msk $0xffff, v32;
	v40 =	vmovc v13  }
0x108: {  	v32 =	vmov s25;
	v41 =	vmovc v15;
	s25 =	smov.u32 s2;
	v13 =	vmov s29;
	v26 =	vor.u32 s29, v0;
	p0 =	slt.u32 s6, $0x60;
	v23 =	vld.idx.msk [tilespmem:v23+s1+$0x0], $0xffff  }
0x109: {  	v15 =	vshll.u32 v32, $0x3;
	v42 =	vshll.u32 v13, $0x3;
	v13 =	vand.u32 $0x6F, v20;
	v43 =	vld.idx.msk [tilespmem:v17+s1+$0x0], $0xffff;
	[tilespmem:v29+s28+$0x0] =	vst.idx.msk $0xffff, v27;
	v20 =	vmovc v26  }
0x10a: {  	v29 =	vand.u32 $0x3C00, v15;
	v27 =	vor.u32 v13, v22;
	v22 =	vand.u32 $0x3C00, v42;
	v26 =	vld.idx.msk [tilespmem:v18+s1+$0x0], $0xffff;
	[tilespmem:v35+s28+$0x0] =	vst.idx.msk $0xffff, v33  }
0x10b: {  	v32 =	vor.u32 $0x80, v17;
	v29 =	vor.u32 v38, v29;
	v33 =	vor.u32 $0x280, v27;
	v35 =	vld.idx.msk [tilespmem:v36+s1+$0x0], $0xffff;
	[tilespmem:v37+s28+$0x0] =	vst.idx.msk $0xffff, v34  }
0x10c: {  	v13 =	vor.u32 v11, v13;
	v34 =	vor.u32 $0x80, v18;
	v36 =	vor.u32 $0x180, v16;
	v37 =	vld.idx.msk [tilespmem:v21+s1+$0x0], $0xffff;
	[tilespmem:v14+s28+$0x0] =	vst.idx.msk $0xffff, v31  }
0x10d: {  	v44 =	vor.u32 $0x180, v10;
	v15 =	vor.u32 v38, v15;
	v38 =	vor.u32 $0x200, v7;
	v31 =	vld.idx.msk [tilespmem:v19+s26+$0x0], $0xffff;
	[tilespmem:v39+s28+$0x0] =	vst.idx.msk $0xffff, v28  }
0x10e: {  	v45 =	vor.u32 $0x300, v3;
	v11 =	vmovc v42;
	v14 =	vmov v12;
	v28 =	vor.u32 $0x200, v9;
	v39 =	vld.idx.msk [tilespmem:v20+s26+$0x0], $0xffff;
	[tilespmem:v24+s28+$0x0] =	vst.idx.msk $0xffff, v23  }
0x10f: {  	v12 =	vmov v33;
	v21 =	vmov v30;
	[tilespmem:v27+s28+$0x0] =	vst.idx.msk $0xffff, v43;
	v24 =	vld.idx.msk [tilespmem:v25+s1+$0x0], $0xffff  }
0x110: {  	v30 =	vor.u32 $0x300, v5;
	v5 =	vmovc v10;
	v10 =	vmov v29;
	v25 =	vld.idx.msk [tilespmem:v32+s1+$0x0], $0xffff;
	[tilespmem:v29+s28+$0x0] =	vst.idx.msk $0xffff, v26;
	v26 =	vor.u32 $0x300, v8  }
0x111: {  	v33 =	vor.u32 $0x380, v4;
	v23 =	vor.u32 $0x380, v3;
	v3 =	vmovc v7;
	v29 =	vor.u32 $0x80, v27;
	v34 =	vld.idx.msk [tilespmem:v34+s1+$0x0], $0xffff;
	[tilespmem:v36+s28+$0x0] =	vst.idx.msk $0xffff, v35  }
0x112: {  	v4 =	vmovc v9;
	v7 =	vmov v17;
	v35 =	vor.u32 $0x100, v17;
	v36 =	vor.u32 $0x80, v10;
	v38 =	vld.idx.msk [tilespmem:v38+s1+$0x0], $0xffff;
	[tilespmem:v44+s28+$0x0] =	vst.idx.msk $0xffff, v37  }
0x113: {  	v42 =	vor.u32 $0x200, v16;
	v16 =	vmovc v27;
	v9 =	vmovc v18;
	v17 =	vshll.u32 v31, $0x3;
	v37 =	vor.u32 $0x100, v18;
	v43 =	vld.idx.msk [tilespmem:v28+s1+$0x0], $0xffff  }
0x114: {  	v46 =	vor.u32 $0x200, v5;
	v44 =	vor.u32 $0x280, v3;
	v18 =	vand.u32 $0xFFFFFC00, v17;
	v32 =	vld.idx.msk [tilespmem:v45+s1+$0x0], $0xffff  }
.Ltmp1:
0x115: {  	v17 =	vshll.u32 v39, $0x3;
	v28 =	vor.u32 $0x280, v4;
	[tilespmem:v30+s28+$0x0] =	vst.idx.msk $0xffff, v24;
	(pc) =	sbr.rel @p0 .LBB2_3-.Ltmp1, $4  }
0x116: {  	v17 =	vand.u32 $0xFFFFFC00, v17;
	v24 =	vand.u32 $0x7F, v39;
	[tilespmem:v29+s28+$0x0] =	vst.idx.msk $0xffff, v25;
	v27 =	vld.idx.msk [tilespmem:v33+s1+$0x0], $0xffff;
	v29 =	vor.u32 $0x380, v6;
	v6 =	vmovc v41  }
0x117: {  	v17 =	vor.u32 v24, v17;
	v25 =	vand.u32 $0x7F, v31;
	v24 =	vor.u32 $0x380, v8;
	v33 =	vld.idx.msk [tilespmem:v35+s1+$0x0], $0xffff;
	[tilespmem:v36+s28+$0x0] =	vst.idx.msk $0xffff, v34  }
0x118: {  	v18 =	vor.u32 v25, v18;
	v35 =	vor.u32 $0x100, v16;
	v25 =	vor.u32 $0x300, v4;
	v34 =	vld.idx.msk [tilespmem:v37+s1+$0x0], $0xffff;
	[tilespmem:v42+s28+$0x0] =	vst.idx.msk $0xffff, v38  }
0x119: {  	s2 =	sadd.s32 $0x20, s2;
	v8 =	vmovc v40;
	v36 =	vor.u32 $0x180, v7;
	v30 =	vor.u32 $0x180, v18;
	v37 =	vor.u32 $0x100, v10;
	v31 =	vld.idx.msk [tilespmem:v44+s1+$0x0], $0xffff;
	[tilespmem:v46+s28+$0x0] =	vst.idx.msk $0xffff, v43  }
0x11a: {  	_ =	sdelay $0x1  }
0x11b: {  	v38 =	vmov s25  }
0x11c: {  	v20 =	vand.u32 $0x6F, v20;
	v38 =	vshll.u32 v38, $0x3  }
0x11d: {  	v19 =	vand.u32 $0x7F, v19;
	v41 =	vld.idx.msk [tilespmem:v17+s1+$0x0], $0xffff;
	v22 =	vor.u32 v20, v22;
	v39 =	vand.u32 $0x3C00, v38  }
0x11e: {  	v40 =	vld.idx.msk [tilespmem:v18+s1+$0x0], $0xffff;
	v43 =	vor.u32 $0x80, v17;
	v39 =	vor.u32 v19, v39  }
0x11f: {  	v42 =	vor.u32 $0x80, v18;
	_ =	sdelay $0x2  }
0x120: {  	[tilespmem:v22+s28+$0x0] =	vst.idx.msk $0xffff, v41  }
0x121: {  	v57 =	vor.u32 $0x80, v22;
	v56 =	vld.idx.msk [tilespmem:v43+s1+$0x0], $0xffff;
	[tilespmem:v39+s28+$0x0] =	vst.idx.msk $0xffff, v40  }
0x122: {  	v45 =	vor.u32 $0x100, v17;
	v55 =	vor.u32 $0x80, v39;
	v40 =	vld.idx.msk [tilespmem:v42+s1+$0x0], $0xffff  }
0x123: {  	v44 =	vor.u32 $0x100, v18;
	_ =	sdelay $0x2  }
0x124: {  	[tilespmem:v57+s28+$0x0] =	vst.idx.msk $0xffff, v56  }
0x125: {  	v59 =	vor.u32 $0x100, v22;
	v42 =	vld.idx.msk [tilespmem:v45+s1+$0x0], $0xffff;
	[tilespmem:v55+s28+$0x0] =	vst.idx.msk $0xffff, v40  }
0x126: {  	v60 =	vor.u32 $0x180, v17;
	v58 =	vor.u32 $0x100, v39;
	v40 =	vld.idx.msk [tilespmem:v44+s1+$0x0], $0xffff  }
0x127: {  	[tilespmem:v26+s28+$0x0] =	vst.idx.msk $0xffff, v32  }
0x128: {  	[tilespmem:v37+s28+$0x0] =	vst.idx.msk $0xffff, v34  }
0x129: {  	v61 =	vor.u32 $0x180, v10;
	[tilespmem:v35+s28+$0x0] =	vst.idx.msk $0xffff, v33;
	v21 =	vld.idx.msk [tilespmem:v21+s1+$0x0], $0xffff  }
0x12a: {  	v63 =	vor.u32 $0x180, v16;
	v62 =	vld.idx.msk [tilespmem:v36+s1+$0x0], $0xffff;
	v45 =	vor.u32 $0x200, v9;
	[tilespmem:v59+s28+$0x0] =	vst.idx.msk $0xffff, v42  }
0x12b: {  	v46 =	vor.u32 $0x200, v7;
	v49 =	vor.u32 $0x180, v22;
	v48 =	vld.idx.msk [tilespmem:v60+s1+$0x0], $0xffff;
	[tilespmem:v58+s28+$0x0] =	vst.idx.msk $0xffff, v40  }
0x12c: {  	v26 =	vor.u32 $0x200, v17;
	[tilespmem:v29+s28+$0x0] =	vst.idx.msk $0xffff, v27;
	v47 =	vor.u32 $0x180, v39;
	v30 =	vld.idx.msk [tilespmem:v30+s1+$0x0], $0xffff  }
0x12d: {  	v50 =	vor.u32 $0x200, v18;
	v28 =	vld.idx.msk [tilespmem:v28+s1+$0x0], $0xffff;
	[tilespmem:v14+s28+$0x0] =	vst.idx.msk $0xffff, v31;
	v56 =	vor.u32 $0x280, v5  }
0x12e: {  	v23 =	vld.idx.msk [tilespmem:v23+s1+$0x0], $0xffff;
	[tilespmem:v61+s28+$0x0] =	vst.idx.msk $0xffff, v21  }
0x12f: {  	v51 =	vor.u32 $0x200, v10;
	[tilespmem:v63+s28+$0x0] =	vst.idx.msk $0xffff, v62;
	v21 =	vld.idx.msk [tilespmem:v45+s1+$0x0], $0xffff  }
0x130: {  	v16 =	vor.u32 $0x200, v16;
	v53 =	vor.u32 $0x280, v9;
	v52 =	vld.idx.msk [tilespmem:v46+s1+$0x0], $0xffff;
	[tilespmem:v49+s28+$0x0] =	vst.idx.msk $0xffff, v48  }
0x131: {  	v27 =	vor.u32 $0x200, v22;
	v26 =	vld.idx.msk [tilespmem:v26+s1+$0x0], $0xffff;
	[tilespmem:v47+s28+$0x0] =	vst.idx.msk $0xffff, v30;
	v30 =	vor.u32 $0x280, v7  }
0x132: {  	v14 =	vor.u32 $0x280, v17;
	v55 =	vor.u32 $0x200, v39;
	[tilespmem:v56+s28+$0x0] =	vst.idx.msk $0xffff, v28;
	v54 =	vld.idx.msk [tilespmem:v50+s1+$0x0], $0xffff  }
0x133: {  	v29 =	vor.u32 $0x280, v18;
	[tilespmem:v24+s28+$0x0] =	vst.idx.msk $0xffff, v23;
	v5 =	vor.u32 $0x300, v5;
	v23 =	vld.idx.msk [tilespmem:v25+s1+$0x0], $0xffff  }
0x134: {  	v4 =	vor.u32 $0x380, v4;
	[tilespmem:v51+s28+$0x0] =	vst.idx.msk $0xffff, v21  }
0x135: {  	v31 =	vor.u32 $0x280, v10;
	[tilespmem:v16+s28+$0x0] =	vst.idx.msk $0xffff, v52;
	v21 =	vor.u32 $0x300, v3;
	v16 =	vld.idx.msk [tilespmem:v53+s1+$0x0], $0xffff  }
0x136: {  	v57 =	vor.u32 $0x300, v9;
	[tilespmem:v27+s28+$0x0] =	vst.idx.msk $0xffff, v26;
	v30 =	vld.idx.msk [tilespmem:v30+s1+$0x0], $0xffff  }
0x137: {  	v22 =	vor.u32 $0x280, v22;
	v58 =	vor.u32 $0x300, v7;
	v14 =	vld.idx.msk [tilespmem:v14+s1+$0x0], $0xffff;
	[tilespmem:v55+s28+$0x0] =	vst.idx.msk $0xffff, v54  }
0x138: {  	v24 =	vor.u32 $0x300, v17;
	[tilespmem:v5+s28+$0x0] =	vst.idx.msk $0xffff, v23;
	v27 =	vor.u32 $0x280, v39;
	v26 =	vld.idx.msk [tilespmem:v29+s1+$0x0], $0xffff  }
0x139: {  	v6 =	vor.u32 $0x380, v6;
	v28 =	vor.u32 $0x300, v18;
	v4 =	vld.idx.msk [tilespmem:v4+s1+$0x0], $0xffff  }
0x13a: {  	v25 =	vor.u32 $0x300, v8;
	v21 =	vld.idx.msk [tilespmem:v21+s1+$0x0], $0xffff;
	[tilespmem:v31+s28+$0x0] =	vst.idx.msk $0xffff, v16  }
0x13b: {  	v10 =	vor.u32 $0x300, v10;
	v3 =	vor.u32 $0x380, v3;
	[tilespmem:v12+s28+$0x0] =	vst.idx.msk $0xffff, v30;
	v12 =	vld.idx.msk [tilespmem:v57+s1+$0x0], $0xffff  }
0x13c: {  	v11 =	vor.u32 v11, v20;
	v9 =	vor.u32 $0x380, v9;
	v16 =	vor.u32 $0x300, v13;
	[tilespmem:v22+s28+$0x0] =	vst.idx.msk $0xffff, v14;
	v29 =	vld.idx.msk [tilespmem:v58+s1+$0x0], $0xffff  }
0x13d: {  	v5 =	vor.u32 $0x300, v11;
	v7 =	vor.u32 $0x380, v7;
	v22 =	vld.idx.msk [tilespmem:v24+s1+$0x0], $0xffff;
	[tilespmem:v27+s28+$0x0] =	vst.idx.msk $0xffff, v26  }
0x13e: {  	v20 =	vor.u32 $0x300, v39;
	v17 =	vor.u32 $0x380, v17;
	[tilespmem:v6+s28+$0x0] =	vst.idx.msk $0xffff, v4;
	v14 =	vld.idx.msk [tilespmem:v28+s1+$0x0], $0xffff  }
0x13f: {  	v18 =	vor.u32 $0x380, v18;
	[tilespmem:v25+s28+$0x0] =	vst.idx.msk $0xffff, v21  }
0x140: {  	v8 =	vor.u32 $0x380, v8;
	v3 =	vld.idx.msk [tilespmem:v3+s1+$0x0], $0xffff;
	[tilespmem:v10+s28+$0x0] =	vst.idx.msk $0xffff, v12  }
0x141: {  	v10 =	vor.u32 $0x380, v15;
	v9 =	vld.idx.msk [tilespmem:v9+s1+$0x0], $0xffff;
	[tilespmem:v16+s28+$0x0] =	vst.idx.msk $0xffff, v29  }
0x142: {  	v13 =	vor.u32 $0x380, v13;
	[tilespmem:v5+s28+$0x0] =	vst.idx.msk $0xffff, v22;
	v7 =	vld.idx.msk [tilespmem:v7+s1+$0x0], $0xffff  }
0x143: {  	v4 =	vor.u32 $0x380, v11;
	v12 =	vor.u32 v19, v38;
	v5 =	vld.idx.msk [tilespmem:v17+s1+$0x0], $0xffff;
	[tilespmem:v20+s28+$0x0] =	vst.idx.msk $0xffff, v14  }
0x144: {  	v12 =	vor.u32 $0x380, v12;
	v14 =	vld.idx.msk [tilespmem:v18+s1+$0x0], $0xffff  }
0x145: {  	[tilespmem:v8+s28+$0x0] =	vst.idx.msk $0xffff, v3  }
0x146: {  	[tilespmem:v10+s28+$0x0] =	vst.idx.msk $0xffff, v9  }
0x147: {  	[tilespmem:v13+s28+$0x0] =	vst.idx.msk $0xffff, v7  }
0x148: {  	[tilespmem:v4+s28+$0x0] =	vst.idx.msk $0xffff, v5  }
0x149: {  	[tilespmem:v12+s28+$0x0] =	vst.idx.msk $0xffff, v14  }
0x14a: {  	s29 =	simm.s32 $0x0;
	s16 =	simm.s32 $0x3;
	s2 =	rddreg [dreg:$0xb]  }
0x14b: {  	[hbm4b:s2+s29] =	stream.linear.scatter [tilespmem:s28], [sflag:$0xB], $0x3400, $0x38;
	[tilespmem:$0x1EF00] =	vst v63  }
0x14c: {  	_ =	swait.ge [sflag:s16], $0x4000  }
0x14d: {  	[sflag:s16] =	ssyncset.done $0x0  }
0x14e: {  	s25 =	simm.s32 $0x7;
	[sflag:s16] =	ssyncadd.s32 $0xFFFFC000  }
0x14f: {  	_ =	swait.ge [sflag:s25], $0x4000  }
0x150: {  	[sflag:s25] =	ssyncset.done $0x0  }
0x151: {  	[sflag:s25] =	ssyncadd.s32 $0xFFFFC000  }
0x152: {  	v3 =	vld.msk [tilespmem:$0x10], $0xff;
	_ =	sdelay $0x4  }
0x153: {  	v4 =	vshll.u32 v3, $0x4  }
0x154: {  	v3 =	vand.u32 $0x7, v3;
	v4 =	vand.u32 $0xFFFFFF80, v4  }
0x155: {  	v3 =	vor.u32 v3, v4  }
0x156: {  	v3 =	vperm.xlane v3, v1;
	_ =	sdelay $0x1  }
0x157: {  	v3 =	vadd.s32 v2, v3;
	_ =	sdelay $0x3  }
0x158: {  	s6 =	simm.s32 $0x700;
	s2 =	rddreg [dreg:$0x0]  }
0x159: {  	[tilespmem:s6], [sflag:$0x1] =	stream.indirect_vreg.gather [hbm4b:s2+s29], $0x80, v3, vm0, $0xb8;
	[tilespmem:$0x1EF00] =	vst v63  }
0x15a: {  	s4 =	simm.s32 $0xF00;
	s3 =	rddreg [dreg:$0x1e]  }
0x15b: {  	[tilespmem:s4], [sflag:$0x1] =	stream.indirect_vreg.gather [hbm4b:s3+s29], $0x80, v3, vm0, $0xb8;
	[tilespmem:$0x1EF00] =	vst v63  }
0x15c: {  	s6 =	simm.s32 $0x1700;
	s3 =	sld [smem:$0x7F7]  }
0x15d: {  	[tilespmem:s6], [sflag:$0x1] =	stream.indirect_vreg.gather [hbm4b:s7+s29], $0x80, v3, vm0, $0xb8;
	[tilespmem:$0x1EF00] =	vst v63  }
0x15e: {  	s13 =	simm.s32 $0x1F00  }
0x15f: {  	[tilespmem:s13], [sflag:$0x1] =	stream.indirect_vreg.gather [hbm4b:s3+s29], $0x80, v3, vm0, $0xb8;
	[tilespmem:$0x1EF00] =	vst v63  }
0x160: {  	s16 =	simm.s32 $0x2700  }
0x161: {  	[tilespmem:s16], [sflag:$0x1] =	stream.indirect_vreg.gather [hbm4b:s8+s29], $0x80, v3, vm0, $0xb8;
	[tilespmem:$0x1EF00] =	vst v63  }
0x162: {  	s25 =	simm.s32 $0x2F00;
	s4 =	sld [smem:$0x7F9]  }
0x163: {  	[tilespmem:s25], [sflag:$0x1] =	stream.indirect_vreg.gather [hbm4b:s10+s29], $0x80, v3, vm0, $0xb8;
	[tilespmem:$0x1EF00] =	vst v63  }
0x164: {  	s3 =	simm.s32 $0x3700  }
0x165: {  	[tilespmem:s3], [sflag:$0x1] =	stream.indirect_vreg.gather [hbm4b:s4+s29], $0x80, v3, vm0, $0xb8;
	[tilespmem:$0x1EF00] =	vst v63  }
0x166: {  	s6 =	simm.s32 $0x3F00  }
0x167: {  	[tilespmem:s6], [sflag:$0x1] =	stream.indirect_vreg.gather [hbm4b:s11+s29], $0x80, v3, vm0, $0xb8;
	[tilespmem:$0x1EF00] =	vst v63  }
0x168: {  	v3 =	vld.msk [tilespmem:$0x10], $0xff;
	_ =	sdelay $0x4  }
0x169: {  	v4 =	vshll.u32 v3, $0x4  }
0x16a: {  	v3 =	vand.u32 $0x7, v3;
	v4 =	vand.u32 $0xFFFFFF80, v4  }
0x16b: {  	v3 =	vor.u32 v3, v4  }
0x16c: {  	v3 =	vperm.xlane v3, v1;
	_ =	sdelay $0x1  }
0x16d: {  	v3 =	vadd.s32 v2, v3;
	_ =	sdelay $0x3  }
0x16e: {  	s8 =	smov.u32 s10;
	s10 =	rddreg [dreg:$0x1];
	s11 =	simm.s32 $0x8700  }
0x16f: {  	[tilespmem:s11], [sflag:$0x5] =	stream.indirect_vreg.gather [hbm4b:s10+s29], $0x80, v3, vm0, $0xb8;
	[tilespmem:$0x1EF00] =	vst v63  }
0x170: {  	s13 =	simm.s32 $0x8F00  }
0x171: {  	[tilespmem:s13], [sflag:$0x5] =	stream.indirect_vreg.gather [hbm4b:s5+s29], $0x80, v3, vm0, $0xb8;
	[tilespmem:$0x1EF00] =	vst v63  }
0x172: {  	s16 =	simm.s32 $0x9700  }
0x173: {  	[tilespmem:s16], [sflag:$0x5] =	stream.indirect_vreg.gather [hbm4b:s12+s29], $0x80, v3, vm0, $0xb8;
	[tilespmem:$0x1EF00] =	vst v63  }
0x174: {  	s25 =	simm.s32 $0x9F00  }
0x175: {  	[tilespmem:s25], [sflag:$0x5] =	stream.indirect_vreg.gather [hbm4b:s14+s29], $0x80, v3, vm0, $0xb8;
	[tilespmem:$0x1EF00] =	vst v63  }
0x176: {  	s3 =	simm.s32 $0xA700  }
0x177: {  	[tilespmem:s3], [sflag:$0x5] =	stream.indirect_vreg.gather [hbm4b:s19+s29], $0x80, v3, vm0, $0xb8;
	[tilespmem:$0x1EF00] =	vst v63  }
0x178: {  	s4 =	simm.s32 $0xAF00  }
0x179: {  	[tilespmem:s4], [sflag:$0x5] =	stream.indirect_vreg.gather [hbm4b:s15+s29], $0x80, v3, vm0, $0xb8;
	[tilespmem:$0x1EF00] =	vst v63  }
0x17a: {  	s11 =	smov.u32 s5;
	s5 =	simm.s32 $0xB700  }
0x17b: {  	[tilespmem:s5], [sflag:$0x5] =	stream.indirect_vreg.gather [hbm4b:s17+s29], $0x80, v3, vm0, $0xb8;
	[tilespmem:$0x1EF00] =	vst v63  }
0x17c: {  	s6 =	simm.s32 $0xBF00  }
0x17d: {  	[tilespmem:s6], [sflag:$0x5] =	stream.indirect_vreg.gather [hbm4b:s30+s29], $0x80, v3, vm0, $0xb8;
	[tilespmem:$0x1EF00] =	vst v63  }
0x17e: {  	v3 =	vld.msk [tilespmem:$0x10], $0xff;
	_ =	sdelay $0x4  }
0x17f: {  	v4 =	vshll.u32 v3, $0x4  }
0x180: {  	v3 =	vand.u32 $0x7, v3;
	v4 =	vand.u32 $0xFFFFFF80, v4  }
0x181: {  	v3 =	vor.u32 v3, v4  }
0x182: {  	v3 =	vperm.xlane v3, v1;
	_ =	sdelay $0x1  }
0x183: {  	v3 =	vadd.s32 v2, v3;
	_ =	sdelay $0x3  }
0x184: {  	s10 =	rddreg [dreg:$0x2]  }
0x185: {  	[tilespmem:s1], [sflag:$0x9] =	stream.indirect_vreg.gather [hbm4b:s10+s29], $0x80, v3, vm0, $0xb8;
	[tilespmem:$0x1EF00] =	vst v63  }
0x186: {  	s13 =	simm.s32 $0x10F00  }
0x187: {  	[tilespmem:s13], [sflag:$0x9] =	stream.indirect_vreg.gather [hbm4b:s18+s29], $0x80, v3, vm0, $0xb8;
	[tilespmem:$0x1EF00] =	vst v63  }
0x188: {  	s14 =	smov.u32 s19;
	s13 =	simm.s32 $0x11700  }
0x189: {  	[tilespmem:s13], [sflag:$0x9] =	stream.indirect_vreg.gather [hbm4b:s20+s29], $0x80, v3, vm0, $0xb8;
	[tilespmem:$0x1EF00] =	vst v63  }
0x18a: {  	s19 =	smov.u32 s17;
	s17 =	smov.u32 s30;
	s30 =	simm.s32 $0x11F00  }
0x18b: {  	[tilespmem:s30], [sflag:$0x9] =	stream.indirect_vreg.gather [hbm4b:s22+s29], $0x80, v3, vm0, $0xb8;
	[tilespmem:$0x1EF00] =	vst v63  }
0x18c: {  	s16 =	simm.s32 $0x12700  }
0x18d: {  	[tilespmem:s16], [sflag:$0x9] =	stream.indirect_vreg.gather [hbm4b:s21+s29], $0x80, v3, vm0, $0xb8;
	[tilespmem:$0x1EF00] =	vst v63  }
0x18e: {  	s16 =	simm.s32 $0x12F00  }
0x18f: {  	[tilespmem:s16], [sflag:$0x9] =	stream.indirect_vreg.gather [hbm4b:s23+s29], $0x80, v3, vm0, $0xb8;
	[tilespmem:$0x1EF00] =	vst v63  }
0x190: {  	s25 =	simm.s32 $0x2;
	s4 =	simm.s32 $0x13700  }
0x191: {  	[tilespmem:s4], [sflag:$0x9] =	stream.indirect_vreg.gather [hbm4b:s9+s29], $0x80, v3, vm0, $0xb8;
	[tilespmem:$0x1EF00] =	vst v63  }
0x192: {  	s5 =	smov.u32 s20;
	s20 =	smov.u32 s22;
	s22 =	simm.s32 $0x13F00  }
0x193: {  	[tilespmem:s22], [sflag:$0x9] =	stream.indirect_vreg.gather [hbm4b:s24+s29], $0x80, v3, vm0, $0xb8;
	[tilespmem:$0x1EF00] =	vst v63  }
0x194: {  	_ =	swait.ge [sflag:s25], $0x4000  }
0x195: {  	s2 =	simm.s32 $0x0;
	s6 =	simm.s32 $0x6;
	[sflag:s25] =	ssyncset.done $0x0  }
0x196: {  	s22 =	simm.s32 $0x4700;
	s3 =	rddreg [dreg:$0xc];
	[sflag:s25] =	ssyncadd.s32 $0xFFFFC000  }
0x197: {  	[hbm4b:s3+s29] =	stream.linear.scatter [tilespmem:s22], [sflag:$0x4], $0x4000, $0x38;
	[tilespmem:$0x1EF00] =	vst v63  }
0x198: {  	s10 =	smov.u32 s23;
	s23 =	smov.u32 s9;
	_ =	swait.ge [sflag:s6], $0x4000  }
0x199: {  	s24 =	simm.s32 $0xC700;
	s25 =	simm.s32 $0xA;
	[sflag:s6] =	ssyncset.done $0x0  }
0x19a: {  	v3 =	vor.u32 s2, v0;
	s9 =	rddreg [dreg:$0xd];
	[sflag:s6] =	ssyncadd.s32 $0xFFFFC000;
	s6 =	simm.s32 $0x10  }
0x19b: {  	[hbm4b:s9+s29] =	stream.linear.scatter [tilespmem:s24], [sflag:$0x8], $0x4000, $0x38;
	v4 =	vor.u32 s6, v0;
	[tilespmem:$0x1EF00] =	vst v63  }
0x19c: {  	_ =	swait.ge [sflag:s25], $0x4000  }
0x19d: {  	[sflag:s25] =	ssyncset.done $0x0  }
0x19e: {  	[sflag:s25] =	ssyncadd.s32 $0xFFFFC000  }
0x19f: {  	v5 =	vld.idx.msk [tilespmem:v3+s26+$0x0], $0xffff  }
0x1a0: {  	v6 =	vld.idx.msk [tilespmem:v4+s26+$0x0], $0xffff;
	_ =	sdelay $0x3  }
0x1a1: {  	v7 =	vshll.u32 v5, $0x3  }
0x1a2: {  	v5 =	vand.u32 $0x7F, v5;
	v8 =	vshll.u32 v6, $0x3;
	v7 =	vand.u32 $0xFFFFFC00, v7  }
0x1a3: {  	v8 =	vand.u32 $0xFFFFFC00, v8;
	v17 =	vor.u32 v5, v7;
	v5 =	vand.u32 $0x7F, v6  }
0x1a4: {  	v18 =	vor.u32 v5, v8  }
0x1a5: {  	v10 =	vand.u32 $0x6F, v3;
	s3 =	simm.s32 $0x20;
	v6 =	vmov s2  }
0x1a6: {  	v9 =	vor.u32 s3, v0;
	v6 =	vshll.u32 v6, $0x3;
	v8 =	vmov s6  }
0x1a7: {  	s29 =	simm.s32 $0x30;
	v11 =	vand.u32 $0x7F, v4;
	v5 =	vand.u32 $0x3C00, v6;
	v8 =	vshll.u32 v8, $0x3  }
0x1a8: {  	v7 =	vor.u32 s29, v0;
	v12 =	vor.u32 v10, v5;
	v4 =	vand.u32 $0x3C00, v8;
	v3 =	vld.idx.msk [tilespmem:v17+s31+$0x0], $0xffff  }
0x1a9: {  	v13 =	vor.u32 $0x80, v17;
	v15 =	vor.u32 v11, v4;
	v5 =	vld.idx.msk [tilespmem:v18+s31+$0x0], $0xffff  }
0x1aa: {  	v4 =	vor.u32 $0x80, v18;
	_ =	sdelay $0x1  }
0x1ab: {  	v14 =	vld.idx.msk [tilespmem:v9+s26+$0x0], $0xffff  }
0x1ac: {  	v16 =	vld.idx.msk [tilespmem:v7+s26+$0x0], $0xffff;
	[tilespmem:v12+s0+$0x0] =	vst.idx.msk $0xffff, v3  }
0x1ad: {  	v3 =	vld.idx.msk [tilespmem:v13+s31+$0x0], $0xffff;
	[tilespmem:v15+s0+$0x0] =	vst.idx.msk $0xffff, v5;
	v5 =	vor.u32 $0x80, v12  }
0x1ae: {  	v19 =	vor.u32 $0x80, v15;
	v13 =	vor.u32 $0x100, v17;
	v4 =	vld.idx.msk [tilespmem:v4+s31+$0x0], $0xffff  }
0x1af: {  	s24 =	simm.s32 $0x40;
	v20 =	vor.u32 $0x100, v18  }
0x1b0: {  	v25 =	vor.u32 s24, v0;
	v21 =	vshll.u32 v14, $0x3  }
0x1b1: {  	v14 =	vand.u32 $0x7F, v14;
	v21 =	vand.u32 $0xFFFFFC00, v21;
	v22 =	vshll.u32 v16, $0x3  }
0x1b2: {  	v22 =	vand.u32 $0xFFFFFC00, v22;
	[tilespmem:v5+s0+$0x0] =	vst.idx.msk $0xffff, v3;
	v3 =	vor.u32 v14, v21;
	v5 =	vand.u32 $0x7F, v16  }
0x1b3: {  	v26 =	vand.u32 $0x6F, v9;
	v13 =	vld.idx.msk [tilespmem:v13+s31+$0x0], $0xffff;
	[tilespmem:v19+s0+$0x0] =	vst.idx.msk $0xffff, v4;
	v4 =	vor.u32 v5, v22;
	v5 =	vor.u32 $0x100, v12  }
0x1b4: {  	v14 =	vmov s3;
	v19 =	vor.u32 $0x180, v17;
	v16 =	vld.idx.msk [tilespmem:v20+s31+$0x0], $0xffff;
	v20 =	vor.u32 $0x100, v15  }
0x1b5: {  	s9 =	simm.s32 $0x50;
	v24 =	vmov s29;
	v21 =	vor.u32 $0x180, v18;
	v14 =	vshll.u32 v14, $0x3  }
0x1b6: {  	v23 =	vor.u32 s9, v0;
	v24 =	vshll.u32 v24, $0x3;
	v31 =	vld.idx.msk [tilespmem:v25+s26+$0x0], $0xffff;
	v22 =	vand.u32 $0x3C00, v14  }
0x1b7: {  	v27 =	vand.u32 $0x7F, v7;
	v28 =	vor.u32 v26, v22;
	v22 =	vand.u32 $0x3C00, v24;
	v9 =	vld.idx.msk [tilespmem:v3+s31+$0x0], $0xffff  }
0x1b8: {  	v7 =	vld.idx.msk [tilespmem:v4+s31+$0x0], $0xffff;
	[tilespmem:v5+s0+$0x0] =	vst.idx.msk $0xffff, v13;
	v13 =	vor.u32 $0x80, v3;
	v5 =	vor.u32 v27, v22  }
0x1b9: {  	v19 =	vld.idx.msk [tilespmem:v19+s31+$0x0], $0xffff;
	[tilespmem:v20+s0+$0x0] =	vst.idx.msk $0xffff, v16;
	v16 =	vor.u32 $0x80, v4;
	v20 =	vor.u32 $0x180, v12  }
0x1ba: {  	v29 =	vor.u32 $0x200, v17;
	v30 =	vor.u32 $0x180, v15;
	v21 =	vld.idx.msk [tilespmem:v21+s31+$0x0], $0xffff  }
0x1bb: {  	v59 =	vor.u32 $0x200, v18  }
0x1bc: {  	v25 =	vand.u32 $0x6F, v25;
	v60 =	vshll.u32 v31, $0x3;
	v34 =	vor.u32 v6, v10;
	v22 =	vld.idx.msk [tilespmem:v23+s26+$0x0], $0xffff;
	[tilespmem:v28+s0+$0x0] =	vst.idx.msk $0xffff, v9  }
0x1bd: {  	v6 =	vmov s24;
	v35 =	vor.u32 v11, v8;
	v8 =	vld.idx.msk [tilespmem:v13+s31+$0x0], $0xffff;
	[tilespmem:v5+s0+$0x0] =	vst.idx.msk $0xffff, v7;
	v7 =	vor.u32 $0x80, v28  }
0x1be: {  	v10 =	vor.u32 $0x80, v5;
	v9 =	vor.u32 $0x100, v3;
	v13 =	vshll.u32 v6, $0x3;
	v6 =	vld.idx.msk [tilespmem:v16+s31+$0x0], $0xffff;
	[tilespmem:v20+s0+$0x0] =	vst.idx.msk $0xffff, v19  }
0x1bf: {  	v33 =	vor.u32 $0x280, v12;
	v12 =	vor.u32 $0x200, v12;
	v20 =	vor.u32 $0x100, v4;
	v16 =	vld.idx.msk [tilespmem:v29+s31+$0x0], $0xffff;
	[tilespmem:v30+s0+$0x0] =	vst.idx.msk $0xffff, v21  }
0x1c0: {  	v31 =	vand.u32 $0x7F, v31;
	v29 =	vor.u32 $0x280, v17;
	v30 =	vor.u32 $0x200, v15;
	v21 =	vld.idx.msk [tilespmem:v59+s31+$0x0], $0xffff  }
0x1c1: {  	v32 =	vand.u32 $0xFFFFFC00, v60;
	v61 =	vor.u32 $0x280, v18;
	v19 =	vshll.u32 v22, $0x3  }
0x1c2: {  	v19 =	vand.u32 $0xFFFFFC00, v19;
	[tilespmem:v7+s0+$0x0] =	vst.idx.msk $0xffff, v8;
	v7 =	vor.u32 v31, v32;
	v8 =	vand.u32 $0x7F, v22  }
0x1c3: {  	s25 =	simm.s32 $0x70;
	v57 =	vor.u32 $0x300, v15;
	v11 =	vor.u32 $0x180, v4;
	v31 =	vld.idx.msk [tilespmem:v9+s31+$0x0], $0xffff;
	[tilespmem:v10+s0+$0x0] =	vst.idx.msk $0xffff, v6;
	v9 =	vor.u32 v8, v19  }
0x1c4: {  	v10 =	vor.u32 $0x100, v28;
	v8 =	vor.u32 v14, v26;
	v19 =	vor.u32 s25, v0;
	v26 =	vld.idx.msk [tilespmem:v20+s31+$0x0], $0xffff;
	[tilespmem:v12+s0+$0x0] =	vst.idx.msk $0xffff, v16  }
0x1c5: {  	v62 =	vor.u32 $0x100, v5;
	v6 =	vor.u32 v27, v24;
	v12 =	vor.u32 $0x180, v3;
	v27 =	vld.idx.msk [tilespmem:v29+s31+$0x0], $0xffff;
	[tilespmem:v30+s0+$0x0] =	vst.idx.msk $0xffff, v21  }
0x1c6: {  	s29 =	simm.s32 $0x60;
	v23 =	vand.u32 $0x7F, v23;
	v22 =	vand.u32 $0x3C00, v13;
	v16 =	vmov s9;
	v29 =	vld.idx.msk [tilespmem:v61+s31+$0x0], $0xffff  }
0x1c7: {  	v20 =	vor.u32 s29, v0;
	v30 =	vor.u32 $0x280, v15;
	v48 =	vshll.u32 v16, $0x3;
	v63 =	vld.idx.msk [tilespmem:v7+s31+$0x0], $0xffff  }
0x1c8: {  	v24 =	vor.u32 $0x300, v18;
	v16 =	vor.u32 v25, v22;
	v22 =	vand.u32 $0x3C00, v48;
	v49 =	vld.idx.msk [tilespmem:v9+s31+$0x0], $0xffff  }
0x1c9: {  	v55 =	vor.u32 $0x200, v3;
	[tilespmem:v10+s0+$0x0] =	vst.idx.msk $0xffff, v31;
	v31 =	vor.u32 $0x80, v7;
	v10 =	vor.u32 v23, v22;
	v54 =	vld.idx.msk [tilespmem:v19+s26+$0x0], $0xffff  }
0x1ca: {  	v46 =	vor.u32 $0x280, v3;
	v52 =	vor.u32 $0x180, v28;
	v51 =	vor.u32 $0x80, v9;
	v50 =	vld.idx.msk [tilespmem:v12+s31+$0x0], $0xffff;
	[tilespmem:v62+s0+$0x0] =	vst.idx.msk $0xffff, v26  }
0x1cb: {  	v56 =	vor.u32 $0x180, v5;
	v47 =	vor.u32 $0x200, v5;
	v13 =	vor.u32 v13, v25;
	v53 =	vld.idx.msk [tilespmem:v11+s31+$0x0], $0xffff  }
0x1cc: {  	v14 =	vor.u32 $0x280, v28;
	v18 =	vor.u32 $0x380, v18;
	[tilespmem:v30+s0+$0x0] =	vst.idx.msk $0xffff, v29;
	v29 =	vld.idx.msk [tilespmem:v20+s26+$0x0], $0xffff;
	v30 =	vor.u32 $0x200, v4  }
0x1cd: {  	v59 =	vor.u32 $0x100, v7;
	v36 =	vor.u32 $0x180, v7;
	v25 =	vor.u32 $0x300, v17;
	[tilespmem:v16+s0+$0x0] =	vst.idx.msk $0xffff, v63;
	v24 =	vld.idx.msk [tilespmem:v24+s31+$0x0], $0xffff  }
0x1ce: {  	v21 =	vor.u32 $0x180, v9;
	v15 =	vor.u32 v23, v48;
	v58 =	vor.u32 $0x80, v16;
	v31 =	vld.idx.msk [tilespmem:v31+s31+$0x0], $0xffff;
	[tilespmem:v10+s0+$0x0] =	vst.idx.msk $0xffff, v49  }
0x1cf: {  	v61 =	vor.u32 $0x100, v9;
	v23 =	vor.u32 $0x380, v17;
	v60 =	vor.u32 $0x80, v10;
	v38 =	vld.idx.msk [tilespmem:v51+s31+$0x0], $0xffff;
	[tilespmem:v52+s0+$0x0] =	vst.idx.msk $0xffff, v50  }
0x1d0: {  	v12 =	vmov s29;
	v26 =	vor.u32 $0x300, v34;
	v62 =	vor.u32 $0x200, v28;
	v43 =	vld.idx.msk [tilespmem:v55+s31+$0x0], $0xffff;
	[tilespmem:v56+s0+$0x0] =	vst.idx.msk $0xffff, v53  }
0x1d1: {  	v28 =	vor.u32 $0x280, v4;
	v37 =	vor.u32 $0x100, v10;
	[tilespmem:v33+s0+$0x0] =	vst.idx.msk $0xffff, v27;
	v17 =	vshll.u32 v54, $0x3;
	v63 =	vld.idx.msk [tilespmem:v30+s31+$0x0], $0xffff  }
0x1d2: {  	v11 =	vshll.u32 v12, $0x3;
	v32 =	vld.idx.msk [tilespmem:v25+s31+$0x0], $0xffff;
	v30 =	vand.u32 $0xFFFFFC00, v17;
	v17 =	vshll.u32 v29, $0x3;
	[tilespmem:v57+s0+$0x0] =	vst.idx.msk $0xffff, v24  }
0x1d3: {  	v12 =	vor.u32 $0x280, v16;
	v24 =	vand.u32 $0x7F, v29;
	v17 =	vand.u32 $0xFFFFFC00, v17;
	[tilespmem:v58+s0+$0x0] =	vst.idx.msk $0xffff, v31;
	v27 =	vld.idx.msk [tilespmem:v18+s31+$0x0], $0xffff  }
0x1d4: {  	v29 =	vor.u32 $0x380, v35;
	v17 =	vor.u32 v24, v17;
	v18 =	vand.u32 $0x7F, v54;
	v33 =	vld.idx.msk [tilespmem:v59+s31+$0x0], $0xffff;
	[tilespmem:v60+s0+$0x0] =	vst.idx.msk $0xffff, v38  }
0x1d5: {  	v35 =	vor.u32 $0x100, v16;
	v24 =	vor.u32 $0x380, v34;
	v18 =	vor.u32 v18, v30;
	v34 =	vld.idx.msk [tilespmem:v61+s31+$0x0], $0xffff;
	[tilespmem:v62+s0+$0x0] =	vst.idx.msk $0xffff, v43  }
0x1d6: {  	s2 =	simm.s32 $0x90;
	s6 =	simm.s32 $0x6;
	v22 =	vand.u32 $0x3C00, v11;
	v25 =	vor.u32 $0x300, v4;
	v30 =	vor.u32 $0x180, v18;
	v31 =	vld.idx.msk [tilespmem:v46+s31+$0x0], $0xffff;
	[tilespmem:v47+s0+$0x0] =	vst.idx.msk $0xffff, v63  }
.LBB2_5:
0x1d7: {  	s29 =	sadd.s32 $0xFFFFFFF0, s2;
	s6 =	sadd.s32 $0x2, s6;
	v38 =	vand.u32 $0x7F, v19;
	v19 =	vor.u32 s2, v0;
	v28 =	vld.idx.msk [tilespmem:v28+s31+$0x0], $0xffff;
	v39 =	vor.u32 $0x280, v5;
	[tilespmem:v26+s0+$0x0] =	vst.idx.msk $0xffff, v32;
	v40 =	vmovc v13  }
0x1d8: {  	v32 =	vmov s25;
	v41 =	vmovc v15;
	s25 =	smov.u32 s2;
	v13 =	vmov s29;
	v26 =	vor.u32 s29, v0;
	p0 =	slt.u32 s6, $0x60;
	v23 =	vld.idx.msk [tilespmem:v23+s31+$0x0], $0xffff  }
0x1d9: {  	v15 =	vshll.u32 v32, $0x3;
	v42 =	vshll.u32 v13, $0x3;
	v13 =	vand.u32 $0x6F, v20;
	v43 =	vld.idx.msk [tilespmem:v17+s31+$0x0], $0xffff;
	[tilespmem:v29+s0+$0x0] =	vst.idx.msk $0xffff, v27;
	v20 =	vmovc v26  }
0x1da: {  	v29 =	vand.u32 $0x3C00, v15;
	v27 =	vor.u32 v13, v22;
	v22 =	vand.u32 $0x3C00, v42;
	v26 =	vld.idx.msk [tilespmem:v18+s31+$0x0], $0xffff;
	[tilespmem:v35+s0+$0x0] =	vst.idx.msk $0xffff, v33  }
0x1db: {  	v32 =	vor.u32 $0x80, v17;
	v29 =	vor.u32 v38, v29;
	v33 =	vor.u32 $0x280, v27;
	v35 =	vld.idx.msk [tilespmem:v36+s31+$0x0], $0xffff;
	[tilespmem:v37+s0+$0x0] =	vst.idx.msk $0xffff, v34  }
0x1dc: {  	v13 =	vor.u32 v11, v13;
	v34 =	vor.u32 $0x80, v18;
	v36 =	vor.u32 $0x180, v16;
	v37 =	vld.idx.msk [tilespmem:v21+s31+$0x0], $0xffff;
	[tilespmem:v14+s0+$0x0] =	vst.idx.msk $0xffff, v31  }
0x1dd: {  	v44 =	vor.u32 $0x180, v10;
	v15 =	vor.u32 v38, v15;
	v38 =	vor.u32 $0x200, v7;
	v31 =	vld.idx.msk [tilespmem:v19+s26+$0x0], $0xffff;
	[tilespmem:v39+s0+$0x0] =	vst.idx.msk $0xffff, v28  }
0x1de: {  	v45 =	vor.u32 $0x300, v3;
	v11 =	vmovc v42;
	v14 =	vmov v12;
	v28 =	vor.u32 $0x200, v9;
	v39 =	vld.idx.msk [tilespmem:v20+s26+$0x0], $0xffff;
	[tilespmem:v24+s0+$0x0] =	vst.idx.msk $0xffff, v23  }
0x1df: {  	v12 =	vmov v33;
	v21 =	vmov v30;
	[tilespmem:v27+s0+$0x0] =	vst.idx.msk $0xffff, v43;
	v24 =	vld.idx.msk [tilespmem:v25+s31+$0x0], $0xffff  }
0x1e0: {  	v30 =	vor.u32 $0x300, v5;
	v5 =	vmovc v10;
	v10 =	vmov v29;
	v25 =	vld.idx.msk [tilespmem:v32+s31+$0x0], $0xffff;
	[tilespmem:v29+s0+$0x0] =	vst.idx.msk $0xffff, v26;
	v26 =	vor.u32 $0x300, v8  }
0x1e1: {  	v33 =	vor.u32 $0x380, v4;
	v23 =	vor.u32 $0x380, v3;
	v3 =	vmovc v7;
	v29 =	vor.u32 $0x80, v27;
	v34 =	vld.idx.msk [tilespmem:v34+s31+$0x0], $0xffff;
	[tilespmem:v36+s0+$0x0] =	vst.idx.msk $0xffff, v35  }
0x1e2: {  	v4 =	vmovc v9;
	v7 =	vmov v17;
	v35 =	vor.u32 $0x100, v17;
	v36 =	vor.u32 $0x80, v10;
	v38 =	vld.idx.msk [tilespmem:v38+s31+$0x0], $0xffff;
	[tilespmem:v44+s0+$0x0] =	vst.idx.msk $0xffff, v37  }
0x1e3: {  	v42 =	vor.u32 $0x200, v16;
	v16 =	vmovc v27;
	v9 =	vmovc v18;
	v17 =	vshll.u32 v31, $0x3;
	v37 =	vor.u32 $0x100, v18;
	v43 =	vld.idx.msk [tilespmem:v28+s31+$0x0], $0xffff  }
0x1e4: {  	v46 =	vor.u32 $0x200, v5;
	v44 =	vor.u32 $0x280, v3;
	v18 =	vand.u32 $0xFFFFFC00, v17;
	v32 =	vld.idx.msk [tilespmem:v45+s31+$0x0], $0xffff  }
.Ltmp2:
0x1e5: {  	v17 =	vshll.u32 v39, $0x3;
	v28 =	vor.u32 $0x280, v4;
	[tilespmem:v30+s0+$0x0] =	vst.idx.msk $0xffff, v24;
	(pc) =	sbr.rel @p0 .LBB2_5-.Ltmp2, $4  }
0x1e6: {  	v17 =	vand.u32 $0xFFFFFC00, v17;
	v24 =	vand.u32 $0x7F, v39;
	[tilespmem:v29+s0+$0x0] =	vst.idx.msk $0xffff, v25;
	v27 =	vld.idx.msk [tilespmem:v33+s31+$0x0], $0xffff;
	v29 =	vor.u32 $0x380, v6;
	v6 =	vmovc v41  }
0x1e7: {  	v17 =	vor.u32 v24, v17;
	v25 =	vand.u32 $0x7F, v31;
	v24 =	vor.u32 $0x380, v8;
	v33 =	vld.idx.msk [tilespmem:v35+s31+$0x0], $0xffff;
	[tilespmem:v36+s0+$0x0] =	vst.idx.msk $0xffff, v34  }
0x1e8: {  	v18 =	vor.u32 v25, v18;
	v35 =	vor.u32 $0x100, v16;
	v25 =	vor.u32 $0x300, v4;
	v34 =	vld.idx.msk [tilespmem:v37+s31+$0x0], $0xffff;
	[tilespmem:v42+s0+$0x0] =	vst.idx.msk $0xffff, v38  }
0x1e9: {  	s2 =	sadd.s32 $0x20, s2;
	v8 =	vmovc v40;
	v36 =	vor.u32 $0x180, v7;
	v30 =	vor.u32 $0x180, v18;
	v37 =	vor.u32 $0x100, v10;
	v31 =	vld.idx.msk [tilespmem:v44+s31+$0x0], $0xffff;
	[tilespmem:v46+s0+$0x0] =	vst.idx.msk $0xffff, v43  }
0x1ea: {  	_ =	sdelay $0x1  }
0x1eb: {  	v38 =	vmov s25  }
0x1ec: {  	v20 =	vand.u32 $0x6F, v20;
	v38 =	vshll.u32 v38, $0x3  }
0x1ed: {  	v19 =	vand.u32 $0x7F, v19;
	v41 =	vld.idx.msk [tilespmem:v17+s31+$0x0], $0xffff;
	v22 =	vor.u32 v20, v22;
	v39 =	vand.u32 $0x3C00, v38  }
0x1ee: {  	v40 =	vld.idx.msk [tilespmem:v18+s31+$0x0], $0xffff;
	v43 =	vor.u32 $0x80, v17;
	v39 =	vor.u32 v19, v39  }
0x1ef: {  	v42 =	vor.u32 $0x80, v18;
	_ =	sdelay $0x2  }
0x1f0: {  	[tilespmem:v22+s0+$0x0] =	vst.idx.msk $0xffff, v41  }
0x1f1: {  	v57 =	vor.u32 $0x80, v22;
	v56 =	vld.idx.msk [tilespmem:v43+s31+$0x0], $0xffff;
	[tilespmem:v39+s0+$0x0] =	vst.idx.msk $0xffff, v40  }
0x1f2: {  	v45 =	vor.u32 $0x100, v17;
	v55 =	vor.u32 $0x80, v39;
	v40 =	vld.idx.msk [tilespmem:v42+s31+$0x0], $0xffff  }
0x1f3: {  	v44 =	vor.u32 $0x100, v18;
	_ =	sdelay $0x2  }
0x1f4: {  	[tilespmem:v57+s0+$0x0] =	vst.idx.msk $0xffff, v56  }
0x1f5: {  	v59 =	vor.u32 $0x100, v22;
	v42 =	vld.idx.msk [tilespmem:v45+s31+$0x0], $0xffff;
	[tilespmem:v55+s0+$0x0] =	vst.idx.msk $0xffff, v40  }
0x1f6: {  	v60 =	vor.u32 $0x180, v17;
	v58 =	vor.u32 $0x100, v39;
	v40 =	vld.idx.msk [tilespmem:v44+s31+$0x0], $0xffff  }
0x1f7: {  	[tilespmem:v26+s0+$0x0] =	vst.idx.msk $0xffff, v32  }
0x1f8: {  	[tilespmem:v37+s0+$0x0] =	vst.idx.msk $0xffff, v34  }
0x1f9: {  	v61 =	vor.u32 $0x180, v10;
	[tilespmem:v35+s0+$0x0] =	vst.idx.msk $0xffff, v33;
	v21 =	vld.idx.msk [tilespmem:v21+s31+$0x0], $0xffff  }
0x1fa: {  	v63 =	vor.u32 $0x180, v16;
	v62 =	vld.idx.msk [tilespmem:v36+s31+$0x0], $0xffff;
	v45 =	vor.u32 $0x200, v9;
	[tilespmem:v59+s0+$0x0] =	vst.idx.msk $0xffff, v42  }
0x1fb: {  	v46 =	vor.u32 $0x200, v7;
	v49 =	vor.u32 $0x180, v22;
	v48 =	vld.idx.msk [tilespmem:v60+s31+$0x0], $0xffff;
	[tilespmem:v58+s0+$0x0] =	vst.idx.msk $0xffff, v40  }
0x1fc: {  	v26 =	vor.u32 $0x200, v17;
	[tilespmem:v29+s0+$0x0] =	vst.idx.msk $0xffff, v27;
	v47 =	vor.u32 $0x180, v39;
	v30 =	vld.idx.msk [tilespmem:v30+s31+$0x0], $0xffff  }
0x1fd: {  	v50 =	vor.u32 $0x200, v18;
	v28 =	vld.idx.msk [tilespmem:v28+s31+$0x0], $0xffff;
	[tilespmem:v14+s0+$0x0] =	vst.idx.msk $0xffff, v31;
	v56 =	vor.u32 $0x280, v5  }
0x1fe: {  	v23 =	vld.idx.msk [tilespmem:v23+s31+$0x0], $0xffff;
	[tilespmem:v61+s0+$0x0] =	vst.idx.msk $0xffff, v21  }
0x1ff: {  	v51 =	vor.u32 $0x200, v10;
	[tilespmem:v63+s0+$0x0] =	vst.idx.msk $0xffff, v62;
	v21 =	vld.idx.msk [tilespmem:v45+s31+$0x0], $0xffff  }
0x200: {  	v16 =	vor.u32 $0x200, v16;
	v53 =	vor.u32 $0x280, v9;
	v52 =	vld.idx.msk [tilespmem:v46+s31+$0x0], $0xffff;
	[tilespmem:v49+s0+$0x0] =	vst.idx.msk $0xffff, v48  }
0x201: {  	v27 =	vor.u32 $0x200, v22;
	v26 =	vld.idx.msk [tilespmem:v26+s31+$0x0], $0xffff;
	[tilespmem:v47+s0+$0x0] =	vst.idx.msk $0xffff, v30;
	v30 =	vor.u32 $0x280, v7  }
0x202: {  	v14 =	vor.u32 $0x280, v17;
	v55 =	vor.u32 $0x200, v39;
	[tilespmem:v56+s0+$0x0] =	vst.idx.msk $0xffff, v28;
	v54 =	vld.idx.msk [tilespmem:v50+s31+$0x0], $0xffff  }
0x203: {  	v29 =	vor.u32 $0x280, v18;
	[tilespmem:v24+s0+$0x0] =	vst.idx.msk $0xffff, v23;
	v5 =	vor.u32 $0x300, v5;
	v23 =	vld.idx.msk [tilespmem:v25+s31+$0x0], $0xffff  }
0x204: {  	v4 =	vor.u32 $0x380, v4;
	[tilespmem:v51+s0+$0x0] =	vst.idx.msk $0xffff, v21  }
0x205: {  	v31 =	vor.u32 $0x280, v10;
	[tilespmem:v16+s0+$0x0] =	vst.idx.msk $0xffff, v52;
	v21 =	vor.u32 $0x300, v3;
	v16 =	vld.idx.msk [tilespmem:v53+s31+$0x0], $0xffff  }
0x206: {  	v57 =	vor.u32 $0x300, v9;
	[tilespmem:v27+s0+$0x0] =	vst.idx.msk $0xffff, v26;
	v30 =	vld.idx.msk [tilespmem:v30+s31+$0x0], $0xffff  }
0x207: {  	v22 =	vor.u32 $0x280, v22;
	v58 =	vor.u32 $0x300, v7;
	v14 =	vld.idx.msk [tilespmem:v14+s31+$0x0], $0xffff;
	[tilespmem:v55+s0+$0x0] =	vst.idx.msk $0xffff, v54  }
0x208: {  	v24 =	vor.u32 $0x300, v17;
	[tilespmem:v5+s0+$0x0] =	vst.idx.msk $0xffff, v23;
	v27 =	vor.u32 $0x280, v39;
	v26 =	vld.idx.msk [tilespmem:v29+s31+$0x0], $0xffff  }
0x209: {  	v6 =	vor.u32 $0x380, v6;
	v28 =	vor.u32 $0x300, v18;
	v4 =	vld.idx.msk [tilespmem:v4+s31+$0x0], $0xffff  }
0x20a: {  	v25 =	vor.u32 $0x300, v8;
	v21 =	vld.idx.msk [tilespmem:v21+s31+$0x0], $0xffff;
	[tilespmem:v31+s0+$0x0] =	vst.idx.msk $0xffff, v16  }
0x20b: {  	v10 =	vor.u32 $0x300, v10;
	v3 =	vor.u32 $0x380, v3;
	[tilespmem:v12+s0+$0x0] =	vst.idx.msk $0xffff, v30;
	v12 =	vld.idx.msk [tilespmem:v57+s31+$0x0], $0xffff  }
0x20c: {  	v11 =	vor.u32 v11, v20;
	v9 =	vor.u32 $0x380, v9;
	v16 =	vor.u32 $0x300, v13;
	[tilespmem:v22+s0+$0x0] =	vst.idx.msk $0xffff, v14;
	v29 =	vld.idx.msk [tilespmem:v58+s31+$0x0], $0xffff  }
0x20d: {  	v5 =	vor.u32 $0x300, v11;
	v7 =	vor.u32 $0x380, v7;
	v22 =	vld.idx.msk [tilespmem:v24+s31+$0x0], $0xffff;
	[tilespmem:v27+s0+$0x0] =	vst.idx.msk $0xffff, v26  }
0x20e: {  	v20 =	vor.u32 $0x300, v39;
	v17 =	vor.u32 $0x380, v17;
	[tilespmem:v6+s0+$0x0] =	vst.idx.msk $0xffff, v4;
	v14 =	vld.idx.msk [tilespmem:v28+s31+$0x0], $0xffff  }
0x20f: {  	v18 =	vor.u32 $0x380, v18;
	[tilespmem:v25+s0+$0x0] =	vst.idx.msk $0xffff, v21  }
0x210: {  	v8 =	vor.u32 $0x380, v8;
	v3 =	vld.idx.msk [tilespmem:v3+s31+$0x0], $0xffff;
	[tilespmem:v10+s0+$0x0] =	vst.idx.msk $0xffff, v12  }
0x211: {  	v10 =	vor.u32 $0x380, v15;
	v9 =	vld.idx.msk [tilespmem:v9+s31+$0x0], $0xffff;
	[tilespmem:v16+s0+$0x0] =	vst.idx.msk $0xffff, v29  }
0x212: {  	v13 =	vor.u32 $0x380, v13;
	[tilespmem:v5+s0+$0x0] =	vst.idx.msk $0xffff, v22;
	v7 =	vld.idx.msk [tilespmem:v7+s31+$0x0], $0xffff  }
0x213: {  	v4 =	vor.u32 $0x380, v11;
	v12 =	vor.u32 v19, v38;
	v5 =	vld.idx.msk [tilespmem:v17+s31+$0x0], $0xffff;
	[tilespmem:v20+s0+$0x0] =	vst.idx.msk $0xffff, v14  }
0x214: {  	v12 =	vor.u32 $0x380, v12;
	v14 =	vld.idx.msk [tilespmem:v18+s31+$0x0], $0xffff  }
0x215: {  	[tilespmem:v8+s0+$0x0] =	vst.idx.msk $0xffff, v3  }
0x216: {  	[tilespmem:v10+s0+$0x0] =	vst.idx.msk $0xffff, v9  }
0x217: {  	[tilespmem:v13+s0+$0x0] =	vst.idx.msk $0xffff, v7  }
0x218: {  	[tilespmem:v4+s0+$0x0] =	vst.idx.msk $0xffff, v5  }
0x219: {  	[tilespmem:v12+s0+$0x0] =	vst.idx.msk $0xffff, v14  }
0x21a: {  	s9 =	simm.s32 $0x0;
	s24 =	simm.s32 $0x4;
	s2 =	rddreg [dreg:$0xe]  }
0x21b: {  	[hbm4b:s2+s9] =	stream.linear.scatter [tilespmem:s0], [sflag:$0xC], $0x3400, $0x38;
	[tilespmem:$0x1EF00] =	vst v63  }
0x21c: {  	_ =	swait.ge [sflag:s24], $0x4000  }
0x21d: {  	[sflag:s24] =	ssyncset.done $0x0  }
0x21e: {  	s25 =	simm.s32 $0x8;
	[sflag:s24] =	ssyncadd.s32 $0xFFFFC000  }
0x21f: {  	_ =	swait.ge [sflag:s25], $0x4000  }
0x220: {  	[sflag:s25] =	ssyncset.done $0x0  }
0x221: {  	[sflag:s25] =	ssyncadd.s32 $0xFFFFC000  }
0x222: {  	v3 =	vld.msk [tilespmem:$0x18], $0xff;
	_ =	sdelay $0x4  }
0x223: {  	v4 =	vshll.u32 v3, $0x4  }
0x224: {  	v3 =	vand.u32 $0x7, v3;
	v4 =	vand.u32 $0xFFFFFF80, v4  }
0x225: {  	v3 =	vor.u32 v3, v4  }
0x226: {  	v3 =	vperm.xlane v3, v1;
	_ =	sdelay $0x1  }
0x227: {  	v3 =	vadd.s32 v2, v3;
	_ =	sdelay $0x3  }
0x228: {  	s2 =	rddreg [dreg:$0x0]  }
0x229: {  	[tilespmem:s22], [sflag:$0x2] =	stream.indirect_vreg.gather [hbm4b:s2+s9], $0x80, v3, vm0, $0xb8;
	[tilespmem:$0x1EF00] =	vst v63  }
0x22a: {  	s3 =	simm.s32 $0x4F00;
	s29 =	rddreg [dreg:$0x1e]  }
0x22b: {  	[tilespmem:s3], [sflag:$0x2] =	stream.indirect_vreg.gather [hbm4b:s29+s9], $0x80, v3, vm0, $0xb8;
	[tilespmem:$0x1EF00] =	vst v63  }
0x22c: {  	s6 =	sld [smem:$0x7F7];
	s3 =	simm.s32 $0x5700  }
0x22d: {  	[tilespmem:s3], [sflag:$0x2] =	stream.indirect_vreg.gather [hbm4b:s7+s9], $0x80, v3, vm0, $0xb8;
	[tilespmem:$0x1EF00] =	vst v63  }
0x22e: {  	s24 =	simm.s32 $0x5F00;
	s29 =	sld [smem:$0x7F8]  }
0x22f: {  	[tilespmem:s24], [sflag:$0x2] =	stream.indirect_vreg.gather [hbm4b:s6+s9], $0x80, v3, vm0, $0xb8;
	[tilespmem:$0x1EF00] =	vst v63  }
0x230: {  	s25 =	simm.s32 $0x6700  }
0x231: {  	[tilespmem:s25], [sflag:$0x2] =	stream.indirect_vreg.gather [hbm4b:s29+s9], $0x80, v3, vm0, $0xb8;
	[tilespmem:$0x1EF00] =	vst v63  }
0x232: {  	s3 =	simm.s32 $0x6F00;
	s24 =	sld [smem:$0x7F9]  }
0x233: {  	[tilespmem:s3], [sflag:$0x2] =	stream.indirect_vreg.gather [hbm4b:s8+s9], $0x80, v3, vm0, $0xb8;
	[tilespmem:$0x1EF00] =	vst v63  }
0x234: {  	s6 =	simm.s32 $0x7700;
	s29 =	sld [smem:$0x7FA]  }
0x235: {  	[tilespmem:s6], [sflag:$0x2] =	stream.indirect_vreg.gather [hbm4b:s24+s9], $0x80, v3, vm0, $0xb8;
	[tilespmem:$0x1EF00] =	vst v63  }
0x236: {  	s25 =	simm.s32 $0x7F00  }
0x237: {  	[tilespmem:s25], [sflag:$0x2] =	stream.indirect_vreg.gather [hbm4b:s29+s9], $0x80, v3, vm0, $0xb8;
	[tilespmem:$0x1EF00] =	vst v63  }
0x238: {  	v3 =	vld.msk [tilespmem:$0x18], $0xff;
	_ =	sdelay $0x4  }
0x239: {  	v4 =	vshll.u32 v3, $0x4  }
0x23a: {  	v3 =	vand.u32 $0x7, v3;
	v4 =	vand.u32 $0xFFFFFF80, v4  }
0x23b: {  	v3 =	vor.u32 v3, v4  }
0x23c: {  	v3 =	vperm.xlane v3, v1;
	_ =	sdelay $0x1  }
0x23d: {  	v3 =	vadd.s32 v2, v3;
	_ =	sdelay $0x3  }
0x23e: {  	s6 =	rddreg [dreg:$0x1];
	s24 =	simm.s32 $0xC700  }
0x23f: {  	[tilespmem:s24], [sflag:$0x6] =	stream.indirect_vreg.gather [hbm4b:s6+s9], $0x80, v3, vm0, $0xb8;
	[tilespmem:$0x1EF00] =	vst v63  }
0x240: {  	s25 =	simm.s32 $0xCF00  }
0x241: {  	[tilespmem:s25], [sflag:$0x6] =	stream.indirect_vreg.gather [hbm4b:s11+s9], $0x80, v3, vm0, $0xb8;
	[tilespmem:$0x1EF00] =	vst v63  }
0x242: {  	s29 =	simm.s32 $0xD700;
	s6 =	sld [smem:$0x7FB]  }
0x243: {  	[tilespmem:s29], [sflag:$0x6] =	stream.indirect_vreg.gather [hbm4b:s12+s9], $0x80, v3, vm0, $0xb8;
	[tilespmem:$0x1EF00] =	vst v63  }
0x244: {  	s3 =	simm.s32 $0xDF00  }
0x245: {  	[tilespmem:s3], [sflag:$0x6] =	stream.indirect_vreg.gather [hbm4b:s6+s9], $0x80, v3, vm0, $0xb8;
	[tilespmem:$0x1EF00] =	vst v63  }
0x246: {  	s24 =	simm.s32 $0xE700  }
0x247: {  	[tilespmem:s24], [sflag:$0x6] =	stream.indirect_vreg.gather [hbm4b:s14+s9], $0x80, v3, vm0, $0xb8;
	[tilespmem:$0x1EF00] =	vst v63  }
0x248: {  	s25 =	simm.s32 $0xEF00  }
0x249: {  	[tilespmem:s25], [sflag:$0x6] =	stream.indirect_vreg.gather [hbm4b:s15+s9], $0x80, v3, vm0, $0xb8;
	[tilespmem:$0x1EF00] =	vst v63  }
0x24a: {  	s29 =	simm.s32 $0xF700  }
0x24b: {  	[tilespmem:s29], [sflag:$0x6] =	stream.indirect_vreg.gather [hbm4b:s19+s9], $0x80, v3, vm0, $0xb8;
	[tilespmem:$0x1EF00] =	vst v63  }
0x24c: {  	s3 =	simm.s32 $0xFF00  }
0x24d: {  	[tilespmem:s3], [sflag:$0x6] =	stream.indirect_vreg.gather [hbm4b:s17+s9], $0x80, v3, vm0, $0xb8;
	[tilespmem:$0x1EF00] =	vst v63  }
0x24e: {  	v3 =	vld.msk [tilespmem:$0x18], $0xff;
	_ =	sdelay $0x4  }
0x24f: {  	v4 =	vshll.u32 v3, $0x4  }
0x250: {  	v3 =	vand.u32 $0x7, v3;
	v4 =	vand.u32 $0xFFFFFF80, v4  }
0x251: {  	v3 =	vor.u32 v3, v4  }
0x252: {  	v3 =	vperm.xlane v3, v1;
	_ =	sdelay $0x1  }
0x253: {  	v3 =	vadd.s32 v2, v3;
	_ =	sdelay $0x3  }
0x254: {  	s6 =	rddreg [dreg:$0x2]  }
0x255: {  	[tilespmem:s31], [sflag:$0xA] =	stream.indirect_vreg.gather [hbm4b:s6+s9], $0x80, v3, vm0, $0xb8;
	[tilespmem:$0x1EF00] =	vst v63  }
0x256: {  	s24 =	simm.s32 $0x14F00  }
0x257: {  	[tilespmem:s24], [sflag:$0xA] =	stream.indirect_vreg.gather [hbm4b:s18+s9], $0x80, v3, vm0, $0xb8;
	[tilespmem:$0x1EF00] =	vst v63  }
0x258: {  	s25 =	simm.s32 $0x15700  }
0x259: {  	[tilespmem:s25], [sflag:$0xA] =	stream.indirect_vreg.gather [hbm4b:s5+s9], $0x80, v3, vm0, $0xb8;
	[tilespmem:$0x1EF00] =	vst v63  }
0x25a: {  	s29 =	simm.s32 $0x15F00  }
0x25b: {  	[tilespmem:s29], [sflag:$0xA] =	stream.indirect_vreg.gather [hbm4b:s20+s9], $0x80, v3, vm0, $0xb8;
	[tilespmem:$0x1EF00] =	vst v63  }
0x25c: {  	s3 =	simm.s32 $0x16700  }
0x25d: {  	[tilespmem:s3], [sflag:$0xA] =	stream.indirect_vreg.gather [hbm4b:s21+s9], $0x80, v3, vm0, $0xb8;
	[tilespmem:$0x1EF00] =	vst v63  }
0x25e: {  	s6 =	simm.s32 $0x16F00  }
0x25f: {  	[tilespmem:s6], [sflag:$0xA] =	stream.indirect_vreg.gather [hbm4b:s10+s9], $0x80, v3, vm0, $0xb8;
	[tilespmem:$0x1EF00] =	vst v63  }
0x260: {  	s24 =	simm.s32 $0x17700;
	s29 =	sld [smem:$0x7FC]  }
0x261: {  	[tilespmem:s24], [sflag:$0xA] =	stream.indirect_vreg.gather [hbm4b:s23+s9], $0x80, v3, vm0, $0xb8;
	[tilespmem:$0x1EF00] =	vst v63  }
0x262: {  	s25 =	simm.s32 $0x17F00;
	s6 =	simm.s32 $0x1  }
0x263: {  	[tilespmem:s25], [sflag:$0xA] =	stream.indirect_vreg.gather [hbm4b:s29+s9], $0x80, v3, vm0, $0xb8;
	[tilespmem:$0x1EF00] =	vst v63  }
0x264: {  	_ =	swait.ge [sflag:s6], $0x4000  }
0x265: {  	s25 =	simm.s32 $0x5;
	[sflag:s6] =	ssyncset.done $0x0  }
0x266: {  	s24 =	rddreg [dreg:$0xf];
	[sflag:s6] =	ssyncadd.s32 $0xFFFFC000;
	s6 =	simm.s32 $0x700  }
0x267: {  	[hbm4b:s24+s9] =	stream.linear.scatter [tilespmem:s6], [sflag:$0x3], $0x4000, $0x38;
	[tilespmem:$0x1EF00] =	vst v63  }
0x268: {  	_ =	swait.ge [sflag:s25], $0x4000  }
0x269: {  	s2 =	simm.s32 $0x9;
	[sflag:s25] =	ssyncset.done $0x0  }
0x26a: {  	s24 =	simm.s32 $0x8700;
	s29 =	rddreg [dreg:$0x10];
	[sflag:s25] =	ssyncadd.s32 $0xFFFFC000  }
0x26b: {  	[hbm4b:s29+s9] =	stream.linear.scatter [tilespmem:s24], [sflag:$0x7], $0x4000, $0x38;
	[tilespmem:$0x1EF00] =	vst v63  }
0x26c: {  	s6 =	simm.s32 $0x0;
	_ =	swait.ge [sflag:s2], $0x4000  }
0x26d: {  	v3 =	vor.u32 s6, v0;
	s9 =	simm.s32 $0x10;
	[sflag:s2] =	ssyncset.done $0x0  }
0x26e: {  	s25 =	simm.s32 $0xB;
	v4 =	vor.u32 s9, v0;
	[sflag:s2] =	ssyncadd.s32 $0xFFFFC000  }
0x26f: {  	_ =	swait.ge [sflag:s25], $0x3400  }
0x270: {  	[sflag:s25] =	ssyncset.done $0x0  }
0x271: {  	[sflag:s25] =	ssyncadd.s32 $0xFFFFCC00  }
0x272: {  	v5 =	vld.idx.msk [tilespmem:v3+s26+$0x0], $0xffff  }
0x273: {  	v6 =	vld.idx.msk [tilespmem:v4+s26+$0x0], $0xffff;
	_ =	sdelay $0x3  }
0x274: {  	v7 =	vshll.u32 v5, $0x3  }
0x275: {  	v8 =	vshll.u32 v6, $0x3;
	v5 =	vand.u32 $0x7F, v5;
	v7 =	vand.u32 $0xFFFFFC00, v7  }
0x276: {  	v8 =	vand.u32 $0xFFFFFC00, v8;
	v17 =	vor.u32 v5, v7;
	v5 =	vand.u32 $0x7F, v6  }
0x277: {  	v18 =	vor.u32 v5, v8  }
0x278: {  	v10 =	vand.u32 $0x6F, v3;
	s29 =	simm.s32 $0x20;
	v6 =	vmov s6  }
0x279: {  	v9 =	vor.u32 s29, v0;
	v6 =	vshll.u32 v6, $0x3;
	v8 =	vmov s9  }
0x27a: {  	v11 =	vand.u32 $0x7F, v4;
	s25 =	simm.s32 $0x30;
	v5 =	vand.u32 $0x3C00, v6;
	v8 =	vshll.u32 v8, $0x3  }
0x27b: {  	v7 =	vor.u32 s25, v0;
	v12 =	vor.u32 v10, v5;
	v4 =	vand.u32 $0x3C00, v8;
	v3 =	vld.idx.msk [tilespmem:v17+s1+$0x0], $0xffff  }
0x27c: {  	v13 =	vor.u32 $0x80, v17;
	v15 =	vor.u32 v11, v4;
	v5 =	vld.idx.msk [tilespmem:v18+s1+$0x0], $0xffff  }
0x27d: {  	v4 =	vor.u32 $0x80, v18;
	_ =	sdelay $0x1  }
0x27e: {  	v14 =	vld.idx.msk [tilespmem:v9+s26+$0x0], $0xffff  }
0x27f: {  	v16 =	vld.idx.msk [tilespmem:v7+s26+$0x0], $0xffff;
	[tilespmem:v12+s28+$0x0] =	vst.idx.msk $0xffff, v3  }
0x280: {  	v3 =	vld.idx.msk [tilespmem:v13+s1+$0x0], $0xffff;
	[tilespmem:v15+s28+$0x0] =	vst.idx.msk $0xffff, v5;
	v5 =	vor.u32 $0x80, v12  }
0x281: {  	v19 =	vor.u32 $0x80, v15;
	v13 =	vor.u32 $0x100, v17;
	v4 =	vld.idx.msk [tilespmem:v4+s1+$0x0], $0xffff  }
0x282: {  	s3 =	simm.s32 $0x50;
	v20 =	vor.u32 $0x100, v18  }
0x283: {  	v23 =	vor.u32 s3, v0;
	v21 =	vshll.u32 v14, $0x3  }
0x284: {  	v14 =	vand.u32 $0x7F, v14;
	v21 =	vand.u32 $0xFFFFFC00, v21;
	v22 =	vshll.u32 v16, $0x3  }
0x285: {  	v22 =	vand.u32 $0xFFFFFC00, v22;
	[tilespmem:v5+s28+$0x0] =	vst.idx.msk $0xffff, v3;
	v3 =	vor.u32 v14, v21;
	v5 =	vand.u32 $0x7F, v16  }
0x286: {  	v26 =	vand.u32 $0x6F, v9;
	v13 =	vld.idx.msk [tilespmem:v13+s1+$0x0], $0xffff;
	[tilespmem:v19+s28+$0x0] =	vst.idx.msk $0xffff, v4;
	v4 =	vor.u32 v5, v22;
	v5 =	vor.u32 $0x100, v12  }
0x287: {  	v14 =	vmov s29;
	v19 =	vor.u32 $0x180, v17;
	v16 =	vld.idx.msk [tilespmem:v20+s1+$0x0], $0xffff;
	v20 =	vor.u32 $0x100, v15  }
0x288: {  	v24 =	vmov s25;
	s9 =	simm.s32 $0x40;
	v21 =	vor.u32 $0x180, v18;
	v14 =	vshll.u32 v14, $0x3  }
0x289: {  	v24 =	vshll.u32 v24, $0x3;
	v25 =	vor.u32 s9, v0;
	v22 =	vand.u32 $0x3C00, v14  }
0x28a: {  	v27 =	vand.u32 $0x7F, v7;
	v28 =	vor.u32 v26, v22;
	v22 =	vand.u32 $0x3C00, v24;
	v9 =	vld.idx.msk [tilespmem:v3+s1+$0x0], $0xffff  }
0x28b: {  	v7 =	vld.idx.msk [tilespmem:v4+s1+$0x0], $0xffff;
	[tilespmem:v5+s28+$0x0] =	vst.idx.msk $0xffff, v13;
	v13 =	vor.u32 $0x80, v3;
	v5 =	vor.u32 v27, v22  }
0x28c: {  	v19 =	vld.idx.msk [tilespmem:v19+s1+$0x0], $0xffff;
	[tilespmem:v20+s28+$0x0] =	vst.idx.msk $0xffff, v16;
	v16 =	vor.u32 $0x80, v4;
	v20 =	vor.u32 $0x180, v12  }
0x28d: {  	v29 =	vor.u32 $0x200, v17;
	v30 =	vor.u32 $0x180, v15;
	v21 =	vld.idx.msk [tilespmem:v21+s1+$0x0], $0xffff  }
0x28e: {  	v59 =	vor.u32 $0x200, v18;
	v31 =	vld.idx.msk [tilespmem:v25+s26+$0x0], $0xffff  }
0x28f: {  	v34 =	vor.u32 v6, v10;
	v6 =	vmov s9;
	v61 =	vor.u32 $0x280, v18;
	v22 =	vld.idx.msk [tilespmem:v23+s26+$0x0], $0xffff;
	[tilespmem:v28+s28+$0x0] =	vst.idx.msk $0xffff, v9  }
0x290: {  	v35 =	vor.u32 v11, v8;
	v33 =	vor.u32 $0x280, v12;
	v8 =	vld.idx.msk [tilespmem:v13+s1+$0x0], $0xffff;
	[tilespmem:v5+s28+$0x0] =	vst.idx.msk $0xffff, v7;
	v7 =	vor.u32 $0x80, v28  }
0x291: {  	v10 =	vor.u32 $0x80, v5;
	v9 =	vor.u32 $0x100, v3;
	v13 =	vshll.u32 v6, $0x3;
	v6 =	vld.idx.msk [tilespmem:v16+s1+$0x0], $0xffff;
	[tilespmem:v20+s28+$0x0] =	vst.idx.msk $0xffff, v19  }
0x292: {  	v57 =	vor.u32 $0x300, v15;
	v12 =	vor.u32 $0x200, v12;
	v20 =	vor.u32 $0x100, v4;
	v16 =	vld.idx.msk [tilespmem:v29+s1+$0x0], $0xffff;
	[tilespmem:v30+s28+$0x0] =	vst.idx.msk $0xffff, v21  }
0x293: {  	v60 =	vshll.u32 v31, $0x3;
	v29 =	vor.u32 $0x280, v17;
	v30 =	vor.u32 $0x200, v15;
	v21 =	vld.idx.msk [tilespmem:v59+s1+$0x0], $0xffff  }
0x294: {  	v31 =	vand.u32 $0x7F, v31;
	v32 =	vand.u32 $0xFFFFFC00, v60;
	v19 =	vshll.u32 v22, $0x3  }
0x295: {  	v19 =	vand.u32 $0xFFFFFC00, v19;
	[tilespmem:v7+s28+$0x0] =	vst.idx.msk $0xffff, v8;
	v7 =	vor.u32 v31, v32;
	v8 =	vand.u32 $0x7F, v22  }
0x296: {  	s25 =	simm.s32 $0x70;
	v25 =	vand.u32 $0x6F, v25;
	v11 =	vor.u32 $0x180, v4;
	v31 =	vld.idx.msk [tilespmem:v9+s1+$0x0], $0xffff;
	[tilespmem:v10+s28+$0x0] =	vst.idx.msk $0xffff, v6;
	v9 =	vor.u32 v8, v19  }
0x297: {  	v10 =	vor.u32 $0x100, v28;
	v8 =	vor.u32 v14, v26;
	v19 =	vor.u32 s25, v0;
	v26 =	vld.idx.msk [tilespmem:v20+s1+$0x0], $0xffff;
	[tilespmem:v12+s28+$0x0] =	vst.idx.msk $0xffff, v16  }
0x298: {  	v62 =	vor.u32 $0x100, v5;
	v6 =	vor.u32 v27, v24;
	v12 =	vor.u32 $0x180, v3;
	v27 =	vld.idx.msk [tilespmem:v29+s1+$0x0], $0xffff;
	[tilespmem:v30+s28+$0x0] =	vst.idx.msk $0xffff, v21  }
0x299: {  	s29 =	simm.s32 $0x60;
	v23 =	vand.u32 $0x7F, v23;
	v22 =	vand.u32 $0x3C00, v13;
	v16 =	vmov s3;
	v29 =	vld.idx.msk [tilespmem:v61+s1+$0x0], $0xffff  }
0x29a: {  	v20 =	vor.u32 s29, v0;
	v30 =	vor.u32 $0x280, v15;
	v48 =	vshll.u32 v16, $0x3;
	v63 =	vld.idx.msk [tilespmem:v7+s1+$0x0], $0xffff  }
0x29b: {  	v24 =	vor.u32 $0x300, v18;
	v16 =	vor.u32 v25, v22;
	v22 =	vand.u32 $0x3C00, v48;
	v49 =	vld.idx.msk [tilespmem:v9+s1+$0x0], $0xffff  }
0x29c: {  	v55 =	vor.u32 $0x200, v3;
	[tilespmem:v10+s28+$0x0] =	vst.idx.msk $0xffff, v31;
	v31 =	vor.u32 $0x80, v7;
	v10 =	vor.u32 v23, v22;
	v54 =	vld.idx.msk [tilespmem:v19+s26+$0x0], $0xffff  }
0x29d: {  	v46 =	vor.u32 $0x280, v3;
	v52 =	vor.u32 $0x180, v28;
	v51 =	vor.u32 $0x80, v9;
	v50 =	vld.idx.msk [tilespmem:v12+s1+$0x0], $0xffff;
	[tilespmem:v62+s28+$0x0] =	vst.idx.msk $0xffff, v26  }
0x29e: {  	v56 =	vor.u32 $0x180, v5;
	v47 =	vor.u32 $0x200, v5;
	v13 =	vor.u32 v13, v25;
	v53 =	vld.idx.msk [tilespmem:v11+s1+$0x0], $0xffff  }
0x29f: {  	v14 =	vor.u32 $0x280, v28;
	v18 =	vor.u32 $0x380, v18;
	[tilespmem:v30+s28+$0x0] =	vst.idx.msk $0xffff, v29;
	v29 =	vld.idx.msk [tilespmem:v20+s26+$0x0], $0xffff;
	v30 =	vor.u32 $0x200, v4  }
0x2a0: {  	v59 =	vor.u32 $0x100, v7;
	v36 =	vor.u32 $0x180, v7;
	v25 =	vor.u32 $0x300, v17;
	[tilespmem:v16+s28+$0x0] =	vst.idx.msk $0xffff, v63;
	v24 =	vld.idx.msk [tilespmem:v24+s1+$0x0], $0xffff  }
0x2a1: {  	v21 =	vor.u32 $0x180, v9;
	v15 =	vor.u32 v23, v48;
	v58 =	vor.u32 $0x80, v16;
	v31 =	vld.idx.msk [tilespmem:v31+s1+$0x0], $0xffff;
	[tilespmem:v10+s28+$0x0] =	vst.idx.msk $0xffff, v49  }
0x2a2: {  	v61 =	vor.u32 $0x100, v9;
	v23 =	vor.u32 $0x380, v17;
	v60 =	vor.u32 $0x80, v10;
	v38 =	vld.idx.msk [tilespmem:v51+s1+$0x0], $0xffff;
	[tilespmem:v52+s28+$0x0] =	vst.idx.msk $0xffff, v50  }
0x2a3: {  	v12 =	vmov s29;
	v26 =	vor.u32 $0x300, v34;
	v62 =	vor.u32 $0x200, v28;
	v43 =	vld.idx.msk [tilespmem:v55+s1+$0x0], $0xffff;
	[tilespmem:v56+s28+$0x0] =	vst.idx.msk $0xffff, v53  }
0x2a4: {  	v28 =	vor.u32 $0x280, v4;
	v37 =	vor.u32 $0x100, v10;
	[tilespmem:v33+s28+$0x0] =	vst.idx.msk $0xffff, v27;
	v17 =	vshll.u32 v54, $0x3;
	v63 =	vld.idx.msk [tilespmem:v30+s1+$0x0], $0xffff  }
0x2a5: {  	v11 =	vshll.u32 v12, $0x3;
	v32 =	vld.idx.msk [tilespmem:v25+s1+$0x0], $0xffff;
	v30 =	vand.u32 $0xFFFFFC00, v17;
	v17 =	vshll.u32 v29, $0x3;
	[tilespmem:v57+s28+$0x0] =	vst.idx.msk $0xffff, v24  }
0x2a6: {  	v12 =	vor.u32 $0x280, v16;
	v24 =	vand.u32 $0x7F, v29;
	v17 =	vand.u32 $0xFFFFFC00, v17;
	[tilespmem:v58+s28+$0x0] =	vst.idx.msk $0xffff, v31;
	v27 =	vld.idx.msk [tilespmem:v18+s1+$0x0], $0xffff  }
0x2a7: {  	v29 =	vor.u32 $0x380, v35;
	v17 =	vor.u32 v24, v17;
	v18 =	vand.u32 $0x7F, v54;
	v33 =	vld.idx.msk [tilespmem:v59+s1+$0x0], $0xffff;
	[tilespmem:v60+s28+$0x0] =	vst.idx.msk $0xffff, v38  }
0x2a8: {  	v35 =	vor.u32 $0x100, v16;
	v24 =	vor.u32 $0x380, v34;
	v18 =	vor.u32 v18, v30;
	v34 =	vld.idx.msk [tilespmem:v61+s1+$0x0], $0xffff;
	[tilespmem:v62+s28+$0x0] =	vst.idx.msk $0xffff, v43  }
0x2a9: {  	s2 =	simm.s32 $0x90;
	s6 =	simm.s32 $0x6;
	v22 =	vand.u32 $0x3C00, v11;
	v25 =	vor.u32 $0x300, v4;
	v30 =	vor.u32 $0x180, v18;
	v31 =	vld.idx.msk [tilespmem:v46+s1+$0x0], $0xffff;
	[tilespmem:v47+s28+$0x0] =	vst.idx.msk $0xffff, v63  }
.LBB2_7:
0x2aa: {  	s29 =	sadd.s32 $0xFFFFFFF0, s2;
	s6 =	sadd.s32 $0x2, s6;
	v38 =	vand.u32 $0x7F, v19;
	v19 =	vor.u32 s2, v0;
	v28 =	vld.idx.msk [tilespmem:v28+s1+$0x0], $0xffff;
	v39 =	vor.u32 $0x280, v5;
	[tilespmem:v26+s28+$0x0] =	vst.idx.msk $0xffff, v32;
	v40 =	vmovc v13  }
0x2ab: {  	v32 =	vmov s25;
	v41 =	vmovc v15;
	s25 =	smov.u32 s2;
	v13 =	vmov s29;
	v26 =	vor.u32 s29, v0;
	p0 =	slt.u32 s6, $0x60;
	v23 =	vld.idx.msk [tilespmem:v23+s1+$0x0], $0xffff  }
0x2ac: {  	v15 =	vshll.u32 v32, $0x3;
	v42 =	vshll.u32 v13, $0x3;
	v13 =	vand.u32 $0x6F, v20;
	v43 =	vld.idx.msk [tilespmem:v17+s1+$0x0], $0xffff;
	[tilespmem:v29+s28+$0x0] =	vst.idx.msk $0xffff, v27;
	v20 =	vmovc v26  }
0x2ad: {  	v29 =	vand.u32 $0x3C00, v15;
	v27 =	vor.u32 v13, v22;
	v22 =	vand.u32 $0x3C00, v42;
	v26 =	vld.idx.msk [tilespmem:v18+s1+$0x0], $0xffff;
	[tilespmem:v35+s28+$0x0] =	vst.idx.msk $0xffff, v33  }
0x2ae: {  	v32 =	vor.u32 $0x80, v17;
	v29 =	vor.u32 v38, v29;
	v33 =	vor.u32 $0x280, v27;
	v35 =	vld.idx.msk [tilespmem:v36+s1+$0x0], $0xffff;
	[tilespmem:v37+s28+$0x0] =	vst.idx.msk $0xffff, v34  }
0x2af: {  	v13 =	vor.u32 v11, v13;
	v34 =	vor.u32 $0x80, v18;
	v36 =	vor.u32 $0x180, v16;
	v37 =	vld.idx.msk [tilespmem:v21+s1+$0x0], $0xffff;
	[tilespmem:v14+s28+$0x0] =	vst.idx.msk $0xffff, v31  }
0x2b0: {  	v44 =	vor.u32 $0x180, v10;
	v15 =	vor.u32 v38, v15;
	v38 =	vor.u32 $0x200, v7;
	v31 =	vld.idx.msk [tilespmem:v19+s26+$0x0], $0xffff;
	[tilespmem:v39+s28+$0x0] =	vst.idx.msk $0xffff, v28  }
0x2b1: {  	v45 =	vor.u32 $0x300, v3;
	v11 =	vmovc v42;
	v14 =	vmov v12;
	v28 =	vor.u32 $0x200, v9;
	v39 =	vld.idx.msk [tilespmem:v20+s26+$0x0], $0xffff;
	[tilespmem:v24+s28+$0x0] =	vst.idx.msk $0xffff, v23  }
0x2b2: {  	v12 =	vmov v33;
	v21 =	vmov v30;
	[tilespmem:v27+s28+$0x0] =	vst.idx.msk $0xffff, v43;
	v24 =	vld.idx.msk [tilespmem:v25+s1+$0x0], $0xffff  }
0x2b3: {  	v30 =	vor.u32 $0x300, v5;
	v5 =	vmovc v10;
	v10 =	vmov v29;
	v25 =	vld.idx.msk [tilespmem:v32+s1+$0x0], $0xffff;
	[tilespmem:v29+s28+$0x0] =	vst.idx.msk $0xffff, v26;
	v26 =	vor.u32 $0x300, v8  }
0x2b4: {  	v33 =	vor.u32 $0x380, v4;
	v23 =	vor.u32 $0x380, v3;
	v3 =	vmovc v7;
	v29 =	vor.u32 $0x80, v27;
	v34 =	vld.idx.msk [tilespmem:v34+s1+$0x0], $0xffff;
	[tilespmem:v36+s28+$0x0] =	vst.idx.msk $0xffff, v35  }
0x2b5: {  	v4 =	vmovc v9;
	v7 =	vmov v17;
	v35 =	vor.u32 $0x100, v17;
	v36 =	vor.u32 $0x80, v10;
	v38 =	vld.idx.msk [tilespmem:v38+s1+$0x0], $0xffff;
	[tilespmem:v44+s28+$0x0] =	vst.idx.msk $0xffff, v37  }
0x2b6: {  	v42 =	vor.u32 $0x200, v16;
	v16 =	vmovc v27;
	v9 =	vmovc v18;
	v17 =	vshll.u32 v31, $0x3;
	v37 =	vor.u32 $0x100, v18;
	v43 =	vld.idx.msk [tilespmem:v28+s1+$0x0], $0xffff  }
0x2b7: {  	v46 =	vor.u32 $0x200, v5;
	v44 =	vor.u32 $0x280, v3;
	v18 =	vand.u32 $0xFFFFFC00, v17;
	v32 =	vld.idx.msk [tilespmem:v45+s1+$0x0], $0xffff  }
.Ltmp3:
0x2b8: {  	v17 =	vshll.u32 v39, $0x3;
	v28 =	vor.u32 $0x280, v4;
	[tilespmem:v30+s28+$0x0] =	vst.idx.msk $0xffff, v24;
	(pc) =	sbr.rel @p0 .LBB2_7-.Ltmp3, $4  }
0x2b9: {  	v17 =	vand.u32 $0xFFFFFC00, v17;
	v24 =	vand.u32 $0x7F, v39;
	[tilespmem:v29+s28+$0x0] =	vst.idx.msk $0xffff, v25;
	v27 =	vld.idx.msk [tilespmem:v33+s1+$0x0], $0xffff;
	v29 =	vor.u32 $0x380, v6;
	v6 =	vmovc v41  }
0x2ba: {  	v17 =	vor.u32 v24, v17;
	v25 =	vand.u32 $0x7F, v31;
	v24 =	vor.u32 $0x380, v8;
	v33 =	vld.idx.msk [tilespmem:v35+s1+$0x0], $0xffff;
	[tilespmem:v36+s28+$0x0] =	vst.idx.msk $0xffff, v34  }
0x2bb: {  	v18 =	vor.u32 v25, v18;
	v35 =	vor.u32 $0x100, v16;
	v25 =	vor.u32 $0x300, v4;
	v34 =	vld.idx.msk [tilespmem:v37+s1+$0x0], $0xffff;
	[tilespmem:v42+s28+$0x0] =	vst.idx.msk $0xffff, v38  }
0x2bc: {  	s2 =	sadd.s32 $0x20, s2;
	v8 =	vmovc v40;
	v36 =	vor.u32 $0x180, v7;
	v30 =	vor.u32 $0x180, v18;
	v37 =	vor.u32 $0x100, v10;
	v31 =	vld.idx.msk [tilespmem:v44+s1+$0x0], $0xffff;
	[tilespmem:v46+s28+$0x0] =	vst.idx.msk $0xffff, v43  }
0x2bd: {  	_ =	sdelay $0x1  }
0x2be: {  	v38 =	vmov s25  }
0x2bf: {  	v20 =	vand.u32 $0x6F, v20;
	v38 =	vshll.u32 v38, $0x3  }
0x2c0: {  	v19 =	vand.u32 $0x7F, v19;
	v41 =	vld.idx.msk [tilespmem:v17+s1+$0x0], $0xffff;
	v22 =	vor.u32 v20, v22;
	v39 =	vand.u32 $0x3C00, v38  }
0x2c1: {  	v40 =	vld.idx.msk [tilespmem:v18+s1+$0x0], $0xffff;
	v43 =	vor.u32 $0x80, v17;
	v39 =	vor.u32 v19, v39  }
0x2c2: {  	v42 =	vor.u32 $0x80, v18;
	_ =	sdelay $0x2  }
0x2c3: {  	[tilespmem:v22+s28+$0x0] =	vst.idx.msk $0xffff, v41  }
0x2c4: {  	v57 =	vor.u32 $0x80, v22;
	v56 =	vld.idx.msk [tilespmem:v43+s1+$0x0], $0xffff;
	[tilespmem:v39+s28+$0x0] =	vst.idx.msk $0xffff, v40  }
0x2c5: {  	v45 =	vor.u32 $0x100, v17;
	v55 =	vor.u32 $0x80, v39;
	v40 =	vld.idx.msk [tilespmem:v42+s1+$0x0], $0xffff  }
0x2c6: {  	v44 =	vor.u32 $0x100, v18;
	_ =	sdelay $0x2  }
0x2c7: {  	[tilespmem:v57+s28+$0x0] =	vst.idx.msk $0xffff, v56  }
0x2c8: {  	v59 =	vor.u32 $0x100, v22;
	v42 =	vld.idx.msk [tilespmem:v45+s1+$0x0], $0xffff;
	[tilespmem:v55+s28+$0x0] =	vst.idx.msk $0xffff, v40  }
0x2c9: {  	v60 =	vor.u32 $0x180, v17;
	v58 =	vor.u32 $0x100, v39;
	v40 =	vld.idx.msk [tilespmem:v44+s1+$0x0], $0xffff  }
0x2ca: {  	[tilespmem:v26+s28+$0x0] =	vst.idx.msk $0xffff, v32  }
0x2cb: {  	[tilespmem:v37+s28+$0x0] =	vst.idx.msk $0xffff, v34  }
0x2cc: {  	v61 =	vor.u32 $0x180, v10;
	[tilespmem:v35+s28+$0x0] =	vst.idx.msk $0xffff, v33;
	v21 =	vld.idx.msk [tilespmem:v21+s1+$0x0], $0xffff  }
0x2cd: {  	v63 =	vor.u32 $0x180, v16;
	v62 =	vld.idx.msk [tilespmem:v36+s1+$0x0], $0xffff;
	v45 =	vor.u32 $0x200, v9;
	[tilespmem:v59+s28+$0x0] =	vst.idx.msk $0xffff, v42  }
0x2ce: {  	v46 =	vor.u32 $0x200, v7;
	v49 =	vor.u32 $0x180, v22;
	v48 =	vld.idx.msk [tilespmem:v60+s1+$0x0], $0xffff;
	[tilespmem:v58+s28+$0x0] =	vst.idx.msk $0xffff, v40  }
0x2cf: {  	v26 =	vor.u32 $0x200, v17;
	[tilespmem:v29+s28+$0x0] =	vst.idx.msk $0xffff, v27;
	v47 =	vor.u32 $0x180, v39;
	v30 =	vld.idx.msk [tilespmem:v30+s1+$0x0], $0xffff  }
0x2d0: {  	v50 =	vor.u32 $0x200, v18;
	v28 =	vld.idx.msk [tilespmem:v28+s1+$0x0], $0xffff;
	[tilespmem:v14+s28+$0x0] =	vst.idx.msk $0xffff, v31;
	v56 =	vor.u32 $0x280, v5  }
0x2d1: {  	v23 =	vld.idx.msk [tilespmem:v23+s1+$0x0], $0xffff;
	[tilespmem:v61+s28+$0x0] =	vst.idx.msk $0xffff, v21  }
0x2d2: {  	v51 =	vor.u32 $0x200, v10;
	[tilespmem:v63+s28+$0x0] =	vst.idx.msk $0xffff, v62;
	v21 =	vld.idx.msk [tilespmem:v45+s1+$0x0], $0xffff  }
0x2d3: {  	v16 =	vor.u32 $0x200, v16;
	v53 =	vor.u32 $0x280, v9;
	v52 =	vld.idx.msk [tilespmem:v46+s1+$0x0], $0xffff;
	[tilespmem:v49+s28+$0x0] =	vst.idx.msk $0xffff, v48  }
0x2d4: {  	v27 =	vor.u32 $0x200, v22;
	v26 =	vld.idx.msk [tilespmem:v26+s1+$0x0], $0xffff;
	[tilespmem:v47+s28+$0x0] =	vst.idx.msk $0xffff, v30;
	v30 =	vor.u32 $0x280, v7  }
0x2d5: {  	v14 =	vor.u32 $0x280, v17;
	v55 =	vor.u32 $0x200, v39;
	[tilespmem:v56+s28+$0x0] =	vst.idx.msk $0xffff, v28;
	v54 =	vld.idx.msk [tilespmem:v50+s1+$0x0], $0xffff  }
0x2d6: {  	v29 =	vor.u32 $0x280, v18;
	[tilespmem:v24+s28+$0x0] =	vst.idx.msk $0xffff, v23;
	v5 =	vor.u32 $0x300, v5;
	v23 =	vld.idx.msk [tilespmem:v25+s1+$0x0], $0xffff  }
0x2d7: {  	v4 =	vor.u32 $0x380, v4;
	[tilespmem:v51+s28+$0x0] =	vst.idx.msk $0xffff, v21  }
0x2d8: {  	v31 =	vor.u32 $0x280, v10;
	[tilespmem:v16+s28+$0x0] =	vst.idx.msk $0xffff, v52;
	v21 =	vor.u32 $0x300, v3;
	v16 =	vld.idx.msk [tilespmem:v53+s1+$0x0], $0xffff  }
0x2d9: {  	v57 =	vor.u32 $0x300, v9;
	[tilespmem:v27+s28+$0x0] =	vst.idx.msk $0xffff, v26;
	v30 =	vld.idx.msk [tilespmem:v30+s1+$0x0], $0xffff  }
0x2da: {  	v22 =	vor.u32 $0x280, v22;
	v58 =	vor.u32 $0x300, v7;
	v14 =	vld.idx.msk [tilespmem:v14+s1+$0x0], $0xffff;
	[tilespmem:v55+s28+$0x0] =	vst.idx.msk $0xffff, v54  }
0x2db: {  	v24 =	vor.u32 $0x300, v17;
	[tilespmem:v5+s28+$0x0] =	vst.idx.msk $0xffff, v23;
	v27 =	vor.u32 $0x280, v39;
	v26 =	vld.idx.msk [tilespmem:v29+s1+$0x0], $0xffff  }
0x2dc: {  	v6 =	vor.u32 $0x380, v6;
	v28 =	vor.u32 $0x300, v18;
	v4 =	vld.idx.msk [tilespmem:v4+s1+$0x0], $0xffff  }
0x2dd: {  	v25 =	vor.u32 $0x300, v8;
	v21 =	vld.idx.msk [tilespmem:v21+s1+$0x0], $0xffff;
	[tilespmem:v31+s28+$0x0] =	vst.idx.msk $0xffff, v16  }
0x2de: {  	v10 =	vor.u32 $0x300, v10;
	v3 =	vor.u32 $0x380, v3;
	[tilespmem:v12+s28+$0x0] =	vst.idx.msk $0xffff, v30;
	v12 =	vld.idx.msk [tilespmem:v57+s1+$0x0], $0xffff  }
0x2df: {  	v11 =	vor.u32 v11, v20;
	v9 =	vor.u32 $0x380, v9;
	v16 =	vor.u32 $0x300, v13;
	[tilespmem:v22+s28+$0x0] =	vst.idx.msk $0xffff, v14;
	v29 =	vld.idx.msk [tilespmem:v58+s1+$0x0], $0xffff  }
0x2e0: {  	v5 =	vor.u32 $0x300, v11;
	v7 =	vor.u32 $0x380, v7;
	v22 =	vld.idx.msk [tilespmem:v24+s1+$0x0], $0xffff;
	[tilespmem:v27+s28+$0x0] =	vst.idx.msk $0xffff, v26  }
0x2e1: {  	v20 =	vor.u32 $0x300, v39;
	v17 =	vor.u32 $0x380, v17;
	[tilespmem:v6+s28+$0x0] =	vst.idx.msk $0xffff, v4;
	v14 =	vld.idx.msk [tilespmem:v28+s1+$0x0], $0xffff  }
0x2e2: {  	v18 =	vor.u32 $0x380, v18;
	[tilespmem:v25+s28+$0x0] =	vst.idx.msk $0xffff, v21  }
0x2e3: {  	v8 =	vor.u32 $0x380, v8;
	v3 =	vld.idx.msk [tilespmem:v3+s1+$0x0], $0xffff;
	[tilespmem:v10+s28+$0x0] =	vst.idx.msk $0xffff, v12  }
0x2e4: {  	v10 =	vor.u32 $0x380, v15;
	v9 =	vld.idx.msk [tilespmem:v9+s1+$0x0], $0xffff;
	[tilespmem:v16+s28+$0x0] =	vst.idx.msk $0xffff, v29  }
0x2e5: {  	v13 =	vor.u32 $0x380, v13;
	[tilespmem:v5+s28+$0x0] =	vst.idx.msk $0xffff, v22;
	v7 =	vld.idx.msk [tilespmem:v7+s1+$0x0], $0xffff  }
0x2e6: {  	v4 =	vor.u32 $0x380, v11;
	v12 =	vor.u32 v19, v38;
	v5 =	vld.idx.msk [tilespmem:v17+s1+$0x0], $0xffff;
	[tilespmem:v20+s28+$0x0] =	vst.idx.msk $0xffff, v14  }
0x2e7: {  	v12 =	vor.u32 $0x380, v12;
	v14 =	vld.idx.msk [tilespmem:v18+s1+$0x0], $0xffff  }
0x2e8: {  	[tilespmem:v8+s28+$0x0] =	vst.idx.msk $0xffff, v3  }
0x2e9: {  	[tilespmem:v10+s28+$0x0] =	vst.idx.msk $0xffff, v9  }
0x2ea: {  	[tilespmem:v13+s28+$0x0] =	vst.idx.msk $0xffff, v7  }
0x2eb: {  	[tilespmem:v4+s28+$0x0] =	vst.idx.msk $0xffff, v5  }
0x2ec: {  	[tilespmem:v12+s28+$0x0] =	vst.idx.msk $0xffff, v14  }
0x2ed: {  	s9 =	simm.s32 $0x0;
	s6 =	simm.s32 $0x3;
	s2 =	rddreg [dreg:$0x11]  }
0x2ee: {  	[hbm4b:s2+s9] =	stream.linear.scatter [tilespmem:s28], [sflag:$0xB], $0x3400, $0x38;
	[tilespmem:$0x1EF00] =	vst v63  }
0x2ef: {  	_ =	swait.ge [sflag:s6], $0x4000  }
0x2f0: {  	[sflag:s6] =	ssyncset.done $0x0  }
0x2f1: {  	s25 =	simm.s32 $0x7;
	[sflag:s6] =	ssyncadd.s32 $0xFFFFC000  }
0x2f2: {  	_ =	swait.ge [sflag:s25], $0x4000  }
0x2f3: {  	[sflag:s25] =	ssyncset.done $0x0  }
0x2f4: {  	[sflag:s25] =	ssyncadd.s32 $0xFFFFC000  }
0x2f5: {  	v3 =	vld.msk [tilespmem:$0x20], $0xff;
	_ =	sdelay $0x4  }
0x2f6: {  	v4 =	vshll.u32 v3, $0x4  }
0x2f7: {  	v3 =	vand.u32 $0x7, v3;
	v4 =	vand.u32 $0xFFFFFF80, v4  }
0x2f8: {  	v3 =	vor.u32 v3, v4  }
0x2f9: {  	v3 =	vperm.xlane v3, v1;
	_ =	sdelay $0x1  }
0x2fa: {  	v3 =	vadd.s32 v2, v3;
	_ =	sdelay $0x3  }
0x2fb: {  	s6 =	simm.s32 $0x700;
	s2 =	rddreg [dreg:$0x0]  }
0x2fc: {  	[tilespmem:s6], [sflag:$0x1] =	stream.indirect_vreg.gather [hbm4b:s2+s9], $0x80, v3, vm0, $0xb8;
	[tilespmem:$0x1EF00] =	vst v63  }
0x2fd: {  	s3 =	simm.s32 $0xF00;
	s29 =	rddreg [dreg:$0x1e]  }
0x2fe: {  	[tilespmem:s3], [sflag:$0x1] =	stream.indirect_vreg.gather [hbm4b:s29+s9], $0x80, v3, vm0, $0xb8;
	[tilespmem:$0x1EF00] =	vst v63  }
0x2ff: {  	s25 =	simm.s32 $0x1700;
	s3 =	sld [smem:$0x7F7]  }
0x300: {  	[tilespmem:s25], [sflag:$0x1] =	stream.indirect_vreg.gather [hbm4b:s7+s9], $0x80, v3, vm0, $0xb8;
	[tilespmem:$0x1EF00] =	vst v63  }
0x301: {  	s29 =	simm.s32 $0x1F00;
	s25 =	sld [smem:$0x7F8]  }
0x302: {  	[tilespmem:s29], [sflag:$0x1] =	stream.indirect_vreg.gather [hbm4b:s3+s9], $0x80, v3, vm0, $0xb8;
	[tilespmem:$0x1EF00] =	vst v63  }
0x303: {  	s6 =	simm.s32 $0x2700  }
0x304: {  	[tilespmem:s6], [sflag:$0x1] =	stream.indirect_vreg.gather [hbm4b:s25+s9], $0x80, v3, vm0, $0xb8;
	[tilespmem:$0x1EF00] =	vst v63  }
0x305: {  	s29 =	simm.s32 $0x2F00;
	s6 =	sld [smem:$0x7F9]  }
0x306: {  	[tilespmem:s29], [sflag:$0x1] =	stream.indirect_vreg.gather [hbm4b:s8+s9], $0x80, v3, vm0, $0xb8;
	[tilespmem:$0x1EF00] =	vst v63  }
0x307: {  	s3 =	simm.s32 $0x3700;
	s29 =	sld [smem:$0x7FA]  }
0x308: {  	[tilespmem:s3], [sflag:$0x1] =	stream.indirect_vreg.gather [hbm4b:s6+s9], $0x80, v3, vm0, $0xb8;
	[tilespmem:$0x1EF00] =	vst v63  }
0x309: {  	s25 =	simm.s32 $0x3F00  }
0x30a: {  	[tilespmem:s25], [sflag:$0x1] =	stream.indirect_vreg.gather [hbm4b:s29+s9], $0x80, v3, vm0, $0xb8;
	[tilespmem:$0x1EF00] =	vst v63  }
0x30b: {  	v3 =	vld.msk [tilespmem:$0x20], $0xff;
	_ =	sdelay $0x4  }
0x30c: {  	v4 =	vshll.u32 v3, $0x4  }
0x30d: {  	v3 =	vand.u32 $0x7, v3;
	v4 =	vand.u32 $0xFFFFFF80, v4  }
0x30e: {  	v3 =	vor.u32 v3, v4  }
0x30f: {  	v3 =	vperm.xlane v3, v1;
	_ =	sdelay $0x1  }
0x310: {  	v3 =	vadd.s32 v2, v3;
	_ =	sdelay $0x3  }
0x311: {  	s6 =	rddreg [dreg:$0x1]  }
0x312: {  	[tilespmem:s24], [sflag:$0x5] =	stream.indirect_vreg.gather [hbm4b:s6+s9], $0x80, v3, vm0, $0xb8;
	[tilespmem:$0x1EF00] =	vst v63  }
0x313: {  	s25 =	simm.s32 $0x8F00  }
0x314: {  	[tilespmem:s25], [sflag:$0x5] =	stream.indirect_vreg.gather [hbm4b:s11+s9], $0x80, v3, vm0, $0xb8;
	[tilespmem:$0x1EF00] =	vst v63  }
0x315: {  	s29 =	simm.s32 $0x9700;
	s6 =	sld [smem:$0x7FB]  }
0x316: {  	[tilespmem:s29], [sflag:$0x5] =	stream.indirect_vreg.gather [hbm4b:s12+s9], $0x80, v3, vm0, $0xb8;
	[tilespmem:$0x1EF00] =	vst v63  }
0x317: {  	s3 =	simm.s32 $0x9F00  }
0x318: {  	[tilespmem:s3], [sflag:$0x5] =	stream.indirect_vreg.gather [hbm4b:s6+s9], $0x80, v3, vm0, $0xb8;
	[tilespmem:$0x1EF00] =	vst v63  }
0x319: {  	s25 =	simm.s32 $0xA700  }
0x31a: {  	[tilespmem:s25], [sflag:$0x5] =	stream.indirect_vreg.gather [hbm4b:s14+s9], $0x80, v3, vm0, $0xb8;
	[tilespmem:$0x1EF00] =	vst v63  }
0x31b: {  	s29 =	simm.s32 $0xAF00  }
0x31c: {  	[tilespmem:s29], [sflag:$0x5] =	stream.indirect_vreg.gather [hbm4b:s15+s9], $0x80, v3, vm0, $0xb8;
	[tilespmem:$0x1EF00] =	vst v63  }
0x31d: {  	s3 =	simm.s32 $0xB700  }
0x31e: {  	[tilespmem:s3], [sflag:$0x5] =	stream.indirect_vreg.gather [hbm4b:s19+s9], $0x80, v3, vm0, $0xb8;
	[tilespmem:$0x1EF00] =	vst v63  }
0x31f: {  	s6 =	simm.s32 $0xBF00  }
0x320: {  	[tilespmem:s6], [sflag:$0x5] =	stream.indirect_vreg.gather [hbm4b:s17+s9], $0x80, v3, vm0, $0xb8;
	[tilespmem:$0x1EF00] =	vst v63  }
0x321: {  	v3 =	vld.msk [tilespmem:$0x20], $0xff;
	_ =	sdelay $0x4  }
0x322: {  	v4 =	vshll.u32 v3, $0x4  }
0x323: {  	v3 =	vand.u32 $0x7, v3;
	v4 =	vand.u32 $0xFFFFFF80, v4  }
0x324: {  	v3 =	vor.u32 v3, v4  }
0x325: {  	v3 =	vperm.xlane v3, v1;
	_ =	sdelay $0x1  }
0x326: {  	v3 =	vadd.s32 v2, v3;
	_ =	sdelay $0x3  }
0x327: {  	s25 =	rddreg [dreg:$0x2]  }
0x328: {  	[tilespmem:s1], [sflag:$0x9] =	stream.indirect_vreg.gather [hbm4b:s25+s9], $0x80, v3, vm0, $0xb8;
	[tilespmem:$0x1EF00] =	vst v63  }
0x329: {  	s29 =	simm.s32 $0x10F00  }
0x32a: {  	[tilespmem:s29], [sflag:$0x9] =	stream.indirect_vreg.gather [hbm4b:s18+s9], $0x80, v3, vm0, $0xb8;
	[tilespmem:$0x1EF00] =	vst v63  }
0x32b: {  	_ = 	snop  }
0x32c: {  	[tilespmem:s13], [sflag:$0x9] =	stream.indirect_vreg.gather [hbm4b:s5+s9], $0x80, v3, vm0, $0xb8;
	[tilespmem:$0x1EF00] =	vst v63  }
0x32d: {  	_ = 	snop  }
0x32e: {  	[tilespmem:s30], [sflag:$0x9] =	stream.indirect_vreg.gather [hbm4b:s20+s9], $0x80, v3, vm0, $0xb8;
	[tilespmem:$0x1EF00] =	vst v63  }
0x32f: {  	s3 =	simm.s32 $0x12700  }
0x330: {  	[tilespmem:s3], [sflag:$0x9] =	stream.indirect_vreg.gather [hbm4b:s21+s9], $0x80, v3, vm0, $0xb8;
	[tilespmem:$0x1EF00] =	vst v63  }
0x331: {  	_ = 	snop  }
0x332: {  	[tilespmem:s16], [sflag:$0x9] =	stream.indirect_vreg.gather [hbm4b:s10+s9], $0x80, v3, vm0, $0xb8;
	[tilespmem:$0x1EF00] =	vst v63  }
0x333: {  	s6 =	sld [smem:$0x7FC]  }
0x334: {  	[tilespmem:s4], [sflag:$0x9] =	stream.indirect_vreg.gather [hbm4b:s23+s9], $0x80, v3, vm0, $0xb8;
	[tilespmem:$0x1EF00] =	vst v63  }
0x335: {  	s25 =	simm.s32 $0x13F00;
	s29 =	simm.s32 $0x2  }
0x336: {  	[tilespmem:s25], [sflag:$0x9] =	stream.indirect_vreg.gather [hbm4b:s6+s9], $0x80, v3, vm0, $0xb8;
	[tilespmem:$0x1EF00] =	vst v63  }
0x337: {  	_ =	swait.ge [sflag:s29], $0x4000  }
0x338: {  	[sflag:s29] =	ssyncset.done $0x0  }
0x339: {  	s6 =	simm.s32 $0x6;
	s3 =	rddreg [dreg:$0x12];
	[sflag:s29] =	ssyncadd.s32 $0xFFFFC000  }
0x33a: {  	[hbm4b:s3+s9] =	stream.linear.scatter [tilespmem:s22], [sflag:$0x4], $0x4000, $0x38;
	[tilespmem:$0x1EF00] =	vst v63  }
0x33b: {  	_ =	swait.ge [sflag:s6], $0x4000  }
0x33c: {  	s2 =	simm.s32 $0xA;
	[sflag:s6] =	ssyncset.done $0x0  }
0x33d: {  	s29 =	simm.s32 $0xC700;
	s25 =	rddreg [dreg:$0x13];
	[sflag:s6] =	ssyncadd.s32 $0xFFFFC000  }
0x33e: {  	[hbm4b:s25+s9] =	stream.linear.scatter [tilespmem:s29], [sflag:$0x8], $0x4000, $0x38;
	[tilespmem:$0x1EF00] =	vst v63  }
0x33f: {  	s6 =	simm.s32 $0x0;
	_ =	swait.ge [sflag:s2], $0x4000  }
0x340: {  	s9 =	simm.s32 $0x10;
	v3 =	vor.u32 s6, v0;
	[sflag:s2] =	ssyncset.done $0x0  }
0x341: {  	s25 =	simm.s32 $0xC;
	v4 =	vor.u32 s9, v0;
	[sflag:s2] =	ssyncadd.s32 $0xFFFFC000  }
0x342: {  	_ =	swait.ge [sflag:s25], $0x3400  }
0x343: {  	[sflag:s25] =	ssyncset.done $0x0  }
0x344: {  	[sflag:s25] =	ssyncadd.s32 $0xFFFFCC00  }
0x345: {  	v5 =	vld.idx.msk [tilespmem:v3+s26+$0x0], $0xffff  }
0x346: {  	v6 =	vld.idx.msk [tilespmem:v4+s26+$0x0], $0xffff;
	_ =	sdelay $0x3  }
0x347: {  	v7 =	vshll.u32 v5, $0x3  }
0x348: {  	v8 =	vshll.u32 v6, $0x3;
	v5 =	vand.u32 $0x7F, v5;
	v7 =	vand.u32 $0xFFFFFC00, v7  }
0x349: {  	v8 =	vand.u32 $0xFFFFFC00, v8;
	v17 =	vor.u32 v5, v7;
	v5 =	vand.u32 $0x7F, v6  }
0x34a: {  	s29 =	simm.s32 $0x20;
	v18 =	vor.u32 v5, v8  }
0x34b: {  	v9 =	vor.u32 s29, v0;
	v6 =	vmov s6  }
0x34c: {  	v10 =	vand.u32 $0x6F, v3;
	v6 =	vshll.u32 v6, $0x3;
	v8 =	vmov s9  }
0x34d: {  	v11 =	vand.u32 $0x7F, v4;
	s25 =	simm.s32 $0x30;
	v5 =	vand.u32 $0x3C00, v6;
	v8 =	vshll.u32 v8, $0x3  }
0x34e: {  	v7 =	vor.u32 s25, v0;
	v12 =	vor.u32 v10, v5;
	v4 =	vand.u32 $0x3C00, v8;
	v3 =	vld.idx.msk [tilespmem:v17+s31+$0x0], $0xffff  }
0x34f: {  	v13 =	vor.u32 $0x80, v17;
	v15 =	vor.u32 v11, v4;
	v5 =	vld.idx.msk [tilespmem:v18+s31+$0x0], $0xffff  }
0x350: {  	v4 =	vor.u32 $0x80, v18;
	_ =	sdelay $0x1  }
0x351: {  	v14 =	vld.idx.msk [tilespmem:v9+s26+$0x0], $0xffff  }
0x352: {  	v16 =	vld.idx.msk [tilespmem:v7+s26+$0x0], $0xffff;
	[tilespmem:v12+s0+$0x0] =	vst.idx.msk $0xffff, v3  }
0x353: {  	v3 =	vld.idx.msk [tilespmem:v13+s31+$0x0], $0xffff;
	[tilespmem:v15+s0+$0x0] =	vst.idx.msk $0xffff, v5;
	v5 =	vor.u32 $0x80, v12  }
0x354: {  	v19 =	vor.u32 $0x80, v15;
	v13 =	vor.u32 $0x100, v17;
	v4 =	vld.idx.msk [tilespmem:v4+s31+$0x0], $0xffff  }
0x355: {  	s3 =	simm.s32 $0x50;
	v20 =	vor.u32 $0x100, v18  }
0x356: {  	v23 =	vor.u32 s3, v0;
	v21 =	vshll.u32 v14, $0x3  }
0x357: {  	v14 =	vand.u32 $0x7F, v14;
	v21 =	vand.u32 $0xFFFFFC00, v21;
	v22 =	vshll.u32 v16, $0x3  }
0x358: {  	v22 =	vand.u32 $0xFFFFFC00, v22;
	[tilespmem:v5+s0+$0x0] =	vst.idx.msk $0xffff, v3;
	v3 =	vor.u32 v14, v21;
	v5 =	vand.u32 $0x7F, v16  }
0x359: {  	v26 =	vand.u32 $0x6F, v9;
	v13 =	vld.idx.msk [tilespmem:v13+s31+$0x0], $0xffff;
	[tilespmem:v19+s0+$0x0] =	vst.idx.msk $0xffff, v4;
	v4 =	vor.u32 v5, v22;
	v5 =	vor.u32 $0x100, v12  }
0x35a: {  	v14 =	vmov s29;
	v19 =	vor.u32 $0x180, v17;
	v16 =	vld.idx.msk [tilespmem:v20+s31+$0x0], $0xffff;
	v20 =	vor.u32 $0x100, v15  }
0x35b: {  	v24 =	vmov s25;
	s9 =	simm.s32 $0x40;
	v21 =	vor.u32 $0x180, v18;
	v14 =	vshll.u32 v14, $0x3  }
0x35c: {  	v24 =	vshll.u32 v24, $0x3;
	v25 =	vor.u32 s9, v0;
	v22 =	vand.u32 $0x3C00, v14  }
0x35d: {  	v27 =	vand.u32 $0x7F, v7;
	v28 =	vor.u32 v26, v22;
	v22 =	vand.u32 $0x3C00, v24;
	v9 =	vld.idx.msk [tilespmem:v3+s31+$0x0], $0xffff  }
0x35e: {  	v7 =	vld.idx.msk [tilespmem:v4+s31+$0x0], $0xffff;
	[tilespmem:v5+s0+$0x0] =	vst.idx.msk $0xffff, v13;
	v13 =	vor.u32 $0x80, v3;
	v5 =	vor.u32 v27, v22  }
0x35f: {  	v19 =	vld.idx.msk [tilespmem:v19+s31+$0x0], $0xffff;
	[tilespmem:v20+s0+$0x0] =	vst.idx.msk $0xffff, v16;
	v16 =	vor.u32 $0x80, v4;
	v20 =	vor.u32 $0x180, v12  }
0x360: {  	v29 =	vor.u32 $0x200, v17;
	v30 =	vor.u32 $0x180, v15;
	v21 =	vld.idx.msk [tilespmem:v21+s31+$0x0], $0xffff  }
0x361: {  	v59 =	vor.u32 $0x200, v18;
	v31 =	vld.idx.msk [tilespmem:v25+s26+$0x0], $0xffff  }
0x362: {  	v34 =	vor.u32 v6, v10;
	v6 =	vmov s9;
	v61 =	vor.u32 $0x280, v18;
	v22 =	vld.idx.msk [tilespmem:v23+s26+$0x0], $0xffff;
	[tilespmem:v28+s0+$0x0] =	vst.idx.msk $0xffff, v9  }
0x363: {  	v35 =	vor.u32 v11, v8;
	v33 =	vor.u32 $0x280, v12;
	v8 =	vld.idx.msk [tilespmem:v13+s31+$0x0], $0xffff;
	[tilespmem:v5+s0+$0x0] =	vst.idx.msk $0xffff, v7;
	v7 =	vor.u32 $0x80, v28  }
0x364: {  	v10 =	vor.u32 $0x80, v5;
	v9 =	vor.u32 $0x100, v3;
	v13 =	vshll.u32 v6, $0x3;
	v6 =	vld.idx.msk [tilespmem:v16+s31+$0x0], $0xffff;
	[tilespmem:v20+s0+$0x0] =	vst.idx.msk $0xffff, v19  }
0x365: {  	v57 =	vor.u32 $0x300, v15;
	v12 =	vor.u32 $0x200, v12;
	v20 =	vor.u32 $0x100, v4;
	v16 =	vld.idx.msk [tilespmem:v29+s31+$0x0], $0xffff;
	[tilespmem:v30+s0+$0x0] =	vst.idx.msk $0xffff, v21  }
0x366: {  	v60 =	vshll.u32 v31, $0x3;
	v29 =	vor.u32 $0x280, v17;
	v30 =	vor.u32 $0x200, v15;
	v21 =	vld.idx.msk [tilespmem:v59+s31+$0x0], $0xffff  }
0x367: {  	v31 =	vand.u32 $0x7F, v31;
	v32 =	vand.u32 $0xFFFFFC00, v60;
	v19 =	vshll.u32 v22, $0x3  }
0x368: {  	v19 =	vand.u32 $0xFFFFFC00, v19;
	[tilespmem:v7+s0+$0x0] =	vst.idx.msk $0xffff, v8;
	v7 =	vor.u32 v31, v32;
	v8 =	vand.u32 $0x7F, v22  }
0x369: {  	s25 =	simm.s32 $0x70;
	v25 =	vand.u32 $0x6F, v25;
	v11 =	vor.u32 $0x180, v4;
	v31 =	vld.idx.msk [tilespmem:v9+s31+$0x0], $0xffff;
	[tilespmem:v10+s0+$0x0] =	vst.idx.msk $0xffff, v6;
	v9 =	vor.u32 v8, v19  }
0x36a: {  	v10 =	vor.u32 $0x100, v28;
	v8 =	vor.u32 v14, v26;
	v19 =	vor.u32 s25, v0;
	v26 =	vld.idx.msk [tilespmem:v20+s31+$0x0], $0xffff;
	[tilespmem:v12+s0+$0x0] =	vst.idx.msk $0xffff, v16  }
0x36b: {  	v62 =	vor.u32 $0x100, v5;
	v6 =	vor.u32 v27, v24;
	v12 =	vor.u32 $0x180, v3;
	v27 =	vld.idx.msk [tilespmem:v29+s31+$0x0], $0xffff;
	[tilespmem:v30+s0+$0x0] =	vst.idx.msk $0xffff, v21  }
0x36c: {  	s29 =	simm.s32 $0x60;
	v23 =	vand.u32 $0x7F, v23;
	v22 =	vand.u32 $0x3C00, v13;
	v16 =	vmov s3;
	v29 =	vld.idx.msk [tilespmem:v61+s31+$0x0], $0xffff  }
0x36d: {  	v20 =	vor.u32 s29, v0;
	v30 =	vor.u32 $0x280, v15;
	v48 =	vshll.u32 v16, $0x3;
	v63 =	vld.idx.msk [tilespmem:v7+s31+$0x0], $0xffff  }
0x36e: {  	v24 =	vor.u32 $0x300, v18;
	v16 =	vor.u32 v25, v22;
	v22 =	vand.u32 $0x3C00, v48;
	v49 =	vld.idx.msk [tilespmem:v9+s31+$0x0], $0xffff  }
0x36f: {  	v55 =	vor.u32 $0x200, v3;
	[tilespmem:v10+s0+$0x0] =	vst.idx.msk $0xffff, v31;
	v31 =	vor.u32 $0x80, v7;
	v10 =	vor.u32 v23, v22;
	v54 =	vld.idx.msk [tilespmem:v19+s26+$0x0], $0xffff  }
0x370: {  	v46 =	vor.u32 $0x280, v3;
	v52 =	vor.u32 $0x180, v28;
	v51 =	vor.u32 $0x80, v9;
	v50 =	vld.idx.msk [tilespmem:v12+s31+$0x0], $0xffff;
	[tilespmem:v62+s0+$0x0] =	vst.idx.msk $0xffff, v26  }
0x371: {  	v56 =	vor.u32 $0x180, v5;
	v47 =	vor.u32 $0x200, v5;
	v13 =	vor.u32 v13, v25;
	v53 =	vld.idx.msk [tilespmem:v11+s31+$0x0], $0xffff  }
0x372: {  	v14 =	vor.u32 $0x280, v28;
	v18 =	vor.u32 $0x380, v18;
	[tilespmem:v30+s0+$0x0] =	vst.idx.msk $0xffff, v29;
	v29 =	vld.idx.msk [tilespmem:v20+s26+$0x0], $0xffff;
	v30 =	vor.u32 $0x200, v4  }
0x373: {  	v59 =	vor.u32 $0x100, v7;
	v36 =	vor.u32 $0x180, v7;
	v25 =	vor.u32 $0x300, v17;
	[tilespmem:v16+s0+$0x0] =	vst.idx.msk $0xffff, v63;
	v24 =	vld.idx.msk [tilespmem:v24+s31+$0x0], $0xffff  }
0x374: {  	v21 =	vor.u32 $0x180, v9;
	v15 =	vor.u32 v23, v48;
	v58 =	vor.u32 $0x80, v16;
	v31 =	vld.idx.msk [tilespmem:v31+s31+$0x0], $0xffff;
	[tilespmem:v10+s0+$0x0] =	vst.idx.msk $0xffff, v49  }
0x375: {  	v61 =	vor.u32 $0x100, v9;
	v23 =	vor.u32 $0x380, v17;
	v60 =	vor.u32 $0x80, v10;
	v38 =	vld.idx.msk [tilespmem:v51+s31+$0x0], $0xffff;
	[tilespmem:v52+s0+$0x0] =	vst.idx.msk $0xffff, v50  }
0x376: {  	v12 =	vmov s29;
	v26 =	vor.u32 $0x300, v34;
	v62 =	vor.u32 $0x200, v28;
	v43 =	vld.idx.msk [tilespmem:v55+s31+$0x0], $0xffff;
	[tilespmem:v56+s0+$0x0] =	vst.idx.msk $0xffff, v53  }
0x377: {  	v28 =	vor.u32 $0x280, v4;
	v37 =	vor.u32 $0x100, v10;
	[tilespmem:v33+s0+$0x0] =	vst.idx.msk $0xffff, v27;
	v17 =	vshll.u32 v54, $0x3;
	v63 =	vld.idx.msk [tilespmem:v30+s31+$0x0], $0xffff  }
0x378: {  	v11 =	vshll.u32 v12, $0x3;
	v32 =	vld.idx.msk [tilespmem:v25+s31+$0x0], $0xffff;
	v30 =	vand.u32 $0xFFFFFC00, v17;
	v17 =	vshll.u32 v29, $0x3;
	[tilespmem:v57+s0+$0x0] =	vst.idx.msk $0xffff, v24  }
0x379: {  	v12 =	vor.u32 $0x280, v16;
	v24 =	vand.u32 $0x7F, v29;
	v17 =	vand.u32 $0xFFFFFC00, v17;
	[tilespmem:v58+s0+$0x0] =	vst.idx.msk $0xffff, v31;
	v27 =	vld.idx.msk [tilespmem:v18+s31+$0x0], $0xffff  }
0x37a: {  	v29 =	vor.u32 $0x380, v35;
	v17 =	vor.u32 v24, v17;
	v18 =	vand.u32 $0x7F, v54;
	v33 =	vld.idx.msk [tilespmem:v59+s31+$0x0], $0xffff;
	[tilespmem:v60+s0+$0x0] =	vst.idx.msk $0xffff, v38  }
0x37b: {  	v35 =	vor.u32 $0x100, v16;
	v24 =	vor.u32 $0x380, v34;
	v18 =	vor.u32 v18, v30;
	v34 =	vld.idx.msk [tilespmem:v61+s31+$0x0], $0xffff;
	[tilespmem:v62+s0+$0x0] =	vst.idx.msk $0xffff, v43  }
0x37c: {  	s2 =	simm.s32 $0x90;
	s6 =	simm.s32 $0x6;
	v22 =	vand.u32 $0x3C00, v11;
	v25 =	vor.u32 $0x300, v4;
	v30 =	vor.u32 $0x180, v18;
	v31 =	vld.idx.msk [tilespmem:v46+s31+$0x0], $0xffff;
	[tilespmem:v47+s0+$0x0] =	vst.idx.msk $0xffff, v63  }
.LBB2_9:
0x37d: {  	s29 =	sadd.s32 $0xFFFFFFF0, s2;
	s6 =	sadd.s32 $0x2, s6;
	v38 =	vand.u32 $0x7F, v19;
	v19 =	vor.u32 s2, v0;
	v28 =	vld.idx.msk [tilespmem:v28+s31+$0x0], $0xffff;
	v39 =	vor.u32 $0x280, v5;
	[tilespmem:v26+s0+$0x0] =	vst.idx.msk $0xffff, v32;
	v40 =	vmovc v13  }
0x37e: {  	v32 =	vmov s25;
	v41 =	vmovc v15;
	s25 =	smov.u32 s2;
	v13 =	vmov s29;
	v26 =	vor.u32 s29, v0;
	p0 =	slt.u32 s6, $0x60;
	v23 =	vld.idx.msk [tilespmem:v23+s31+$0x0], $0xffff  }
0x37f: {  	v15 =	vshll.u32 v32, $0x3;
	v42 =	vshll.u32 v13, $0x3;
	v13 =	vand.u32 $0x6F, v20;
	v43 =	vld.idx.msk [tilespmem:v17+s31+$0x0], $0xffff;
	[tilespmem:v29+s0+$0x0] =	vst.idx.msk $0xffff, v27;
	v20 =	vmovc v26  }
0x380: {  	v29 =	vand.u32 $0x3C00, v15;
	v27 =	vor.u32 v13, v22;
	v22 =	vand.u32 $0x3C00, v42;
	v26 =	vld.idx.msk [tilespmem:v18+s31+$0x0], $0xffff;
	[tilespmem:v35+s0+$0x0] =	vst.idx.msk $0xffff, v33  }
0x381: {  	v32 =	vor.u32 $0x80, v17;
	v29 =	vor.u32 v38, v29;
	v33 =	vor.u32 $0x280, v27;
	v35 =	vld.idx.msk [tilespmem:v36+s31+$0x0], $0xffff;
	[tilespmem:v37+s0+$0x0] =	vst.idx.msk $0xffff, v34  }
0x382: {  	v13 =	vor.u32 v11, v13;
	v34 =	vor.u32 $0x80, v18;
	v36 =	vor.u32 $0x180, v16;
	v37 =	vld.idx.msk [tilespmem:v21+s31+$0x0], $0xffff;
	[tilespmem:v14+s0+$0x0] =	vst.idx.msk $0xffff, v31  }
0x383: {  	v44 =	vor.u32 $0x180, v10;
	v15 =	vor.u32 v38, v15;
	v38 =	vor.u32 $0x200, v7;
	v31 =	vld.idx.msk [tilespmem:v19+s26+$0x0], $0xffff;
	[tilespmem:v39+s0+$0x0] =	vst.idx.msk $0xffff, v28  }
0x384: {  	v45 =	vor.u32 $0x300, v3;
	v11 =	vmovc v42;
	v14 =	vmov v12;
	v28 =	vor.u32 $0x200, v9;
	v39 =	vld.idx.msk [tilespmem:v20+s26+$0x0], $0xffff;
	[tilespmem:v24+s0+$0x0] =	vst.idx.msk $0xffff, v23  }
0x385: {  	v12 =	vmov v33;
	v21 =	vmov v30;
	[tilespmem:v27+s0+$0x0] =	vst.idx.msk $0xffff, v43;
	v24 =	vld.idx.msk [tilespmem:v25+s31+$0x0], $0xffff  }
0x386: {  	v30 =	vor.u32 $0x300, v5;
	v5 =	vmovc v10;
	v10 =	vmov v29;
	v25 =	vld.idx.msk [tilespmem:v32+s31+$0x0], $0xffff;
	[tilespmem:v29+s0+$0x0] =	vst.idx.msk $0xffff, v26;
	v26 =	vor.u32 $0x300, v8  }
0x387: {  	v33 =	vor.u32 $0x380, v4;
	v23 =	vor.u32 $0x380, v3;
	v3 =	vmovc v7;
	v29 =	vor.u32 $0x80, v27;
	v34 =	vld.idx.msk [tilespmem:v34+s31+$0x0], $0xffff;
	[tilespmem:v36+s0+$0x0] =	vst.idx.msk $0xffff, v35  }
0x388: {  	v4 =	vmovc v9;
	v7 =	vmov v17;
	v35 =	vor.u32 $0x100, v17;
	v36 =	vor.u32 $0x80, v10;
	v38 =	vld.idx.msk [tilespmem:v38+s31+$0x0], $0xffff;
	[tilespmem:v44+s0+$0x0] =	vst.idx.msk $0xffff, v37  }
0x389: {  	v42 =	vor.u32 $0x200, v16;
	v16 =	vmovc v27;
	v9 =	vmovc v18;
	v17 =	vshll.u32 v31, $0x3;
	v37 =	vor.u32 $0x100, v18;
	v43 =	vld.idx.msk [tilespmem:v28+s31+$0x0], $0xffff  }
0x38a: {  	v46 =	vor.u32 $0x200, v5;
	v44 =	vor.u32 $0x280, v3;
	v18 =	vand.u32 $0xFFFFFC00, v17;
	v32 =	vld.idx.msk [tilespmem:v45+s31+$0x0], $0xffff  }
.Ltmp4:
0x38b: {  	v17 =	vshll.u32 v39, $0x3;
	v28 =	vor.u32 $0x280, v4;
	[tilespmem:v30+s0+$0x0] =	vst.idx.msk $0xffff, v24;
	(pc) =	sbr.rel @p0 .LBB2_9-.Ltmp4, $4  }
0x38c: {  	v17 =	vand.u32 $0xFFFFFC00, v17;
	v24 =	vand.u32 $0x7F, v39;
	[tilespmem:v29+s0+$0x0] =	vst.idx.msk $0xffff, v25;
	v27 =	vld.idx.msk [tilespmem:v33+s31+$0x0], $0xffff;
	v29 =	vor.u32 $0x380, v6;
	v6 =	vmovc v41  }
0x38d: {  	v17 =	vor.u32 v24, v17;
	v25 =	vand.u32 $0x7F, v31;
	v24 =	vor.u32 $0x380, v8;
	v33 =	vld.idx.msk [tilespmem:v35+s31+$0x0], $0xffff;
	[tilespmem:v36+s0+$0x0] =	vst.idx.msk $0xffff, v34  }
0x38e: {  	v18 =	vor.u32 v25, v18;
	v35 =	vor.u32 $0x100, v16;
	v25 =	vor.u32 $0x300, v4;
	v34 =	vld.idx.msk [tilespmem:v37+s31+$0x0], $0xffff;
	[tilespmem:v42+s0+$0x0] =	vst.idx.msk $0xffff, v38  }
0x38f: {  	s2 =	sadd.s32 $0x20, s2;
	v8 =	vmovc v40;
	v36 =	vor.u32 $0x180, v7;
	v30 =	vor.u32 $0x180, v18;
	v37 =	vor.u32 $0x100, v10;
	v31 =	vld.idx.msk [tilespmem:v44+s31+$0x0], $0xffff;
	[tilespmem:v46+s0+$0x0] =	vst.idx.msk $0xffff, v43  }
0x390: {  	_ =	sdelay $0x1  }
0x391: {  	v38 =	vmov s25  }
0x392: {  	v20 =	vand.u32 $0x6F, v20;
	v38 =	vshll.u32 v38, $0x3  }
0x393: {  	v19 =	vand.u32 $0x7F, v19;
	v41 =	vld.idx.msk [tilespmem:v17+s31+$0x0], $0xffff;
	v22 =	vor.u32 v20, v22;
	v39 =	vand.u32 $0x3C00, v38  }
0x394: {  	v40 =	vld.idx.msk [tilespmem:v18+s31+$0x0], $0xffff;
	v43 =	vor.u32 $0x80, v17;
	v39 =	vor.u32 v19, v39  }
0x395: {  	v42 =	vor.u32 $0x80, v18;
	_ =	sdelay $0x2  }
0x396: {  	[tilespmem:v22+s0+$0x0] =	vst.idx.msk $0xffff, v41  }
0x397: {  	v57 =	vor.u32 $0x80, v22;
	v56 =	vld.idx.msk [tilespmem:v43+s31+$0x0], $0xffff;
	[tilespmem:v39+s0+$0x0] =	vst.idx.msk $0xffff, v40  }
0x398: {  	v45 =	vor.u32 $0x100, v17;
	v55 =	vor.u32 $0x80, v39;
	v40 =	vld.idx.msk [tilespmem:v42+s31+$0x0], $0xffff  }
0x399: {  	v44 =	vor.u32 $0x100, v18;
	_ =	sdelay $0x2  }
0x39a: {  	[tilespmem:v57+s0+$0x0] =	vst.idx.msk $0xffff, v56  }
0x39b: {  	v59 =	vor.u32 $0x100, v22;
	v42 =	vld.idx.msk [tilespmem:v45+s31+$0x0], $0xffff;
	[tilespmem:v55+s0+$0x0] =	vst.idx.msk $0xffff, v40  }
0x39c: {  	v60 =	vor.u32 $0x180, v17;
	v58 =	vor.u32 $0x100, v39;
	v40 =	vld.idx.msk [tilespmem:v44+s31+$0x0], $0xffff  }
0x39d: {  	[tilespmem:v26+s0+$0x0] =	vst.idx.msk $0xffff, v32  }
0x39e: {  	[tilespmem:v37+s0+$0x0] =	vst.idx.msk $0xffff, v34  }
0x39f: {  	v61 =	vor.u32 $0x180, v10;
	[tilespmem:v35+s0+$0x0] =	vst.idx.msk $0xffff, v33;
	v21 =	vld.idx.msk [tilespmem:v21+s31+$0x0], $0xffff  }
0x3a0: {  	v63 =	vor.u32 $0x180, v16;
	v62 =	vld.idx.msk [tilespmem:v36+s31+$0x0], $0xffff;
	v45 =	vor.u32 $0x200, v9;
	[tilespmem:v59+s0+$0x0] =	vst.idx.msk $0xffff, v42  }
0x3a1: {  	v46 =	vor.u32 $0x200, v7;
	v49 =	vor.u32 $0x180, v22;
	v48 =	vld.idx.msk [tilespmem:v60+s31+$0x0], $0xffff;
	[tilespmem:v58+s0+$0x0] =	vst.idx.msk $0xffff, v40  }
0x3a2: {  	v26 =	vor.u32 $0x200, v17;
	[tilespmem:v29+s0+$0x0] =	vst.idx.msk $0xffff, v27;
	v47 =	vor.u32 $0x180, v39;
	v30 =	vld.idx.msk [tilespmem:v30+s31+$0x0], $0xffff  }
0x3a3: {  	v50 =	vor.u32 $0x200, v18;
	v28 =	vld.idx.msk [tilespmem:v28+s31+$0x0], $0xffff;
	[tilespmem:v14+s0+$0x0] =	vst.idx.msk $0xffff, v31;
	v56 =	vor.u32 $0x280, v5  }
0x3a4: {  	v23 =	vld.idx.msk [tilespmem:v23+s31+$0x0], $0xffff;
	[tilespmem:v61+s0+$0x0] =	vst.idx.msk $0xffff, v21  }
0x3a5: {  	v51 =	vor.u32 $0x200, v10;
	[tilespmem:v63+s0+$0x0] =	vst.idx.msk $0xffff, v62;
	v21 =	vld.idx.msk [tilespmem:v45+s31+$0x0], $0xffff  }
0x3a6: {  	v16 =	vor.u32 $0x200, v16;
	v53 =	vor.u32 $0x280, v9;
	v52 =	vld.idx.msk [tilespmem:v46+s31+$0x0], $0xffff;
	[tilespmem:v49+s0+$0x0] =	vst.idx.msk $0xffff, v48  }
0x3a7: {  	v27 =	vor.u32 $0x200, v22;
	v26 =	vld.idx.msk [tilespmem:v26+s31+$0x0], $0xffff;
	[tilespmem:v47+s0+$0x0] =	vst.idx.msk $0xffff, v30;
	v30 =	vor.u32 $0x280, v7  }
0x3a8: {  	v14 =	vor.u32 $0x280, v17;
	v55 =	vor.u32 $0x200, v39;
	[tilespmem:v56+s0+$0x0] =	vst.idx.msk $0xffff, v28;
	v54 =	vld.idx.msk [tilespmem:v50+s31+$0x0], $0xffff  }
0x3a9: {  	v29 =	vor.u32 $0x280, v18;
	[tilespmem:v24+s0+$0x0] =	vst.idx.msk $0xffff, v23;
	v5 =	vor.u32 $0x300, v5;
	v23 =	vld.idx.msk [tilespmem:v25+s31+$0x0], $0xffff  }
0x3aa: {  	v4 =	vor.u32 $0x380, v4;
	[tilespmem:v51+s0+$0x0] =	vst.idx.msk $0xffff, v21  }
0x3ab: {  	v31 =	vor.u32 $0x280, v10;
	[tilespmem:v16+s0+$0x0] =	vst.idx.msk $0xffff, v52;
	v21 =	vor.u32 $0x300, v3;
	v16 =	vld.idx.msk [tilespmem:v53+s31+$0x0], $0xffff  }
0x3ac: {  	v57 =	vor.u32 $0x300, v9;
	[tilespmem:v27+s0+$0x0] =	vst.idx.msk $0xffff, v26;
	v30 =	vld.idx.msk [tilespmem:v30+s31+$0x0], $0xffff  }
0x3ad: {  	v22 =	vor.u32 $0x280, v22;
	v58 =	vor.u32 $0x300, v7;
	v14 =	vld.idx.msk [tilespmem:v14+s31+$0x0], $0xffff;
	[tilespmem:v55+s0+$0x0] =	vst.idx.msk $0xffff, v54  }
0x3ae: {  	v24 =	vor.u32 $0x300, v17;
	[tilespmem:v5+s0+$0x0] =	vst.idx.msk $0xffff, v23;
	v27 =	vor.u32 $0x280, v39;
	v26 =	vld.idx.msk [tilespmem:v29+s31+$0x0], $0xffff  }
0x3af: {  	v6 =	vor.u32 $0x380, v6;
	v28 =	vor.u32 $0x300, v18;
	v4 =	vld.idx.msk [tilespmem:v4+s31+$0x0], $0xffff  }
0x3b0: {  	v25 =	vor.u32 $0x300, v8;
	v21 =	vld.idx.msk [tilespmem:v21+s31+$0x0], $0xffff;
	[tilespmem:v31+s0+$0x0] =	vst.idx.msk $0xffff, v16  }
0x3b1: {  	v10 =	vor.u32 $0x300, v10;
	v3 =	vor.u32 $0x380, v3;
	[tilespmem:v12+s0+$0x0] =	vst.idx.msk $0xffff, v30;
	v12 =	vld.idx.msk [tilespmem:v57+s31+$0x0], $0xffff  }
0x3b2: {  	v11 =	vor.u32 v11, v20;
	v9 =	vor.u32 $0x380, v9;
	v16 =	vor.u32 $0x300, v13;
	[tilespmem:v22+s0+$0x0] =	vst.idx.msk $0xffff, v14;
	v29 =	vld.idx.msk [tilespmem:v58+s31+$0x0], $0xffff  }
0x3b3: {  	v5 =	vor.u32 $0x300, v11;
	v7 =	vor.u32 $0x380, v7;
	v22 =	vld.idx.msk [tilespmem:v24+s31+$0x0], $0xffff;
	[tilespmem:v27+s0+$0x0] =	vst.idx.msk $0xffff, v26  }
0x3b4: {  	v20 =	vor.u32 $0x300, v39;
	v17 =	vor.u32 $0x380, v17;
	[tilespmem:v6+s0+$0x0] =	vst.idx.msk $0xffff, v4;
	v14 =	vld.idx.msk [tilespmem:v28+s31+$0x0], $0xffff  }
0x3b5: {  	v18 =	vor.u32 $0x380, v18;
	[tilespmem:v25+s0+$0x0] =	vst.idx.msk $0xffff, v21  }
0x3b6: {  	v8 =	vor.u32 $0x380, v8;
	v3 =	vld.idx.msk [tilespmem:v3+s31+$0x0], $0xffff;
	[tilespmem:v10+s0+$0x0] =	vst.idx.msk $0xffff, v12  }
0x3b7: {  	v10 =	vor.u32 $0x380, v15;
	v9 =	vld.idx.msk [tilespmem:v9+s31+$0x0], $0xffff;
	[tilespmem:v16+s0+$0x0] =	vst.idx.msk $0xffff, v29  }
0x3b8: {  	v13 =	vor.u32 $0x380, v13;
	[tilespmem:v5+s0+$0x0] =	vst.idx.msk $0xffff, v22;
	v7 =	vld.idx.msk [tilespmem:v7+s31+$0x0], $0xffff  }
0x3b9: {  	v4 =	vor.u32 $0x380, v11;
	v12 =	vor.u32 v19, v38;
	v5 =	vld.idx.msk [tilespmem:v17+s31+$0x0], $0xffff;
	[tilespmem:v20+s0+$0x0] =	vst.idx.msk $0xffff, v14  }
0x3ba: {  	v12 =	vor.u32 $0x380, v12;
	v14 =	vld.idx.msk [tilespmem:v18+s31+$0x0], $0xffff  }
0x3bb: {  	[tilespmem:v8+s0+$0x0] =	vst.idx.msk $0xffff, v3  }
0x3bc: {  	[tilespmem:v10+s0+$0x0] =	vst.idx.msk $0xffff, v9  }
0x3bd: {  	[tilespmem:v13+s0+$0x0] =	vst.idx.msk $0xffff, v7  }
0x3be: {  	[tilespmem:v4+s0+$0x0] =	vst.idx.msk $0xffff, v5  }
0x3bf: {  	[tilespmem:v12+s0+$0x0] =	vst.idx.msk $0xffff, v14  }
0x3c0: {  	s9 =	simm.s32 $0x0;
	s6 =	simm.s32 $0x4;
	s2 =	rddreg [dreg:$0x14]  }
0x3c1: {  	[hbm4b:s2+s9] =	stream.linear.scatter [tilespmem:s0], [sflag:$0xC], $0x3400, $0x38;
	[tilespmem:$0x1EF00] =	vst v63  }
0x3c2: {  	_ =	swait.ge [sflag:s6], $0x4000  }
0x3c3: {  	[sflag:s6] =	ssyncset.done $0x0  }
0x3c4: {  	s25 =	simm.s32 $0x8;
	[sflag:s6] =	ssyncadd.s32 $0xFFFFC000  }
0x3c5: {  	_ =	swait.ge [sflag:s25], $0x4000  }
0x3c6: {  	[sflag:s25] =	ssyncset.done $0x0  }
0x3c7: {  	[sflag:s25] =	ssyncadd.s32 $0xFFFFC000  }
0x3c8: {  	v3 =	vld.msk [tilespmem:$0x28], $0xff;
	_ =	sdelay $0x4  }
0x3c9: {  	v4 =	vshll.u32 v3, $0x4  }
0x3ca: {  	v3 =	vand.u32 $0x7, v3;
	v4 =	vand.u32 $0xFFFFFF80, v4  }
0x3cb: {  	v3 =	vor.u32 v3, v4  }
0x3cc: {  	v3 =	vperm.xlane v3, v1;
	_ =	sdelay $0x1  }
0x3cd: {  	v3 =	vadd.s32 v2, v3;
	_ =	sdelay $0x3  }
0x3ce: {  	s2 =	rddreg [dreg:$0x0]  }
0x3cf: {  	[tilespmem:s22], [sflag:$0x2] =	stream.indirect_vreg.gather [hbm4b:s2+s9], $0x80, v3, vm0, $0xb8;
	[tilespmem:$0x1EF00] =	vst v63  }
0x3d0: {  	s3 =	simm.s32 $0x4F00;
	s29 =	rddreg [dreg:$0x1e]  }
0x3d1: {  	[tilespmem:s3], [sflag:$0x2] =	stream.indirect_vreg.gather [hbm4b:s29+s9], $0x80, v3, vm0, $0xb8;
	[tilespmem:$0x1EF00] =	vst v63  }
0x3d2: {  	s6 =	simm.s32 $0x5700;
	s25 =	sld [smem:$0x7F7]  }
0x3d3: {  	[tilespmem:s6], [sflag:$0x2] =	stream.indirect_vreg.gather [hbm4b:s7+s9], $0x80, v3, vm0, $0xb8;
	[tilespmem:$0x1EF00] =	vst v63  }
0x3d4: {  	s29 =	simm.s32 $0x5F00  }
0x3d5: {  	[tilespmem:s29], [sflag:$0x2] =	stream.indirect_vreg.gather [hbm4b:s25+s9], $0x80, v3, vm0, $0xb8;
	[tilespmem:$0x1EF00] =	vst v63  }
0x3d6: {  	s25 =	sld [smem:$0x7F8];
	_ =	sdelay $0x1  }
0x3d7: {  	s6 =	simm.s32 $0x6700  }
0x3d8: {  	[tilespmem:s6], [sflag:$0x2] =	stream.indirect_vreg.gather [hbm4b:s25+s9], $0x80, v3, vm0, $0xb8;
	[tilespmem:$0x1EF00] =	vst v63  }
0x3d9: {  	s29 =	simm.s32 $0x6F00;
	s6 =	sld [smem:$0x7F9]  }
0x3da: {  	[tilespmem:s29], [sflag:$0x2] =	stream.indirect_vreg.gather [hbm4b:s8+s9], $0x80, v3, vm0, $0xb8;
	[tilespmem:$0x1EF00] =	vst v63  }
0x3db: {  	s3 =	simm.s32 $0x7700;
	s29 =	sld [smem:$0x7FA]  }
0x3dc: {  	[tilespmem:s3], [sflag:$0x2] =	stream.indirect_vreg.gather [hbm4b:s6+s9], $0x80, v3, vm0, $0xb8;
	[tilespmem:$0x1EF00] =	vst v63  }
0x3dd: {  	s25 =	simm.s32 $0x7F00  }
0x3de: {  	[tilespmem:s25], [sflag:$0x2] =	stream.indirect_vreg.gather [hbm4b:s29+s9], $0x80, v3, vm0, $0xb8;
	[tilespmem:$0x1EF00] =	vst v63  }
0x3df: {  	v3 =	vld.msk [tilespmem:$0x28], $0xff;
	_ =	sdelay $0x4  }
0x3e0: {  	v4 =	vshll.u32 v3, $0x4  }
0x3e1: {  	v3 =	vand.u32 $0x7, v3;
	v4 =	vand.u32 $0xFFFFFF80, v4  }
0x3e2: {  	v3 =	vor.u32 v3, v4  }
0x3e3: {  	v3 =	vperm.xlane v3, v1;
	_ =	sdelay $0x1  }
0x3e4: {  	v3 =	vadd.s32 v2, v3;
	_ =	sdelay $0x3  }
0x3e5: {  	s3 =	rddreg [dreg:$0x1];
	s6 =	simm.s32 $0xC700  }
0x3e6: {  	[tilespmem:s6], [sflag:$0x6] =	stream.indirect_vreg.gather [hbm4b:s3+s9], $0x80, v3, vm0, $0xb8;
	[tilespmem:$0x1EF00] =	vst v63  }
0x3e7: {  	s25 =	simm.s32 $0xCF00  }
0x3e8: {  	[tilespmem:s25], [sflag:$0x6] =	stream.indirect_vreg.gather [hbm4b:s11+s9], $0x80, v3, vm0, $0xb8;
	[tilespmem:$0x1EF00] =	vst v63  }
0x3e9: {  	s29 =	simm.s32 $0xD700;
	s6 =	sld [smem:$0x7FB]  }
0x3ea: {  	[tilespmem:s29], [sflag:$0x6] =	stream.indirect_vreg.gather [hbm4b:s12+s9], $0x80, v3, vm0, $0xb8;
	[tilespmem:$0x1EF00] =	vst v63  }
0x3eb: {  	s3 =	simm.s32 $0xDF00  }
0x3ec: {  	[tilespmem:s3], [sflag:$0x6] =	stream.indirect_vreg.gather [hbm4b:s6+s9], $0x80, v3, vm0, $0xb8;
	[tilespmem:$0x1EF00] =	vst v63  }
0x3ed: {  	s25 =	simm.s32 $0xE700  }
0x3ee: {  	[tilespmem:s25], [sflag:$0x6] =	stream.indirect_vreg.gather [hbm4b:s14+s9], $0x80, v3, vm0, $0xb8;
	[tilespmem:$0x1EF00] =	vst v63  }
0x3ef: {  	s29 =	simm.s32 $0xEF00  }
0x3f0: {  	[tilespmem:s29], [sflag:$0x6] =	stream.indirect_vreg.gather [hbm4b:s15+s9], $0x80, v3, vm0, $0xb8;
	[tilespmem:$0x1EF00] =	vst v63  }
0x3f1: {  	s3 =	simm.s32 $0xF700  }
0x3f2: {  	[tilespmem:s3], [sflag:$0x6] =	stream.indirect_vreg.gather [hbm4b:s19+s9], $0x80, v3, vm0, $0xb8;
	[tilespmem:$0x1EF00] =	vst v63  }
0x3f3: {  	s6 =	simm.s32 $0xFF00  }
0x3f4: {  	[tilespmem:s6], [sflag:$0x6] =	stream.indirect_vreg.gather [hbm4b:s17+s9], $0x80, v3, vm0, $0xb8;
	[tilespmem:$0x1EF00] =	vst v63  }
0x3f5: {  	v3 =	vld.msk [tilespmem:$0x28], $0xff;
	_ =	sdelay $0x4  }
0x3f6: {  	v4 =	vshll.u32 v3, $0x4  }
0x3f7: {  	v3 =	vand.u32 $0x7, v3;
	v4 =	vand.u32 $0xFFFFFF80, v4  }
0x3f8: {  	v3 =	vor.u32 v3, v4  }
0x3f9: {  	v3 =	vperm.xlane v3, v1;
	_ =	sdelay $0x1  }
0x3fa: {  	v3 =	vadd.s32 v2, v3;
	_ =	sdelay $0x3  }
0x3fb: {  	s25 =	rddreg [dreg:$0x2]  }
0x3fc: {  	[tilespmem:s31], [sflag:$0xA] =	stream.indirect_vreg.gather [hbm4b:s25+s9], $0x80, v3, vm0, $0xb8;
	[tilespmem:$0x1EF00] =	vst v63  }
0x3fd: {  	s29 =	simm.s32 $0x14F00  }
0x3fe: {  	[tilespmem:s29], [sflag:$0xA] =	stream.indirect_vreg.gather [hbm4b:s18+s9], $0x80, v3, vm0, $0xb8;
	[tilespmem:$0x1EF00] =	vst v63  }
0x3ff: {  	s3 =	simm.s32 $0x15700  }
0x400: {  	[tilespmem:s3], [sflag:$0xA] =	stream.indirect_vreg.gather [hbm4b:s5+s9], $0x80, v3, vm0, $0xb8;
	[tilespmem:$0x1EF00] =	vst v63  }
0x401: {  	s6 =	simm.s32 $0x15F00  }
0x402: {  	[tilespmem:s6], [sflag:$0xA] =	stream.indirect_vreg.gather [hbm4b:s20+s9], $0x80, v3, vm0, $0xb8;
	[tilespmem:$0x1EF00] =	vst v63  }
0x403: {  	s25 =	simm.s32 $0x16700  }
0x404: {  	[tilespmem:s25], [sflag:$0xA] =	stream.indirect_vreg.gather [hbm4b:s21+s9], $0x80, v3, vm0, $0xb8;
	[tilespmem:$0x1EF00] =	vst v63  }
0x405: {  	s29 =	simm.s32 $0x16F00  }
0x406: {  	[tilespmem:s29], [sflag:$0xA] =	stream.indirect_vreg.gather [hbm4b:s10+s9], $0x80, v3, vm0, $0xb8;
	[tilespmem:$0x1EF00] =	vst v63  }
0x407: {  	s3 =	simm.s32 $0x17700;
	s25 =	sld [smem:$0x7FC]  }
0x408: {  	[tilespmem:s3], [sflag:$0xA] =	stream.indirect_vreg.gather [hbm4b:s23+s9], $0x80, v3, vm0, $0xb8;
	[tilespmem:$0x1EF00] =	vst v63  }
0x409: {  	s6 =	simm.s32 $0x17F00;
	s29 =	simm.s32 $0x1  }
0x40a: {  	[tilespmem:s6], [sflag:$0xA] =	stream.indirect_vreg.gather [hbm4b:s25+s9], $0x80, v3, vm0, $0xb8;
	[tilespmem:$0x1EF00] =	vst v63  }
0x40b: {  	_ =	swait.ge [sflag:s29], $0x4000  }
0x40c: {  	s6 =	simm.s32 $0x700;
	[sflag:s29] =	ssyncset.done $0x0  }
0x40d: {  	s25 =	simm.s32 $0x5;
	s3 =	rddreg [dreg:$0x15];
	[sflag:s29] =	ssyncadd.s32 $0xFFFFC000  }
0x40e: {  	[hbm4b:s3+s9] =	stream.linear.scatter [tilespmem:s6], [sflag:$0x3], $0x4000, $0x38;
	[tilespmem:$0x1EF00] =	vst v63  }
0x40f: {  	_ =	swait.ge [sflag:s25], $0x4000  }
0x410: {  	[sflag:s25] =	ssyncset.done $0x0  }
0x411: {  	s2 =	simm.s32 $0x9;
	s29 =	rddreg [dreg:$0x16];
	[sflag:s25] =	ssyncadd.s32 $0xFFFFC000  }
0x412: {  	[hbm4b:s29+s9] =	stream.linear.scatter [tilespmem:s24], [sflag:$0x7], $0x4000, $0x38;
	[tilespmem:$0x1EF00] =	vst v63  }
0x413: {  	s6 =	simm.s32 $0x0;
	_ =	swait.ge [sflag:s2], $0x4000  }
0x414: {  	v3 =	vor.u32 s6, v0;
	s9 =	simm.s32 $0x10;
	[sflag:s2] =	ssyncset.done $0x0  }
0x415: {  	s25 =	simm.s32 $0xB;
	v4 =	vor.u32 s9, v0;
	[sflag:s2] =	ssyncadd.s32 $0xFFFFC000  }
0x416: {  	_ =	swait.ge [sflag:s25], $0x3400  }
0x417: {  	[sflag:s25] =	ssyncset.done $0x0  }
0x418: {  	[sflag:s25] =	ssyncadd.s32 $0xFFFFCC00  }
0x419: {  	v5 =	vld.idx.msk [tilespmem:v3+s26+$0x0], $0xffff  }
0x41a: {  	v6 =	vld.idx.msk [tilespmem:v4+s26+$0x0], $0xffff;
	_ =	sdelay $0x3  }
0x41b: {  	v7 =	vshll.u32 v5, $0x3  }
0x41c: {  	v8 =	vshll.u32 v6, $0x3;
	v5 =	vand.u32 $0x7F, v5;
	v7 =	vand.u32 $0xFFFFFC00, v7  }
0x41d: {  	v8 =	vand.u32 $0xFFFFFC00, v8;
	v17 =	vor.u32 v5, v7;
	v5 =	vand.u32 $0x7F, v6  }
0x41e: {  	v18 =	vor.u32 v5, v8  }
0x41f: {  	v10 =	vand.u32 $0x6F, v3;
	s29 =	simm.s32 $0x20;
	v6 =	vmov s6  }
0x420: {  	v9 =	vor.u32 s29, v0;
	v6 =	vshll.u32 v6, $0x3;
	v8 =	vmov s9  }
0x421: {  	v11 =	vand.u32 $0x7F, v4;
	s25 =	simm.s32 $0x30;
	v5 =	vand.u32 $0x3C00, v6;
	v8 =	vshll.u32 v8, $0x3  }
0x422: {  	v7 =	vor.u32 s25, v0;
	v12 =	vor.u32 v10, v5;
	v4 =	vand.u32 $0x3C00, v8;
	v3 =	vld.idx.msk [tilespmem:v17+s1+$0x0], $0xffff  }
0x423: {  	v13 =	vor.u32 $0x80, v17;
	v15 =	vor.u32 v11, v4;
	v5 =	vld.idx.msk [tilespmem:v18+s1+$0x0], $0xffff  }
0x424: {  	v4 =	vor.u32 $0x80, v18;
	_ =	sdelay $0x1  }
0x425: {  	v14 =	vld.idx.msk [tilespmem:v9+s26+$0x0], $0xffff  }
0x426: {  	v16 =	vld.idx.msk [tilespmem:v7+s26+$0x0], $0xffff;
	[tilespmem:v12+s28+$0x0] =	vst.idx.msk $0xffff, v3  }
0x427: {  	v3 =	vld.idx.msk [tilespmem:v13+s1+$0x0], $0xffff;
	[tilespmem:v15+s28+$0x0] =	vst.idx.msk $0xffff, v5;
	v5 =	vor.u32 $0x80, v12  }
0x428: {  	v19 =	vor.u32 $0x80, v15;
	v13 =	vor.u32 $0x100, v17;
	v4 =	vld.idx.msk [tilespmem:v4+s1+$0x0], $0xffff  }
0x429: {  	s3 =	simm.s32 $0x50;
	v20 =	vor.u32 $0x100, v18  }
0x42a: {  	v23 =	vor.u32 s3, v0;
	v21 =	vshll.u32 v14, $0x3  }
0x42b: {  	v14 =	vand.u32 $0x7F, v14;
	v21 =	vand.u32 $0xFFFFFC00, v21;
	v22 =	vshll.u32 v16, $0x3  }
0x42c: {  	v22 =	vand.u32 $0xFFFFFC00, v22;
	[tilespmem:v5+s28+$0x0] =	vst.idx.msk $0xffff, v3;
	v3 =	vor.u32 v14, v21;
	v5 =	vand.u32 $0x7F, v16  }
0x42d: {  	v26 =	vand.u32 $0x6F, v9;
	v13 =	vld.idx.msk [tilespmem:v13+s1+$0x0], $0xffff;
	[tilespmem:v19+s28+$0x0] =	vst.idx.msk $0xffff, v4;
	v4 =	vor.u32 v5, v22;
	v5 =	vor.u32 $0x100, v12  }
0x42e: {  	v14 =	vmov s29;
	v19 =	vor.u32 $0x180, v17;
	v16 =	vld.idx.msk [tilespmem:v20+s1+$0x0], $0xffff;
	v20 =	vor.u32 $0x100, v15  }
0x42f: {  	v24 =	vmov s25;
	s9 =	simm.s32 $0x40;
	v21 =	vor.u32 $0x180, v18;
	v14 =	vshll.u32 v14, $0x3  }
0x430: {  	v24 =	vshll.u32 v24, $0x3;
	v25 =	vor.u32 s9, v0;
	v22 =	vand.u32 $0x3C00, v14  }
0x431: {  	v27 =	vand.u32 $0x7F, v7;
	v28 =	vor.u32 v26, v22;
	v22 =	vand.u32 $0x3C00, v24;
	v9 =	vld.idx.msk [tilespmem:v3+s1+$0x0], $0xffff  }
0x432: {  	v7 =	vld.idx.msk [tilespmem:v4+s1+$0x0], $0xffff;
	[tilespmem:v5+s28+$0x0] =	vst.idx.msk $0xffff, v13;
	v13 =	vor.u32 $0x80, v3;
	v5 =	vor.u32 v27, v22  }
0x433: {  	v19 =	vld.idx.msk [tilespmem:v19+s1+$0x0], $0xffff;
	[tilespmem:v20+s28+$0x0] =	vst.idx.msk $0xffff, v16;
	v16 =	vor.u32 $0x80, v4;
	v20 =	vor.u32 $0x180, v12  }
0x434: {  	v29 =	vor.u32 $0x200, v17;
	v30 =	vor.u32 $0x180, v15;
	v21 =	vld.idx.msk [tilespmem:v21+s1+$0x0], $0xffff  }
0x435: {  	v59 =	vor.u32 $0x200, v18;
	v31 =	vld.idx.msk [tilespmem:v25+s26+$0x0], $0xffff  }
0x436: {  	v34 =	vor.u32 v6, v10;
	v6 =	vmov s9;
	v61 =	vor.u32 $0x280, v18;
	v22 =	vld.idx.msk [tilespmem:v23+s26+$0x0], $0xffff;
	[tilespmem:v28+s28+$0x0] =	vst.idx.msk $0xffff, v9  }
0x437: {  	v35 =	vor.u32 v11, v8;
	v33 =	vor.u32 $0x280, v12;
	v8 =	vld.idx.msk [tilespmem:v13+s1+$0x0], $0xffff;
	[tilespmem:v5+s28+$0x0] =	vst.idx.msk $0xffff, v7;
	v7 =	vor.u32 $0x80, v28  }
0x438: {  	v10 =	vor.u32 $0x80, v5;
	v9 =	vor.u32 $0x100, v3;
	v13 =	vshll.u32 v6, $0x3;
	v6 =	vld.idx.msk [tilespmem:v16+s1+$0x0], $0xffff;
	[tilespmem:v20+s28+$0x0] =	vst.idx.msk $0xffff, v19  }
0x439: {  	v57 =	vor.u32 $0x300, v15;
	v12 =	vor.u32 $0x200, v12;
	v20 =	vor.u32 $0x100, v4;
	v16 =	vld.idx.msk [tilespmem:v29+s1+$0x0], $0xffff;
	[tilespmem:v30+s28+$0x0] =	vst.idx.msk $0xffff, v21  }
0x43a: {  	v60 =	vshll.u32 v31, $0x3;
	v29 =	vor.u32 $0x280, v17;
	v30 =	vor.u32 $0x200, v15;
	v21 =	vld.idx.msk [tilespmem:v59+s1+$0x0], $0xffff  }
0x43b: {  	v31 =	vand.u32 $0x7F, v31;
	v32 =	vand.u32 $0xFFFFFC00, v60;
	v19 =	vshll.u32 v22, $0x3  }
0x43c: {  	v19 =	vand.u32 $0xFFFFFC00, v19;
	[tilespmem:v7+s28+$0x0] =	vst.idx.msk $0xffff, v8;
	v7 =	vor.u32 v31, v32;
	v8 =	vand.u32 $0x7F, v22  }
0x43d: {  	s25 =	simm.s32 $0x70;
	v25 =	vand.u32 $0x6F, v25;
	v11 =	vor.u32 $0x180, v4;
	v31 =	vld.idx.msk [tilespmem:v9+s1+$0x0], $0xffff;
	[tilespmem:v10+s28+$0x0] =	vst.idx.msk $0xffff, v6;
	v9 =	vor.u32 v8, v19  }
0x43e: {  	v10 =	vor.u32 $0x100, v28;
	v8 =	vor.u32 v14, v26;
	v19 =	vor.u32 s25, v0;
	v26 =	vld.idx.msk [tilespmem:v20+s1+$0x0], $0xffff;
	[tilespmem:v12+s28+$0x0] =	vst.idx.msk $0xffff, v16  }
0x43f: {  	v62 =	vor.u32 $0x100, v5;
	v6 =	vor.u32 v27, v24;
	v12 =	vor.u32 $0x180, v3;
	v27 =	vld.idx.msk [tilespmem:v29+s1+$0x0], $0xffff;
	[tilespmem:v30+s28+$0x0] =	vst.idx.msk $0xffff, v21  }
0x440: {  	s29 =	simm.s32 $0x60;
	v23 =	vand.u32 $0x7F, v23;
	v22 =	vand.u32 $0x3C00, v13;
	v16 =	vmov s3;
	v29 =	vld.idx.msk [tilespmem:v61+s1+$0x0], $0xffff  }
0x441: {  	v20 =	vor.u32 s29, v0;
	v30 =	vor.u32 $0x280, v15;
	v48 =	vshll.u32 v16, $0x3;
	v63 =	vld.idx.msk [tilespmem:v7+s1+$0x0], $0xffff  }
0x442: {  	v24 =	vor.u32 $0x300, v18;
	v16 =	vor.u32 v25, v22;
	v22 =	vand.u32 $0x3C00, v48;
	v49 =	vld.idx.msk [tilespmem:v9+s1+$0x0], $0xffff  }
0x443: {  	v55 =	vor.u32 $0x200, v3;
	[tilespmem:v10+s28+$0x0] =	vst.idx.msk $0xffff, v31;
	v31 =	vor.u32 $0x80, v7;
	v10 =	vor.u32 v23, v22;
	v54 =	vld.idx.msk [tilespmem:v19+s26+$0x0], $0xffff  }
0x444: {  	v46 =	vor.u32 $0x280, v3;
	v52 =	vor.u32 $0x180, v28;
	v51 =	vor.u32 $0x80, v9;
	v50 =	vld.idx.msk [tilespmem:v12+s1+$0x0], $0xffff;
	[tilespmem:v62+s28+$0x0] =	vst.idx.msk $0xffff, v26  }
0x445: {  	v56 =	vor.u32 $0x180, v5;
	v47 =	vor.u32 $0x200, v5;
	v13 =	vor.u32 v13, v25;
	v53 =	vld.idx.msk [tilespmem:v11+s1+$0x0], $0xffff  }
0x446: {  	v14 =	vor.u32 $0x280, v28;
	v18 =	vor.u32 $0x380, v18;
	[tilespmem:v30+s28+$0x0] =	vst.idx.msk $0xffff, v29;
	v29 =	vld.idx.msk [tilespmem:v20+s26+$0x0], $0xffff;
	v30 =	vor.u32 $0x200, v4  }
0x447: {  	v59 =	vor.u32 $0x100, v7;
	v36 =	vor.u32 $0x180, v7;
	v25 =	vor.u32 $0x300, v17;
	[tilespmem:v16+s28+$0x0] =	vst.idx.msk $0xffff, v63;
	v24 =	vld.idx.msk [tilespmem:v24+s1+$0x0], $0xffff  }
0x448: {  	v21 =	vor.u32 $0x180, v9;
	v15 =	vor.u32 v23, v48;
	v58 =	vor.u32 $0x80, v16;
	v31 =	vld.idx.msk [tilespmem:v31+s1+$0x0], $0xffff;
	[tilespmem:v10+s28+$0x0] =	vst.idx.msk $0xffff, v49  }
0x449: {  	v61 =	vor.u32 $0x100, v9;
	v23 =	vor.u32 $0x380, v17;
	v60 =	vor.u32 $0x80, v10;
	v38 =	vld.idx.msk [tilespmem:v51+s1+$0x0], $0xffff;
	[tilespmem:v52+s28+$0x0] =	vst.idx.msk $0xffff, v50  }
0x44a: {  	v12 =	vmov s29;
	v26 =	vor.u32 $0x300, v34;
	v62 =	vor.u32 $0x200, v28;
	v43 =	vld.idx.msk [tilespmem:v55+s1+$0x0], $0xffff;
	[tilespmem:v56+s28+$0x0] =	vst.idx.msk $0xffff, v53  }
0x44b: {  	v28 =	vor.u32 $0x280, v4;
	v37 =	vor.u32 $0x100, v10;
	[tilespmem:v33+s28+$0x0] =	vst.idx.msk $0xffff, v27;
	v17 =	vshll.u32 v54, $0x3;
	v63 =	vld.idx.msk [tilespmem:v30+s1+$0x0], $0xffff  }
0x44c: {  	v11 =	vshll.u32 v12, $0x3;
	v32 =	vld.idx.msk [tilespmem:v25+s1+$0x0], $0xffff;
	v30 =	vand.u32 $0xFFFFFC00, v17;
	v17 =	vshll.u32 v29, $0x3;
	[tilespmem:v57+s28+$0x0] =	vst.idx.msk $0xffff, v24  }
0x44d: {  	v12 =	vor.u32 $0x280, v16;
	v24 =	vand.u32 $0x7F, v29;
	v17 =	vand.u32 $0xFFFFFC00, v17;
	[tilespmem:v58+s28+$0x0] =	vst.idx.msk $0xffff, v31;
	v27 =	vld.idx.msk [tilespmem:v18+s1+$0x0], $0xffff  }
0x44e: {  	v29 =	vor.u32 $0x380, v35;
	v17 =	vor.u32 v24, v17;
	v18 =	vand.u32 $0x7F, v54;
	v33 =	vld.idx.msk [tilespmem:v59+s1+$0x0], $0xffff;
	[tilespmem:v60+s28+$0x0] =	vst.idx.msk $0xffff, v38  }
0x44f: {  	v35 =	vor.u32 $0x100, v16;
	v24 =	vor.u32 $0x380, v34;
	v18 =	vor.u32 v18, v30;
	v34 =	vld.idx.msk [tilespmem:v61+s1+$0x0], $0xffff;
	[tilespmem:v62+s28+$0x0] =	vst.idx.msk $0xffff, v43  }
0x450: {  	s2 =	simm.s32 $0x90;
	s6 =	simm.s32 $0x6;
	v22 =	vand.u32 $0x3C00, v11;
	v25 =	vor.u32 $0x300, v4;
	v30 =	vor.u32 $0x180, v18;
	v31 =	vld.idx.msk [tilespmem:v46+s1+$0x0], $0xffff;
	[tilespmem:v47+s28+$0x0] =	vst.idx.msk $0xffff, v63  }
.LBB2_11:
0x451: {  	s29 =	sadd.s32 $0xFFFFFFF0, s2;
	s6 =	sadd.s32 $0x2, s6;
	v38 =	vand.u32 $0x7F, v19;
	v19 =	vor.u32 s2, v0;
	v28 =	vld.idx.msk [tilespmem:v28+s1+$0x0], $0xffff;
	v39 =	vor.u32 $0x280, v5;
	[tilespmem:v26+s28+$0x0] =	vst.idx.msk $0xffff, v32;
	v40 =	vmovc v13  }
0x452: {  	v32 =	vmov s25;
	v41 =	vmovc v15;
	s25 =	smov.u32 s2;
	v13 =	vmov s29;
	v26 =	vor.u32 s29, v0;
	p0 =	slt.u32 s6, $0x60;
	v23 =	vld.idx.msk [tilespmem:v23+s1+$0x0], $0xffff  }
0x453: {  	v15 =	vshll.u32 v32, $0x3;
	v42 =	vshll.u32 v13, $0x3;
	v13 =	vand.u32 $0x6F, v20;
	v43 =	vld.idx.msk [tilespmem:v17+s1+$0x0], $0xffff;
	[tilespmem:v29+s28+$0x0] =	vst.idx.msk $0xffff, v27;
	v20 =	vmovc v26  }
0x454: {  	v29 =	vand.u32 $0x3C00, v15;
	v27 =	vor.u32 v13, v22;
	v22 =	vand.u32 $0x3C00, v42;
	v26 =	vld.idx.msk [tilespmem:v18+s1+$0x0], $0xffff;
	[tilespmem:v35+s28+$0x0] =	vst.idx.msk $0xffff, v33  }
0x455: {  	v32 =	vor.u32 $0x80, v17;
	v29 =	vor.u32 v38, v29;
	v33 =	vor.u32 $0x280, v27;
	v35 =	vld.idx.msk [tilespmem:v36+s1+$0x0], $0xffff;
	[tilespmem:v37+s28+$0x0] =	vst.idx.msk $0xffff, v34  }
0x456: {  	v13 =	vor.u32 v11, v13;
	v34 =	vor.u32 $0x80, v18;
	v36 =	vor.u32 $0x180, v16;
	v37 =	vld.idx.msk [tilespmem:v21+s1+$0x0], $0xffff;
	[tilespmem:v14+s28+$0x0] =	vst.idx.msk $0xffff, v31  }
0x457: {  	v44 =	vor.u32 $0x180, v10;
	v15 =	vor.u32 v38, v15;
	v38 =	vor.u32 $0x200, v7;
	v31 =	vld.idx.msk [tilespmem:v19+s26+$0x0], $0xffff;
	[tilespmem:v39+s28+$0x0] =	vst.idx.msk $0xffff, v28  }
0x458: {  	v45 =	vor.u32 $0x300, v3;
	v11 =	vmovc v42;
	v14 =	vmov v12;
	v28 =	vor.u32 $0x200, v9;
	v39 =	vld.idx.msk [tilespmem:v20+s26+$0x0], $0xffff;
	[tilespmem:v24+s28+$0x0] =	vst.idx.msk $0xffff, v23  }
0x459: {  	v12 =	vmov v33;
	v21 =	vmov v30;
	[tilespmem:v27+s28+$0x0] =	vst.idx.msk $0xffff, v43;
	v24 =	vld.idx.msk [tilespmem:v25+s1+$0x0], $0xffff  }
0x45a: {  	v30 =	vor.u32 $0x300, v5;
	v5 =	vmovc v10;
	v10 =	vmov v29;
	v25 =	vld.idx.msk [tilespmem:v32+s1+$0x0], $0xffff;
	[tilespmem:v29+s28+$0x0] =	vst.idx.msk $0xffff, v26;
	v26 =	vor.u32 $0x300, v8  }
0x45b: {  	v33 =	vor.u32 $0x380, v4;
	v23 =	vor.u32 $0x380, v3;
	v3 =	vmovc v7;
	v29 =	vor.u32 $0x80, v27;
	v34 =	vld.idx.msk [tilespmem:v34+s1+$0x0], $0xffff;
	[tilespmem:v36+s28+$0x0] =	vst.idx.msk $0xffff, v35  }
0x45c: {  	v4 =	vmovc v9;
	v7 =	vmov v17;
	v35 =	vor.u32 $0x100, v17;
	v36 =	vor.u32 $0x80, v10;
	v38 =	vld.idx.msk [tilespmem:v38+s1+$0x0], $0xffff;
	[tilespmem:v44+s28+$0x0] =	vst.idx.msk $0xffff, v37  }
0x45d: {  	v42 =	vor.u32 $0x200, v16;
	v16 =	vmovc v27;
	v9 =	vmovc v18;
	v17 =	vshll.u32 v31, $0x3;
	v37 =	vor.u32 $0x100, v18;
	v43 =	vld.idx.msk [tilespmem:v28+s1+$0x0], $0xffff  }
0x45e: {  	v46 =	vor.u32 $0x200, v5;
	v44 =	vor.u32 $0x280, v3;
	v18 =	vand.u32 $0xFFFFFC00, v17;
	v32 =	vld.idx.msk [tilespmem:v45+s1+$0x0], $0xffff  }
.Ltmp5:
0x45f: {  	v17 =	vshll.u32 v39, $0x3;
	v28 =	vor.u32 $0x280, v4;
	[tilespmem:v30+s28+$0x0] =	vst.idx.msk $0xffff, v24;
	(pc) =	sbr.rel @p0 .LBB2_11-.Ltmp5, $4  }
0x460: {  	v17 =	vand.u32 $0xFFFFFC00, v17;
	v24 =	vand.u32 $0x7F, v39;
	[tilespmem:v29+s28+$0x0] =	vst.idx.msk $0xffff, v25;
	v27 =	vld.idx.msk [tilespmem:v33+s1+$0x0], $0xffff;
	v29 =	vor.u32 $0x380, v6;
	v6 =	vmovc v41  }
0x461: {  	v17 =	vor.u32 v24, v17;
	v25 =	vand.u32 $0x7F, v31;
	v24 =	vor.u32 $0x380, v8;
	v33 =	vld.idx.msk [tilespmem:v35+s1+$0x0], $0xffff;
	[tilespmem:v36+s28+$0x0] =	vst.idx.msk $0xffff, v34  }
0x462: {  	v18 =	vor.u32 v25, v18;
	v35 =	vor.u32 $0x100, v16;
	v25 =	vor.u32 $0x300, v4;
	v34 =	vld.idx.msk [tilespmem:v37+s1+$0x0], $0xffff;
	[tilespmem:v42+s28+$0x0] =	vst.idx.msk $0xffff, v38  }
0x463: {  	s2 =	sadd.s32 $0x20, s2;
	v8 =	vmovc v40;
	v36 =	vor.u32 $0x180, v7;
	v30 =	vor.u32 $0x180, v18;
	v37 =	vor.u32 $0x100, v10;
	v31 =	vld.idx.msk [tilespmem:v44+s1+$0x0], $0xffff;
	[tilespmem:v46+s28+$0x0] =	vst.idx.msk $0xffff, v43  }
0x464: {  	_ =	sdelay $0x1  }
0x465: {  	v38 =	vmov s25  }
0x466: {  	v20 =	vand.u32 $0x6F, v20;
	v38 =	vshll.u32 v38, $0x3  }
0x467: {  	v19 =	vand.u32 $0x7F, v19;
	v41 =	vld.idx.msk [tilespmem:v17+s1+$0x0], $0xffff;
	v22 =	vor.u32 v20, v22;
	v39 =	vand.u32 $0x3C00, v38  }
0x468: {  	v40 =	vld.idx.msk [tilespmem:v18+s1+$0x0], $0xffff;
	v43 =	vor.u32 $0x80, v17;
	v39 =	vor.u32 v19, v39  }
0x469: {  	v42 =	vor.u32 $0x80, v18;
	_ =	sdelay $0x2  }
0x46a: {  	[tilespmem:v22+s28+$0x0] =	vst.idx.msk $0xffff, v41  }
0x46b: {  	v57 =	vor.u32 $0x80, v22;
	v56 =	vld.idx.msk [tilespmem:v43+s1+$0x0], $0xffff;
	[tilespmem:v39+s28+$0x0] =	vst.idx.msk $0xffff, v40  }
0x46c: {  	v45 =	vor.u32 $0x100, v17;
	v55 =	vor.u32 $0x80, v39;
	v40 =	vld.idx.msk [tilespmem:v42+s1+$0x0], $0xffff  }
0x46d: {  	v44 =	vor.u32 $0x100, v18;
	_ =	sdelay $0x2  }
0x46e: {  	[tilespmem:v57+s28+$0x0] =	vst.idx.msk $0xffff, v56  }
0x46f: {  	v59 =	vor.u32 $0x100, v22;
	v42 =	vld.idx.msk [tilespmem:v45+s1+$0x0], $0xffff;
	[tilespmem:v55+s28+$0x0] =	vst.idx.msk $0xffff, v40  }
0x470: {  	v60 =	vor.u32 $0x180, v17;
	v58 =	vor.u32 $0x100, v39;
	v40 =	vld.idx.msk [tilespmem:v44+s1+$0x0], $0xffff  }
0x471: {  	[tilespmem:v26+s28+$0x0] =	vst.idx.msk $0xffff, v32  }
0x472: {  	[tilespmem:v37+s28+$0x0] =	vst.idx.msk $0xffff, v34  }
0x473: {  	v61 =	vor.u32 $0x180, v10;
	[tilespmem:v35+s28+$0x0] =	vst.idx.msk $0xffff, v33;
	v21 =	vld.idx.msk [tilespmem:v21+s1+$0x0], $0xffff  }
0x474: {  	v63 =	vor.u32 $0x180, v16;
	v62 =	vld.idx.msk [tilespmem:v36+s1+$0x0], $0xffff;
	v45 =	vor.u32 $0x200, v9;
	[tilespmem:v59+s28+$0x0] =	vst.idx.msk $0xffff, v42  }
0x475: {  	v46 =	vor.u32 $0x200, v7;
	v49 =	vor.u32 $0x180, v22;
	v48 =	vld.idx.msk [tilespmem:v60+s1+$0x0], $0xffff;
	[tilespmem:v58+s28+$0x0] =	vst.idx.msk $0xffff, v40  }
0x476: {  	v26 =	vor.u32 $0x200, v17;
	[tilespmem:v29+s28+$0x0] =	vst.idx.msk $0xffff, v27;
	v47 =	vor.u32 $0x180, v39;
	v30 =	vld.idx.msk [tilespmem:v30+s1+$0x0], $0xffff  }
0x477: {  	v50 =	vor.u32 $0x200, v18;
	v28 =	vld.idx.msk [tilespmem:v28+s1+$0x0], $0xffff;
	[tilespmem:v14+s28+$0x0] =	vst.idx.msk $0xffff, v31;
	v56 =	vor.u32 $0x280, v5  }
0x478: {  	v23 =	vld.idx.msk [tilespmem:v23+s1+$0x0], $0xffff;
	[tilespmem:v61+s28+$0x0] =	vst.idx.msk $0xffff, v21  }
0x479: {  	v51 =	vor.u32 $0x200, v10;
	[tilespmem:v63+s28+$0x0] =	vst.idx.msk $0xffff, v62;
	v21 =	vld.idx.msk [tilespmem:v45+s1+$0x0], $0xffff  }
0x47a: {  	v16 =	vor.u32 $0x200, v16;
	v53 =	vor.u32 $0x280, v9;
	v52 =	vld.idx.msk [tilespmem:v46+s1+$0x0], $0xffff;
	[tilespmem:v49+s28+$0x0] =	vst.idx.msk $0xffff, v48  }
0x47b: {  	v27 =	vor.u32 $0x200, v22;
	v26 =	vld.idx.msk [tilespmem:v26+s1+$0x0], $0xffff;
	[tilespmem:v47+s28+$0x0] =	vst.idx.msk $0xffff, v30;
	v30 =	vor.u32 $0x280, v7  }
0x47c: {  	v14 =	vor.u32 $0x280, v17;
	v55 =	vor.u32 $0x200, v39;
	[tilespmem:v56+s28+$0x0] =	vst.idx.msk $0xffff, v28;
	v54 =	vld.idx.msk [tilespmem:v50+s1+$0x0], $0xffff  }
0x47d: {  	v29 =	vor.u32 $0x280, v18;
	[tilespmem:v24+s28+$0x0] =	vst.idx.msk $0xffff, v23;
	v5 =	vor.u32 $0x300, v5;
	v23 =	vld.idx.msk [tilespmem:v25+s1+$0x0], $0xffff  }
0x47e: {  	v4 =	vor.u32 $0x380, v4;
	[tilespmem:v51+s28+$0x0] =	vst.idx.msk $0xffff, v21  }
0x47f: {  	v31 =	vor.u32 $0x280, v10;
	[tilespmem:v16+s28+$0x0] =	vst.idx.msk $0xffff, v52;
	v21 =	vor.u32 $0x300, v3;
	v16 =	vld.idx.msk [tilespmem:v53+s1+$0x0], $0xffff  }
0x480: {  	v57 =	vor.u32 $0x300, v9;
	[tilespmem:v27+s28+$0x0] =	vst.idx.msk $0xffff, v26;
	v30 =	vld.idx.msk [tilespmem:v30+s1+$0x0], $0xffff  }
0x481: {  	v22 =	vor.u32 $0x280, v22;
	v58 =	vor.u32 $0x300, v7;
	v14 =	vld.idx.msk [tilespmem:v14+s1+$0x0], $0xffff;
	[tilespmem:v55+s28+$0x0] =	vst.idx.msk $0xffff, v54  }
0x482: {  	v24 =	vor.u32 $0x300, v17;
	[tilespmem:v5+s28+$0x0] =	vst.idx.msk $0xffff, v23;
	v27 =	vor.u32 $0x280, v39;
	v26 =	vld.idx.msk [tilespmem:v29+s1+$0x0], $0xffff  }
0x483: {  	v6 =	vor.u32 $0x380, v6;
	v28 =	vor.u32 $0x300, v18;
	v4 =	vld.idx.msk [tilespmem:v4+s1+$0x0], $0xffff  }
0x484: {  	v25 =	vor.u32 $0x300, v8;
	v21 =	vld.idx.msk [tilespmem:v21+s1+$0x0], $0xffff;
	[tilespmem:v31+s28+$0x0] =	vst.idx.msk $0xffff, v16  }
0x485: {  	v10 =	vor.u32 $0x300, v10;
	v3 =	vor.u32 $0x380, v3;
	[tilespmem:v12+s28+$0x0] =	vst.idx.msk $0xffff, v30;
	v12 =	vld.idx.msk [tilespmem:v57+s1+$0x0], $0xffff  }
0x486: {  	v11 =	vor.u32 v11, v20;
	v9 =	vor.u32 $0x380, v9;
	v16 =	vor.u32 $0x300, v13;
	[tilespmem:v22+s28+$0x0] =	vst.idx.msk $0xffff, v14;
	v29 =	vld.idx.msk [tilespmem:v58+s1+$0x0], $0xffff  }
0x487: {  	v5 =	vor.u32 $0x300, v11;
	v7 =	vor.u32 $0x380, v7;
	v22 =	vld.idx.msk [tilespmem:v24+s1+$0x0], $0xffff;
	[tilespmem:v27+s28+$0x0] =	vst.idx.msk $0xffff, v26  }
0x488: {  	v20 =	vor.u32 $0x300, v39;
	v17 =	vor.u32 $0x380, v17;
	[tilespmem:v6+s28+$0x0] =	vst.idx.msk $0xffff, v4;
	v14 =	vld.idx.msk [tilespmem:v28+s1+$0x0], $0xffff  }
0x489: {  	v18 =	vor.u32 $0x380, v18;
	[tilespmem:v25+s28+$0x0] =	vst.idx.msk $0xffff, v21  }
0x48a: {  	v8 =	vor.u32 $0x380, v8;
	v3 =	vld.idx.msk [tilespmem:v3+s1+$0x0], $0xffff;
	[tilespmem:v10+s28+$0x0] =	vst.idx.msk $0xffff, v12  }
0x48b: {  	v10 =	vor.u32 $0x380, v15;
	v9 =	vld.idx.msk [tilespmem:v9+s1+$0x0], $0xffff;
	[tilespmem:v16+s28+$0x0] =	vst.idx.msk $0xffff, v29  }
0x48c: {  	v13 =	vor.u32 $0x380, v13;
	[tilespmem:v5+s28+$0x0] =	vst.idx.msk $0xffff, v22;
	v7 =	vld.idx.msk [tilespmem:v7+s1+$0x0], $0xffff  }
0x48d: {  	v4 =	vor.u32 $0x380, v11;
	v12 =	vor.u32 v19, v38;
	v5 =	vld.idx.msk [tilespmem:v17+s1+$0x0], $0xffff;
	[tilespmem:v20+s28+$0x0] =	vst.idx.msk $0xffff, v14  }
0x48e: {  	v12 =	vor.u32 $0x380, v12;
	v14 =	vld.idx.msk [tilespmem:v18+s1+$0x0], $0xffff  }
0x48f: {  	[tilespmem:v8+s28+$0x0] =	vst.idx.msk $0xffff, v3  }
0x490: {  	[tilespmem:v10+s28+$0x0] =	vst.idx.msk $0xffff, v9  }
0x491: {  	[tilespmem:v13+s28+$0x0] =	vst.idx.msk $0xffff, v7  }
0x492: {  	[tilespmem:v4+s28+$0x0] =	vst.idx.msk $0xffff, v5  }
0x493: {  	[tilespmem:v12+s28+$0x0] =	vst.idx.msk $0xffff, v14  }
0x494: {  	s9 =	simm.s32 $0x0;
	s6 =	simm.s32 $0x3;
	s2 =	rddreg [dreg:$0x17]  }
0x495: {  	[hbm4b:s2+s9] =	stream.linear.scatter [tilespmem:s28], [sflag:$0xB], $0x3400, $0x38;
	[tilespmem:$0x1EF00] =	vst v63  }
0x496: {  	_ =	swait.ge [sflag:s6], $0x4000  }
0x497: {  	[sflag:s6] =	ssyncset.done $0x0  }
0x498: {  	s25 =	simm.s32 $0x7;
	[sflag:s6] =	ssyncadd.s32 $0xFFFFC000  }
0x499: {  	_ =	swait.ge [sflag:s25], $0x4000  }
0x49a: {  	[sflag:s25] =	ssyncset.done $0x0  }
0x49b: {  	[sflag:s25] =	ssyncadd.s32 $0xFFFFC000  }
0x49c: {  	v3 =	vld.msk [tilespmem:$0x30], $0xff;
	_ =	sdelay $0x4  }
0x49d: {  	v4 =	vshll.u32 v3, $0x4  }
0x49e: {  	v3 =	vand.u32 $0x7, v3;
	v4 =	vand.u32 $0xFFFFFF80, v4  }
0x49f: {  	v3 =	vor.u32 v3, v4  }
0x4a0: {  	v3 =	vperm.xlane v3, v1;
	_ =	sdelay $0x1  }
0x4a1: {  	v3 =	vadd.s32 v2, v3;
	_ =	sdelay $0x3  }
0x4a2: {  	s6 =	simm.s32 $0x700;
	s2 =	rddreg [dreg:$0x0]  }
0x4a3: {  	[tilespmem:s6], [sflag:$0x1] =	stream.indirect_vreg.gather [hbm4b:s2+s9], $0x80, v3, vm0, $0xb8;
	[tilespmem:$0x1EF00] =	vst v63  }
0x4a4: {  	s3 =	simm.s32 $0xF00;
	s29 =	rddreg [dreg:$0x1e]  }
0x4a5: {  	[tilespmem:s3], [sflag:$0x1] =	stream.indirect_vreg.gather [hbm4b:s29+s9], $0x80, v3, vm0, $0xb8;
	[tilespmem:$0x1EF00] =	vst v63  }
0x4a6: {  	s25 =	simm.s32 $0x1700;
	s3 =	sld [smem:$0x7F7]  }
0x4a7: {  	[tilespmem:s25], [sflag:$0x1] =	stream.indirect_vreg.gather [hbm4b:s7+s9], $0x80, v3, vm0, $0xb8;
	[tilespmem:$0x1EF00] =	vst v63  }
0x4a8: {  	s29 =	simm.s32 $0x1F00;
	s25 =	sld [smem:$0x7F8]  }
0x4a9: {  	[tilespmem:s29], [sflag:$0x1] =	stream.indirect_vreg.gather [hbm4b:s3+s9], $0x80, v3, vm0, $0xb8;
	[tilespmem:$0x1EF00] =	vst v63  }
0x4aa: {  	s6 =	simm.s32 $0x2700  }
0x4ab: {  	[tilespmem:s6], [sflag:$0x1] =	stream.indirect_vreg.gather [hbm4b:s25+s9], $0x80, v3, vm0, $0xb8;
	[tilespmem:$0x1EF00] =	vst v63  }
0x4ac: {  	s29 =	simm.s32 $0x2F00;
	s6 =	sld [smem:$0x7F9]  }
0x4ad: {  	[tilespmem:s29], [sflag:$0x1] =	stream.indirect_vreg.gather [hbm4b:s8+s9], $0x80, v3, vm0, $0xb8;
	[tilespmem:$0x1EF00] =	vst v63  }
0x4ae: {  	s3 =	simm.s32 $0x3700;
	s29 =	sld [smem:$0x7FA]  }
0x4af: {  	[tilespmem:s3], [sflag:$0x1] =	stream.indirect_vreg.gather [hbm4b:s6+s9], $0x80, v3, vm0, $0xb8;
	[tilespmem:$0x1EF00] =	vst v63  }
0x4b0: {  	s25 =	simm.s32 $0x3F00  }
0x4b1: {  	[tilespmem:s25], [sflag:$0x1] =	stream.indirect_vreg.gather [hbm4b:s29+s9], $0x80, v3, vm0, $0xb8;
	[tilespmem:$0x1EF00] =	vst v63  }
0x4b2: {  	v3 =	vld.msk [tilespmem:$0x30], $0xff;
	_ =	sdelay $0x4  }
0x4b3: {  	v4 =	vshll.u32 v3, $0x4  }
0x4b4: {  	v3 =	vand.u32 $0x7, v3;
	v4 =	vand.u32 $0xFFFFFF80, v4  }
0x4b5: {  	v3 =	vor.u32 v3, v4  }
0x4b6: {  	v3 =	vperm.xlane v3, v1;
	_ =	sdelay $0x1  }
0x4b7: {  	v3 =	vadd.s32 v2, v3;
	_ =	sdelay $0x3  }
0x4b8: {  	s6 =	rddreg [dreg:$0x1]  }
0x4b9: {  	[tilespmem:s24], [sflag:$0x5] =	stream.indirect_vreg.gather [hbm4b:s6+s9], $0x80, v3, vm0, $0xb8;
	[tilespmem:$0x1EF00] =	vst v63  }
0x4ba: {  	s25 =	simm.s32 $0x8F00  }
0x4bb: {  	[tilespmem:s25], [sflag:$0x5] =	stream.indirect_vreg.gather [hbm4b:s11+s9], $0x80, v3, vm0, $0xb8;
	[tilespmem:$0x1EF00] =	vst v63  }
0x4bc: {  	s29 =	simm.s32 $0x9700;
	s6 =	sld [smem:$0x7FB]  }
0x4bd: {  	[tilespmem:s29], [sflag:$0x5] =	stream.indirect_vreg.gather [hbm4b:s12+s9], $0x80, v3, vm0, $0xb8;
	[tilespmem:$0x1EF00] =	vst v63  }
0x4be: {  	s3 =	simm.s32 $0x9F00  }
0x4bf: {  	[tilespmem:s3], [sflag:$0x5] =	stream.indirect_vreg.gather [hbm4b:s6+s9], $0x80, v3, vm0, $0xb8;
	[tilespmem:$0x1EF00] =	vst v63  }
0x4c0: {  	s25 =	simm.s32 $0xA700  }
0x4c1: {  	[tilespmem:s25], [sflag:$0x5] =	stream.indirect_vreg.gather [hbm4b:s14+s9], $0x80, v3, vm0, $0xb8;
	[tilespmem:$0x1EF00] =	vst v63  }
0x4c2: {  	s29 =	simm.s32 $0xAF00  }
0x4c3: {  	[tilespmem:s29], [sflag:$0x5] =	stream.indirect_vreg.gather [hbm4b:s15+s9], $0x80, v3, vm0, $0xb8;
	[tilespmem:$0x1EF00] =	vst v63  }
0x4c4: {  	s3 =	simm.s32 $0xB700  }
0x4c5: {  	[tilespmem:s3], [sflag:$0x5] =	stream.indirect_vreg.gather [hbm4b:s19+s9], $0x80, v3, vm0, $0xb8;
	[tilespmem:$0x1EF00] =	vst v63  }
0x4c6: {  	s6 =	simm.s32 $0xBF00  }
0x4c7: {  	[tilespmem:s6], [sflag:$0x5] =	stream.indirect_vreg.gather [hbm4b:s17+s9], $0x80, v3, vm0, $0xb8;
	[tilespmem:$0x1EF00] =	vst v63  }
0x4c8: {  	v3 =	vld.msk [tilespmem:$0x30], $0xff;
	_ =	sdelay $0x4  }
0x4c9: {  	v4 =	vshll.u32 v3, $0x4  }
0x4ca: {  	v3 =	vand.u32 $0x7, v3;
	v4 =	vand.u32 $0xFFFFFF80, v4  }
0x4cb: {  	v3 =	vor.u32 v3, v4  }
0x4cc: {  	v3 =	vperm.xlane v3, v1;
	_ =	sdelay $0x1  }
0x4cd: {  	v3 =	vadd.s32 v2, v3;
	_ =	sdelay $0x3  }
0x4ce: {  	s25 =	rddreg [dreg:$0x2]  }
0x4cf: {  	[tilespmem:s1], [sflag:$0x9] =	stream.indirect_vreg.gather [hbm4b:s25+s9], $0x80, v3, vm0, $0xb8;
	[tilespmem:$0x1EF00] =	vst v63  }
0x4d0: {  	s29 =	simm.s32 $0x10F00  }
0x4d1: {  	[tilespmem:s29], [sflag:$0x9] =	stream.indirect_vreg.gather [hbm4b:s18+s9], $0x80, v3, vm0, $0xb8;
	[tilespmem:$0x1EF00] =	vst v63  }
0x4d2: {  	_ = 	snop  }
0x4d3: {  	[tilespmem:s13], [sflag:$0x9] =	stream.indirect_vreg.gather [hbm4b:s5+s9], $0x80, v3, vm0, $0xb8;
	[tilespmem:$0x1EF00] =	vst v63  }
0x4d4: {  	s13 =	simm.s32 $0x0  }
0x4d5: {  	[tilespmem:s30], [sflag:$0x9] =	stream.indirect_vreg.gather [hbm4b:s20+s13], $0x80, v3, vm0, $0xb8;
	[tilespmem:$0x1EF00] =	vst v63  }
0x4d6: {  	s3 =	simm.s32 $0x12700  }
0x4d7: {  	[tilespmem:s3], [sflag:$0x9] =	stream.indirect_vreg.gather [hbm4b:s21+s13], $0x80, v3, vm0, $0xb8;
	[tilespmem:$0x1EF00] =	vst v63  }
0x4d8: {  	_ = 	snop  }
0x4d9: {  	[tilespmem:s16], [sflag:$0x9] =	stream.indirect_vreg.gather [hbm4b:s10+s13], $0x80, v3, vm0, $0xb8;
	[tilespmem:$0x1EF00] =	vst v63  }
0x4da: {  	s6 =	sld [smem:$0x7FC]  }
0x4db: {  	[tilespmem:s4], [sflag:$0x9] =	stream.indirect_vreg.gather [hbm4b:s23+s13], $0x80, v3, vm0, $0xb8;
	[tilespmem:$0x1EF00] =	vst v63  }
0x4dc: {  	s9 =	simm.s32 $0x13F00;
	s16 =	simm.s32 $0x2  }
0x4dd: {  	[tilespmem:s9], [sflag:$0x9] =	stream.indirect_vreg.gather [hbm4b:s6+s13], $0x80, v3, vm0, $0xb8;
	[tilespmem:$0x1EF00] =	vst v63  }
0x4de: {  	_ =	swait.ge [sflag:s16], $0x4000  }
0x4df: {  	[sflag:s16] =	ssyncset.done $0x0  }
0x4e0: {  	s25 =	simm.s32 $0x6;
	s21 =	rddreg [dreg:$0x18];
	[sflag:s16] =	ssyncadd.s32 $0xFFFFC000  }
0x4e1: {  	[hbm4b:s21+s13] =	stream.linear.scatter [tilespmem:s22], [sflag:$0x4], $0x4000, $0x38;
	[tilespmem:$0x1EF00] =	vst v63  }
0x4e2: {  	_ =	swait.ge [sflag:s25], $0x4000  }
0x4e3: {  	s30 =	simm.s32 $0xC700;
	[sflag:s25] =	ssyncset.done $0x0  }
0x4e4: {  	s4 =	simm.s32 $0xA;
	s29 =	rddreg [dreg:$0x19];
	[sflag:s25] =	ssyncadd.s32 $0xFFFFC000  }
0x4e5: {  	[hbm4b:s29+s13] =	stream.linear.scatter [tilespmem:s30], [sflag:$0x8], $0x4000, $0x38;
	[tilespmem:$0x1EF00] =	vst v63  }
0x4e6: {  	s6 =	simm.s32 $0x0;
	_ =	swait.ge [sflag:s4], $0x4000  }
0x4e7: {  	s9 =	simm.s32 $0x10;
	v3 =	vor.u32 s6, v0;
	[sflag:s4] =	ssyncset.done $0x0  }
0x4e8: {  	v4 =	vor.u32 s9, v0;
	[sflag:s4] =	ssyncadd.s32 $0xFFFFC000;
	s4 =	simm.s32 $0xC  }
0x4e9: {  	_ =	swait.ge [sflag:s4], $0x3400  }
0x4ea: {  	[sflag:s4] =	ssyncset.done $0x0  }
0x4eb: {  	[sflag:s4] =	ssyncadd.s32 $0xFFFFCC00  }
0x4ec: {  	v5 =	vld.idx.msk [tilespmem:v3+s26+$0x0], $0xffff  }
0x4ed: {  	v6 =	vld.idx.msk [tilespmem:v4+s26+$0x0], $0xffff;
	_ =	sdelay $0x3  }
0x4ee: {  	v7 =	vshll.u32 v5, $0x3  }
0x4ef: {  	v8 =	vshll.u32 v6, $0x3;
	v5 =	vand.u32 $0x7F, v5;
	v7 =	vand.u32 $0xFFFFFC00, v7  }
0x4f0: {  	v8 =	vand.u32 $0xFFFFFC00, v8;
	v17 =	vor.u32 v5, v7;
	v5 =	vand.u32 $0x7F, v6  }
0x4f1: {  	v18 =	vor.u32 v5, v8  }
0x4f2: {  	v10 =	vand.u32 $0x6F, v3;
	v6 =	vmov s6  }
0x4f3: {  	v11 =	vand.u32 $0x7F, v4;
	s21 =	simm.s32 $0x20;
	v6 =	vshll.u32 v6, $0x3;
	v8 =	vmov s9  }
0x4f4: {  	s16 =	simm.s32 $0x30;
	v9 =	vor.u32 s21, v0;
	v5 =	vand.u32 $0x3C00, v6;
	v8 =	vshll.u32 v8, $0x3  }
0x4f5: {  	v7 =	vor.u32 s16, v0;
	v12 =	vor.u32 v10, v5;
	v4 =	vand.u32 $0x3C00, v8;
	v3 =	vld.idx.msk [tilespmem:v17+s31+$0x0], $0xffff  }
0x4f6: {  	v13 =	vor.u32 $0x80, v17;
	v15 =	vor.u32 v11, v4;
	v5 =	vld.idx.msk [tilespmem:v18+s31+$0x0], $0xffff  }
0x4f7: {  	v4 =	vor.u32 $0x80, v18;
	_ =	sdelay $0x1  }
0x4f8: {  	v14 =	vld.idx.msk [tilespmem:v9+s26+$0x0], $0xffff  }
0x4f9: {  	v16 =	vld.idx.msk [tilespmem:v7+s26+$0x0], $0xffff;
	[tilespmem:v12+s0+$0x0] =	vst.idx.msk $0xffff, v3  }
0x4fa: {  	v3 =	vld.idx.msk [tilespmem:v13+s31+$0x0], $0xffff;
	[tilespmem:v15+s0+$0x0] =	vst.idx.msk $0xffff, v5;
	v5 =	vor.u32 $0x80, v12  }
0x4fb: {  	v19 =	vor.u32 $0x80, v15;
	v13 =	vor.u32 $0x100, v17;
	v4 =	vld.idx.msk [tilespmem:v4+s31+$0x0], $0xffff  }
0x4fc: {  	s29 =	simm.s32 $0x40;
	v20 =	vor.u32 $0x100, v18  }
0x4fd: {  	v25 =	vor.u32 s29, v0;
	v21 =	vshll.u32 v14, $0x3  }
0x4fe: {  	v14 =	vand.u32 $0x7F, v14;
	v21 =	vand.u32 $0xFFFFFC00, v21;
	v22 =	vshll.u32 v16, $0x3  }
0x4ff: {  	v22 =	vand.u32 $0xFFFFFC00, v22;
	[tilespmem:v5+s0+$0x0] =	vst.idx.msk $0xffff, v3;
	v3 =	vor.u32 v14, v21;
	v5 =	vand.u32 $0x7F, v16  }
0x500: {  	v24 =	vmov s16;
	v13 =	vld.idx.msk [tilespmem:v13+s31+$0x0], $0xffff;
	[tilespmem:v19+s0+$0x0] =	vst.idx.msk $0xffff, v4;
	v4 =	vor.u32 v5, v22;
	v5 =	vor.u32 $0x100, v12  }
0x501: {  	s22 =	simm.s32 $0x50;
	v14 =	vmov s21;
	v19 =	vor.u32 $0x180, v17;
	v16 =	vld.idx.msk [tilespmem:v20+s31+$0x0], $0xffff;
	v20 =	vor.u32 $0x100, v15  }
0x502: {  	v23 =	vor.u32 s22, v0;
	v21 =	vor.u32 $0x180, v18;
	v14 =	vshll.u32 v14, $0x3  }
0x503: {  	v24 =	vshll.u32 v24, $0x3;
	v26 =	vand.u32 $0x6F, v9;
	v31 =	vld.idx.msk [tilespmem:v25+s26+$0x0], $0xffff;
	v22 =	vand.u32 $0x3C00, v14  }
0x504: {  	v27 =	vand.u32 $0x7F, v7;
	v28 =	vor.u32 v26, v22;
	v22 =	vand.u32 $0x3C00, v24;
	v9 =	vld.idx.msk [tilespmem:v3+s31+$0x0], $0xffff  }
0x505: {  	v7 =	vld.idx.msk [tilespmem:v4+s31+$0x0], $0xffff;
	[tilespmem:v5+s0+$0x0] =	vst.idx.msk $0xffff, v13;
	v13 =	vor.u32 $0x80, v3;
	v5 =	vor.u32 v27, v22  }
0x506: {  	v19 =	vld.idx.msk [tilespmem:v19+s31+$0x0], $0xffff;
	[tilespmem:v20+s0+$0x0] =	vst.idx.msk $0xffff, v16;
	v16 =	vor.u32 $0x80, v4;
	v20 =	vor.u32 $0x180, v12  }
0x507: {  	v29 =	vor.u32 $0x200, v17;
	v30 =	vor.u32 $0x180, v15;
	v21 =	vld.idx.msk [tilespmem:v21+s31+$0x0], $0xffff  }
0x508: {  	v59 =	vor.u32 $0x200, v18  }
0x509: {  	v25 =	vand.u32 $0x6F, v25;
	v60 =	vshll.u32 v31, $0x3;
	v34 =	vor.u32 v6, v10;
	v22 =	vld.idx.msk [tilespmem:v23+s26+$0x0], $0xffff;
	[tilespmem:v28+s0+$0x0] =	vst.idx.msk $0xffff, v9  }
0x50a: {  	v6 =	vmov s29;
	v35 =	vor.u32 v11, v8;
	v8 =	vld.idx.msk [tilespmem:v13+s31+$0x0], $0xffff;
	[tilespmem:v5+s0+$0x0] =	vst.idx.msk $0xffff, v7;
	v7 =	vor.u32 $0x80, v28  }
0x50b: {  	v10 =	vor.u32 $0x80, v5;
	v9 =	vor.u32 $0x100, v3;
	v13 =	vshll.u32 v6, $0x3;
	v6 =	vld.idx.msk [tilespmem:v16+s31+$0x0], $0xffff;
	[tilespmem:v20+s0+$0x0] =	vst.idx.msk $0xffff, v19  }
0x50c: {  	v33 =	vor.u32 $0x280, v12;
	v12 =	vor.u32 $0x200, v12;
	v20 =	vor.u32 $0x100, v4;
	v16 =	vld.idx.msk [tilespmem:v29+s31+$0x0], $0xffff;
	[tilespmem:v30+s0+$0x0] =	vst.idx.msk $0xffff, v21  }
0x50d: {  	v31 =	vand.u32 $0x7F, v31;
	v29 =	vor.u32 $0x280, v17;
	v30 =	vor.u32 $0x200, v15;
	v21 =	vld.idx.msk [tilespmem:v59+s31+$0x0], $0xffff  }
0x50e: {  	v32 =	vand.u32 $0xFFFFFC00, v60;
	v61 =	vor.u32 $0x280, v18;
	v19 =	vshll.u32 v22, $0x3  }
0x50f: {  	v19 =	vand.u32 $0xFFFFFC00, v19;
	[tilespmem:v7+s0+$0x0] =	vst.idx.msk $0xffff, v8;
	v7 =	vor.u32 v31, v32;
	v8 =	vand.u32 $0x7F, v22  }
0x510: {  	s25 =	simm.s32 $0x70;
	v57 =	vor.u32 $0x300, v15;
	v11 =	vor.u32 $0x180, v4;
	v31 =	vld.idx.msk [tilespmem:v9+s31+$0x0], $0xffff;
	[tilespmem:v10+s0+$0x0] =	vst.idx.msk $0xffff, v6;
	v9 =	vor.u32 v8, v19  }
0x511: {  	v10 =	vor.u32 $0x100, v28;
	v8 =	vor.u32 v14, v26;
	v19 =	vor.u32 s25, v0;
	v26 =	vld.idx.msk [tilespmem:v20+s31+$0x0], $0xffff;
	[tilespmem:v12+s0+$0x0] =	vst.idx.msk $0xffff, v16  }
0x512: {  	v62 =	vor.u32 $0x100, v5;
	v6 =	vor.u32 v27, v24;
	v12 =	vor.u32 $0x180, v3;
	v27 =	vld.idx.msk [tilespmem:v29+s31+$0x0], $0xffff;
	[tilespmem:v30+s0+$0x0] =	vst.idx.msk $0xffff, v21  }
0x513: {  	s30 =	simm.s32 $0x60;
	v23 =	vand.u32 $0x7F, v23;
	v22 =	vand.u32 $0x3C00, v13;
	v16 =	vmov s22;
	v29 =	vld.idx.msk [tilespmem:v61+s31+$0x0], $0xffff  }
0x514: {  	v20 =	vor.u32 s30, v0;
	v30 =	vor.u32 $0x280, v15;
	v48 =	vshll.u32 v16, $0x3;
	v63 =	vld.idx.msk [tilespmem:v7+s31+$0x0], $0xffff  }
0x515: {  	v24 =	vor.u32 $0x300, v18;
	v16 =	vor.u32 v25, v22;
	v22 =	vand.u32 $0x3C00, v48;
	v49 =	vld.idx.msk [tilespmem:v9+s31+$0x0], $0xffff  }
0x516: {  	v55 =	vor.u32 $0x200, v3;
	[tilespmem:v10+s0+$0x0] =	vst.idx.msk $0xffff, v31;
	v31 =	vor.u32 $0x80, v7;
	v10 =	vor.u32 v23, v22;
	v54 =	vld.idx.msk [tilespmem:v19+s26+$0x0], $0xffff  }
0x517: {  	v46 =	vor.u32 $0x280, v3;
	v52 =	vor.u32 $0x180, v28;
	v51 =	vor.u32 $0x80, v9;
	v50 =	vld.idx.msk [tilespmem:v12+s31+$0x0], $0xffff;
	[tilespmem:v62+s0+$0x0] =	vst.idx.msk $0xffff, v26  }
0x518: {  	v56 =	vor.u32 $0x180, v5;
	v47 =	vor.u32 $0x200, v5;
	v13 =	vor.u32 v13, v25;
	v53 =	vld.idx.msk [tilespmem:v11+s31+$0x0], $0xffff  }
0x519: {  	v14 =	vor.u32 $0x280, v28;
	v18 =	vor.u32 $0x380, v18;
	[tilespmem:v30+s0+$0x0] =	vst.idx.msk $0xffff, v29;
	v29 =	vld.idx.msk [tilespmem:v20+s26+$0x0], $0xffff;
	v30 =	vor.u32 $0x200, v4  }
0x51a: {  	v59 =	vor.u32 $0x100, v7;
	v36 =	vor.u32 $0x180, v7;
	v25 =	vor.u32 $0x300, v17;
	[tilespmem:v16+s0+$0x0] =	vst.idx.msk $0xffff, v63;
	v24 =	vld.idx.msk [tilespmem:v24+s31+$0x0], $0xffff  }
0x51b: {  	v21 =	vor.u32 $0x180, v9;
	v15 =	vor.u32 v23, v48;
	v58 =	vor.u32 $0x80, v16;
	v31 =	vld.idx.msk [tilespmem:v31+s31+$0x0], $0xffff;
	[tilespmem:v10+s0+$0x0] =	vst.idx.msk $0xffff, v49  }
0x51c: {  	v61 =	vor.u32 $0x100, v9;
	v23 =	vor.u32 $0x380, v17;
	v60 =	vor.u32 $0x80, v10;
	v38 =	vld.idx.msk [tilespmem:v51+s31+$0x0], $0xffff;
	[tilespmem:v52+s0+$0x0] =	vst.idx.msk $0xffff, v50  }
0x51d: {  	v12 =	vmov s30;
	v26 =	vor.u32 $0x300, v34;
	v62 =	vor.u32 $0x200, v28;
	v43 =	vld.idx.msk [tilespmem:v55+s31+$0x0], $0xffff;
	[tilespmem:v56+s0+$0x0] =	vst.idx.msk $0xffff, v53  }
0x51e: {  	v28 =	vor.u32 $0x280, v4;
	v37 =	vor.u32 $0x100, v10;
	[tilespmem:v33+s0+$0x0] =	vst.idx.msk $0xffff, v27;
	v17 =	vshll.u32 v54, $0x3;
	v63 =	vld.idx.msk [tilespmem:v30+s31+$0x0], $0xffff  }
0x51f: {  	v11 =	vshll.u32 v12, $0x3;
	v32 =	vld.idx.msk [tilespmem:v25+s31+$0x0], $0xffff;
	v30 =	vand.u32 $0xFFFFFC00, v17;
	v17 =	vshll.u32 v29, $0x3;
	[tilespmem:v57+s0+$0x0] =	vst.idx.msk $0xffff, v24  }
0x520: {  	v12 =	vor.u32 $0x280, v16;
	v24 =	vand.u32 $0x7F, v29;
	v17 =	vand.u32 $0xFFFFFC00, v17;
	[tilespmem:v58+s0+$0x0] =	vst.idx.msk $0xffff, v31;
	v27 =	vld.idx.msk [tilespmem:v18+s31+$0x0], $0xffff  }
0x521: {  	v29 =	vor.u32 $0x380, v35;
	v17 =	vor.u32 v24, v17;
	v18 =	vand.u32 $0x7F, v54;
	v33 =	vld.idx.msk [tilespmem:v59+s31+$0x0], $0xffff;
	[tilespmem:v60+s0+$0x0] =	vst.idx.msk $0xffff, v38  }
0x522: {  	v35 =	vor.u32 $0x100, v16;
	v24 =	vor.u32 $0x380, v34;
	v18 =	vor.u32 v18, v30;
	v34 =	vld.idx.msk [tilespmem:v61+s31+$0x0], $0xffff;
	[tilespmem:v62+s0+$0x0] =	vst.idx.msk $0xffff, v43  }
0x523: {  	s2 =	simm.s32 $0x90;
	s6 =	simm.s32 $0x6;
	v22 =	vand.u32 $0x3C00, v11;
	v25 =	vor.u32 $0x300, v4;
	v30 =	vor.u32 $0x180, v18;
	v31 =	vld.idx.msk [tilespmem:v46+s31+$0x0], $0xffff;
	[tilespmem:v47+s0+$0x0] =	vst.idx.msk $0xffff, v63  }
.LBB2_13:
0x524: {  	s29 =	sadd.s32 $0xFFFFFFF0, s2;
	s6 =	sadd.s32 $0x2, s6;
	v38 =	vand.u32 $0x7F, v19;
	v19 =	vor.u32 s2, v0;
	v28 =	vld.idx.msk [tilespmem:v28+s31+$0x0], $0xffff;
	v39 =	vor.u32 $0x280, v5;
	[tilespmem:v26+s0+$0x0] =	vst.idx.msk $0xffff, v32;
	v40 =	vmovc v13  }
0x525: {  	v32 =	vmov s25;
	v41 =	vmovc v15;
	s25 =	smov.u32 s2;
	v13 =	vmov s29;
	v26 =	vor.u32 s29, v0;
	p0 =	slt.u32 s6, $0x60;
	v23 =	vld.idx.msk [tilespmem:v23+s31+$0x0], $0xffff  }
0x526: {  	v15 =	vshll.u32 v32, $0x3;
	v42 =	vshll.u32 v13, $0x3;
	v13 =	vand.u32 $0x6F, v20;
	v43 =	vld.idx.msk [tilespmem:v17+s31+$0x0], $0xffff;
	[tilespmem:v29+s0+$0x0] =	vst.idx.msk $0xffff, v27;
	v20 =	vmovc v26  }
0x527: {  	v29 =	vand.u32 $0x3C00, v15;
	v27 =	vor.u32 v13, v22;
	v22 =	vand.u32 $0x3C00, v42;
	v26 =	vld.idx.msk [tilespmem:v18+s31+$0x0], $0xffff;
	[tilespmem:v35+s0+$0x0] =	vst.idx.msk $0xffff, v33  }
0x528: {  	v32 =	vor.u32 $0x80, v17;
	v29 =	vor.u32 v38, v29;
	v33 =	vor.u32 $0x280, v27;
	v35 =	vld.idx.msk [tilespmem:v36+s31+$0x0], $0xffff;
	[tilespmem:v37+s0+$0x0] =	vst.idx.msk $0xffff, v34  }
0x529: {  	v13 =	vor.u32 v11, v13;
	v34 =	vor.u32 $0x80, v18;
	v36 =	vor.u32 $0x180, v16;
	v37 =	vld.idx.msk [tilespmem:v21+s31+$0x0], $0xffff;
	[tilespmem:v14+s0+$0x0] =	vst.idx.msk $0xffff, v31  }
0x52a: {  	v44 =	vor.u32 $0x180, v10;
	v15 =	vor.u32 v38, v15;
	v38 =	vor.u32 $0x200, v7;
	v31 =	vld.idx.msk [tilespmem:v19+s26+$0x0], $0xffff;
	[tilespmem:v39+s0+$0x0] =	vst.idx.msk $0xffff, v28  }
0x52b: {  	v45 =	vor.u32 $0x300, v3;
	v11 =	vmovc v42;
	v14 =	vmov v12;
	v28 =	vor.u32 $0x200, v9;
	v39 =	vld.idx.msk [tilespmem:v20+s26+$0x0], $0xffff;
	[tilespmem:v24+s0+$0x0] =	vst.idx.msk $0xffff, v23  }
0x52c: {  	v12 =	vmov v33;
	v21 =	vmov v30;
	[tilespmem:v27+s0+$0x0] =	vst.idx.msk $0xffff, v43;
	v24 =	vld.idx.msk [tilespmem:v25+s31+$0x0], $0xffff  }
0x52d: {  	v30 =	vor.u32 $0x300, v5;
	v5 =	vmovc v10;
	v10 =	vmov v29;
	v25 =	vld.idx.msk [tilespmem:v32+s31+$0x0], $0xffff;
	[tilespmem:v29+s0+$0x0] =	vst.idx.msk $0xffff, v26;
	v26 =	vor.u32 $0x300, v8  }
0x52e: {  	v33 =	vor.u32 $0x380, v4;
	v23 =	vor.u32 $0x380, v3;
	v3 =	vmovc v7;
	v29 =	vor.u32 $0x80, v27;
	v34 =	vld.idx.msk [tilespmem:v34+s31+$0x0], $0xffff;
	[tilespmem:v36+s0+$0x0] =	vst.idx.msk $0xffff, v35  }
0x52f: {  	v4 =	vmovc v9;
	v7 =	vmov v17;
	v35 =	vor.u32 $0x100, v17;
	v36 =	vor.u32 $0x80, v10;
	v38 =	vld.idx.msk [tilespmem:v38+s31+$0x0], $0xffff;
	[tilespmem:v44+s0+$0x0] =	vst.idx.msk $0xffff, v37  }
0x530: {  	v42 =	vor.u32 $0x200, v16;
	v16 =	vmovc v27;
	v9 =	vmovc v18;
	v17 =	vshll.u32 v31, $0x3;
	v37 =	vor.u32 $0x100, v18;
	v43 =	vld.idx.msk [tilespmem:v28+s31+$0x0], $0xffff  }
0x531: {  	v46 =	vor.u32 $0x200, v5;
	v44 =	vor.u32 $0x280, v3;
	v18 =	vand.u32 $0xFFFFFC00, v17;
	v32 =	vld.idx.msk [tilespmem:v45+s31+$0x0], $0xffff  }
.Ltmp6:
0x532: {  	v17 =	vshll.u32 v39, $0x3;
	v28 =	vor.u32 $0x280, v4;
	[tilespmem:v30+s0+$0x0] =	vst.idx.msk $0xffff, v24;
	(pc) =	sbr.rel @p0 .LBB2_13-.Ltmp6, $4  }
0x533: {  	v17 =	vand.u32 $0xFFFFFC00, v17;
	v24 =	vand.u32 $0x7F, v39;
	[tilespmem:v29+s0+$0x0] =	vst.idx.msk $0xffff, v25;
	v27 =	vld.idx.msk [tilespmem:v33+s31+$0x0], $0xffff;
	v29 =	vor.u32 $0x380, v6;
	v6 =	vmovc v41  }
0x534: {  	v17 =	vor.u32 v24, v17;
	v25 =	vand.u32 $0x7F, v31;
	v24 =	vor.u32 $0x380, v8;
	v33 =	vld.idx.msk [tilespmem:v35+s31+$0x0], $0xffff;
	[tilespmem:v36+s0+$0x0] =	vst.idx.msk $0xffff, v34  }
0x535: {  	v18 =	vor.u32 v25, v18;
	v35 =	vor.u32 $0x100, v16;
	v25 =	vor.u32 $0x300, v4;
	v34 =	vld.idx.msk [tilespmem:v37+s31+$0x0], $0xffff;
	[tilespmem:v42+s0+$0x0] =	vst.idx.msk $0xffff, v38  }
0x536: {  	s2 =	sadd.s32 $0x20, s2;
	v8 =	vmovc v40;
	v36 =	vor.u32 $0x180, v7;
	v30 =	vor.u32 $0x180, v18;
	v37 =	vor.u32 $0x100, v10;
	v31 =	vld.idx.msk [tilespmem:v44+s31+$0x0], $0xffff;
	[tilespmem:v46+s0+$0x0] =	vst.idx.msk $0xffff, v43  }
0x537: {  	_ =	sdelay $0x1  }
0x538: {  	v38 =	vmov s25  }
0x539: {  	v20 =	vand.u32 $0x6F, v20;
	v38 =	vshll.u32 v38, $0x3  }
0x53a: {  	v19 =	vand.u32 $0x7F, v19;
	v41 =	vld.idx.msk [tilespmem:v17+s31+$0x0], $0xffff;
	v22 =	vor.u32 v20, v22;
	v39 =	vand.u32 $0x3C00, v38  }
0x53b: {  	v40 =	vld.idx.msk [tilespmem:v18+s31+$0x0], $0xffff;
	v43 =	vor.u32 $0x80, v17;
	v39 =	vor.u32 v19, v39  }
0x53c: {  	v42 =	vor.u32 $0x80, v18;
	_ =	sdelay $0x2  }
0x53d: {  	[tilespmem:v22+s0+$0x0] =	vst.idx.msk $0xffff, v41  }
0x53e: {  	v56 =	vor.u32 $0x80, v22;
	v55 =	vld.idx.msk [tilespmem:v43+s31+$0x0], $0xffff;
	[tilespmem:v39+s0+$0x0] =	vst.idx.msk $0xffff, v40  }
0x53f: {  	v45 =	vor.u32 $0x100, v17;
	v54 =	vor.u32 $0x80, v39;
	v40 =	vld.idx.msk [tilespmem:v42+s31+$0x0], $0xffff  }
0x540: {  	v44 =	vor.u32 $0x100, v18;
	_ =	sdelay $0x2  }
0x541: {  	[tilespmem:v56+s0+$0x0] =	vst.idx.msk $0xffff, v55  }
0x542: {  	v58 =	vor.u32 $0x100, v22;
	v42 =	vld.idx.msk [tilespmem:v45+s31+$0x0], $0xffff;
	[tilespmem:v54+s0+$0x0] =	vst.idx.msk $0xffff, v40  }
0x543: {  	v59 =	vor.u32 $0x180, v17;
	v57 =	vor.u32 $0x100, v39;
	v40 =	vld.idx.msk [tilespmem:v44+s31+$0x0], $0xffff  }
0x544: {  	[tilespmem:v26+s0+$0x0] =	vst.idx.msk $0xffff, v32  }
0x545: {  	[tilespmem:v37+s0+$0x0] =	vst.idx.msk $0xffff, v34  }
0x546: {  	v60 =	vor.u32 $0x180, v10;
	[tilespmem:v35+s0+$0x0] =	vst.idx.msk $0xffff, v33;
	v21 =	vld.idx.msk [tilespmem:v21+s31+$0x0], $0xffff  }
0x547: {  	v62 =	vor.u32 $0x180, v16;
	v63 =	vor.u32 $0x200, v9;
	v61 =	vld.idx.msk [tilespmem:v36+s31+$0x0], $0xffff;
	[tilespmem:v58+s0+$0x0] =	vst.idx.msk $0xffff, v42  }
0x548: {  	v48 =	vor.u32 $0x180, v22;
	v45 =	vor.u32 $0x200, v7;
	v47 =	vld.idx.msk [tilespmem:v59+s31+$0x0], $0xffff;
	[tilespmem:v57+s0+$0x0] =	vst.idx.msk $0xffff, v40  }
0x549: {  	v26 =	vor.u32 $0x200, v17;
	[tilespmem:v29+s0+$0x0] =	vst.idx.msk $0xffff, v27;
	v46 =	vor.u32 $0x180, v39;
	v30 =	vld.idx.msk [tilespmem:v30+s31+$0x0], $0xffff  }
0x54a: {  	v49 =	vor.u32 $0x200, v18;
	v23 =	vld.idx.msk [tilespmem:v23+s31+$0x0], $0xffff;
	[tilespmem:v14+s0+$0x0] =	vst.idx.msk $0xffff, v31  }
0x54b: {  	v28 =	vld.idx.msk [tilespmem:v28+s31+$0x0], $0xffff;
	[tilespmem:v60+s0+$0x0] =	vst.idx.msk $0xffff, v21;
	v55 =	vor.u32 $0x280, v5  }
0x54c: {  	v50 =	vor.u32 $0x200, v10;
	[tilespmem:v62+s0+$0x0] =	vst.idx.msk $0xffff, v61;
	v21 =	vld.idx.msk [tilespmem:v63+s31+$0x0], $0xffff  }
0x54d: {  	v16 =	vor.u32 $0x200, v16;
	v52 =	vor.u32 $0x280, v9;
	v51 =	vld.idx.msk [tilespmem:v45+s31+$0x0], $0xffff;
	[tilespmem:v48+s0+$0x0] =	vst.idx.msk $0xffff, v47  }
0x54e: {  	v27 =	vor.u32 $0x200, v22;
	v26 =	vld.idx.msk [tilespmem:v26+s31+$0x0], $0xffff;
	[tilespmem:v46+s0+$0x0] =	vst.idx.msk $0xffff, v30;
	v30 =	vor.u32 $0x280, v7  }
0x54f: {  	v14 =	vor.u32 $0x280, v17;
	[tilespmem:v24+s0+$0x0] =	vst.idx.msk $0xffff, v23;
	v54 =	vor.u32 $0x200, v39;
	v53 =	vld.idx.msk [tilespmem:v49+s31+$0x0], $0xffff  }
0x550: {  	v29 =	vor.u32 $0x280, v18;
	[tilespmem:v55+s0+$0x0] =	vst.idx.msk $0xffff, v28  }
0x551: {  	v5 =	vor.u32 $0x300, v5;
	[tilespmem:v50+s0+$0x0] =	vst.idx.msk $0xffff, v21;
	v21 =	vor.u32 $0x300, v3;
	v23 =	vld.idx.msk [tilespmem:v25+s31+$0x0], $0xffff  }
0x552: {  	v4 =	vor.u32 $0x380, v4;
	v31 =	vor.u32 $0x280, v10;
	[tilespmem:v16+s0+$0x0] =	vst.idx.msk $0xffff, v51;
	v16 =	vld.idx.msk [tilespmem:v52+s31+$0x0], $0xffff  }
0x553: {  	v56 =	vor.u32 $0x300, v9;
	[tilespmem:v27+s0+$0x0] =	vst.idx.msk $0xffff, v26;
	v30 =	vld.idx.msk [tilespmem:v30+s31+$0x0], $0xffff  }
0x554: {  	v22 =	vor.u32 $0x280, v22;
	v57 =	vor.u32 $0x300, v7;
	v14 =	vld.idx.msk [tilespmem:v14+s31+$0x0], $0xffff;
	[tilespmem:v54+s0+$0x0] =	vst.idx.msk $0xffff, v53  }
0x555: {  	v24 =	vor.u32 $0x300, v17;
	v27 =	vor.u32 $0x280, v39;
	v26 =	vld.idx.msk [tilespmem:v29+s31+$0x0], $0xffff  }
0x556: {  	v28 =	vor.u32 $0x300, v18;
	v25 =	vor.u32 $0x300, v8;
	v21 =	vld.idx.msk [tilespmem:v21+s31+$0x0], $0xffff;
	[tilespmem:v5+s0+$0x0] =	vst.idx.msk $0xffff, v23  }
0x557: {  	v6 =	vor.u32 $0x380, v6;
	v4 =	vld.idx.msk [tilespmem:v4+s31+$0x0], $0xffff;
	[tilespmem:v31+s0+$0x0] =	vst.idx.msk $0xffff, v16  }
0x558: {  	v10 =	vor.u32 $0x300, v10;
	v3 =	vor.u32 $0x380, v3;
	[tilespmem:v12+s0+$0x0] =	vst.idx.msk $0xffff, v30;
	v12 =	vld.idx.msk [tilespmem:v56+s31+$0x0], $0xffff  }
0x559: {  	v11 =	vor.u32 v11, v20;
	v9 =	vor.u32 $0x380, v9;
	v16 =	vor.u32 $0x300, v13;
	[tilespmem:v22+s0+$0x0] =	vst.idx.msk $0xffff, v14;
	v29 =	vld.idx.msk [tilespmem:v57+s31+$0x0], $0xffff  }
0x55a: {  	v5 =	vor.u32 $0x300, v11;
	v7 =	vor.u32 $0x380, v7;
	v22 =	vld.idx.msk [tilespmem:v24+s31+$0x0], $0xffff;
	[tilespmem:v27+s0+$0x0] =	vst.idx.msk $0xffff, v26  }
0x55b: {  	v20 =	vor.u32 $0x300, v39;
	v17 =	vor.u32 $0x380, v17;
	[tilespmem:v25+s0+$0x0] =	vst.idx.msk $0xffff, v21;
	v14 =	vld.idx.msk [tilespmem:v28+s31+$0x0], $0xffff  }
0x55c: {  	v18 =	vor.u32 $0x380, v18;
	[tilespmem:v6+s0+$0x0] =	vst.idx.msk $0xffff, v4  }
0x55d: {  	v8 =	vor.u32 $0x380, v8;
	v3 =	vld.idx.msk [tilespmem:v3+s31+$0x0], $0xffff;
	[tilespmem:v10+s0+$0x0] =	vst.idx.msk $0xffff, v12  }
0x55e: {  	v10 =	vor.u32 $0x380, v15;
	v9 =	vld.idx.msk [tilespmem:v9+s31+$0x0], $0xffff;
	[tilespmem:v16+s0+$0x0] =	vst.idx.msk $0xffff, v29  }
0x55f: {  	v13 =	vor.u32 $0x380, v13;
	[tilespmem:v5+s0+$0x0] =	vst.idx.msk $0xffff, v22;
	v7 =	vld.idx.msk [tilespmem:v7+s31+$0x0], $0xffff  }
0x560: {  	v4 =	vor.u32 $0x380, v11;
	v12 =	vor.u32 v19, v38;
	v5 =	vld.idx.msk [tilespmem:v17+s31+$0x0], $0xffff;
	[tilespmem:v20+s0+$0x0] =	vst.idx.msk $0xffff, v14  }
0x561: {  	v12 =	vor.u32 $0x380, v12;
	v14 =	vld.idx.msk [tilespmem:v18+s31+$0x0], $0xffff  }
0x562: {  	[tilespmem:v8+s0+$0x0] =	vst.idx.msk $0xffff, v3  }
0x563: {  	[tilespmem:v10+s0+$0x0] =	vst.idx.msk $0xffff, v9  }
0x564: {  	[tilespmem:v13+s0+$0x0] =	vst.idx.msk $0xffff, v7  }
0x565: {  	[tilespmem:v4+s0+$0x0] =	vst.idx.msk $0xffff, v5  }
0x566: {  	[tilespmem:v12+s0+$0x0] =	vst.idx.msk $0xffff, v14  }
0x567: {  	s25 =	simm.s32 $0x1;
	s2 =	rddreg [dreg:$0x1a]  }
0x568: {  	[hbm4b:s2+s13] =	stream.linear.scatter [tilespmem:s0], [sflag:$0xC], $0x3400, $0x38;
	[tilespmem:$0x1EF00] =	vst v63  }
0x569: {  	_ =	swait.ge [sflag:s25], $0x4000  }
0x56a: {  	s6 =	simm.s32 $0x700;
	[sflag:s25] =	ssyncset.done $0x0  }
0x56b: {  	s30 =	simm.s32 $0x5;
	s29 =	rddreg [dreg:$0x1b];
	[sflag:s25] =	ssyncadd.s32 $0xFFFFC000  }
0x56c: {  	[hbm4b:s29+s13] =	stream.linear.scatter [tilespmem:s6], [sflag:$0x3], $0x4000, $0x38;
	[tilespmem:$0x1EF00] =	vst v63  }
0x56d: {  	_ =	swait.ge [sflag:s30], $0x4000  }
0x56e: {  	[sflag:s30] =	ssyncset.done $0x0  }
0x56f: {  	s3 =	rddreg [dreg:$0x1c];
	[sflag:s30] =	ssyncadd.s32 $0xFFFFC000  }
0x570: {  	[hbm4b:s3+s13] =	stream.linear.scatter [tilespmem:s24], [sflag:$0x7], $0x4000, $0x38;
	[tilespmem:$0x1EF00] =	vst v63  }
0x571: {  	s3 =	simm.s32 $0x9  }
0x572: {  	s6 =	simm.s32 $0x0;
	_ =	swait.ge [sflag:s3], $0x4000  }
0x573: {  	s9 =	simm.s32 $0x10;
	v3 =	vor.u32 s6, v0;
	[sflag:s3] =	ssyncset.done $0x0  }
0x574: {  	s16 =	simm.s32 $0xB;
	v4 =	vor.u32 s9, v0;
	[sflag:s3] =	ssyncadd.s32 $0xFFFFC000  }
0x575: {  	_ =	swait.ge [sflag:s16], $0x3400  }
0x576: {  	[sflag:s16] =	ssyncset.done $0x0  }
0x577: {  	[sflag:s16] =	ssyncadd.s32 $0xFFFFCC00  }
0x578: {  	v5 =	vld.idx.msk [tilespmem:v3+s26+$0x0], $0xffff  }
0x579: {  	v6 =	vld.idx.msk [tilespmem:v4+s26+$0x0], $0xffff;
	_ =	sdelay $0x3  }
0x57a: {  	v7 =	vshll.u32 v5, $0x3  }
0x57b: {  	v8 =	vshll.u32 v6, $0x3;
	v5 =	vand.u32 $0x7F, v5;
	v7 =	vand.u32 $0xFFFFFC00, v7  }
0x57c: {  	v8 =	vand.u32 $0xFFFFFC00, v8;
	v17 =	vor.u32 v5, v7;
	v5 =	vand.u32 $0x7F, v6  }
0x57d: {  	s22 =	simm.s32 $0x20;
	v18 =	vor.u32 v5, v8  }
0x57e: {  	v9 =	vor.u32 s22, v0;
	v6 =	vmov s6  }
0x57f: {  	v11 =	vand.u32 $0x7F, v4;
	v6 =	vshll.u32 v6, $0x3;
	v8 =	vmov s9  }
0x580: {  	s21 =	simm.s32 $0x30;
	v10 =	vand.u32 $0x6F, v3;
	v5 =	vand.u32 $0x3C00, v6;
	v8 =	vshll.u32 v8, $0x3  }
0x581: {  	v7 =	vor.u32 s21, v0;
	v12 =	vor.u32 v10, v5;
	v4 =	vand.u32 $0x3C00, v8;
	v3 =	vld.idx.msk [tilespmem:v17+s1+$0x0], $0xffff  }
0x582: {  	v13 =	vor.u32 $0x80, v17;
	v15 =	vor.u32 v11, v4;
	v5 =	vld.idx.msk [tilespmem:v18+s1+$0x0], $0xffff  }
0x583: {  	v4 =	vor.u32 $0x80, v18;
	_ =	sdelay $0x1  }
0x584: {  	v14 =	vld.idx.msk [tilespmem:v9+s26+$0x0], $0xffff  }
0x585: {  	v16 =	vld.idx.msk [tilespmem:v7+s26+$0x0], $0xffff;
	[tilespmem:v12+s28+$0x0] =	vst.idx.msk $0xffff, v3  }
0x586: {  	v3 =	vld.idx.msk [tilespmem:v13+s1+$0x0], $0xffff;
	[tilespmem:v15+s28+$0x0] =	vst.idx.msk $0xffff, v5;
	v5 =	vor.u32 $0x80, v12  }
0x587: {  	v19 =	vor.u32 $0x80, v15;
	v13 =	vor.u32 $0x100, v17;
	v4 =	vld.idx.msk [tilespmem:v4+s1+$0x0], $0xffff  }
0x588: {  	s29 =	simm.s32 $0x40;
	v20 =	vor.u32 $0x100, v18  }
0x589: {  	v25 =	vor.u32 s29, v0;
	v21 =	vshll.u32 v14, $0x3  }
0x58a: {  	v14 =	vand.u32 $0x7F, v14;
	v21 =	vand.u32 $0xFFFFFC00, v21;
	v22 =	vshll.u32 v16, $0x3  }
0x58b: {  	v22 =	vand.u32 $0xFFFFFC00, v22;
	[tilespmem:v5+s28+$0x0] =	vst.idx.msk $0xffff, v3;
	v3 =	vor.u32 v14, v21;
	v5 =	vand.u32 $0x7F, v16  }
0x58c: {  	v24 =	vmov s21;
	v13 =	vld.idx.msk [tilespmem:v13+s1+$0x0], $0xffff;
	[tilespmem:v19+s28+$0x0] =	vst.idx.msk $0xffff, v4;
	v4 =	vor.u32 v5, v22;
	v5 =	vor.u32 $0x100, v12  }
0x58d: {  	v14 =	vmov s22;
	v19 =	vor.u32 $0x180, v17;
	v16 =	vld.idx.msk [tilespmem:v20+s1+$0x0], $0xffff;
	v20 =	vor.u32 $0x100, v15  }
0x58e: {  	v24 =	vshll.u32 v24, $0x3;
	s24 =	simm.s32 $0x50;
	v21 =	vor.u32 $0x180, v18;
	v14 =	vshll.u32 v14, $0x3  }
0x58f: {  	v26 =	vand.u32 $0x6F, v9;
	v23 =	vor.u32 s24, v0;
	v31 =	vld.idx.msk [tilespmem:v25+s26+$0x0], $0xffff;
	v22 =	vand.u32 $0x3C00, v14  }
0x590: {  	v27 =	vand.u32 $0x7F, v7;
	v28 =	vor.u32 v26, v22;
	v22 =	vand.u32 $0x3C00, v24;
	v9 =	vld.idx.msk [tilespmem:v3+s1+$0x0], $0xffff  }
0x591: {  	v7 =	vld.idx.msk [tilespmem:v4+s1+$0x0], $0xffff;
	[tilespmem:v5+s28+$0x0] =	vst.idx.msk $0xffff, v13;
	v13 =	vor.u32 $0x80, v3;
	v5 =	vor.u32 v27, v22  }
0x592: {  	v19 =	vld.idx.msk [tilespmem:v19+s1+$0x0], $0xffff;
	[tilespmem:v20+s28+$0x0] =	vst.idx.msk $0xffff, v16;
	v16 =	vor.u32 $0x80, v4;
	v20 =	vor.u32 $0x180, v12  }
0x593: {  	v29 =	vor.u32 $0x200, v17;
	v30 =	vor.u32 $0x180, v15;
	v21 =	vld.idx.msk [tilespmem:v21+s1+$0x0], $0xffff  }
0x594: {  	v58 =	vor.u32 $0x200, v18  }
0x595: {  	v25 =	vand.u32 $0x6F, v25;
	v59 =	vshll.u32 v31, $0x3;
	v34 =	vor.u32 v6, v10;
	v22 =	vld.idx.msk [tilespmem:v23+s26+$0x0], $0xffff;
	[tilespmem:v28+s28+$0x0] =	vst.idx.msk $0xffff, v9  }
0x596: {  	v6 =	vmov s29;
	v35 =	vor.u32 v11, v8;
	v8 =	vld.idx.msk [tilespmem:v13+s1+$0x0], $0xffff;
	[tilespmem:v5+s28+$0x0] =	vst.idx.msk $0xffff, v7;
	v7 =	vor.u32 $0x80, v28  }
0x597: {  	v10 =	vor.u32 $0x80, v5;
	v9 =	vor.u32 $0x100, v3;
	v13 =	vshll.u32 v6, $0x3;
	v6 =	vld.idx.msk [tilespmem:v16+s1+$0x0], $0xffff;
	[tilespmem:v20+s28+$0x0] =	vst.idx.msk $0xffff, v19  }
0x598: {  	v33 =	vor.u32 $0x280, v12;
	v12 =	vor.u32 $0x200, v12;
	v20 =	vor.u32 $0x100, v4;
	v16 =	vld.idx.msk [tilespmem:v29+s1+$0x0], $0xffff;
	[tilespmem:v30+s28+$0x0] =	vst.idx.msk $0xffff, v21  }
0x599: {  	v31 =	vand.u32 $0x7F, v31;
	v29 =	vor.u32 $0x280, v17;
	v30 =	vor.u32 $0x200, v15;
	v21 =	vld.idx.msk [tilespmem:v58+s1+$0x0], $0xffff  }
0x59a: {  	v32 =	vand.u32 $0xFFFFFC00, v59;
	v60 =	vor.u32 $0x280, v18;
	v19 =	vshll.u32 v22, $0x3  }
0x59b: {  	v19 =	vand.u32 $0xFFFFFC00, v19;
	[tilespmem:v7+s28+$0x0] =	vst.idx.msk $0xffff, v8;
	v7 =	vor.u32 v31, v32;
	v8 =	vand.u32 $0x7F, v22  }
0x59c: {  	s25 =	simm.s32 $0x70;
	v56 =	vor.u32 $0x300, v15;
	v11 =	vor.u32 $0x180, v4;
	v31 =	vld.idx.msk [tilespmem:v9+s1+$0x0], $0xffff;
	[tilespmem:v10+s28+$0x0] =	vst.idx.msk $0xffff, v6;
	v9 =	vor.u32 v8, v19  }
0x59d: {  	v10 =	vor.u32 $0x100, v28;
	v8 =	vor.u32 v14, v26;
	v19 =	vor.u32 s25, v0;
	v26 =	vld.idx.msk [tilespmem:v20+s1+$0x0], $0xffff;
	[tilespmem:v12+s28+$0x0] =	vst.idx.msk $0xffff, v16  }
0x59e: {  	v61 =	vor.u32 $0x100, v5;
	v6 =	vor.u32 v27, v24;
	v12 =	vor.u32 $0x180, v3;
	v27 =	vld.idx.msk [tilespmem:v29+s1+$0x0], $0xffff;
	[tilespmem:v30+s28+$0x0] =	vst.idx.msk $0xffff, v21  }
0x59f: {  	s30 =	simm.s32 $0x60;
	v23 =	vand.u32 $0x7F, v23;
	v22 =	vand.u32 $0x3C00, v13;
	v16 =	vmov s24;
	v29 =	vld.idx.msk [tilespmem:v60+s1+$0x0], $0xffff  }
0x5a0: {  	v20 =	vor.u32 s30, v0;
	v30 =	vor.u32 $0x280, v15;
	v63 =	vshll.u32 v16, $0x3;
	v62 =	vld.idx.msk [tilespmem:v7+s1+$0x0], $0xffff  }
0x5a1: {  	v24 =	vor.u32 $0x300, v18;
	v16 =	vor.u32 v25, v22;
	v22 =	vand.u32 $0x3C00, v63;
	v48 =	vld.idx.msk [tilespmem:v9+s1+$0x0], $0xffff  }
0x5a2: {  	v54 =	vor.u32 $0x200, v3;
	[tilespmem:v10+s28+$0x0] =	vst.idx.msk $0xffff, v31;
	v31 =	vor.u32 $0x80, v7;
	v10 =	vor.u32 v23, v22;
	v53 =	vld.idx.msk [tilespmem:v19+s26+$0x0], $0xffff  }
0x5a3: {  	v46 =	vor.u32 $0x280, v3;
	v51 =	vor.u32 $0x180, v28;
	v50 =	vor.u32 $0x80, v9;
	v49 =	vld.idx.msk [tilespmem:v12+s1+$0x0], $0xffff;
	[tilespmem:v61+s28+$0x0] =	vst.idx.msk $0xffff, v26  }
0x5a4: {  	v55 =	vor.u32 $0x180, v5;
	v47 =	vor.u32 $0x200, v5;
	v13 =	vor.u32 v13, v25;
	v52 =	vld.idx.msk [tilespmem:v11+s1+$0x0], $0xffff  }
0x5a5: {  	v14 =	vor.u32 $0x280, v28;
	v18 =	vor.u32 $0x380, v18;
	[tilespmem:v30+s28+$0x0] =	vst.idx.msk $0xffff, v29;
	v29 =	vld.idx.msk [tilespmem:v20+s26+$0x0], $0xffff;
	v30 =	vor.u32 $0x200, v4  }
0x5a6: {  	v59 =	vor.u32 $0x100, v7;
	v36 =	vor.u32 $0x180, v7;
	v25 =	vor.u32 $0x300, v17;
	[tilespmem:v16+s28+$0x0] =	vst.idx.msk $0xffff, v62;
	v24 =	vld.idx.msk [tilespmem:v24+s1+$0x0], $0xffff  }
0x5a7: {  	v21 =	vor.u32 $0x180, v9;
	v15 =	vor.u32 v23, v63;
	v58 =	vor.u32 $0x80, v16;
	v57 =	vld.idx.msk [tilespmem:v31+s1+$0x0], $0xffff;
	[tilespmem:v10+s28+$0x0] =	vst.idx.msk $0xffff, v48  }
0x5a8: {  	v23 =	vor.u32 $0x380, v17;
	v12 =	vmov s30;
	v60 =	vor.u32 $0x80, v10;
	v32 =	vld.idx.msk [tilespmem:v50+s1+$0x0], $0xffff;
	[tilespmem:v51+s28+$0x0] =	vst.idx.msk $0xffff, v49  }
0x5a9: {  	v26 =	vor.u32 $0x300, v34;
	v61 =	vor.u32 $0x100, v9;
	v62 =	vor.u32 $0x200, v28;
	v43 =	vld.idx.msk [tilespmem:v54+s1+$0x0], $0xffff;
	[tilespmem:v55+s28+$0x0] =	vst.idx.msk $0xffff, v52  }
0x5aa: {  	v37 =	vor.u32 $0x100, v10;
	v11 =	vshll.u32 v12, $0x3;
	[tilespmem:v33+s28+$0x0] =	vst.idx.msk $0xffff, v27;
	v17 =	vshll.u32 v53, $0x3;
	v63 =	vld.idx.msk [tilespmem:v30+s1+$0x0], $0xffff  }
0x5ab: {  	v28 =	vor.u32 $0x280, v4;
	v31 =	vld.idx.msk [tilespmem:v25+s1+$0x0], $0xffff;
	v30 =	vand.u32 $0xFFFFFC00, v17;
	v17 =	vshll.u32 v29, $0x3;
	[tilespmem:v56+s28+$0x0] =	vst.idx.msk $0xffff, v24  }
0x5ac: {  	v12 =	vor.u32 $0x280, v16;
	v24 =	vand.u32 $0x7F, v29;
	v17 =	vand.u32 $0xFFFFFC00, v17;
	[tilespmem:v58+s28+$0x0] =	vst.idx.msk $0xffff, v57;
	v27 =	vld.idx.msk [tilespmem:v18+s1+$0x0], $0xffff  }
0x5ad: {  	v29 =	vor.u32 $0x380, v35;
	v17 =	vor.u32 v24, v17;
	v18 =	vand.u32 $0x7F, v53;
	v33 =	vld.idx.msk [tilespmem:v59+s1+$0x0], $0xffff;
	[tilespmem:v60+s28+$0x0] =	vst.idx.msk $0xffff, v32  }
0x5ae: {  	v35 =	vor.u32 $0x100, v16;
	v24 =	vor.u32 $0x380, v34;
	v18 =	vor.u32 v18, v30;
	v34 =	vld.idx.msk [tilespmem:v61+s1+$0x0], $0xffff;
	[tilespmem:v62+s28+$0x0] =	vst.idx.msk $0xffff, v43  }
0x5af: {  	s2 =	simm.s32 $0x90;
	s6 =	simm.s32 $0x6;
	v22 =	vand.u32 $0x3C00, v11;
	v25 =	vor.u32 $0x300, v4;
	v30 =	vor.u32 $0x180, v18;
	v32 =	vld.idx.msk [tilespmem:v46+s1+$0x0], $0xffff;
	[tilespmem:v47+s28+$0x0] =	vst.idx.msk $0xffff, v63  }
.LBB2_15:
0x5b0: {  	s29 =	sadd.s32 $0xFFFFFFF0, s2;
	s6 =	sadd.s32 $0x2, s6;
	v38 =	vand.u32 $0x7F, v19;
	v19 =	vor.u32 s2, v0;
	v28 =	vld.idx.msk [tilespmem:v28+s1+$0x0], $0xffff;
	v39 =	vor.u32 $0x280, v5;
	[tilespmem:v26+s28+$0x0] =	vst.idx.msk $0xffff, v31;
	v40 =	vmovc v13  }
0x5b1: {  	v31 =	vmov s25;
	v41 =	vmovc v15;
	s25 =	smov.u32 s2;
	v13 =	vmov s29;
	v26 =	vor.u32 s29, v0;
	p0 =	slt.u32 s6, $0x60;
	v23 =	vld.idx.msk [tilespmem:v23+s1+$0x0], $0xffff  }
0x5b2: {  	v15 =	vshll.u32 v31, $0x3;
	v42 =	vshll.u32 v13, $0x3;
	v13 =	vand.u32 $0x6F, v20;
	v43 =	vld.idx.msk [tilespmem:v17+s1+$0x0], $0xffff;
	[tilespmem:v29+s28+$0x0] =	vst.idx.msk $0xffff, v27;
	v20 =	vmovc v26  }
0x5b3: {  	v29 =	vand.u32 $0x3C00, v15;
	v27 =	vor.u32 v13, v22;
	v22 =	vand.u32 $0x3C00, v42;
	v26 =	vld.idx.msk [tilespmem:v18+s1+$0x0], $0xffff;
	[tilespmem:v35+s28+$0x0] =	vst.idx.msk $0xffff, v33  }
0x5b4: {  	v31 =	vor.u32 $0x80, v17;
	v29 =	vor.u32 v38, v29;
	v33 =	vor.u32 $0x280, v27;
	v35 =	vld.idx.msk [tilespmem:v36+s1+$0x0], $0xffff;
	[tilespmem:v37+s28+$0x0] =	vst.idx.msk $0xffff, v34  }
0x5b5: {  	v13 =	vor.u32 v11, v13;
	v34 =	vor.u32 $0x80, v18;
	v36 =	vor.u32 $0x180, v16;
	v37 =	vld.idx.msk [tilespmem:v21+s1+$0x0], $0xffff;
	[tilespmem:v14+s28+$0x0] =	vst.idx.msk $0xffff, v32  }
0x5b6: {  	v44 =	vor.u32 $0x180, v10;
	v15 =	vor.u32 v38, v15;
	v38 =	vor.u32 $0x200, v7;
	v32 =	vld.idx.msk [tilespmem:v19+s26+$0x0], $0xffff;
	[tilespmem:v39+s28+$0x0] =	vst.idx.msk $0xffff, v28  }
0x5b7: {  	v45 =	vor.u32 $0x300, v3;
	v11 =	vmovc v42;
	v14 =	vmov v12;
	v28 =	vor.u32 $0x200, v9;
	v39 =	vld.idx.msk [tilespmem:v20+s26+$0x0], $0xffff;
	[tilespmem:v24+s28+$0x0] =	vst.idx.msk $0xffff, v23  }
0x5b8: {  	v12 =	vmov v33;
	v21 =	vmov v30;
	[tilespmem:v27+s28+$0x0] =	vst.idx.msk $0xffff, v43;
	v24 =	vld.idx.msk [tilespmem:v25+s1+$0x0], $0xffff  }
0x5b9: {  	v30 =	vor.u32 $0x300, v5;
	v5 =	vmovc v10;
	v10 =	vmov v29;
	v25 =	vld.idx.msk [tilespmem:v31+s1+$0x0], $0xffff;
	[tilespmem:v29+s28+$0x0] =	vst.idx.msk $0xffff, v26;
	v26 =	vor.u32 $0x300, v8  }
0x5ba: {  	v33 =	vor.u32 $0x380, v4;
	v23 =	vor.u32 $0x380, v3;
	v3 =	vmovc v7;
	v29 =	vor.u32 $0x80, v27;
	v34 =	vld.idx.msk [tilespmem:v34+s1+$0x0], $0xffff;
	[tilespmem:v36+s28+$0x0] =	vst.idx.msk $0xffff, v35  }
0x5bb: {  	v4 =	vmovc v9;
	v7 =	vmov v17;
	v35 =	vor.u32 $0x100, v17;
	v36 =	vor.u32 $0x80, v10;
	v38 =	vld.idx.msk [tilespmem:v38+s1+$0x0], $0xffff;
	[tilespmem:v44+s28+$0x0] =	vst.idx.msk $0xffff, v37  }
0x5bc: {  	v42 =	vor.u32 $0x200, v16;
	v16 =	vmovc v27;
	v9 =	vmovc v18;
	v17 =	vshll.u32 v32, $0x3;
	v37 =	vor.u32 $0x100, v18;
	v43 =	vld.idx.msk [tilespmem:v28+s1+$0x0], $0xffff  }
0x5bd: {  	v46 =	vor.u32 $0x200, v5;
	v44 =	vor.u32 $0x280, v3;
	v18 =	vand.u32 $0xFFFFFC00, v17;
	v31 =	vld.idx.msk [tilespmem:v45+s1+$0x0], $0xffff  }
.Ltmp7:
0x5be: {  	v17 =	vshll.u32 v39, $0x3;
	v28 =	vor.u32 $0x280, v4;
	[tilespmem:v30+s28+$0x0] =	vst.idx.msk $0xffff, v24;
	(pc) =	sbr.rel @p0 .LBB2_15-.Ltmp7, $4  }
0x5bf: {  	v17 =	vand.u32 $0xFFFFFC00, v17;
	v24 =	vand.u32 $0x7F, v39;
	[tilespmem:v29+s28+$0x0] =	vst.idx.msk $0xffff, v25;
	v27 =	vld.idx.msk [tilespmem:v33+s1+$0x0], $0xffff;
	v29 =	vor.u32 $0x380, v6;
	v6 =	vmovc v41  }
0x5c0: {  	v17 =	vor.u32 v24, v17;
	v25 =	vand.u32 $0x7F, v32;
	v24 =	vor.u32 $0x380, v8;
	v33 =	vld.idx.msk [tilespmem:v35+s1+$0x0], $0xffff;
	[tilespmem:v36+s28+$0x0] =	vst.idx.msk $0xffff, v34  }
0x5c1: {  	v18 =	vor.u32 v25, v18;
	v35 =	vor.u32 $0x100, v16;
	v25 =	vor.u32 $0x300, v4;
	v34 =	vld.idx.msk [tilespmem:v37+s1+$0x0], $0xffff;
	[tilespmem:v42+s28+$0x0] =	vst.idx.msk $0xffff, v38  }
0x5c2: {  	s2 =	sadd.s32 $0x20, s2;
	v8 =	vmovc v40;
	v36 =	vor.u32 $0x180, v7;
	v30 =	vor.u32 $0x180, v18;
	v37 =	vor.u32 $0x100, v10;
	v32 =	vld.idx.msk [tilespmem:v44+s1+$0x0], $0xffff;
	[tilespmem:v46+s28+$0x0] =	vst.idx.msk $0xffff, v43  }
0x5c3: {  	_ =	sdelay $0x1  }
0x5c4: {  	v38 =	vmov s25  }
0x5c5: {  	v20 =	vand.u32 $0x6F, v20;
	v38 =	vshll.u32 v38, $0x3  }
0x5c6: {  	v19 =	vand.u32 $0x7F, v19;
	v41 =	vld.idx.msk [tilespmem:v17+s1+$0x0], $0xffff;
	v22 =	vor.u32 v20, v22;
	v39 =	vand.u32 $0x3C00, v38  }
0x5c7: {  	v40 =	vld.idx.msk [tilespmem:v18+s1+$0x0], $0xffff;
	v43 =	vor.u32 $0x80, v17;
	v39 =	vor.u32 v19, v39  }
0x5c8: {  	v42 =	vor.u32 $0x80, v18;
	_ =	sdelay $0x2  }
0x5c9: {  	[tilespmem:v22+s28+$0x0] =	vst.idx.msk $0xffff, v41  }
0x5ca: {  	v54 =	vor.u32 $0x80, v22;
	v53 =	vld.idx.msk [tilespmem:v43+s1+$0x0], $0xffff;
	[tilespmem:v39+s28+$0x0] =	vst.idx.msk $0xffff, v40  }
0x5cb: {  	v45 =	vor.u32 $0x100, v17;
	v52 =	vor.u32 $0x80, v39;
	v40 =	vld.idx.msk [tilespmem:v42+s1+$0x0], $0xffff  }
0x5cc: {  	v44 =	vor.u32 $0x100, v18;
	_ =	sdelay $0x2  }
0x5cd: {  	[tilespmem:v54+s28+$0x0] =	vst.idx.msk $0xffff, v53  }
0x5ce: {  	v56 =	vor.u32 $0x100, v22;
	v42 =	vld.idx.msk [tilespmem:v45+s1+$0x0], $0xffff;
	[tilespmem:v52+s28+$0x0] =	vst.idx.msk $0xffff, v40  }
0x5cf: {  	v57 =	vor.u32 $0x180, v17;
	v55 =	vor.u32 $0x100, v39;
	v40 =	vld.idx.msk [tilespmem:v44+s1+$0x0], $0xffff;
	_ =	sdelay $0x1  }
0x5d0: {  	[tilespmem:v37+s28+$0x0] =	vst.idx.msk $0xffff, v34  }
0x5d1: {  	v58 =	vor.u32 $0x180, v10;
	[tilespmem:v35+s28+$0x0] =	vst.idx.msk $0xffff, v33;
	v21 =	vld.idx.msk [tilespmem:v21+s1+$0x0], $0xffff  }
0x5d2: {  	v60 =	vor.u32 $0x180, v16;
	v61 =	vor.u32 $0x200, v9;
	v59 =	vld.idx.msk [tilespmem:v36+s1+$0x0], $0xffff;
	[tilespmem:v56+s28+$0x0] =	vst.idx.msk $0xffff, v42  }
0x5d3: {  	v62 =	vor.u32 $0x200, v7;
	v46 =	vor.u32 $0x180, v22;
	v45 =	vld.idx.msk [tilespmem:v57+s1+$0x0], $0xffff;
	[tilespmem:v55+s28+$0x0] =	vst.idx.msk $0xffff, v40  }
0x5d4: {  	v48 =	vor.u32 $0x200, v17;
	v63 =	vor.u32 $0x180, v39;
	v30 =	vld.idx.msk [tilespmem:v30+s1+$0x0], $0xffff  }
0x5d5: {  	v47 =	vor.u32 $0x200, v18;
	[tilespmem:v26+s28+$0x0] =	vst.idx.msk $0xffff, v31  }
0x5d6: {  	[tilespmem:v58+s28+$0x0] =	vst.idx.msk $0xffff, v21  }
0x5d7: {  	v49 =	vor.u32 $0x200, v10;
	[tilespmem:v60+s28+$0x0] =	vst.idx.msk $0xffff, v59;
	v21 =	vld.idx.msk [tilespmem:v61+s1+$0x0], $0xffff  }
0x5d8: {  	v51 =	vor.u32 $0x200, v16;
	v50 =	vld.idx.msk [tilespmem:v62+s1+$0x0], $0xffff;
	v52 =	vor.u32 $0x280, v9;
	[tilespmem:v46+s28+$0x0] =	vst.idx.msk $0xffff, v45  }
0x5d9: {  	v53 =	vor.u32 $0x280, v7;
	v56 =	vor.u32 $0x200, v22;
	v26 =	vld.idx.msk [tilespmem:v48+s1+$0x0], $0xffff;
	[tilespmem:v63+s28+$0x0] =	vst.idx.msk $0xffff, v30  }
0x5da: {  	[tilespmem:v29+s28+$0x0] =	vst.idx.msk $0xffff, v27;
	v59 =	vor.u32 $0x280, v17;
	v55 =	vor.u32 $0x200, v39;
	v54 =	vld.idx.msk [tilespmem:v47+s1+$0x0], $0xffff  }
0x5db: {  	v28 =	vld.idx.msk [tilespmem:v28+s1+$0x0], $0xffff;
	[tilespmem:v14+s28+$0x0] =	vst.idx.msk $0xffff, v32;
	v58 =	vor.u32 $0x280, v5;
	v57 =	vor.u32 $0x280, v18  }
0x5dc: {  	v23 =	vld.idx.msk [tilespmem:v23+s1+$0x0], $0xffff;
	[tilespmem:v49+s28+$0x0] =	vst.idx.msk $0xffff, v21  }
0x5dd: {  	v60 =	vor.u32 $0x300, v3;
	v62 =	vor.u32 $0x280, v10;
	[tilespmem:v51+s28+$0x0] =	vst.idx.msk $0xffff, v50;
	v61 =	vld.idx.msk [tilespmem:v52+s1+$0x0], $0xffff  }
0x5de: {  	v37 =	vld.idx.msk [tilespmem:v53+s1+$0x0], $0xffff;
	v63 =	vor.u32 $0x300, v9;
	[tilespmem:v56+s28+$0x0] =	vst.idx.msk $0xffff, v26  }
0x5df: {  	v22 =	vor.u32 $0x280, v22;
	v40 =	vor.u32 $0x300, v7;
	v44 =	vld.idx.msk [tilespmem:v59+s1+$0x0], $0xffff;
	[tilespmem:v55+s28+$0x0] =	vst.idx.msk $0xffff, v54  }
0x5e0: {  	[tilespmem:v58+s28+$0x0] =	vst.idx.msk $0xffff, v28;
	v42 =	vor.u32 $0x280, v39;
	v47 =	vor.u32 $0x300, v17;
	v41 =	vld.idx.msk [tilespmem:v57+s1+$0x0], $0xffff  }
0x5e1: {  	[tilespmem:v24+s28+$0x0] =	vst.idx.msk $0xffff, v23;
	v43 =	vor.u32 $0x300, v18;
	v45 =	vld.idx.msk [tilespmem:v25+s1+$0x0], $0xffff;
	v46 =	vor.u32 $0x300, v5  }
0x5e2: {  	v4 =	vor.u32 $0x380, v4;
	v21 =	vld.idx.msk [tilespmem:v60+s1+$0x0], $0xffff;
	[tilespmem:v62+s28+$0x0] =	vst.idx.msk $0xffff, v61;
	v48 =	vor.u32 $0x300, v8  }
0x5e3: {  	v3 =	vor.u32 $0x380, v3;
	v50 =	vor.u32 $0x300, v10;
	[tilespmem:v12+s28+$0x0] =	vst.idx.msk $0xffff, v37;
	v49 =	vld.idx.msk [tilespmem:v63+s1+$0x0], $0xffff  }
0x5e4: {  	v11 =	vor.u32 v11, v20;
	v51 =	vor.u32 $0x300, v13;
	v52 =	vor.u32 $0x380, v9;
	v53 =	vld.idx.msk [tilespmem:v40+s1+$0x0], $0xffff;
	[tilespmem:v22+s28+$0x0] =	vst.idx.msk $0xffff, v44  }
0x5e5: {  	v56 =	vor.u32 $0x300, v11;
	v54 =	vor.u32 $0x380, v7;
	v22 =	vld.idx.msk [tilespmem:v47+s1+$0x0], $0xffff;
	[tilespmem:v42+s28+$0x0] =	vst.idx.msk $0xffff, v41  }
0x5e6: {  	v58 =	vor.u32 $0x380, v17;
	[tilespmem:v46+s28+$0x0] =	vst.idx.msk $0xffff, v45;
	v55 =	vor.u32 $0x300, v39;
	v14 =	vld.idx.msk [tilespmem:v43+s1+$0x0], $0xffff  }
0x5e7: {  	v6 =	vor.u32 $0x380, v6;
	v4 =	vld.idx.msk [tilespmem:v4+s1+$0x0], $0xffff;
	[tilespmem:v48+s28+$0x0] =	vst.idx.msk $0xffff, v21;
	v57 =	vor.u32 $0x380, v18  }
0x5e8: {  	v59 =	vor.u32 $0x380, v8;
	v3 =	vld.idx.msk [tilespmem:v3+s1+$0x0], $0xffff;
	[tilespmem:v50+s28+$0x0] =	vst.idx.msk $0xffff, v49  }
0x5e9: {  	v60 =	vor.u32 $0x380, v15;
	[tilespmem:v51+s28+$0x0] =	vst.idx.msk $0xffff, v53;
	v9 =	vld.idx.msk [tilespmem:v52+s1+$0x0], $0xffff  }
0x5ea: {  	v62 =	vor.u32 $0x380, v13;
	v7 =	vld.idx.msk [tilespmem:v54+s1+$0x0], $0xffff;
	[tilespmem:v56+s28+$0x0] =	vst.idx.msk $0xffff, v22  }
0x5eb: {  	v61 =	vor.u32 v19, v38;
	v63 =	vor.u32 $0x380, v11;
	v5 =	vld.idx.msk [tilespmem:v58+s1+$0x0], $0xffff;
	[tilespmem:v55+s28+$0x0] =	vst.idx.msk $0xffff, v14  }
0x5ec: {  	v12 =	vor.u32 $0x380, v61;
	[tilespmem:v6+s28+$0x0] =	vst.idx.msk $0xffff, v4;
	v14 =	vld.idx.msk [tilespmem:v57+s1+$0x0], $0xffff  }
0x5ed: {  	[tilespmem:v59+s28+$0x0] =	vst.idx.msk $0xffff, v3  }
0x5ee: {  	[tilespmem:v60+s28+$0x0] =	vst.idx.msk $0xffff, v9  }
0x5ef: {  	[tilespmem:v62+s28+$0x0] =	vst.idx.msk $0xffff, v7  }
0x5f0: {  	[tilespmem:v63+s28+$0x0] =	vst.idx.msk $0xffff, v5  }
0x5f1: {  	[tilespmem:v12+s28+$0x0] =	vst.idx.msk $0xffff, v14  }
0x5f2: {  	s24 =	simm.s32 $0x3;
	s2 =	rddreg [dreg:$0x1d]  }
0x5f3: {  	[hbm4b:s2+s13] =	stream.linear.scatter [tilespmem:s28], [sflag:$0xB], $0x3400, $0x38;
	[tilespmem:$0x1EF00] =	vst v63  }
0x5f4: {  	_ =	swait.ge [sflag:s24], $0x4000  }
0x5f5: {  	[sflag:s24] =	ssyncset.done $0x0  }
0x5f6: {  	s25 =	simm.s32 $0x7;
	[sflag:s24] =	ssyncadd.s32 $0xFFFFC000  }
0x5f7: {  	_ =	swait.ge [sflag:s25], $0x4000  }
0x5f8: {  	[sflag:s25] =	ssyncset.done $0x0  }
0x5f9: {  	[sflag:s25] =	ssyncadd.s32 $0xFFFFC000  }
0x5fa: {  	_ =	swait.ge [sflag:s4], $0x3400  }
0x5fb: {  	[sflag:s4] =	ssyncset.done $0x0  }
0x5fc: {  	s3 =	simm.s32 $0xB;
	[sflag:s4] =	ssyncadd.s32 $0xFFFFCC00  }
0x5fd: {  	_ =	swait.ge [sflag:s3], $0x3400  }
0x5fe: {  	s29 =	sld [smem:$0x7F5]  }
0x5ff: {  	s30 =	sld [smem:$0x7F6];
	_ =	sdelay $0x1  }
0x600: {  	s4 =	sadd.s32 $0x1, s29  }
0x601: {  	p0 =	sne.s32 s4, s30  }
.Ltmp8:
0x602: {  	_ = 	snop;
	(pc) =	sbr.rel @p0 .LBB2_2-.Ltmp8, $3  }
0x603: {  	_ =	sdelay $0x1  }
0x604: {  	[sflag:s3] =	ssyncset.done $0x0  }
0x605: {  	[sflag:s3] =	ssyncadd.s32 $0xFFFFCC00  }
.LBB2_17:
0x606: {  	_ =	sfence.sel $0x180000  }
0x607: {  	[bflag:$0x0] =	sbarrier.arrive $0xFFFF  }
0x608: {  	_ =	strace $0x90000047  }
0x609: {  	s0 =	stileid.u32;
	[bflag:$0x2] =	sbarrier.arrive $0xFFFF  }
0x60a: {  	p0 =	sne.s32 s0, $0x0;
	s0 =	rddreg [dreg:$0x7]  }
0x60b: {  	s0 =	sadd.s32 @!p0 $0x100000, s0  }
0x60c: {  	[sflag:s0] =	ssyncadd.tile.s32 @!p0 $0x1;
	_ =	shalt  }
.Lfunc_end2:
_tile_overlayer_lowered:
.L_overlay_start_2:
0x60d: {  	(tag) =	ssettag $0x2  }
0x60e: {  	s0 =	rddreg [dreg:$0x0];
	s2 =	stileid.u32  }
0x60f: {  	s1 =	rddreg [dreg:$0x1];
	p0 =	sne.s32 s2, $0x0  }
0x610: {  	s3 =	rddreg [dreg:$0x2];
	[bflag:$0x3] =	sbarrier.arrive $0xFFFF;
	s2 =	simm.s32 @!p0 $0x1C0D  }
0x611: {  	[timem:s3], [sflag:s2] =	dma.local @!p0 [hbm:s0], s1  }
0x612: {  	s0 =	simm.s32 @!p0 $0xD  }
0x613: {  	_ =	swait.ge @!p0 [sflag:s0], s1  }
0x614: {  	s1 =	ssub.s32 @!p0 $0x0, s1;
	[sflag:s0] =	ssyncset.done @!p0 $0x0  }
0x615: {  	[sflag:s0] =	ssyncadd.s32 @!p0 s1  }
0x616: {  	[bflag:$0x3] =	sbarrier.arrive $0xFFFF  }
0x617: {  	_ =	shalt  }

</sc_bundles>
